<compile_context>
chip_gen: v7x
topology: tpu7x:2x2x1
jax: 0.10.2.dev20260603
libtpu: 0.0.44.dev20260713+nightly
codegen_flags: <defaults>
</compile_context>

<pallas_src>
import functools

import jax
import jax.numpy as jnp
from jax import lax
from jax.experimental import pallas as pl
from jax.experimental.pallas import tpu as pltpu
from jax.experimental.pallas import tpu_sc as plsc

N = 10000
E = 160000
D_IN = 256
D_HID = 128
D_OUT = 64

NDEG = 10240
NC = 2
NS = 16
CH = 128
EC = E // NC
CPC = EC // CH
NCHT = CPC // NS
IDXL = (NCHT + 1) * CH
RPTD = NDEG // NS
RPT = 624
RPT_LAST = 640
NB = 2

CH2 = 32
CPC2 = EC // CH2
NCHT2 = CPC2 // NS
NXTRA = CPC2 - NS * NCHT2
IDXL2 = (NCHT2 + 1) * CH2
NB2 = 8
NQ2 = 19

_mesh = plsc.VectorSubcoreMesh(core_axis_name="c", subcore_axis_name="s")


@functools.partial(
    pl.kernel,
    mesh=_mesh,
    out_type=jax.ShapeDtypeStruct((NC * NDEG,), jnp.float32),
    scratch_types=[
        pltpu.VMEM((IDXL,), jnp.int32),
        pltpu.VMEM((CH,), jnp.float32),
        pltpu.VMEM((RPTD,), jnp.float32),
        pltpu.VMEM_SHARED((NDEG,), jnp.float32),
        pltpu.SemaphoreType.DMA,
        pltpu.SemaphoreType.DMA,
    ],
)
def _deg_kernel(ei_hbm, out_hbm, idx, ones_v, zero_v, acc, d0, d1):
    c = lax.axis_index("c")
    s = lax.axis_index("s")
    e0 = (c * CPC + s * NCHT) * CH
    rbase = s * RPTD
    idx_cp = pltpu.async_copy(ei_hbm.at[1, pl.ds(e0, NCHT * CH)],
                              idx.at[pl.ds(0, NCHT * CH)], d0)
    for i in range(RPTD // 16):
        zero_v[pl.ds(i * 16, 16)] = jnp.zeros((16,), jnp.float32)
    for i in range(CH // 16):
        ones_v[pl.ds(i * 16, 16)] = jnp.ones((16,), jnp.float32)
    pltpu.sync_copy(zero_v, acc.at[pl.ds(rbase, RPTD)])
    idx_cp.wait()

    @pl.when(s == 0)
    def _():
        pltpu.sync_copy(ei_hbm.at[1, pl.ds((c * CPC + NS * NCHT) * CH, CH)],
                        idx.at[pl.ds(NCHT * CH, CH)])

    plsc.subcore_barrier()

    def sstart(ci, sem):
        pltpu.async_copy(ones_v, acc.at[idx.at[pl.ds(ci * CH, CH)]],
                         sem, add=True)

    def swait(sem):
        pltpu.make_async_copy(ones_v, acc.at[idx.at[pl.ds(0, CH)]],
                              sem).wait()

    sstart(0, d0)
    sstart(1, d1)

    def body(j, carry):
        swait(d0)
        sstart(2 * j + 2, d0)
        swait(d1)
        sstart(2 * j + 3, d1)
        return carry

    lax.fori_loop(0, NCHT // 2 - 1, body, 0)
    swait(d0)
    sstart(NCHT - 1, d0)

    @pl.when(s == 0)
    def _():
        swait(d1)
        sstart(NCHT, d1)
        swait(d1)

    @pl.when(s != 0)
    def _():
        swait(d1)

    swait(d0)
    plsc.subcore_barrier()
    pltpu.sync_copy(acc.at[pl.ds(rbase, RPTD)],
                    out_hbm.at[pl.ds(c * NDEG + rbase, RPTD)])


@functools.partial(
    pl.kernel,
    mesh=_mesh,
    out_type=jax.ShapeDtypeStruct((NC * N, D_HID), jnp.float32),
    scratch_types=[
        pltpu.VMEM((IDXL2,), jnp.int32),
        pltpu.VMEM((IDXL2,), jnp.int32),
    ] + [pltpu.VMEM((CH2, D_HID), jnp.float32)] * NB2 + [
        pltpu.VMEM_SHARED((N, D_HID), jnp.float32),
    ] + [pltpu.SemaphoreType.DMA] * (2 * NB2),
)
def _scatter_kernel(g_hbm, ei_hbm, out_hbm, idxs, idxd, *rest):
    rows = rest[:NB2]
    acc = rest[NB2]
    sg = rest[NB2 + 1:2 * NB2 + 1]
    ss = rest[2 * NB2 + 1:]
    sg0, sg1 = sg[0], sg[1]
    c = lax.axis_index("c")
    s = lax.axis_index("s")
    e0 = (c * CPC2 + s * NCHT2) * CH2
    rbase = s * RPT
    icp0 = pltpu.async_copy(ei_hbm.at[0, pl.ds(e0, NCHT2 * CH2)],
                            idxs.at[pl.ds(0, NCHT2 * CH2)], sg0)
    icp1 = pltpu.async_copy(ei_hbm.at[1, pl.ds(e0, NCHT2 * CH2)],
                            idxd.at[pl.ds(0, NCHT2 * CH2)], sg1)
    icp0.wait()
    icp1.wait()

    @pl.when(s < NXTRA)
    def _():
        ex0 = (c * CPC2 + NS * NCHT2 + s) * CH2
        pltpu.sync_copy(ei_hbm.at[0, pl.ds(ex0, CH2)],
                        idxs.at[pl.ds(NCHT2 * CH2, CH2)])
        pltpu.sync_copy(ei_hbm.at[1, pl.ds(ex0, CH2)],
                        idxd.at[pl.ds(NCHT2 * CH2, CH2)])

    def gstart(b, ci):
        pltpu.async_copy(g_hbm.at[idxs.at[pl.ds(ci * CH2, CH2)]], rows[b],
                         sg[b])

    def gwait(b):
        pltpu.make_async_copy(g_hbm.at[idxs.at[pl.ds(0, CH2)]], rows[b],
                              sg[b]).wait()

    def sstart(b, ci):
        pltpu.async_copy(rows[b], acc.at[idxd.at[pl.ds(ci * CH2, CH2)]],
                         ss[b], add=True)

    def swait(b):
        pltpu.make_async_copy(rows[b], acc.at[idxd.at[pl.ds(0, CH2)]],
                              ss[b]).wait()

    for b in range(NB2):
        gstart(b, b)

    @pl.when(s < NS - 1)
    def _():
        pltpu.sync_copy(g_hbm.at[pl.ds(rbase, RPT)],
                        acc.at[pl.ds(rbase, RPT)])

    @pl.when(s == NS - 1)
    def _():
        pltpu.sync_copy(g_hbm.at[pl.ds(rbase, RPT_LAST)],
                        acc.at[pl.ds(rbase, RPT_LAST)])

    plsc.subcore_barrier()

    NREM = NCHT2 - NB2 * NQ2

    def body(j, carry):
        base = NB2 * j
        for b in range(NB2):
            gwait(b)
            sstart(b, base + b)

        @pl.when(j < NQ2 - 1)
        def _():
            for b in range(NB2):
                swait(b)
                gstart(b, base + NB2 + b)

        return carry

    lax.fori_loop(0, NQ2, body, 0)
    for b in range(NREM):
        swait(b)
        gstart(b, NB2 * NQ2 + b)

    @pl.when(s < NXTRA)
    def _():
        swait(NREM)
        gstart(NREM, NCHT2)
        gwait(NREM)
        sstart(NREM, NCHT2)
        swait(NREM)

    @pl.when(s >= NXTRA)
    def _():
        swait(NREM)

    for b in range(NREM):
        gwait(b)
        sstart(b, NB2 * NQ2 + b)
    for b in range(NREM + 1, NB2):
        swait(b)
    for b in range(NREM):
        swait(b)
    plsc.subcore_barrier()

    @pl.when(s < NS - 1)
    def _():
        pltpu.sync_copy(acc.at[pl.ds(rbase, RPT)],
                        out_hbm.at[pl.ds(c * N + rbase, RPT)])

    @pl.when(s == NS - 1)
    def _():
        pltpu.sync_copy(acc.at[pl.ds(rbase, RPT_LAST)],
                        out_hbm.at[pl.ds(c * N + rbase, RPT_LAST)])


BN = 10240


def _mm1_body(x_ref, w_ref, p_ref, g_ref, dinv_ref):
    d = lax.rsqrt(1.0 + p_ref[0] + p_ref[1])[:, None]
    h = jnp.dot(x_ref[...], w_ref[...], preferred_element_type=jnp.float32)
    g_ref[...] = h * d
    dinv_ref[...] = d


def _mm2_body(s_ref, g1_ref, dinv_ref, b1_ref, wmu_ref, wls_ref, g2_ref):
    agg = s_ref[0] + s_ref[1] - g1_ref[...]
    h = jnp.maximum(dinv_ref[...] * agg + b1_ref[...], 0.0)
    dinv = dinv_ref[...]
    g2_ref[:, :D_OUT] = dinv * jnp.dot(
        h, wmu_ref[...], preferred_element_type=jnp.float32)
    g2_ref[:, D_OUT:] = dinv * jnp.dot(
        h, wls_ref[...], preferred_element_type=jnp.float32)


def _fin_body(t_ref, g2_ref, dinv_ref, bmu_ref, bls_ref, mu_ref, ls_ref):
    agg = t_ref[0] + t_ref[1] - g2_ref[...]
    o = dinv_ref[...] * agg
    mu_ref[...] = o[:, :D_OUT] + bmu_ref[...]
    ls_ref[...] = o[:, D_OUT:] + bls_ref[...]


def _col_spec():
    return pl.BlockSpec((BN, 1), lambda i: (i, 0))


def _row_spec(d):
    return pl.BlockSpec((BN, d), lambda i: (i, 0))


def _deg_spec():
    return pl.BlockSpec((NC, BN), lambda i: (0, i))


def _full_spec(r, d):
    return pl.BlockSpec((r, d), lambda i: (0, 0))


def _vec_spec(d):
    return pl.BlockSpec((d,), lambda i: (0,))


def _pair_spec(d):
    return pl.BlockSpec((NC, BN, d), lambda i: (0, i, 0))


def kernel(x, edge_index, W1, b1, Wmu, bmu, Wls, bls):
    degp = _deg_kernel(edge_index).reshape(NC, NDEG)

    grid = pl.cdiv(N, BN)

    g1, dinv = pl.pallas_call(
        _mm1_body,
        grid=(grid,),
        in_specs=[_row_spec(D_IN), _full_spec(D_IN, D_HID), _deg_spec()],
        out_specs=[_row_spec(D_HID), _col_spec()],
        out_shape=[jax.ShapeDtypeStruct((N, D_HID), jnp.float32),
                   jax.ShapeDtypeStruct((N, 1), jnp.float32)],
    )(x, W1, degp)

    s_pair = _scatter_kernel(g1, edge_index).reshape(NC, N, D_HID)

    g2 = pl.pallas_call(
        _mm2_body,
        grid=(grid,),
        in_specs=[_pair_spec(D_HID), _row_spec(D_HID), _col_spec(),
                  _vec_spec(D_HID), _full_spec(D_HID, D_OUT),
                  _full_spec(D_HID, D_OUT)],
        out_specs=_row_spec(D_HID),
        out_shape=jax.ShapeDtypeStruct((N, D_HID), jnp.float32),
    )(s_pair, g1, dinv, b1, Wmu, Wls)

    t_pair = _scatter_kernel(g2, edge_index).reshape(NC, N, D_HID)

    mu, logstd = pl.pallas_call(
        _fin_body,
        grid=(grid,),
        in_specs=[_pair_spec(D_HID), _row_spec(D_HID), _col_spec(),
                  _vec_spec(D_OUT), _vec_spec(D_OUT)],
        out_specs=[_row_spec(D_OUT), _row_spec(D_OUT)],
        out_shape=[jax.ShapeDtypeStruct((N, D_OUT), jnp.float32),
                   jax.ShapeDtypeStruct((N, D_OUT), jnp.float32)],
    )(t_pair, g2, dinv, bmu, bls)

    return (mu, logstd)

# --- scband reference (transcript-rebuilt; emitter-appended) ---
"""Pipeline reference for scband-variational-gcnencoder-86217173500044 (READ-ONLY COPY).

The authoritative reference and input builder live on the scoring server;
editing this copy changes nothing except your own understanding.
"""

import jax, jax.numpy as jnp
import numpy as np

N = 10000
E = 160000
D_IN = 256
D_HID = 128
D_OUT = 64


def setup_inputs(seed: int = 0) -> dict:
    key = jax.random.key(seed)
    ks = jax.random.split(key, 8)
    x = jax.random.normal(ks[0], (N, D_IN), dtype=jnp.float32)
    edge_index = jax.random.randint(ks[1], (2, E), 0, N, dtype=jnp.int32)
    W1 = jax.random.normal(ks[2], (D_IN, D_HID), dtype=jnp.float32) * (1.0 / np.sqrt(D_IN))
    b1 = jnp.zeros((D_HID,), dtype=jnp.float32)
    Wmu = jax.random.normal(ks[3], (D_HID, D_OUT), dtype=jnp.float32) * (1.0 / np.sqrt(D_HID))
    bmu = jnp.zeros((D_OUT,), dtype=jnp.float32)
    Wls = jax.random.normal(ks[4], (D_HID, D_OUT), dtype=jnp.float32) * (1.0 / np.sqrt(D_HID))
    bls = jnp.zeros((D_OUT,), dtype=jnp.float32)
    return {"x": x, "edge_index": edge_index, "W1": W1, "b1": b1, "Wmu": Wmu, "bmu": bmu, "Wls": Wls, "bls": bls}


def gcn_conv(x, edge_index, W, b):
    # PyG-style GCNConv: linear transform, add self-loops, sym-normalized scatter-add.
    h = x @ W
    src = edge_index[0]
    dst = edge_index[1]
    loop = jnp.arange(N, dtype=src.dtype)
    src = jnp.concatenate([src, loop])
    dst = jnp.concatenate([dst, loop])
    deg = jnp.zeros((N,), dtype=h.dtype).at[dst].add(1.0)
    dinv = jnp.where(deg > 0, 1.0 / jnp.sqrt(deg), 0.0)
    norm = dinv[src] * dinv[dst]
    msg = h[src] * norm[:, None]
    out = jnp.zeros((N, h.shape[1]), dtype=h.dtype).at[dst].add(msg)
    return out + b


def reference(x, edge_index, W1, b1, Wmu, bmu, Wls, bls):
    h = jax.nn.relu(gcn_conv(x, edge_index, W1, b1))
    mu = gcn_conv(h, edge_index, Wmu, bmu)
    logstd = gcn_conv(h, edge_index, Wls, bls)
    return (mu, logstd)

if __name__ == "__main__":
    import jax
    _d = setup_inputs()
    print(jax.jit(kernel)(*tuple(_d.values())))

</pallas_src>

<mosaic_0001>
#map = affine_map<(d0, d1) -> (0, 0)>
module attributes {stable_mosaic.version = 14 : i64} {
  func.func @_scatter_kernel(%arg0: i32, %arg1: i32, %arg2: memref<10000x128xf32, #tpu.memory_space<hbm>>, %arg3: memref<2x160000xi32, #tpu.memory_space<hbm>>, %arg4: memref<20000x128xf32, #tpu.memory_space<hbm>>, %arg5: memref<5024xi32, #tpu.memory_space<vmem>>, %arg6: memref<5024xi32, #tpu.memory_space<vmem>>, %arg7: memref<32x128xf32, #tpu.memory_space<vmem>>, %arg8: memref<32x128xf32, #tpu.memory_space<vmem>>, %arg9: memref<32x128xf32, #tpu.memory_space<vmem>>, %arg10: memref<32x128xf32, #tpu.memory_space<vmem>>, %arg11: memref<32x128xf32, #tpu.memory_space<vmem>>, %arg12: memref<32x128xf32, #tpu.memory_space<vmem>>, %arg13: memref<32x128xf32, #tpu.memory_space<vmem>>, %arg14: memref<32x128xf32, #tpu.memory_space<vmem>>, %arg15: memref<10000x128xf32, #tpu.memory_space<vmem_shared>>, %arg16: memref<!tpu.dma_semaphore, #tpu.memory_space<semaphore_mem>>, %arg17: memref<!tpu.dma_semaphore, #tpu.memory_space<semaphore_mem>>, %arg18: memref<!tpu.dma_semaphore, #tpu.memory_space<semaphore_mem>>, %arg19: memref<!tpu.dma_semaphore, #tpu.memory_space<semaphore_mem>>, %arg20: memref<!tpu.dma_semaphore, #tpu.memory_space<semaphore_mem>>, %arg21: memref<!tpu.dma_semaphore, #tpu.memory_space<semaphore_mem>>, %arg22: memref<!tpu.dma_semaphore, #tpu.memory_space<semaphore_mem>>, %arg23: memref<!tpu.dma_semaphore, #tpu.memory_space<semaphore_mem>>, %arg24: memref<!tpu.dma_semaphore, #tpu.memory_space<semaphore_mem>>, %arg25: memref<!tpu.dma_semaphore, #tpu.memory_space<semaphore_mem>>, %arg26: memref<!tpu.dma_semaphore, #tpu.memory_space<semaphore_mem>>, %arg27: memref<!tpu.dma_semaphore, #tpu.memory_space<semaphore_mem>>, %arg28: memref<!tpu.dma_semaphore, #tpu.memory_space<semaphore_mem>>, %arg29: memref<!tpu.dma_semaphore, #tpu.memory_space<semaphore_mem>>, %arg30: memref<!tpu.dma_semaphore, #tpu.memory_space<semaphore_mem>>, %arg31: memref<!tpu.dma_semaphore, #tpu.memory_space<semaphore_mem>>) attributes {dimension_semantics = [#tpu.dimension_semantics<core_parallel>, #tpu.dimension_semantics<subcore_parallel>], iteration_bounds = array<i64: 2, 16>, scalar_prefetch = 0 : i64, scratch_operands = 27 : i64, tpu.core_type = #tpu.core_type<sc_vector_subcore>, window_params = [{transform_indices = #map}, {transform_indices = #map}, {transform_indices = #map}]} {
    %mul3A = arith.constant 2500 : i32
    %mul3A_0 = arith.muli %arg0, %mul3A : i32
    %mul3A_1 = arith.constant 156 : i32
    %mul3A_2 = arith.muli %arg1, %mul3A_1 : i32
    %add3A = arith.addi %mul3A_0, %mul3A_2 : i32
    %mul3A_3 = arith.constant 32 : i32
    %mul3A_4 = arith.muli %add3A, %mul3A_3 : i32
    %mul3A_5 = arith.constant 624 : i32
    %mul3A_6 = arith.muli %arg1, %mul3A_5 : i32
    %dma_start3A = arith.constant 0 : i32
    %dma_start3A_7 = arith.constant 0 : i32
    %dma_start3A_8 = tpu.memref_slice %arg5[%dma_start3A_7] : memref<5024xi32, #tpu.memory_space<vmem>> -> memref<4992xi32, #tpu.memory_space<vmem>>
    %dma_start3A_9 = tpu.memref_slice %arg3[%dma_start3A, %mul3A_4] : memref<2x160000xi32, #tpu.memory_space<hbm>> -> memref<1x4992xi32, #tpu.memory_space<hbm>>
    %dma_start3A_10 = tpu.memref_squeeze %dma_start3A_9 : memref<1x4992xi32, #tpu.memory_space<hbm>> -> memref<4992xi32, #tpu.memory_space<hbm>>
    %dma_start3A_11 = arith.constant 0 : i32
    %dma_start3A_12 = tpu.memref_slice %arg5[%dma_start3A_11] : memref<5024xi32, #tpu.memory_space<vmem>> -> memref<4992xi32, #tpu.memory_space<vmem>>
    %dma_start3A_13 = tpu.memref_slice %arg3[%dma_start3A, %mul3A_4] : memref<2x160000xi32, #tpu.memory_space<hbm>> -> memref<1x4992xi32, #tpu.memory_space<hbm>>
    %dma_start3A_14 = tpu.memref_squeeze %dma_start3A_13 : memref<1x4992xi32, #tpu.memory_space<hbm>> -> memref<4992xi32, #tpu.memory_space<hbm>>
    tpu.enqueue_dma source(%dma_start3A_14 : memref<4992xi32, #tpu.memory_space<hbm>>) target(%dma_start3A_12 : memref<4992xi32, #tpu.memory_space<vmem>>) target_semaphore(%arg16 : memref<!tpu.dma_semaphore, #tpu.memory_space<semaphore_mem>>)
    %dma_start3A_15 = arith.constant 1 : i32
    %dma_start3A_16 = arith.constant 0 : i32
    %dma_start3A_17 = tpu.memref_slice %arg6[%dma_start3A_16] : memref<5024xi32, #tpu.memory_space<vmem>> -> memref<4992xi32, #tpu.memory_space<vmem>>
    %dma_start3A_18 = tpu.memref_slice %arg3[%dma_start3A_15, %mul3A_4] : memref<2x160000xi32, #tpu.memory_space<hbm>> -> memref<1x4992xi32, #tpu.memory_space<hbm>>
    %dma_start3A_19 = tpu.memref_squeeze %dma_start3A_18 : memref<1x4992xi32, #tpu.memory_space<hbm>> -> memref<4992xi32, #tpu.memory_space<hbm>>
    %dma_start3A_20 = arith.constant 0 : i32
    %dma_start3A_21 = tpu.memref_slice %arg6[%dma_start3A_20] : memref<5024xi32, #tpu.memory_space<vmem>> -> memref<4992xi32, #tpu.memory_space<vmem>>
    %dma_start3A_22 = tpu.memref_slice %arg3[%dma_start3A_15, %mul3A_4] : memref<2x160000xi32, #tpu.memory_space<hbm>> -> memref<1x4992xi32, #tpu.memory_space<hbm>>
    %dma_start3A_23 = tpu.memref_squeeze %dma_start3A_22 : memref<1x4992xi32, #tpu.memory_space<hbm>> -> memref<4992xi32, #tpu.memory_space<hbm>>
    tpu.enqueue_dma source(%dma_start3A_23 : memref<4992xi32, #tpu.memory_space<hbm>>) target(%dma_start3A_21 : memref<4992xi32, #tpu.memory_space<vmem>>) target_semaphore(%arg17 : memref<!tpu.dma_semaphore, #tpu.memory_space<semaphore_mem>>)
    %dma_wait3A = arith.constant 0 : i32
    %dma_wait3A_24 = arith.constant 0 : i32
    %dma_wait3A_25 = tpu.memref_slice %arg5[%dma_wait3A_24] : memref<5024xi32, #tpu.memory_space<vmem>> -> memref<4992xi32, #tpu.memory_space<vmem>>
    %dma_wait3A_26 = tpu.memref_slice %arg3[%dma_wait3A, %mul3A_4] : memref<2x160000xi32, #tpu.memory_space<hbm>> -> memref<1x4992xi32, #tpu.memory_space<hbm>>
    %dma_wait3A_27 = tpu.memref_squeeze %dma_wait3A_26 : memref<1x4992xi32, #tpu.memory_space<hbm>> -> memref<4992xi32, #tpu.memory_space<hbm>>
    %dma_wait3A_28 = arith.constant 0 : i32
    %dma_wait3A_29 = tpu.memref_slice %arg5[%dma_wait3A_28] : memref<5024xi32, #tpu.memory_space<vmem>> -> memref<4992xi32, #tpu.memory_space<vmem>>
    %dma_wait3A_30 = tpu.memref_slice %arg3[%dma_wait3A, %mul3A_4] : memref<2x160000xi32, #tpu.memory_space<hbm>> -> memref<1x4992xi32, #tpu.memory_space<hbm>>
    %dma_wait3A_31 = tpu.memref_squeeze %dma_wait3A_30 : memref<1x4992xi32, #tpu.memory_space<hbm>> -> memref<4992xi32, #tpu.memory_space<hbm>>
    tpu.wait_dma2 semaphore(%arg16 : memref<!tpu.dma_semaphore, #tpu.memory_space<semaphore_mem>>) src(%dma_wait3A_31 : memref<4992xi32, #tpu.memory_space<hbm>>) dst(%dma_wait3A_29 : memref<4992xi32, #tpu.memory_space<vmem>>)
    %dma_wait3A_32 = arith.constant 1 : i32
    %dma_wait3A_33 = arith.constant 0 : i32
    %dma_wait3A_34 = tpu.memref_slice %arg6[%dma_wait3A_33] : memref<5024xi32, #tpu.memory_space<vmem>> -> memref<4992xi32, #tpu.memory_space<vmem>>
    %dma_wait3A_35 = tpu.memref_slice %arg3[%dma_wait3A_32, %mul3A_4] : memref<2x160000xi32, #tpu.memory_space<hbm>> -> memref<1x4992xi32, #tpu.memory_space<hbm>>
    %dma_wait3A_36 = tpu.memref_squeeze %dma_wait3A_35 : memref<1x4992xi32, #tpu.memory_space<hbm>> -> memref<4992xi32, #tpu.memory_space<hbm>>
    %dma_wait3A_37 = arith.constant 0 : i32
    %dma_wait3A_38 = tpu.memref_slice %arg6[%dma_wait3A_37] : memref<5024xi32, #tpu.memory_space<vmem>> -> memref<4992xi32, #tpu.memory_space<vmem>>
    %dma_wait3A_39 = tpu.memref_slice %arg3[%dma_wait3A_32, %mul3A_4] : memref<2x160000xi32, #tpu.memory_space<hbm>> -> memref<1x4992xi32, #tpu.memory_space<hbm>>
    %dma_wait3A_40 = tpu.memref_squeeze %dma_wait3A_39 : memref<1x4992xi32, #tpu.memory_space<hbm>> -> memref<4992xi32, #tpu.memory_space<hbm>>
    tpu.wait_dma2 semaphore(%arg17 : memref<!tpu.dma_semaphore, #tpu.memory_space<semaphore_mem>>) src(%dma_wait3A_40 : memref<4992xi32, #tpu.memory_space<hbm>>) dst(%dma_wait3A_38 : memref<4992xi32, #tpu.memory_space<vmem>>)
    %lt3A = arith.constant 4 : i32
    %lt3A_41 = arith.cmpi slt, %arg1, %lt3A : i32
    %convert_element_type3A = arith.extui %lt3A_41 : i1 to i32
    %cond3A = arith.constant 0 : i32
    %cond3A_42 = arith.cmpi ne, %convert_element_type3A, %cond3A : i32
    scf.if %cond3A_42 {
      %mul3A_232 = arith.constant 2500 : i32
      %mul3A_233 = arith.muli %arg0, %mul3A_232 : i32
      %add3A_234 = arith.constant 2496 : i32
      %add3A_235 = arith.addi %mul3A_233, %add3A_234 : i32
      %add3A_236 = arith.addi %add3A_235, %arg1 : i32
      %mul3A_237 = arith.constant 32 : i32
      %mul3A_238 = arith.muli %add3A_236, %mul3A_237 : i32
      %run_scoped3A = arith.constant 0 : i32
      "tpu.region"() ({
        %run_scoped3A_240 = tpu.sem_alloc : memref<!tpu.dma_semaphore, #tpu.memory_space<semaphore_mem>>
        %dma_start3A_241 = arith.constant 4992 : i32
        %dma_start3A_242 = tpu.memref_slice %arg5[%dma_start3A_241] : memref<5024xi32, #tpu.memory_space<vmem>> -> memref<32xi32, #tpu.memory_space<vmem>>
        %dma_start3A_243 = tpu.memref_slice %arg3[%run_scoped3A, %mul3A_238] : memref<2x160000xi32, #tpu.memory_space<hbm>> -> memref<1x32xi32, #tpu.memory_space<hbm>>
        %dma_start3A_244 = tpu.memref_squeeze %dma_start3A_243 : memref<1x32xi32, #tpu.memory_space<hbm>> -> memref<32xi32, #tpu.memory_space<hbm>>
        %dma_start3A_245 = arith.constant 4992 : i32
        %dma_start3A_246 = tpu.memref_slice %arg5[%dma_start3A_245] : memref<5024xi32, #tpu.memory_space<vmem>> -> memref<32xi32, #tpu.memory_space<vmem>>
        %dma_start3A_247 = tpu.memref_slice %arg3[%run_scoped3A, %mul3A_238] : memref<2x160000xi32, #tpu.memory_space<hbm>> -> memref<1x32xi32, #tpu.memory_space<hbm>>
        %dma_start3A_248 = tpu.memref_squeeze %dma_start3A_247 : memref<1x32xi32, #tpu.memory_space<hbm>> -> memref<32xi32, #tpu.memory_space<hbm>>
        tpu.enqueue_dma source(%dma_start3A_248 : memref<32xi32, #tpu.memory_space<hbm>>) target(%dma_start3A_246 : memref<32xi32, #tpu.memory_space<vmem>>) target_semaphore(%run_scoped3A_240 : memref<!tpu.dma_semaphore, #tpu.memory_space<semaphore_mem>>)
        %dma_wait3A_249 = arith.constant 4992 : i32
        %dma_wait3A_250 = tpu.memref_slice %arg5[%dma_wait3A_249] : memref<5024xi32, #tpu.memory_space<vmem>> -> memref<32xi32, #tpu.memory_space<vmem>>
        %dma_wait3A_251 = tpu.memref_slice %arg3[%run_scoped3A, %mul3A_238] : memref<2x160000xi32, #tpu.memory_space<hbm>> -> memref<1x32xi32, #tpu.memory_space<hbm>>
        %dma_wait3A_252 = tpu.memref_squeeze %dma_wait3A_251 : memref<1x32xi32, #tpu.memory_space<hbm>> -> memref<32xi32, #tpu.memory_space<hbm>>
        %dma_wait3A_253 = arith.constant 4992 : i32
        %dma_wait3A_254 = tpu.memref_slice %arg5[%dma_wait3A_253] : memref<5024xi32, #tpu.memory_space<vmem>> -> memref<32xi32, #tpu.memory_space<vmem>>
        %dma_wait3A_255 = tpu.memref_slice %arg3[%run_scoped3A, %mul3A_238] : memref<2x160000xi32, #tpu.memory_space<hbm>> -> memref<1x32xi32, #tpu.memory_space<hbm>>
        %dma_wait3A_256 = tpu.memref_squeeze %dma_wait3A_255 : memref<1x32xi32, #tpu.memory_space<hbm>> -> memref<32xi32, #tpu.memory_space<hbm>>
        tpu.wait_dma2 semaphore(%run_scoped3A_240 : memref<!tpu.dma_semaphore, #tpu.memory_space<semaphore_mem>>) src(%dma_wait3A_256 : memref<32xi32, #tpu.memory_space<hbm>>) dst(%dma_wait3A_254 : memref<32xi32, #tpu.memory_space<vmem>>)
        tpu.yield
      }) : () -> ()
      %run_scoped3A_239 = arith.constant 1 : i32
      "tpu.region"() ({
        %run_scoped3A_240 = tpu.sem_alloc : memref<!tpu.dma_semaphore, #tpu.memory_space<semaphore_mem>>
        %dma_start3A_241 = arith.constant 4992 : i32
        %dma_start3A_242 = tpu.memref_slice %arg6[%dma_start3A_241] : memref<5024xi32, #tpu.memory_space<vmem>> -> memref<32xi32, #tpu.memory_space<vmem>>
        %dma_start3A_243 = tpu.memref_slice %arg3[%run_scoped3A_239, %mul3A_238] : memref<2x160000xi32, #tpu.memory_space<hbm>> -> memref<1x32xi32, #tpu.memory_space<hbm>>
        %dma_start3A_244 = tpu.memref_squeeze %dma_start3A_243 : memref<1x32xi32, #tpu.memory_space<hbm>> -> memref<32xi32, #tpu.memory_space<hbm>>
        %dma_start3A_245 = arith.constant 4992 : i32
        %dma_start3A_246 = tpu.memref_slice %arg6[%dma_start3A_245] : memref<5024xi32, #tpu.memory_space<vmem>> -> memref<32xi32, #tpu.memory_space<vmem>>
        %dma_start3A_247 = tpu.memref_slice %arg3[%run_scoped3A_239, %mul3A_238] : memref<2x160000xi32, #tpu.memory_space<hbm>> -> memref<1x32xi32, #tpu.memory_space<hbm>>
        %dma_start3A_248 = tpu.memref_squeeze %dma_start3A_247 : memref<1x32xi32, #tpu.memory_space<hbm>> -> memref<32xi32, #tpu.memory_space<hbm>>
        tpu.enqueue_dma source(%dma_start3A_248 : memref<32xi32, #tpu.memory_space<hbm>>) target(%dma_start3A_246 : memref<32xi32, #tpu.memory_space<vmem>>) target_semaphore(%run_scoped3A_240 : memref<!tpu.dma_semaphore, #tpu.memory_space<semaphore_mem>>)
        %dma_wait3A_249 = arith.constant 4992 : i32
        %dma_wait3A_250 = tpu.memref_slice %arg6[%dma_wait3A_249] : memref<5024xi32, #tpu.memory_space<vmem>> -> memref<32xi32, #tpu.memory_space<vmem>>
        %dma_wait3A_251 = tpu.memref_slice %arg3[%run_scoped3A_239, %mul3A_238] : memref<2x160000xi32, #tpu.memory_space<hbm>> -> memref<1x32xi32, #tpu.memory_space<hbm>>
        %dma_wait3A_252 = tpu.memref_squeeze %dma_wait3A_251 : memref<1x32xi32, #tpu.memory_space<hbm>> -> memref<32xi32, #tpu.memory_space<hbm>>
        %dma_wait3A_253 = arith.constant 4992 : i32
        %dma_wait3A_254 = tpu.memref_slice %arg6[%dma_wait3A_253] : memref<5024xi32, #tpu.memory_space<vmem>> -> memref<32xi32, #tpu.memory_space<vmem>>
        %dma_wait3A_255 = tpu.memref_slice %arg3[%run_scoped3A_239, %mul3A_238] : memref<2x160000xi32, #tpu.memory_space<hbm>> -> memref<1x32xi32, #tpu.memory_space<hbm>>
        %dma_wait3A_256 = tpu.memref_squeeze %dma_wait3A_255 : memref<1x32xi32, #tpu.memory_space<hbm>> -> memref<32xi32, #tpu.memory_space<hbm>>
        tpu.wait_dma2 semaphore(%run_scoped3A_240 : memref<!tpu.dma_semaphore, #tpu.memory_space<semaphore_mem>>) src(%dma_wait3A_256 : memref<32xi32, #tpu.memory_space<hbm>>) dst(%dma_wait3A_254 : memref<32xi32, #tpu.memory_space<vmem>>)
        tpu.yield
      }) : () -> ()
    } else {
    }
    %dma_start3A_43 = arith.constant 0 : i32
    %dma_start3A_44 = tpu.memref_slice %arg5[%dma_start3A_43] : memref<5024xi32, #tpu.memory_space<vmem>> -> memref<32xi32, #tpu.memory_space<vmem>>
    %dma_start3A_45 = arith.constant 0 : i32
    %dma_start3A_46 = arith.constant 0 : i32
    %dma_start3A_47 = tpu.memref_slice %arg2[%dma_start3A_45, %dma_start3A_46] : memref<10000x128xf32, #tpu.memory_space<hbm>> -> memref<10000x128xf32, #tpu.memory_space<hbm>>
    tpu.enqueue_indirect_dma source(%dma_start3A_47 : memref<10000x128xf32, #tpu.memory_space<hbm>>) target(%arg7 : memref<32x128xf32, #tpu.memory_space<vmem>>) offsets(%dma_start3A_44 : memref<32xi32, #tpu.memory_space<vmem>>) semaphore(%arg16 : memref<!tpu.dma_semaphore, #tpu.memory_space<semaphore_mem>>)
    %dma_start3A_48 = arith.constant 32 : i32
    %dma_start3A_49 = tpu.memref_slice %arg5[%dma_start3A_48] : memref<5024xi32, #tpu.memory_space<vmem>> -> memref<32xi32, #tpu.memory_space<vmem>>
    %dma_start3A_50 = arith.constant 0 : i32
    %dma_start3A_51 = arith.constant 0 : i32
    %dma_start3A_52 = tpu.memref_slice %arg2[%dma_start3A_50, %dma_start3A_51] : memref<10000x128xf32, #tpu.memory_space<hbm>> -> memref<10000x128xf32, #tpu.memory_space<hbm>>
    tpu.enqueue_indirect_dma source(%dma_start3A_52 : memref<10000x128xf32, #tpu.memory_space<hbm>>) target(%arg8 : memref<32x128xf32, #tpu.memory_space<vmem>>) offsets(%dma_start3A_49 : memref<32xi32, #tpu.memory_space<vmem>>) semaphore(%arg17 : memref<!tpu.dma_semaphore, #tpu.memory_space<semaphore_mem>>)
    %dma_start3A_53 = arith.constant 64 : i32
    %dma_start3A_54 = tpu.memref_slice %arg5[%dma_start3A_53] : memref<5024xi32, #tpu.memory_space<vmem>> -> memref<32xi32, #tpu.memory_space<vmem>>
    %dma_start3A_55 = arith.constant 0 : i32
    %dma_start3A_56 = arith.constant 0 : i32
    %dma_start3A_57 = tpu.memref_slice %arg2[%dma_start3A_55, %dma_start3A_56] : memref<10000x128xf32, #tpu.memory_space<hbm>> -> memref<10000x128xf32, #tpu.memory_space<hbm>>
    tpu.enqueue_indirect_dma source(%dma_start3A_57 : memref<10000x128xf32, #tpu.memory_space<hbm>>) target(%arg9 : memref<32x128xf32, #tpu.memory_space<vmem>>) offsets(%dma_start3A_54 : memref<32xi32, #tpu.memory_space<vmem>>) semaphore(%arg18 : memref<!tpu.dma_semaphore, #tpu.memory_space<semaphore_mem>>)
    %dma_start3A_58 = arith.constant 96 : i32
    %dma_start3A_59 = tpu.memref_slice %arg5[%dma_start3A_58] : memref<5024xi32, #tpu.memory_space<vmem>> -> memref<32xi32, #tpu.memory_space<vmem>>
    %dma_start3A_60 = arith.constant 0 : i32
    %dma_start3A_61 = arith.constant 0 : i32
    %dma_start3A_62 = tpu.memref_slice %arg2[%dma_start3A_60, %dma_start3A_61] : memref<10000x128xf32, #tpu.memory_space<hbm>> -> memref<10000x128xf32, #tpu.memory_space<hbm>>
    tpu.enqueue_indirect_dma source(%dma_start3A_62 : memref<10000x128xf32, #tpu.memory_space<hbm>>) target(%arg10 : memref<32x128xf32, #tpu.memory_space<vmem>>) offsets(%dma_start3A_59 : memref<32xi32, #tpu.memory_space<vmem>>) semaphore(%arg19 : memref<!tpu.dma_semaphore, #tpu.memory_space<semaphore_mem>>)
    %dma_start3A_63 = arith.constant 128 : i32
    %dma_start3A_64 = tpu.memref_slice %arg5[%dma_start3A_63] : memref<5024xi32, #tpu.memory_space<vmem>> -> memref<32xi32, #tpu.memory_space<vmem>>
    %dma_start3A_65 = arith.constant 0 : i32
    %dma_start3A_66 = arith.constant 0 : i32
    %dma_start3A_67 = tpu.memref_slice %arg2[%dma_start3A_65, %dma_start3A_66] : memref<10000x128xf32, #tpu.memory_space<hbm>> -> memref<10000x128xf32, #tpu.memory_space<hbm>>
    tpu.enqueue_indirect_dma source(%dma_start3A_67 : memref<10000x128xf32, #tpu.memory_space<hbm>>) target(%arg11 : memref<32x128xf32, #tpu.memory_space<vmem>>) offsets(%dma_start3A_64 : memref<32xi32, #tpu.memory_space<vmem>>) semaphore(%arg20 : memref<!tpu.dma_semaphore, #tpu.memory_space<semaphore_mem>>)
    %dma_start3A_68 = arith.constant 160 : i32
    %dma_start3A_69 = tpu.memref_slice %arg5[%dma_start3A_68] : memref<5024xi32, #tpu.memory_space<vmem>> -> memref<32xi32, #tpu.memory_space<vmem>>
    %dma_start3A_70 = arith.constant 0 : i32
    %dma_start3A_71 = arith.constant 0 : i32
    %dma_start3A_72 = tpu.memref_slice %arg2[%dma_start3A_70, %dma_start3A_71] : memref<10000x128xf32, #tpu.memory_space<hbm>> -> memref<10000x128xf32, #tpu.memory_space<hbm>>
    tpu.enqueue_indirect_dma source(%dma_start3A_72 : memref<10000x128xf32, #tpu.memory_space<hbm>>) target(%arg12 : memref<32x128xf32, #tpu.memory_space<vmem>>) offsets(%dma_start3A_69 : memref<32xi32, #tpu.memory_space<vmem>>) semaphore(%arg21 : memref<!tpu.dma_semaphore, #tpu.memory_space<semaphore_mem>>)
    %dma_start3A_73 = arith.constant 192 : i32
    %dma_start3A_74 = tpu.memref_slice %arg5[%dma_start3A_73] : memref<5024xi32, #tpu.memory_space<vmem>> -> memref<32xi32, #tpu.memory_space<vmem>>
    %dma_start3A_75 = arith.constant 0 : i32
    %dma_start3A_76 = arith.constant 0 : i32
    %dma_start3A_77 = tpu.memref_slice %arg2[%dma_start3A_75, %dma_start3A_76] : memref<10000x128xf32, #tpu.memory_space<hbm>> -> memref<10000x128xf32, #tpu.memory_space<hbm>>
    tpu.enqueue_indirect_dma source(%dma_start3A_77 : memref<10000x128xf32, #tpu.memory_space<hbm>>) target(%arg13 : memref<32x128xf32, #tpu.memory_space<vmem>>) offsets(%dma_start3A_74 : memref<32xi32, #tpu.memory_space<vmem>>) semaphore(%arg22 : memref<!tpu.dma_semaphore, #tpu.memory_space<semaphore_mem>>)
    %dma_start3A_78 = arith.constant 224 : i32
    %dma_start3A_79 = tpu.memref_slice %arg5[%dma_start3A_78] : memref<5024xi32, #tpu.memory_space<vmem>> -> memref<32xi32, #tpu.memory_space<vmem>>
    %dma_start3A_80 = arith.constant 0 : i32
    %dma_start3A_81 = arith.constant 0 : i32
    %dma_start3A_82 = tpu.memref_slice %arg2[%dma_start3A_80, %dma_start3A_81] : memref<10000x128xf32, #tpu.memory_space<hbm>> -> memref<10000x128xf32, #tpu.memory_space<hbm>>
    tpu.enqueue_indirect_dma source(%dma_start3A_82 : memref<10000x128xf32, #tpu.memory_space<hbm>>) target(%arg14 : memref<32x128xf32, #tpu.memory_space<vmem>>) offsets(%dma_start3A_79 : memref<32xi32, #tpu.memory_space<vmem>>) semaphore(%arg23 : memref<!tpu.dma_semaphore, #tpu.memory_space<semaphore_mem>>)
    %lt3A_83 = arith.constant 15 : i32
    %lt3A_84 = arith.cmpi slt, %arg1, %lt3A_83 : i32
    %convert_element_type3A_85 = arith.extui %lt3A_84 : i1 to i32
    %cond3A_86 = arith.constant 0 : i32
    %cond3A_87 = arith.cmpi ne, %convert_element_type3A_85, %cond3A_86 : i32
    scf.if %cond3A_87 {
      "tpu.region"() ({
        %run_scoped3A = tpu.sem_alloc : memref<!tpu.dma_semaphore, #tpu.memory_space<semaphore_mem>>
        %dma_start3A_232 = arith.constant 0 : i32
        %dma_start3A_233 = tpu.memref_slice %arg15[%mul3A_6, %dma_start3A_232] : memref<10000x128xf32, #tpu.memory_space<vmem_shared>> -> memref<624x128xf32, #tpu.memory_space<vmem_shared>>
        %dma_start3A_234 = arith.constant 0 : i32
        %dma_start3A_235 = tpu.memref_slice %arg2[%mul3A_6, %dma_start3A_234] : memref<10000x128xf32, #tpu.memory_space<hbm>> -> memref<624x128xf32, #tpu.memory_space<hbm>>
        tpu.enqueue_dma source(%dma_start3A_235 : memref<624x128xf32, #tpu.memory_space<hbm>>) target(%dma_start3A_233 : memref<624x128xf32, #tpu.memory_space<vmem_shared>>) target_semaphore(%run_scoped3A : memref<!tpu.dma_semaphore, #tpu.memory_space<semaphore_mem>>)
        %dma_wait3A_236 = arith.constant 0 : i32
        %dma_wait3A_237 = tpu.memref_slice %arg15[%mul3A_6, %dma_wait3A_236] : memref<10000x128xf32, #tpu.memory_space<vmem_shared>> -> memref<624x128xf32, #tpu.memory_space<vmem_shared>>
        %dma_wait3A_238 = arith.constant 0 : i32
        %dma_wait3A_239 = tpu.memref_slice %arg2[%mul3A_6, %dma_wait3A_238] : memref<10000x128xf32, #tpu.memory_space<hbm>> -> memref<624x128xf32, #tpu.memory_space<hbm>>
        tpu.wait_dma2 semaphore(%run_scoped3A : memref<!tpu.dma_semaphore, #tpu.memory_space<semaphore_mem>>) src(%dma_wait3A_239 : memref<624x128xf32, #tpu.memory_space<hbm>>) dst(%dma_wait3A_237 : memref<624x128xf32, #tpu.memory_space<vmem_shared>>)
        tpu.yield
      }) : () -> ()
    } else {
    }
    %eq3A = arith.constant 15 : i32
    %eq3A_88 = arith.cmpi eq, %arg1, %eq3A : i32
    %convert_element_type3A_89 = arith.extui %eq3A_88 : i1 to i32
    %cond3A_90 = arith.constant 0 : i32
    %cond3A_91 = arith.cmpi ne, %convert_element_type3A_89, %cond3A_90 : i32
    scf.if %cond3A_91 {
      "tpu.region"() ({
        %run_scoped3A = tpu.sem_alloc : memref<!tpu.dma_semaphore, #tpu.memory_space<semaphore_mem>>
        %dma_start3A_232 = arith.constant 0 : i32
        %dma_start3A_233 = tpu.memref_slice %arg15[%mul3A_6, %dma_start3A_232] : memref<10000x128xf32, #tpu.memory_space<vmem_shared>> -> memref<640x128xf32, #tpu.memory_space<vmem_shared>>
        %dma_start3A_234 = arith.constant 0 : i32
        %dma_start3A_235 = tpu.memref_slice %arg2[%mul3A_6, %dma_start3A_234] : memref<10000x128xf32, #tpu.memory_space<hbm>> -> memref<640x128xf32, #tpu.memory_space<hbm>>
        tpu.enqueue_dma source(%dma_start3A_235 : memref<640x128xf32, #tpu.memory_space<hbm>>) target(%dma_start3A_233 : memref<640x128xf32, #tpu.memory_space<vmem_shared>>) target_semaphore(%run_scoped3A : memref<!tpu.dma_semaphore, #tpu.memory_space<semaphore_mem>>)
        %dma_wait3A_236 = arith.constant 0 : i32
        %dma_wait3A_237 = tpu.memref_slice %arg15[%mul3A_6, %dma_wait3A_236] : memref<10000x128xf32, #tpu.memory_space<vmem_shared>> -> memref<640x128xf32, #tpu.memory_space<vmem_shared>>
        %dma_wait3A_238 = arith.constant 0 : i32
        %dma_wait3A_239 = tpu.memref_slice %arg2[%mul3A_6, %dma_wait3A_238] : memref<10000x128xf32, #tpu.memory_space<hbm>> -> memref<640x128xf32, #tpu.memory_space<hbm>>
        tpu.wait_dma2 semaphore(%run_scoped3A : memref<!tpu.dma_semaphore, #tpu.memory_space<semaphore_mem>>) src(%dma_wait3A_239 : memref<640x128xf32, #tpu.memory_space<hbm>>) dst(%dma_wait3A_237 : memref<640x128xf32, #tpu.memory_space<vmem_shared>>)
        tpu.yield
      }) : () -> ()
    } else {
    }
    %barrier3A = arith.constant 0 : index
    tpu.barrier barrier_id(%barrier3A)
    %scan3A = arith.constant 0 : i32
    %scan3A_92 = arith.constant 0 : i32
    %scan3A_93 = arith.constant 19 : i32
    %scan3A_94 = arith.addi %scan3A_92, %scan3A_93 : i32
    %scan3A_95 = arith.constant 1 : i32
    scf.for %scan3A_232 = %scan3A_92 to %scan3A_94 step %scan3A_95  : i32 {
      %mul3A_233 = arith.constant 8 : i32
      %mul3A_234 = arith.muli %mul3A_233, %scan3A_232 : i32
      %dma_wait3A_235 = arith.constant 0 : i32
      %dma_wait3A_236 = tpu.memref_slice %arg5[%dma_wait3A_235] : memref<5024xi32, #tpu.memory_space<vmem>> -> memref<32xi32, #tpu.memory_space<vmem>>
      %dma_wait3A_237 = arith.constant 0 : i32
      %dma_wait3A_238 = arith.constant 0 : i32
      %dma_wait3A_239 = tpu.memref_slice %arg2[%dma_wait3A_237, %dma_wait3A_238] : memref<10000x128xf32, #tpu.memory_space<hbm>> -> memref<10000x128xf32, #tpu.memory_space<hbm>>
      tpu.wait_indirect_dma semaphore(%arg16 : memref<!tpu.dma_semaphore, #tpu.memory_space<semaphore_mem>>) src(%dma_wait3A_239 : memref<10000x128xf32, #tpu.memory_space<hbm>>) dst(%arg7 : memref<32x128xf32, #tpu.memory_space<vmem>>)
      %add3A_240 = arith.constant 0 : i32
      %add3A_241 = arith.addi %mul3A_234, %add3A_240 : i32
      %mul3A_242 = arith.constant 32 : i32
      %mul3A_243 = arith.muli %add3A_241, %mul3A_242 : i32
      %dma_start3A_244 = tpu.memref_slice %arg6[%mul3A_243] : memref<5024xi32, #tpu.memory_space<vmem>> -> memref<32xi32, #tpu.memory_space<vmem>>
      %dma_start3A_245 = arith.constant 0 : i32
      %dma_start3A_246 = arith.constant 0 : i32
      %dma_start3A_247 = tpu.memref_slice %arg15[%dma_start3A_245, %dma_start3A_246] : memref<10000x128xf32, #tpu.memory_space<vmem_shared>> -> memref<10000x128xf32, #tpu.memory_space<vmem_shared>>
      tpu.enqueue_indirect_dma source(%arg7 : memref<32x128xf32, #tpu.memory_space<vmem>>) target(%dma_start3A_247 : memref<10000x128xf32, #tpu.memory_space<vmem_shared>>) offsets(%dma_start3A_244 : memref<32xi32, #tpu.memory_space<vmem>>) semaphore(%arg24 : memref<!tpu.dma_semaphore, #tpu.memory_space<semaphore_mem>>) {add = true}
      %dma_wait3A_248 = arith.constant 0 : i32
      %dma_wait3A_249 = tpu.memref_slice %arg5[%dma_wait3A_248] : memref<5024xi32, #tpu.memory_space<vmem>> -> memref<32xi32, #tpu.memory_space<vmem>>
      %dma_wait3A_250 = arith.constant 0 : i32
      %dma_wait3A_251 = arith.constant 0 : i32
      %dma_wait3A_252 = tpu.memref_slice %arg2[%dma_wait3A_250, %dma_wait3A_251] : memref<10000x128xf32, #tpu.memory_space<hbm>> -> memref<10000x128xf32, #tpu.memory_space<hbm>>
      tpu.wait_indirect_dma semaphore(%arg17 : memref<!tpu.dma_semaphore, #tpu.memory_space<semaphore_mem>>) src(%dma_wait3A_252 : memref<10000x128xf32, #tpu.memory_space<hbm>>) dst(%arg8 : memref<32x128xf32, #tpu.memory_space<vmem>>)
      %add3A_253 = arith.constant 1 : i32
      %add3A_254 = arith.addi %mul3A_234, %add3A_253 : i32
      %mul3A_255 = arith.constant 32 : i32
      %mul3A_256 = arith.muli %add3A_254, %mul3A_255 : i32
      %dma_start3A_257 = tpu.memref_slice %arg6[%mul3A_256] : memref<5024xi32, #tpu.memory_space<vmem>> -> memref<32xi32, #tpu.memory_space<vmem>>
      %dma_start3A_258 = arith.constant 0 : i32
      %dma_start3A_259 = arith.constant 0 : i32
      %dma_start3A_260 = tpu.memref_slice %arg15[%dma_start3A_258, %dma_start3A_259] : memref<10000x128xf32, #tpu.memory_space<vmem_shared>> -> memref<10000x128xf32, #tpu.memory_space<vmem_shared>>
      tpu.enqueue_indirect_dma source(%arg8 : memref<32x128xf32, #tpu.memory_space<vmem>>) target(%dma_start3A_260 : memref<10000x128xf32, #tpu.memory_space<vmem_shared>>) offsets(%dma_start3A_257 : memref<32xi32, #tpu.memory_space<vmem>>) semaphore(%arg25 : memref<!tpu.dma_semaphore, #tpu.memory_space<semaphore_mem>>) {add = true}
      %dma_wait3A_261 = arith.constant 0 : i32
      %dma_wait3A_262 = tpu.memref_slice %arg5[%dma_wait3A_261] : memref<5024xi32, #tpu.memory_space<vmem>> -> memref<32xi32, #tpu.memory_space<vmem>>
      %dma_wait3A_263 = arith.constant 0 : i32
      %dma_wait3A_264 = arith.constant 0 : i32
      %dma_wait3A_265 = tpu.memref_slice %arg2[%dma_wait3A_263, %dma_wait3A_264] : memref<10000x128xf32, #tpu.memory_space<hbm>> -> memref<10000x128xf32, #tpu.memory_space<hbm>>
      tpu.wait_indirect_dma semaphore(%arg18 : memref<!tpu.dma_semaphore, #tpu.memory_space<semaphore_mem>>) src(%dma_wait3A_265 : memref<10000x128xf32, #tpu.memory_space<hbm>>) dst(%arg9 : memref<32x128xf32, #tpu.memory_space<vmem>>)
      %add3A_266 = arith.constant 2 : i32
      %add3A_267 = arith.addi %mul3A_234, %add3A_266 : i32
      %mul3A_268 = arith.constant 32 : i32
      %mul3A_269 = arith.muli %add3A_267, %mul3A_268 : i32
      %dma_start3A_270 = tpu.memref_slice %arg6[%mul3A_269] : memref<5024xi32, #tpu.memory_space<vmem>> -> memref<32xi32, #tpu.memory_space<vmem>>
      %dma_start3A_271 = arith.constant 0 : i32
      %dma_start3A_272 = arith.constant 0 : i32
      %dma_start3A_273 = tpu.memref_slice %arg15[%dma_start3A_271, %dma_start3A_272] : memref<10000x128xf32, #tpu.memory_space<vmem_shared>> -> memref<10000x128xf32, #tpu.memory_space<vmem_shared>>
      tpu.enqueue_indirect_dma source(%arg9 : memref<32x128xf32, #tpu.memory_space<vmem>>) target(%dma_start3A_273 : memref<10000x128xf32, #tpu.memory_space<vmem_shared>>) offsets(%dma_start3A_270 : memref<32xi32, #tpu.memory_space<vmem>>) semaphore(%arg26 : memref<!tpu.dma_semaphore, #tpu.memory_space<semaphore_mem>>) {add = true}
      %dma_wait3A_274 = arith.constant 0 : i32
      %dma_wait3A_275 = tpu.memref_slice %arg5[%dma_wait3A_274] : memref<5024xi32, #tpu.memory_space<vmem>> -> memref<32xi32, #tpu.memory_space<vmem>>
      %dma_wait3A_276 = arith.constant 0 : i32
      %dma_wait3A_277 = arith.constant 0 : i32
      %dma_wait3A_278 = tpu.memref_slice %arg2[%dma_wait3A_276, %dma_wait3A_277] : memref<10000x128xf32, #tpu.memory_space<hbm>> -> memref<10000x128xf32, #tpu.memory_space<hbm>>
      tpu.wait_indirect_dma semaphore(%arg19 : memref<!tpu.dma_semaphore, #tpu.memory_space<semaphore_mem>>) src(%dma_wait3A_278 : memref<10000x128xf32, #tpu.memory_space<hbm>>) dst(%arg10 : memref<32x128xf32, #tpu.memory_space<vmem>>)
      %add3A_279 = arith.constant 3 : i32
      %add3A_280 = arith.addi %mul3A_234, %add3A_279 : i32
      %mul3A_281 = arith.constant 32 : i32
      %mul3A_282 = arith.muli %add3A_280, %mul3A_281 : i32
      %dma_start3A_283 = tpu.memref_slice %arg6[%mul3A_282] : memref<5024xi32, #tpu.memory_space<vmem>> -> memref<32xi32, #tpu.memory_space<vmem>>
      %dma_start3A_284 = arith.constant 0 : i32
      %dma_start3A_285 = arith.constant 0 : i32
      %dma_start3A_286 = tpu.memref_slice %arg15[%dma_start3A_284, %dma_start3A_285] : memref<10000x128xf32, #tpu.memory_space<vmem_shared>> -> memref<10000x128xf32, #tpu.memory_space<vmem_shared>>
      tpu.enqueue_indirect_dma source(%arg10 : memref<32x128xf32, #tpu.memory_space<vmem>>) target(%dma_start3A_286 : memref<10000x128xf32, #tpu.memory_space<vmem_shared>>) offsets(%dma_start3A_283 : memref<32xi32, #tpu.memory_space<vmem>>) semaphore(%arg27 : memref<!tpu.dma_semaphore, #tpu.memory_space<semaphore_mem>>) {add = true}
      %dma_wait3A_287 = arith.constant 0 : i32
      %dma_wait3A_288 = tpu.memref_slice %arg5[%dma_wait3A_287] : memref<5024xi32, #tpu.memory_space<vmem>> -> memref<32xi32, #tpu.memory_space<vmem>>
      %dma_wait3A_289 = arith.constant 0 : i32
      %dma_wait3A_290 = arith.constant 0 : i32
      %dma_wait3A_291 = tpu.memref_slice %arg2[%dma_wait3A_289, %dma_wait3A_290] : memref<10000x128xf32, #tpu.memory_space<hbm>> -> memref<10000x128xf32, #tpu.memory_space<hbm>>
      tpu.wait_indirect_dma semaphore(%arg20 : memref<!tpu.dma_semaphore, #tpu.memory_space<semaphore_mem>>) src(%dma_wait3A_291 : memref<10000x128xf32, #tpu.memory_space<hbm>>) dst(%arg11 : memref<32x128xf32, #tpu.memory_space<vmem>>)
      %add3A_292 = arith.constant 4 : i32
      %add3A_293 = arith.addi %mul3A_234, %add3A_292 : i32
      %mul3A_294 = arith.constant 32 : i32
      %mul3A_295 = arith.muli %add3A_293, %mul3A_294 : i32
      %dma_start3A_296 = tpu.memref_slice %arg6[%mul3A_295] : memref<5024xi32, #tpu.memory_space<vmem>> -> memref<32xi32, #tpu.memory_space<vmem>>
      %dma_start3A_297 = arith.constant 0 : i32
      %dma_start3A_298 = arith.constant 0 : i32
      %dma_start3A_299 = tpu.memref_slice %arg15[%dma_start3A_297, %dma_start3A_298] : memref<10000x128xf32, #tpu.memory_space<vmem_shared>> -> memref<10000x128xf32, #tpu.memory_space<vmem_shared>>
      tpu.enqueue_indirect_dma source(%arg11 : memref<32x128xf32, #tpu.memory_space<vmem>>) target(%dma_start3A_299 : memref<10000x128xf32, #tpu.memory_space<vmem_shared>>) offsets(%dma_start3A_296 : memref<32xi32, #tpu.memory_space<vmem>>) semaphore(%arg28 : memref<!tpu.dma_semaphore, #tpu.memory_space<semaphore_mem>>) {add = true}
      %dma_wait3A_300 = arith.constant 0 : i32
      %dma_wait3A_301 = tpu.memref_slice %arg5[%dma_wait3A_300] : memref<5024xi32, #tpu.memory_space<vmem>> -> memref<32xi32, #tpu.memory_space<vmem>>
      %dma_wait3A_302 = arith.constant 0 : i32
      %dma_wait3A_303 = arith.constant 0 : i32
      %dma_wait3A_304 = tpu.memref_slice %arg2[%dma_wait3A_302, %dma_wait3A_303] : memref<10000x128xf32, #tpu.memory_space<hbm>> -> memref<10000x128xf32, #tpu.memory_space<hbm>>
      tpu.wait_indirect_dma semaphore(%arg21 : memref<!tpu.dma_semaphore, #tpu.memory_space<semaphore_mem>>) src(%dma_wait3A_304 : memref<10000x128xf32, #tpu.memory_space<hbm>>) dst(%arg12 : memref<32x128xf32, #tpu.memory_space<vmem>>)
      %add3A_305 = arith.constant 5 : i32
      %add3A_306 = arith.addi %mul3A_234, %add3A_305 : i32
      %mul3A_307 = arith.constant 32 : i32
      %mul3A_308 = arith.muli %add3A_306, %mul3A_307 : i32
      %dma_start3A_309 = tpu.memref_slice %arg6[%mul3A_308] : memref<5024xi32, #tpu.memory_space<vmem>> -> memref<32xi32, #tpu.memory_space<vmem>>
      %dma_start3A_310 = arith.constant 0 : i32
      %dma_start3A_311 = arith.constant 0 : i32
      %dma_start3A_312 = tpu.memref_slice %arg15[%dma_start3A_310, %dma_start3A_311] : memref<10000x128xf32, #tpu.memory_space<vmem_shared>> -> memref<10000x128xf32, #tpu.memory_space<vmem_shared>>
      tpu.enqueue_indirect_dma source(%arg12 : memref<32x128xf32, #tpu.memory_space<vmem>>) target(%dma_start3A_312 : memref<10000x128xf32, #tpu.memory_space<vmem_shared>>) offsets(%dma_start3A_309 : memref<32xi32, #tpu.memory_space<vmem>>) semaphore(%arg29 : memref<!tpu.dma_semaphore, #tpu.memory_space<semaphore_mem>>) {add = true}
      %dma_wait3A_313 = arith.constant 0 : i32
      %dma_wait3A_314 = tpu.memref_slice %arg5[%dma_wait3A_313] : memref<5024xi32, #tpu.memory_space<vmem>> -> memref<32xi32, #tpu.memory_space<vmem>>
      %dma_wait3A_315 = arith.constant 0 : i32
      %dma_wait3A_316 = arith.constant 0 : i32
      %dma_wait3A_317 = tpu.memref_slice %arg2[%dma_wait3A_315, %dma_wait3A_316] : memref<10000x128xf32, #tpu.memory_space<hbm>> -> memref<10000x128xf32, #tpu.memory_space<hbm>>
      tpu.wait_indirect_dma semaphore(%arg22 : memref<!tpu.dma_semaphore, #tpu.memory_space<semaphore_mem>>) src(%dma_wait3A_317 : memref<10000x128xf32, #tpu.memory_space<hbm>>) dst(%arg13 : memref<32x128xf32, #tpu.memory_space<vmem>>)
      %add3A_318 = arith.constant 6 : i32
      %add3A_319 = arith.addi %mul3A_234, %add3A_318 : i32
      %mul3A_320 = arith.constant 32 : i32
      %mul3A_321 = arith.muli %add3A_319, %mul3A_320 : i32
      %dma_start3A_322 = tpu.memref_slice %arg6[%mul3A_321] : memref<5024xi32, #tpu.memory_space<vmem>> -> memref<32xi32, #tpu.memory_space<vmem>>
      %dma_start3A_323 = arith.constant 0 : i32
      %dma_start3A_324 = arith.constant 0 : i32
      %dma_start3A_325 = tpu.memref_slice %arg15[%dma_start3A_323, %dma_start3A_324] : memref<10000x128xf32, #tpu.memory_space<vmem_shared>> -> memref<10000x128xf32, #tpu.memory_space<vmem_shared>>
      tpu.enqueue_indirect_dma source(%arg13 : memref<32x128xf32, #tpu.memory_space<vmem>>) target(%dma_start3A_325 : memref<10000x128xf32, #tpu.memory_space<vmem_shared>>) offsets(%dma_start3A_322 : memref<32xi32, #tpu.memory_space<vmem>>) semaphore(%arg30 : memref<!tpu.dma_semaphore, #tpu.memory_space<semaphore_mem>>) {add = true}
      %dma_wait3A_326 = arith.constant 0 : i32
      %dma_wait3A_327 = tpu.memref_slice %arg5[%dma_wait3A_326] : memref<5024xi32, #tpu.memory_space<vmem>> -> memref<32xi32, #tpu.memory_space<vmem>>
      %dma_wait3A_328 = arith.constant 0 : i32
      %dma_wait3A_329 = arith.constant 0 : i32
      %dma_wait3A_330 = tpu.memref_slice %arg2[%dma_wait3A_328, %dma_wait3A_329] : memref<10000x128xf32, #tpu.memory_space<hbm>> -> memref<10000x128xf32, #tpu.memory_space<hbm>>
      tpu.wait_indirect_dma semaphore(%arg23 : memref<!tpu.dma_semaphore, #tpu.memory_space<semaphore_mem>>) src(%dma_wait3A_330 : memref<10000x128xf32, #tpu.memory_space<hbm>>) dst(%arg14 : memref<32x128xf32, #tpu.memory_space<vmem>>)
      %add3A_331 = arith.constant 7 : i32
      %add3A_332 = arith.addi %mul3A_234, %add3A_331 : i32
      %mul3A_333 = arith.constant 32 : i32
      %mul3A_334 = arith.muli %add3A_332, %mul3A_333 : i32
      %dma_start3A_335 = tpu.memref_slice %arg6[%mul3A_334] : memref<5024xi32, #tpu.memory_space<vmem>> -> memref<32xi32, #tpu.memory_space<vmem>>
      %dma_start3A_336 = arith.constant 0 : i32
      %dma_start3A_337 = arith.constant 0 : i32
      %dma_start3A_338 = tpu.memref_slice %arg15[%dma_start3A_336, %dma_start3A_337] : memref<10000x128xf32, #tpu.memory_space<vmem_shared>> -> memref<10000x128xf32, #tpu.memory_space<vmem_shared>>
      tpu.enqueue_indirect_dma source(%arg14 : memref<32x128xf32, #tpu.memory_space<vmem>>) target(%dma_start3A_338 : memref<10000x128xf32, #tpu.memory_space<vmem_shared>>) offsets(%dma_start3A_335 : memref<32xi32, #tpu.memory_space<vmem>>) semaphore(%arg31 : memref<!tpu.dma_semaphore, #tpu.memory_space<semaphore_mem>>) {add = true}
      %lt3A_339 = arith.constant 18 : i32
      %lt3A_340 = arith.cmpi slt, %scan3A_232, %lt3A_339 : i32
      %convert_element_type3A_341 = arith.extui %lt3A_340 : i1 to i32
      %cond3A_342 = arith.constant 0 : i32
      %cond3A_343 = arith.cmpi ne, %convert_element_type3A_341, %cond3A_342 : i32
      scf.if %cond3A_343 {
        %dma_wait3A_344 = arith.constant 0 : i32
        %dma_wait3A_345 = tpu.memref_slice %arg6[%dma_wait3A_344] : memref<5024xi32, #tpu.memory_space<vmem>> -> memref<32xi32, #tpu.memory_space<vmem>>
        %dma_wait3A_346 = arith.constant 0 : i32
        %dma_wait3A_347 = arith.constant 0 : i32
        %dma_wait3A_348 = tpu.memref_slice %arg15[%dma_wait3A_346, %dma_wait3A_347] : memref<10000x128xf32, #tpu.memory_space<vmem_shared>> -> memref<10000x128xf32, #tpu.memory_space<vmem_shared>>
        tpu.wait_indirect_dma semaphore(%arg24 : memref<!tpu.dma_semaphore, #tpu.memory_space<semaphore_mem>>) src(%arg7 : memref<32x128xf32, #tpu.memory_space<vmem>>) dst(%dma_wait3A_348 : memref<10000x128xf32, #tpu.memory_space<vmem_shared>>)
        %add3A_349 = arith.constant 8 : i32
        %add3A_350 = arith.addi %mul3A_234, %add3A_349 : i32
        %add3A_351 = arith.constant 0 : i32
        %add3A_352 = arith.addi %add3A_350, %add3A_351 : i32
        %mul3A_353 = arith.constant 32 : i32
        %mul3A_354 = arith.muli %add3A_352, %mul3A_353 : i32
        %dma_start3A_355 = tpu.memref_slice %arg5[%mul3A_354] : memref<5024xi32, #tpu.memory_space<vmem>> -> memref<32xi32, #tpu.memory_space<vmem>>
        %dma_start3A_356 = arith.constant 0 : i32
        %dma_start3A_357 = arith.constant 0 : i32
        %dma_start3A_358 = tpu.memref_slice %arg2[%dma_start3A_356, %dma_start3A_357] : memref<10000x128xf32, #tpu.memory_space<hbm>> -> memref<10000x128xf32, #tpu.memory_space<hbm>>
        tpu.enqueue_indirect_dma source(%dma_start3A_358 : memref<10000x128xf32, #tpu.memory_space<hbm>>) target(%arg7 : memref<32x128xf32, #tpu.memory_space<vmem>>) offsets(%dma_start3A_355 : memref<32xi32, #tpu.memory_space<vmem>>) semaphore(%arg16 : memref<!tpu.dma_semaphore, #tpu.memory_space<semaphore_mem>>)
        %dma_wait3A_359 = arith.constant 0 : i32
        %dma_wait3A_360 = tpu.memref_slice %arg6[%dma_wait3A_359] : memref<5024xi32, #tpu.memory_space<vmem>> -> memref<32xi32, #tpu.memory_space<vmem>>
        %dma_wait3A_361 = arith.constant 0 : i32
        %dma_wait3A_362 = arith.constant 0 : i32
        %dma_wait3A_363 = tpu.memref_slice %arg15[%dma_wait3A_361, %dma_wait3A_362] : memref<10000x128xf32, #tpu.memory_space<vmem_shared>> -> memref<10000x128xf32, #tpu.memory_space<vmem_shared>>
        tpu.wait_indirect_dma semaphore(%arg25 : memref<!tpu.dma_semaphore, #tpu.memory_space<semaphore_mem>>) src(%arg8 : memref<32x128xf32, #tpu.memory_space<vmem>>) dst(%dma_wait3A_363 : memref<10000x128xf32, #tpu.memory_space<vmem_shared>>)
        %add3A_364 = arith.constant 8 : i32
        %add3A_365 = arith.addi %mul3A_234, %add3A_364 : i32
        %add3A_366 = arith.constant 1 : i32
        %add3A_367 = arith.addi %add3A_365, %add3A_366 : i32
        %mul3A_368 = arith.constant 32 : i32
        %mul3A_369 = arith.muli %add3A_367, %mul3A_368 : i32
        %dma_start3A_370 = tpu.memref_slice %arg5[%mul3A_369] : memref<5024xi32, #tpu.memory_space<vmem>> -> memref<32xi32, #tpu.memory_space<vmem>>
        %dma_start3A_371 = arith.constant 0 : i32
        %dma_start3A_372 = arith.constant 0 : i32
        %dma_start3A_373 = tpu.memref_slice %arg2[%dma_start3A_371, %dma_start3A_372] : memref<10000x128xf32, #tpu.memory_space<hbm>> -> memref<10000x128xf32, #tpu.memory_space<hbm>>
        tpu.enqueue_indirect_dma source(%dma_start3A_373 : memref<10000x128xf32, #tpu.memory_space<hbm>>) target(%arg8 : memref<32x128xf32, #tpu.memory_space<vmem>>) offsets(%dma_start3A_370 : memref<32xi32, #tpu.memory_space<vmem>>) semaphore(%arg17 : memref<!tpu.dma_semaphore, #tpu.memory_space<semaphore_mem>>)
        %dma_wait3A_374 = arith.constant 0 : i32
        %dma_wait3A_375 = tpu.memref_slice %arg6[%dma_wait3A_374] : memref<5024xi32, #tpu.memory_space<vmem>> -> memref<32xi32, #tpu.memory_space<vmem>>
        %dma_wait3A_376 = arith.constant 0 : i32
        %dma_wait3A_377 = arith.constant 0 : i32
        %dma_wait3A_378 = tpu.memref_slice %arg15[%dma_wait3A_376, %dma_wait3A_377] : memref<10000x128xf32, #tpu.memory_space<vmem_shared>> -> memref<10000x128xf32, #tpu.memory_space<vmem_shared>>
        tpu.wait_indirect_dma semaphore(%arg26 : memref<!tpu.dma_semaphore, #tpu.memory_space<semaphore_mem>>) src(%arg9 : memref<32x128xf32, #tpu.memory_space<vmem>>) dst(%dma_wait3A_378 : memref<10000x128xf32, #tpu.memory_space<vmem_shared>>)
        %add3A_379 = arith.constant 8 : i32
        %add3A_380 = arith.addi %mul3A_234, %add3A_379 : i32
        %add3A_381 = arith.constant 2 : i32
        %add3A_382 = arith.addi %add3A_380, %add3A_381 : i32
        %mul3A_383 = arith.constant 32 : i32
        %mul3A_384 = arith.muli %add3A_382, %mul3A_383 : i32
        %dma_start3A_385 = tpu.memref_slice %arg5[%mul3A_384] : memref<5024xi32, #tpu.memory_space<vmem>> -> memref<32xi32, #tpu.memory_space<vmem>>
        %dma_start3A_386 = arith.constant 0 : i32
        %dma_start3A_387 = arith.constant 0 : i32
        %dma_start3A_388 = tpu.memref_slice %arg2[%dma_start3A_386, %dma_start3A_387] : memref<10000x128xf32, #tpu.memory_space<hbm>> -> memref<10000x128xf32, #tpu.memory_space<hbm>>
        tpu.enqueue_indirect_dma source(%dma_start3A_388 : memref<10000x128xf32, #tpu.memory_space<hbm>>) target(%arg9 : memref<32x128xf32, #tpu.memory_space<vmem>>) offsets(%dma_start3A_385 : memref<32xi32, #tpu.memory_space<vmem>>) semaphore(%arg18 : memref<!tpu.dma_semaphore, #tpu.memory_space<semaphore_mem>>)
        %dma_wait3A_389 = arith.constant 0 : i32
        %dma_wait3A_390 = tpu.memref_slice %arg6[%dma_wait3A_389] : memref<5024xi32, #tpu.memory_space<vmem>> -> memref<32xi32, #tpu.memory_space<vmem>>
        %dma_wait3A_391 = arith.constant 0 : i32
        %dma_wait3A_392 = arith.constant 0 : i32
        %dma_wait3A_393 = tpu.memref_slice %arg15[%dma_wait3A_391, %dma_wait3A_392] : memref<10000x128xf32, #tpu.memory_space<vmem_shared>> -> memref<10000x128xf32, #tpu.memory_space<vmem_shared>>
        tpu.wait_indirect_dma semaphore(%arg27 : memref<!tpu.dma_semaphore, #tpu.memory_space<semaphore_mem>>) src(%arg10 : memref<32x128xf32, #tpu.memory_space<vmem>>) dst(%dma_wait3A_393 : memref<10000x128xf32, #tpu.memory_space<vmem_shared>>)
        %add3A_394 = arith.constant 8 : i32
        %add3A_395 = arith.addi %mul3A_234, %add3A_394 : i32
        %add3A_396 = arith.constant 3 : i32
        %add3A_397 = arith.addi %add3A_395, %add3A_396 : i32
        %mul3A_398 = arith.constant 32 : i32
        %mul3A_399 = arith.muli %add3A_397, %mul3A_398 : i32
        %dma_start3A_400 = tpu.memref_slice %arg5[%mul3A_399] : memref<5024xi32, #tpu.memory_space<vmem>> -> memref<32xi32, #tpu.memory_space<vmem>>
        %dma_start3A_401 = arith.constant 0 : i32
        %dma_start3A_402 = arith.constant 0 : i32
        %dma_start3A_403 = tpu.memref_slice %arg2[%dma_start3A_401, %dma_start3A_402] : memref<10000x128xf32, #tpu.memory_space<hbm>> -> memref<10000x128xf32, #tpu.memory_space<hbm>>
        tpu.enqueue_indirect_dma source(%dma_start3A_403 : memref<10000x128xf32, #tpu.memory_space<hbm>>) target(%arg10 : memref<32x128xf32, #tpu.memory_space<vmem>>) offsets(%dma_start3A_400 : memref<32xi32, #tpu.memory_space<vmem>>) semaphore(%arg19 : memref<!tpu.dma_semaphore, #tpu.memory_space<semaphore_mem>>)
        %dma_wait3A_404 = arith.constant 0 : i32
        %dma_wait3A_405 = tpu.memref_slice %arg6[%dma_wait3A_404] : memref<5024xi32, #tpu.memory_space<vmem>> -> memref<32xi32, #tpu.memory_space<vmem>>
        %dma_wait3A_406 = arith.constant 0 : i32
        %dma_wait3A_407 = arith.constant 0 : i32
        %dma_wait3A_408 = tpu.memref_slice %arg15[%dma_wait3A_406, %dma_wait3A_407] : memref<10000x128xf32, #tpu.memory_space<vmem_shared>> -> memref<10000x128xf32, #tpu.memory_space<vmem_shared>>
        tpu.wait_indirect_dma semaphore(%arg28 : memref<!tpu.dma_semaphore, #tpu.memory_space<semaphore_mem>>) src(%arg11 : memref<32x128xf32, #tpu.memory_space<vmem>>) dst(%dma_wait3A_408 : memref<10000x128xf32, #tpu.memory_space<vmem_shared>>)
        %add3A_409 = arith.constant 8 : i32
        %add3A_410 = arith.addi %mul3A_234, %add3A_409 : i32
        %add3A_411 = arith.constant 4 : i32
        %add3A_412 = arith.addi %add3A_410, %add3A_411 : i32
        %mul3A_413 = arith.constant 32 : i32
        %mul3A_414 = arith.muli %add3A_412, %mul3A_413 : i32
        %dma_start3A_415 = tpu.memref_slice %arg5[%mul3A_414] : memref<5024xi32, #tpu.memory_space<vmem>> -> memref<32xi32, #tpu.memory_space<vmem>>
        %dma_start3A_416 = arith.constant 0 : i32
        %dma_start3A_417 = arith.constant 0 : i32
        %dma_start3A_418 = tpu.memref_slice %arg2[%dma_start3A_416, %dma_start3A_417] : memref<10000x128xf32, #tpu.memory_space<hbm>> -> memref<10000x128xf32, #tpu.memory_space<hbm>>
        tpu.enqueue_indirect_dma source(%dma_start3A_418 : memref<10000x128xf32, #tpu.memory_space<hbm>>) target(%arg11 : memref<32x128xf32, #tpu.memory_space<vmem>>) offsets(%dma_start3A_415 : memref<32xi32, #tpu.memory_space<vmem>>) semaphore(%arg20 : memref<!tpu.dma_semaphore, #tpu.memory_space<semaphore_mem>>)
        %dma_wait3A_419 = arith.constant 0 : i32
        %dma_wait3A_420 = tpu.memref_slice %arg6[%dma_wait3A_419] : memref<5024xi32, #tpu.memory_space<vmem>> -> memref<32xi32, #tpu.memory_space<vmem>>
        %dma_wait3A_421 = arith.constant 0 : i32
        %dma_wait3A_422 = arith.constant 0 : i32
        %dma_wait3A_423 = tpu.memref_slice %arg15[%dma_wait3A_421, %dma_wait3A_422] : memref<10000x128xf32, #tpu.memory_space<vmem_shared>> -> memref<10000x128xf32, #tpu.memory_space<vmem_shared>>
        tpu.wait_indirect_dma semaphore(%arg29 : memref<!tpu.dma_semaphore, #tpu.memory_space<semaphore_mem>>) src(%arg12 : memref<32x128xf32, #tpu.memory_space<vmem>>) dst(%dma_wait3A_423 : memref<10000x128xf32, #tpu.memory_space<vmem_shared>>)
        %add3A_424 = arith.constant 8 : i32
        %add3A_425 = arith.addi %mul3A_234, %add3A_424 : i32
        %add3A_426 = arith.constant 5 : i32
        %add3A_427 = arith.addi %add3A_425, %add3A_426 : i32
        %mul3A_428 = arith.constant 32 : i32
        %mul3A_429 = arith.muli %add3A_427, %mul3A_428 : i32
        %dma_start3A_430 = tpu.memref_slice %arg5[%mul3A_429] : memref<5024xi32, #tpu.memory_space<vmem>> -> memref<32xi32, #tpu.memory_space<vmem>>
        %dma_start3A_431 = arith.constant 0 : i32
        %dma_start3A_432 = arith.constant 0 : i32
        %dma_start3A_433 = tpu.memref_slice %arg2[%dma_start3A_431, %dma_start3A_432] : memref<10000x128xf32, #tpu.memory_space<hbm>> -> memref<10000x128xf32, #tpu.memory_space<hbm>>
        tpu.enqueue_indirect_dma source(%dma_start3A_433 : memref<10000x128xf32, #tpu.memory_space<hbm>>) target(%arg12 : memref<32x128xf32, #tpu.memory_space<vmem>>) offsets(%dma_start3A_430 : memref<32xi32, #tpu.memory_space<vmem>>) semaphore(%arg21 : memref<!tpu.dma_semaphore, #tpu.memory_space<semaphore_mem>>)
        %dma_wait3A_434 = arith.constant 0 : i32
        %dma_wait3A_435 = tpu.memref_slice %arg6[%dma_wait3A_434] : memref<5024xi32, #tpu.memory_space<vmem>> -> memref<32xi32, #tpu.memory_space<vmem>>
        %dma_wait3A_436 = arith.constant 0 : i32
        %dma_wait3A_437 = arith.constant 0 : i32
        %dma_wait3A_438 = tpu.memref_slice %arg15[%dma_wait3A_436, %dma_wait3A_437] : memref<10000x128xf32, #tpu.memory_space<vmem_shared>> -> memref<10000x128xf32, #tpu.memory_space<vmem_shared>>
        tpu.wait_indirect_dma semaphore(%arg30 : memref<!tpu.dma_semaphore, #tpu.memory_space<semaphore_mem>>) src(%arg13 : memref<32x128xf32, #tpu.memory_space<vmem>>) dst(%dma_wait3A_438 : memref<10000x128xf32, #tpu.memory_space<vmem_shared>>)
        %add3A_439 = arith.constant 8 : i32
        %add3A_440 = arith.addi %mul3A_234, %add3A_439 : i32
        %add3A_441 = arith.constant 6 : i32
        %add3A_442 = arith.addi %add3A_440, %add3A_441 : i32
        %mul3A_443 = arith.constant 32 : i32
        %mul3A_444 = arith.muli %add3A_442, %mul3A_443 : i32
        %dma_start3A_445 = tpu.memref_slice %arg5[%mul3A_444] : memref<5024xi32, #tpu.memory_space<vmem>> -> memref<32xi32, #tpu.memory_space<vmem>>
        %dma_start3A_446 = arith.constant 0 : i32
        %dma_start3A_447 = arith.constant 0 : i32
        %dma_start3A_448 = tpu.memref_slice %arg2[%dma_start3A_446, %dma_start3A_447] : memref<10000x128xf32, #tpu.memory_space<hbm>> -> memref<10000x128xf32, #tpu.memory_space<hbm>>
        tpu.enqueue_indirect_dma source(%dma_start3A_448 : memref<10000x128xf32, #tpu.memory_space<hbm>>) target(%arg13 : memref<32x128xf32, #tpu.memory_space<vmem>>) offsets(%dma_start3A_445 : memref<32xi32, #tpu.memory_space<vmem>>) semaphore(%arg22 : memref<!tpu.dma_semaphore, #tpu.memory_space<semaphore_mem>>)
        %dma_wait3A_449 = arith.constant 0 : i32
        %dma_wait3A_450 = tpu.memref_slice %arg6[%dma_wait3A_449] : memref<5024xi32, #tpu.memory_space<vmem>> -> memref<32xi32, #tpu.memory_space<vmem>>
        %dma_wait3A_451 = arith.constant 0 : i32
        %dma_wait3A_452 = arith.constant 0 : i32
        %dma_wait3A_453 = tpu.memref_slice %arg15[%dma_wait3A_451, %dma_wait3A_452] : memref<10000x128xf32, #tpu.memory_space<vmem_shared>> -> memref<10000x128xf32, #tpu.memory_space<vmem_shared>>
        tpu.wait_indirect_dma semaphore(%arg31 : memref<!tpu.dma_semaphore, #tpu.memory_space<semaphore_mem>>) src(%arg14 : memref<32x128xf32, #tpu.memory_space<vmem>>) dst(%dma_wait3A_453 : memref<10000x128xf32, #tpu.memory_space<vmem_shared>>)
        %add3A_454 = arith.constant 8 : i32
        %add3A_455 = arith.addi %mul3A_234, %add3A_454 : i32
        %add3A_456 = arith.constant 7 : i32
        %add3A_457 = arith.addi %add3A_455, %add3A_456 : i32
        %mul3A_458 = arith.constant 32 : i32
        %mul3A_459 = arith.muli %add3A_457, %mul3A_458 : i32
        %dma_start3A_460 = tpu.memref_slice %arg5[%mul3A_459] : memref<5024xi32, #tpu.memory_space<vmem>> -> memref<32xi32, #tpu.memory_space<vmem>>
        %dma_start3A_461 = arith.constant 0 : i32
        %dma_start3A_462 = arith.constant 0 : i32
        %dma_start3A_463 = tpu.memref_slice %arg2[%dma_start3A_461, %dma_start3A_462] : memref<10000x128xf32, #tpu.memory_space<hbm>> -> memref<10000x128xf32, #tpu.memory_space<hbm>>
        tpu.enqueue_indirect_dma source(%dma_start3A_463 : memref<10000x128xf32, #tpu.memory_space<hbm>>) target(%arg14 : memref<32x128xf32, #tpu.memory_space<vmem>>) offsets(%dma_start3A_460 : memref<32xi32, #tpu.memory_space<vmem>>) semaphore(%arg23 : memref<!tpu.dma_semaphore, #tpu.memory_space<semaphore_mem>>)
      } else {
      }
    }
    %scan3A_96 = arith.constant 19 : i32
    %dma_wait3A_97 = arith.constant 0 : i32
    %dma_wait3A_98 = tpu.memref_slice %arg6[%dma_wait3A_97] : memref<5024xi32, #tpu.memory_space<vmem>> -> memref<32xi32, #tpu.memory_space<vmem>>
    %dma_wait3A_99 = arith.constant 0 : i32
    %dma_wait3A_100 = arith.constant 0 : i32
    %dma_wait3A_101 = tpu.memref_slice %arg15[%dma_wait3A_99, %dma_wait3A_100] : memref<10000x128xf32, #tpu.memory_space<vmem_shared>> -> memref<10000x128xf32, #tpu.memory_space<vmem_shared>>
    tpu.wait_indirect_dma semaphore(%arg24 : memref<!tpu.dma_semaphore, #tpu.memory_space<semaphore_mem>>) src(%arg7 : memref<32x128xf32, #tpu.memory_space<vmem>>) dst(%dma_wait3A_101 : memref<10000x128xf32, #tpu.memory_space<vmem_shared>>)
    %dma_start3A_102 = arith.constant 4864 : i32
    %dma_start3A_103 = tpu.memref_slice %arg5[%dma_start3A_102] : memref<5024xi32, #tpu.memory_space<vmem>> -> memref<32xi32, #tpu.memory_space<vmem>>
    %dma_start3A_104 = arith.constant 0 : i32
    %dma_start3A_105 = arith.constant 0 : i32
    %dma_start3A_106 = tpu.memref_slice %arg2[%dma_start3A_104, %dma_start3A_105] : memref<10000x128xf32, #tpu.memory_space<hbm>> -> memref<10000x128xf32, #tpu.memory_space<hbm>>
    tpu.enqueue_indirect_dma source(%dma_start3A_106 : memref<10000x128xf32, #tpu.memory_space<hbm>>) target(%arg7 : memref<32x128xf32, #tpu.memory_space<vmem>>) offsets(%dma_start3A_103 : memref<32xi32, #tpu.memory_space<vmem>>) semaphore(%arg16 : memref<!tpu.dma_semaphore, #tpu.memory_space<semaphore_mem>>)
    %dma_wait3A_107 = arith.constant 0 : i32
    %dma_wait3A_108 = tpu.memref_slice %arg6[%dma_wait3A_107] : memref<5024xi32, #tpu.memory_space<vmem>> -> memref<32xi32, #tpu.memory_space<vmem>>
    %dma_wait3A_109 = arith.constant 0 : i32
    %dma_wait3A_110 = arith.constant 0 : i32
    %dma_wait3A_111 = tpu.memref_slice %arg15[%dma_wait3A_109, %dma_wait3A_110] : memref<10000x128xf32, #tpu.memory_space<vmem_shared>> -> memref<10000x128xf32, #tpu.memory_space<vmem_shared>>
    tpu.wait_indirect_dma semaphore(%arg25 : memref<!tpu.dma_semaphore, #tpu.memory_space<semaphore_mem>>) src(%arg8 : memref<32x128xf32, #tpu.memory_space<vmem>>) dst(%dma_wait3A_111 : memref<10000x128xf32, #tpu.memory_space<vmem_shared>>)
    %dma_start3A_112 = arith.constant 4896 : i32
    %dma_start3A_113 = tpu.memref_slice %arg5[%dma_start3A_112] : memref<5024xi32, #tpu.memory_space<vmem>> -> memref<32xi32, #tpu.memory_space<vmem>>
    %dma_start3A_114 = arith.constant 0 : i32
    %dma_start3A_115 = arith.constant 0 : i32
    %dma_start3A_116 = tpu.memref_slice %arg2[%dma_start3A_114, %dma_start3A_115] : memref<10000x128xf32, #tpu.memory_space<hbm>> -> memref<10000x128xf32, #tpu.memory_space<hbm>>
    tpu.enqueue_indirect_dma source(%dma_start3A_116 : memref<10000x128xf32, #tpu.memory_space<hbm>>) target(%arg8 : memref<32x128xf32, #tpu.memory_space<vmem>>) offsets(%dma_start3A_113 : memref<32xi32, #tpu.memory_space<vmem>>) semaphore(%arg17 : memref<!tpu.dma_semaphore, #tpu.memory_space<semaphore_mem>>)
    %dma_wait3A_117 = arith.constant 0 : i32
    %dma_wait3A_118 = tpu.memref_slice %arg6[%dma_wait3A_117] : memref<5024xi32, #tpu.memory_space<vmem>> -> memref<32xi32, #tpu.memory_space<vmem>>
    %dma_wait3A_119 = arith.constant 0 : i32
    %dma_wait3A_120 = arith.constant 0 : i32
    %dma_wait3A_121 = tpu.memref_slice %arg15[%dma_wait3A_119, %dma_wait3A_120] : memref<10000x128xf32, #tpu.memory_space<vmem_shared>> -> memref<10000x128xf32, #tpu.memory_space<vmem_shared>>
    tpu.wait_indirect_dma semaphore(%arg26 : memref<!tpu.dma_semaphore, #tpu.memory_space<semaphore_mem>>) src(%arg9 : memref<32x128xf32, #tpu.memory_space<vmem>>) dst(%dma_wait3A_121 : memref<10000x128xf32, #tpu.memory_space<vmem_shared>>)
    %dma_start3A_122 = arith.constant 4928 : i32
    %dma_start3A_123 = tpu.memref_slice %arg5[%dma_start3A_122] : memref<5024xi32, #tpu.memory_space<vmem>> -> memref<32xi32, #tpu.memory_space<vmem>>
    %dma_start3A_124 = arith.constant 0 : i32
    %dma_start3A_125 = arith.constant 0 : i32
    %dma_start3A_126 = tpu.memref_slice %arg2[%dma_start3A_124, %dma_start3A_125] : memref<10000x128xf32, #tpu.memory_space<hbm>> -> memref<10000x128xf32, #tpu.memory_space<hbm>>
    tpu.enqueue_indirect_dma source(%dma_start3A_126 : memref<10000x128xf32, #tpu.memory_space<hbm>>) target(%arg9 : memref<32x128xf32, #tpu.memory_space<vmem>>) offsets(%dma_start3A_123 : memref<32xi32, #tpu.memory_space<vmem>>) semaphore(%arg18 : memref<!tpu.dma_semaphore, #tpu.memory_space<semaphore_mem>>)
    %dma_wait3A_127 = arith.constant 0 : i32
    %dma_wait3A_128 = tpu.memref_slice %arg6[%dma_wait3A_127] : memref<5024xi32, #tpu.memory_space<vmem>> -> memref<32xi32, #tpu.memory_space<vmem>>
    %dma_wait3A_129 = arith.constant 0 : i32
    %dma_wait3A_130 = arith.constant 0 : i32
    %dma_wait3A_131 = tpu.memref_slice %arg15[%dma_wait3A_129, %dma_wait3A_130] : memref<10000x128xf32, #tpu.memory_space<vmem_shared>> -> memref<10000x128xf32, #tpu.memory_space<vmem_shared>>
    tpu.wait_indirect_dma semaphore(%arg27 : memref<!tpu.dma_semaphore, #tpu.memory_space<semaphore_mem>>) src(%arg10 : memref<32x128xf32, #tpu.memory_space<vmem>>) dst(%dma_wait3A_131 : memref<10000x128xf32, #tpu.memory_space<vmem_shared>>)
    %dma_start3A_132 = arith.constant 4960 : i32
    %dma_start3A_133 = tpu.memref_slice %arg5[%dma_start3A_132] : memref<5024xi32, #tpu.memory_space<vmem>> -> memref<32xi32, #tpu.memory_space<vmem>>
    %dma_start3A_134 = arith.constant 0 : i32
    %dma_start3A_135 = arith.constant 0 : i32
    %dma_start3A_136 = tpu.memref_slice %arg2[%dma_start3A_134, %dma_start3A_135] : memref<10000x128xf32, #tpu.memory_space<hbm>> -> memref<10000x128xf32, #tpu.memory_space<hbm>>
    tpu.enqueue_indirect_dma source(%dma_start3A_136 : memref<10000x128xf32, #tpu.memory_space<hbm>>) target(%arg10 : memref<32x128xf32, #tpu.memory_space<vmem>>) offsets(%dma_start3A_133 : memref<32xi32, #tpu.memory_space<vmem>>) semaphore(%arg19 : memref<!tpu.dma_semaphore, #tpu.memory_space<semaphore_mem>>)
    %lt3A_137 = arith.constant 4 : i32
    %lt3A_138 = arith.cmpi slt, %arg1, %lt3A_137 : i32
    %convert_element_type3A_139 = arith.extui %lt3A_138 : i1 to i32
    %cond3A_140 = arith.constant 0 : i32
    %cond3A_141 = arith.cmpi ne, %convert_element_type3A_139, %cond3A_140 : i32
    scf.if %cond3A_141 {
      %dma_wait3A_232 = arith.constant 0 : i32
      %dma_wait3A_233 = tpu.memref_slice %arg6[%dma_wait3A_232] : memref<5024xi32, #tpu.memory_space<vmem>> -> memref<32xi32, #tpu.memory_space<vmem>>
      %dma_wait3A_234 = arith.constant 0 : i32
      %dma_wait3A_235 = arith.constant 0 : i32
      %dma_wait3A_236 = tpu.memref_slice %arg15[%dma_wait3A_234, %dma_wait3A_235] : memref<10000x128xf32, #tpu.memory_space<vmem_shared>> -> memref<10000x128xf32, #tpu.memory_space<vmem_shared>>
      tpu.wait_indirect_dma semaphore(%arg28 : memref<!tpu.dma_semaphore, #tpu.memory_space<semaphore_mem>>) src(%arg11 : memref<32x128xf32, #tpu.memory_space<vmem>>) dst(%dma_wait3A_236 : memref<10000x128xf32, #tpu.memory_space<vmem_shared>>)
      %dma_start3A_237 = arith.constant 4992 : i32
      %dma_start3A_238 = tpu.memref_slice %arg5[%dma_start3A_237] : memref<5024xi32, #tpu.memory_space<vmem>> -> memref<32xi32, #tpu.memory_space<vmem>>
      %dma_start3A_239 = arith.constant 0 : i32
      %dma_start3A_240 = arith.constant 0 : i32
      %dma_start3A_241 = tpu.memref_slice %arg2[%dma_start3A_239, %dma_start3A_240] : memref<10000x128xf32, #tpu.memory_space<hbm>> -> memref<10000x128xf32, #tpu.memory_space<hbm>>
      tpu.enqueue_indirect_dma source(%dma_start3A_241 : memref<10000x128xf32, #tpu.memory_space<hbm>>) target(%arg11 : memref<32x128xf32, #tpu.memory_space<vmem>>) offsets(%dma_start3A_238 : memref<32xi32, #tpu.memory_space<vmem>>) semaphore(%arg20 : memref<!tpu.dma_semaphore, #tpu.memory_space<semaphore_mem>>)
      %dma_wait3A_242 = arith.constant 0 : i32
      %dma_wait3A_243 = tpu.memref_slice %arg5[%dma_wait3A_242] : memref<5024xi32, #tpu.memory_space<vmem>> -> memref<32xi32, #tpu.memory_space<vmem>>
      %dma_wait3A_244 = arith.constant 0 : i32
      %dma_wait3A_245 = arith.constant 0 : i32
      %dma_wait3A_246 = tpu.memref_slice %arg2[%dma_wait3A_244, %dma_wait3A_245] : memref<10000x128xf32, #tpu.memory_space<hbm>> -> memref<10000x128xf32, #tpu.memory_space<hbm>>
      tpu.wait_indirect_dma semaphore(%arg20 : memref<!tpu.dma_semaphore, #tpu.memory_space<semaphore_mem>>) src(%dma_wait3A_246 : memref<10000x128xf32, #tpu.memory_space<hbm>>) dst(%arg11 : memref<32x128xf32, #tpu.memory_space<vmem>>)
      %dma_start3A_247 = arith.constant 4992 : i32
      %dma_start3A_248 = tpu.memref_slice %arg6[%dma_start3A_247] : memref<5024xi32, #tpu.memory_space<vmem>> -> memref<32xi32, #tpu.memory_space<vmem>>
      %dma_start3A_249 = arith.constant 0 : i32
      %dma_start3A_250 = arith.constant 0 : i32
      %dma_start3A_251 = tpu.memref_slice %arg15[%dma_start3A_249, %dma_start3A_250] : memref<10000x128xf32, #tpu.memory_space<vmem_shared>> -> memref<10000x128xf32, #tpu.memory_space<vmem_shared>>
      tpu.enqueue_indirect_dma source(%arg11 : memref<32x128xf32, #tpu.memory_space<vmem>>) target(%dma_start3A_251 : memref<10000x128xf32, #tpu.memory_space<vmem_shared>>) offsets(%dma_start3A_248 : memref<32xi32, #tpu.memory_space<vmem>>) semaphore(%arg28 : memref<!tpu.dma_semaphore, #tpu.memory_space<semaphore_mem>>) {add = true}
      %dma_wait3A_252 = arith.constant 0 : i32
      %dma_wait3A_253 = tpu.memref_slice %arg6[%dma_wait3A_252] : memref<5024xi32, #tpu.memory_space<vmem>> -> memref<32xi32, #tpu.memory_space<vmem>>
      %dma_wait3A_254 = arith.constant 0 : i32
      %dma_wait3A_255 = arith.constant 0 : i32
      %dma_wait3A_256 = tpu.memref_slice %arg15[%dma_wait3A_254, %dma_wait3A_255] : memref<10000x128xf32, #tpu.memory_space<vmem_shared>> -> memref<10000x128xf32, #tpu.memory_space<vmem_shared>>
      tpu.wait_indirect_dma semaphore(%arg28 : memref<!tpu.dma_semaphore, #tpu.memory_space<semaphore_mem>>) src(%arg11 : memref<32x128xf32, #tpu.memory_space<vmem>>) dst(%dma_wait3A_256 : memref<10000x128xf32, #tpu.memory_space<vmem_shared>>)
    } else {
    }
    %ge3A = arith.constant 4 : i32
    %ge3A_142 = arith.cmpi sge, %arg1, %ge3A : i32
    %convert_element_type3A_143 = arith.extui %ge3A_142 : i1 to i32
    %cond3A_144 = arith.constant 0 : i32
    %cond3A_145 = arith.cmpi ne, %convert_element_type3A_143, %cond3A_144 : i32
    scf.if %cond3A_145 {
      %dma_wait3A_232 = arith.constant 0 : i32
      %dma_wait3A_233 = tpu.memref_slice %arg6[%dma_wait3A_232] : memref<5024xi32, #tpu.memory_space<vmem>> -> memref<32xi32, #tpu.memory_space<vmem>>
      %dma_wait3A_234 = arith.constant 0 : i32
      %dma_wait3A_235 = arith.constant 0 : i32
      %dma_wait3A_236 = tpu.memref_slice %arg15[%dma_wait3A_234, %dma_wait3A_235] : memref<10000x128xf32, #tpu.memory_space<vmem_shared>> -> memref<10000x128xf32, #tpu.memory_space<vmem_shared>>
      tpu.wait_indirect_dma semaphore(%arg28 : memref<!tpu.dma_semaphore, #tpu.memory_space<semaphore_mem>>) src(%arg11 : memref<32x128xf32, #tpu.memory_space<vmem>>) dst(%dma_wait3A_236 : memref<10000x128xf32, #tpu.memory_space<vmem_shared>>)
    } else {
    }
    %dma_wait3A_146 = arith.constant 0 : i32
    %dma_wait3A_147 = tpu.memref_slice %arg5[%dma_wait3A_146] : memref<5024xi32, #tpu.memory_space<vmem>> -> memref<32xi32, #tpu.memory_space<vmem>>
    %dma_wait3A_148 = arith.constant 0 : i32
    %dma_wait3A_149 = arith.constant 0 : i32
    %dma_wait3A_150 = tpu.memref_slice %arg2[%dma_wait3A_148, %dma_wait3A_149] : memref<10000x128xf32, #tpu.memory_space<hbm>> -> memref<10000x128xf32, #tpu.memory_space<hbm>>
    tpu.wait_indirect_dma semaphore(%arg16 : memref<!tpu.dma_semaphore, #tpu.memory_space<semaphore_mem>>) src(%dma_wait3A_150 : memref<10000x128xf32, #tpu.memory_space<hbm>>) dst(%arg7 : memref<32x128xf32, #tpu.memory_space<vmem>>)
    %dma_start3A_151 = arith.constant 4864 : i32
    %dma_start3A_152 = tpu.memref_slice %arg6[%dma_start3A_151] : memref<5024xi32, #tpu.memory_space<vmem>> -> memref<32xi32, #tpu.memory_space<vmem>>
    %dma_start3A_153 = arith.constant 0 : i32
    %dma_start3A_154 = arith.constant 0 : i32
    %dma_start3A_155 = tpu.memref_slice %arg15[%dma_start3A_153, %dma_start3A_154] : memref<10000x128xf32, #tpu.memory_space<vmem_shared>> -> memref<10000x128xf32, #tpu.memory_space<vmem_shared>>
    tpu.enqueue_indirect_dma source(%arg7 : memref<32x128xf32, #tpu.memory_space<vmem>>) target(%dma_start3A_155 : memref<10000x128xf32, #tpu.memory_space<vmem_shared>>) offsets(%dma_start3A_152 : memref<32xi32, #tpu.memory_space<vmem>>) semaphore(%arg24 : memref<!tpu.dma_semaphore, #tpu.memory_space<semaphore_mem>>) {add = true}
    %dma_wait3A_156 = arith.constant 0 : i32
    %dma_wait3A_157 = tpu.memref_slice %arg5[%dma_wait3A_156] : memref<5024xi32, #tpu.memory_space<vmem>> -> memref<32xi32, #tpu.memory_space<vmem>>
    %dma_wait3A_158 = arith.constant 0 : i32
    %dma_wait3A_159 = arith.constant 0 : i32
    %dma_wait3A_160 = tpu.memref_slice %arg2[%dma_wait3A_158, %dma_wait3A_159] : memref<10000x128xf32, #tpu.memory_space<hbm>> -> memref<10000x128xf32, #tpu.memory_space<hbm>>
    tpu.wait_indirect_dma semaphore(%arg17 : memref<!tpu.dma_semaphore, #tpu.memory_space<semaphore_mem>>) src(%dma_wait3A_160 : memref<10000x128xf32, #tpu.memory_space<hbm>>) dst(%arg8 : memref<32x128xf32, #tpu.memory_space<vmem>>)
    %dma_start3A_161 = arith.constant 4896 : i32
    %dma_start3A_162 = tpu.memref_slice %arg6[%dma_start3A_161] : memref<5024xi32, #tpu.memory_space<vmem>> -> memref<32xi32, #tpu.memory_space<vmem>>
    %dma_start3A_163 = arith.constant 0 : i32
    %dma_start3A_164 = arith.constant 0 : i32
    %dma_start3A_165 = tpu.memref_slice %arg15[%dma_start3A_163, %dma_start3A_164] : memref<10000x128xf32, #tpu.memory_space<vmem_shared>> -> memref<10000x128xf32, #tpu.memory_space<vmem_shared>>
    tpu.enqueue_indirect_dma source(%arg8 : memref<32x128xf32, #tpu.memory_space<vmem>>) target(%dma_start3A_165 : memref<10000x128xf32, #tpu.memory_space<vmem_shared>>) offsets(%dma_start3A_162 : memref<32xi32, #tpu.memory_space<vmem>>) semaphore(%arg25 : memref<!tpu.dma_semaphore, #tpu.memory_space<semaphore_mem>>) {add = true}
    %dma_wait3A_166 = arith.constant 0 : i32
    %dma_wait3A_167 = tpu.memref_slice %arg5[%dma_wait3A_166] : memref<5024xi32, #tpu.memory_space<vmem>> -> memref<32xi32, #tpu.memory_space<vmem>>
    %dma_wait3A_168 = arith.constant 0 : i32
    %dma_wait3A_169 = arith.constant 0 : i32
    %dma_wait3A_170 = tpu.memref_slice %arg2[%dma_wait3A_168, %dma_wait3A_169] : memref<10000x128xf32, #tpu.memory_space<hbm>> -> memref<10000x128xf32, #tpu.memory_space<hbm>>
    tpu.wait_indirect_dma semaphore(%arg18 : memref<!tpu.dma_semaphore, #tpu.memory_space<semaphore_mem>>) src(%dma_wait3A_170 : memref<10000x128xf32, #tpu.memory_space<hbm>>) dst(%arg9 : memref<32x128xf32, #tpu.memory_space<vmem>>)
    %dma_start3A_171 = arith.constant 4928 : i32
    %dma_start3A_172 = tpu.memref_slice %arg6[%dma_start3A_171] : memref<5024xi32, #tpu.memory_space<vmem>> -> memref<32xi32, #tpu.memory_space<vmem>>
    %dma_start3A_173 = arith.constant 0 : i32
    %dma_start3A_174 = arith.constant 0 : i32
    %dma_start3A_175 = tpu.memref_slice %arg15[%dma_start3A_173, %dma_start3A_174] : memref<10000x128xf32, #tpu.memory_space<vmem_shared>> -> memref<10000x128xf32, #tpu.memory_space<vmem_shared>>
    tpu.enqueue_indirect_dma source(%arg9 : memref<32x128xf32, #tpu.memory_space<vmem>>) target(%dma_start3A_175 : memref<10000x128xf32, #tpu.memory_space<vmem_shared>>) offsets(%dma_start3A_172 : memref<32xi32, #tpu.memory_space<vmem>>) semaphore(%arg26 : memref<!tpu.dma_semaphore, #tpu.memory_space<semaphore_mem>>) {add = true}
    %dma_wait3A_176 = arith.constant 0 : i32
    %dma_wait3A_177 = tpu.memref_slice %arg5[%dma_wait3A_176] : memref<5024xi32, #tpu.memory_space<vmem>> -> memref<32xi32, #tpu.memory_space<vmem>>
    %dma_wait3A_178 = arith.constant 0 : i32
    %dma_wait3A_179 = arith.constant 0 : i32
    %dma_wait3A_180 = tpu.memref_slice %arg2[%dma_wait3A_178, %dma_wait3A_179] : memref<10000x128xf32, #tpu.memory_space<hbm>> -> memref<10000x128xf32, #tpu.memory_space<hbm>>
    tpu.wait_indirect_dma semaphore(%arg19 : memref<!tpu.dma_semaphore, #tpu.memory_space<semaphore_mem>>) src(%dma_wait3A_180 : memref<10000x128xf32, #tpu.memory_space<hbm>>) dst(%arg10 : memref<32x128xf32, #tpu.memory_space<vmem>>)
    %dma_start3A_181 = arith.constant 4960 : i32
    %dma_start3A_182 = tpu.memref_slice %arg6[%dma_start3A_181] : memref<5024xi32, #tpu.memory_space<vmem>> -> memref<32xi32, #tpu.memory_space<vmem>>
    %dma_start3A_183 = arith.constant 0 : i32
    %dma_start3A_184 = arith.constant 0 : i32
    %dma_start3A_185 = tpu.memref_slice %arg15[%dma_start3A_183, %dma_start3A_184] : memref<10000x128xf32, #tpu.memory_space<vmem_shared>> -> memref<10000x128xf32, #tpu.memory_space<vmem_shared>>
    tpu.enqueue_indirect_dma source(%arg10 : memref<32x128xf32, #tpu.memory_space<vmem>>) target(%dma_start3A_185 : memref<10000x128xf32, #tpu.memory_space<vmem_shared>>) offsets(%dma_start3A_182 : memref<32xi32, #tpu.memory_space<vmem>>) semaphore(%arg27 : memref<!tpu.dma_semaphore, #tpu.memory_space<semaphore_mem>>) {add = true}
    %dma_wait3A_186 = arith.constant 0 : i32
    %dma_wait3A_187 = tpu.memref_slice %arg6[%dma_wait3A_186] : memref<5024xi32, #tpu.memory_space<vmem>> -> memref<32xi32, #tpu.memory_space<vmem>>
    %dma_wait3A_188 = arith.constant 0 : i32
    %dma_wait3A_189 = arith.constant 0 : i32
    %dma_wait3A_190 = tpu.memref_slice %arg15[%dma_wait3A_188, %dma_wait3A_189] : memref<10000x128xf32, #tpu.memory_space<vmem_shared>> -> memref<10000x128xf32, #tpu.memory_space<vmem_shared>>
    tpu.wait_indirect_dma semaphore(%arg29 : memref<!tpu.dma_semaphore, #tpu.memory_space<semaphore_mem>>) src(%arg12 : memref<32x128xf32, #tpu.memory_space<vmem>>) dst(%dma_wait3A_190 : memref<10000x128xf32, #tpu.memory_space<vmem_shared>>)
    %dma_wait3A_191 = arith.constant 0 : i32
    %dma_wait3A_192 = tpu.memref_slice %arg6[%dma_wait3A_191] : memref<5024xi32, #tpu.memory_space<vmem>> -> memref<32xi32, #tpu.memory_space<vmem>>
    %dma_wait3A_193 = arith.constant 0 : i32
    %dma_wait3A_194 = arith.constant 0 : i32
    %dma_wait3A_195 = tpu.memref_slice %arg15[%dma_wait3A_193, %dma_wait3A_194] : memref<10000x128xf32, #tpu.memory_space<vmem_shared>> -> memref<10000x128xf32, #tpu.memory_space<vmem_shared>>
    tpu.wait_indirect_dma semaphore(%arg30 : memref<!tpu.dma_semaphore, #tpu.memory_space<semaphore_mem>>) src(%arg13 : memref<32x128xf32, #tpu.memory_space<vmem>>) dst(%dma_wait3A_195 : memref<10000x128xf32, #tpu.memory_space<vmem_shared>>)
    %dma_wait3A_196 = arith.constant 0 : i32
    %dma_wait3A_197 = tpu.memref_slice %arg6[%dma_wait3A_196] : memref<5024xi32, #tpu.memory_space<vmem>> -> memref<32xi32, #tpu.memory_space<vmem>>
    %dma_wait3A_198 = arith.constant 0 : i32
    %dma_wait3A_199 = arith.constant 0 : i32
    %dma_wait3A_200 = tpu.memref_slice %arg15[%dma_wait3A_198, %dma_wait3A_199] : memref<10000x128xf32, #tpu.memory_space<vmem_shared>> -> memref<10000x128xf32, #tpu.memory_space<vmem_shared>>
    tpu.wait_indirect_dma semaphore(%arg31 : memref<!tpu.dma_semaphore, #tpu.memory_space<semaphore_mem>>) src(%arg14 : memref<32x128xf32, #tpu.memory_space<vmem>>) dst(%dma_wait3A_200 : memref<10000x128xf32, #tpu.memory_space<vmem_shared>>)
    %dma_wait3A_201 = arith.constant 0 : i32
    %dma_wait3A_202 = tpu.memref_slice %arg6[%dma_wait3A_201] : memref<5024xi32, #tpu.memory_space<vmem>> -> memref<32xi32, #tpu.memory_space<vmem>>
    %dma_wait3A_203 = arith.constant 0 : i32
    %dma_wait3A_204 = arith.constant 0 : i32
    %dma_wait3A_205 = tpu.memref_slice %arg15[%dma_wait3A_203, %dma_wait3A_204] : memref<10000x128xf32, #tpu.memory_space<vmem_shared>> -> memref<10000x128xf32, #tpu.memory_space<vmem_shared>>
    tpu.wait_indirect_dma semaphore(%arg24 : memref<!tpu.dma_semaphore, #tpu.memory_space<semaphore_mem>>) src(%arg7 : memref<32x128xf32, #tpu.memory_space<vmem>>) dst(%dma_wait3A_205 : memref<10000x128xf32, #tpu.memory_space<vmem_shared>>)
    %dma_wait3A_206 = arith.constant 0 : i32
    %dma_wait3A_207 = tpu.memref_slice %arg6[%dma_wait3A_206] : memref<5024xi32, #tpu.memory_space<vmem>> -> memref<32xi32, #tpu.memory_space<vmem>>
    %dma_wait3A_208 = arith.constant 0 : i32
    %dma_wait3A_209 = arith.constant 0 : i32
    %dma_wait3A_210 = tpu.memref_slice %arg15[%dma_wait3A_208, %dma_wait3A_209] : memref<10000x128xf32, #tpu.memory_space<vmem_shared>> -> memref<10000x128xf32, #tpu.memory_space<vmem_shared>>
    tpu.wait_indirect_dma semaphore(%arg25 : memref<!tpu.dma_semaphore, #tpu.memory_space<semaphore_mem>>) src(%arg8 : memref<32x128xf32, #tpu.memory_space<vmem>>) dst(%dma_wait3A_210 : memref<10000x128xf32, #tpu.memory_space<vmem_shared>>)
    %dma_wait3A_211 = arith.constant 0 : i32
    %dma_wait3A_212 = tpu.memref_slice %arg6[%dma_wait3A_211] : memref<5024xi32, #tpu.memory_space<vmem>> -> memref<32xi32, #tpu.memory_space<vmem>>
    %dma_wait3A_213 = arith.constant 0 : i32
    %dma_wait3A_214 = arith.constant 0 : i32
    %dma_wait3A_215 = tpu.memref_slice %arg15[%dma_wait3A_213, %dma_wait3A_214] : memref<10000x128xf32, #tpu.memory_space<vmem_shared>> -> memref<10000x128xf32, #tpu.memory_space<vmem_shared>>
    tpu.wait_indirect_dma semaphore(%arg26 : memref<!tpu.dma_semaphore, #tpu.memory_space<semaphore_mem>>) src(%arg9 : memref<32x128xf32, #tpu.memory_space<vmem>>) dst(%dma_wait3A_215 : memref<10000x128xf32, #tpu.memory_space<vmem_shared>>)
    %dma_wait3A_216 = arith.constant 0 : i32
    %dma_wait3A_217 = tpu.memref_slice %arg6[%dma_wait3A_216] : memref<5024xi32, #tpu.memory_space<vmem>> -> memref<32xi32, #tpu.memory_space<vmem>>
    %dma_wait3A_218 = arith.constant 0 : i32
    %dma_wait3A_219 = arith.constant 0 : i32
    %dma_wait3A_220 = tpu.memref_slice %arg15[%dma_wait3A_218, %dma_wait3A_219] : memref<10000x128xf32, #tpu.memory_space<vmem_shared>> -> memref<10000x128xf32, #tpu.memory_space<vmem_shared>>
    tpu.wait_indirect_dma semaphore(%arg27 : memref<!tpu.dma_semaphore, #tpu.memory_space<semaphore_mem>>) src(%arg10 : memref<32x128xf32, #tpu.memory_space<vmem>>) dst(%dma_wait3A_220 : memref<10000x128xf32, #tpu.memory_space<vmem_shared>>)
    %barrier3A_221 = arith.constant 0 : index
    tpu.barrier barrier_id(%barrier3A_221)
    %lt3A_222 = arith.constant 15 : i32
    %lt3A_223 = arith.cmpi slt, %arg1, %lt3A_222 : i32
    %convert_element_type3A_224 = arith.extui %lt3A_223 : i1 to i32
    %cond3A_225 = arith.constant 0 : i32
    %cond3A_226 = arith.cmpi ne, %convert_element_type3A_224, %cond3A_225 : i32
    scf.if %cond3A_226 {
      %mul3A_232 = arith.constant 10000 : i32
      %mul3A_233 = arith.muli %arg0, %mul3A_232 : i32
      %add3A_234 = arith.addi %mul3A_233, %mul3A_6 : i32
      "tpu.region"() ({
        %run_scoped3A = tpu.sem_alloc : memref<!tpu.dma_semaphore, #tpu.memory_space<semaphore_mem>>
        %dma_start3A_235 = arith.constant 0 : i32
        %dma_start3A_236 = tpu.memref_slice %arg4[%add3A_234, %dma_start3A_235] : memref<20000x128xf32, #tpu.memory_space<hbm>> -> memref<624x128xf32, #tpu.memory_space<hbm>>
        %dma_start3A_237 = arith.constant 0 : i32
        %dma_start3A_238 = tpu.memref_slice %arg15[%mul3A_6, %dma_start3A_237] : memref<10000x128xf32, #tpu.memory_space<vmem_shared>> -> memref<624x128xf32, #tpu.memory_space<vmem_shared>>
        tpu.enqueue_dma source(%dma_start3A_238 : memref<624x128xf32, #tpu.memory_space<vmem_shared>>) target(%dma_start3A_236 : memref<624x128xf32, #tpu.memory_space<hbm>>) target_semaphore(%run_scoped3A : memref<!tpu.dma_semaphore, #tpu.memory_space<semaphore_mem>>)
        %dma_wait3A_239 = arith.constant 0 : i32
        %dma_wait3A_240 = tpu.memref_slice %arg4[%add3A_234, %dma_wait3A_239] : memref<20000x128xf32, #tpu.memory_space<hbm>> -> memref<624x128xf32, #tpu.memory_space<hbm>>
        %dma_wait3A_241 = arith.constant 0 : i32
        %dma_wait3A_242 = tpu.memref_slice %arg15[%mul3A_6, %dma_wait3A_241] : memref<10000x128xf32, #tpu.memory_space<vmem_shared>> -> memref<624x128xf32, #tpu.memory_space<vmem_shared>>
        tpu.wait_dma2 semaphore(%run_scoped3A : memref<!tpu.dma_semaphore, #tpu.memory_space<semaphore_mem>>) src(%dma_wait3A_242 : memref<624x128xf32, #tpu.memory_space<vmem_shared>>) dst(%dma_wait3A_240 : memref<624x128xf32, #tpu.memory_space<hbm>>)
        tpu.yield
      }) : () -> ()
    } else {
    }
    %eq3A_227 = arith.constant 15 : i32
    %eq3A_228 = arith.cmpi eq, %arg1, %eq3A_227 : i32
    %convert_element_type3A_229 = arith.extui %eq3A_228 : i1 to i32
    %cond3A_230 = arith.constant 0 : i32
    %cond3A_231 = arith.cmpi ne, %convert_element_type3A_229, %cond3A_230 : i32
    scf.if %cond3A_231 {
      %mul3A_232 = arith.constant 10000 : i32
      %mul3A_233 = arith.muli %arg0, %mul3A_232 : i32
      %add3A_234 = arith.addi %mul3A_233, %mul3A_6 : i32
      "tpu.region"() ({
        %run_scoped3A = tpu.sem_alloc : memref<!tpu.dma_semaphore, #tpu.memory_space<semaphore_mem>>
        %dma_start3A_235 = arith.constant 0 : i32
        %dma_start3A_236 = tpu.memref_slice %arg4[%add3A_234, %dma_start3A_235] : memref<20000x128xf32, #tpu.memory_space<hbm>> -> memref<640x128xf32, #tpu.memory_space<hbm>>
        %dma_start3A_237 = arith.constant 0 : i32
        %dma_start3A_238 = tpu.memref_slice %arg15[%mul3A_6, %dma_start3A_237] : memref<10000x128xf32, #tpu.memory_space<vmem_shared>> -> memref<640x128xf32, #tpu.memory_space<vmem_shared>>
        tpu.enqueue_dma source(%dma_start3A_238 : memref<640x128xf32, #tpu.memory_space<vmem_shared>>) target(%dma_start3A_236 : memref<640x128xf32, #tpu.memory_space<hbm>>) target_semaphore(%run_scoped3A : memref<!tpu.dma_semaphore, #tpu.memory_space<semaphore_mem>>)
        %dma_wait3A_239 = arith.constant 0 : i32
        %dma_wait3A_240 = tpu.memref_slice %arg4[%add3A_234, %dma_wait3A_239] : memref<20000x128xf32, #tpu.memory_space<hbm>> -> memref<640x128xf32, #tpu.memory_space<hbm>>
        %dma_wait3A_241 = arith.constant 0 : i32
        %dma_wait3A_242 = tpu.memref_slice %arg15[%mul3A_6, %dma_wait3A_241] : memref<10000x128xf32, #tpu.memory_space<vmem_shared>> -> memref<640x128xf32, #tpu.memory_space<vmem_shared>>
        tpu.wait_dma2 semaphore(%run_scoped3A : memref<!tpu.dma_semaphore, #tpu.memory_space<semaphore_mem>>) src(%dma_wait3A_242 : memref<640x128xf32, #tpu.memory_space<vmem_shared>>) dst(%dma_wait3A_240 : memref<640x128xf32, #tpu.memory_space<hbm>>)
        tpu.yield
      }) : () -> ()
    } else {
    }
    return
  }
}

#map = affine_map<(d0, d1) -> (0, 0)>
#map1 = affine_map<(d0, d1) -> (0)>
module attributes {stable_mosaic.version = 14 : i64} {
  func.func @_deg_kernel(%arg0: i32, %arg1: i32, %arg2: memref<2x160000xi32, #tpu.memory_space<hbm>>, %arg3: memref<20480xf32, #tpu.memory_space<hbm>>, %arg4: memref<5120xi32, #tpu.memory_space<vmem>>, %arg5: memref<128xf32, #tpu.memory_space<vmem>>, %arg6: memref<640xf32, #tpu.memory_space<vmem>>, %arg7: memref<10240xf32, #tpu.memory_space<vmem_shared>>, %arg8: memref<!tpu.dma_semaphore, #tpu.memory_space<semaphore_mem>>, %arg9: memref<!tpu.dma_semaphore, #tpu.memory_space<semaphore_mem>>) attributes {dimension_semantics = [#tpu.dimension_semantics<core_parallel>, #tpu.dimension_semantics<subcore_parallel>], iteration_bounds = array<i64: 2, 16>, scalar_prefetch = 0 : i64, scratch_operands = 6 : i64, tpu.core_type = #tpu.core_type<sc_vector_subcore>, window_params = [{transform_indices = #map}, {transform_indices = #map1}]} {
    %mul3A = arith.constant 625 : i32
    %mul3A_0 = arith.muli %arg0, %mul3A : i32
    %mul3A_1 = arith.constant 39 : i32
    %mul3A_2 = arith.muli %arg1, %mul3A_1 : i32
    %add3A = arith.addi %mul3A_0, %mul3A_2 : i32
    %mul3A_3 = arith.constant 128 : i32
    %mul3A_4 = arith.muli %add3A, %mul3A_3 : i32
    %mul3A_5 = arith.constant 640 : i32
    %mul3A_6 = arith.muli %arg1, %mul3A_5 : i32
    %dma_start3A = arith.constant 1 : i32
    %dma_start3A_7 = arith.constant 0 : i32
    %dma_start3A_8 = tpu.memref_slice %arg4[%dma_start3A_7] : memref<5120xi32, #tpu.memory_space<vmem>> -> memref<4992xi32, #tpu.memory_space<vmem>>
    %dma_start3A_9 = tpu.memref_slice %arg2[%dma_start3A, %mul3A_4] : memref<2x160000xi32, #tpu.memory_space<hbm>> -> memref<1x4992xi32, #tpu.memory_space<hbm>>
    %dma_start3A_10 = tpu.memref_squeeze %dma_start3A_9 : memref<1x4992xi32, #tpu.memory_space<hbm>> -> memref<4992xi32, #tpu.memory_space<hbm>>
    %dma_start3A_11 = arith.constant 0 : i32
    %dma_start3A_12 = tpu.memref_slice %arg4[%dma_start3A_11] : memref<5120xi32, #tpu.memory_space<vmem>> -> memref<4992xi32, #tpu.memory_space<vmem>>
    %dma_start3A_13 = tpu.memref_slice %arg2[%dma_start3A, %mul3A_4] : memref<2x160000xi32, #tpu.memory_space<hbm>> -> memref<1x4992xi32, #tpu.memory_space<hbm>>
    %dma_start3A_14 = tpu.memref_squeeze %dma_start3A_13 : memref<1x4992xi32, #tpu.memory_space<hbm>> -> memref<4992xi32, #tpu.memory_space<hbm>>
    tpu.enqueue_dma source(%dma_start3A_14 : memref<4992xi32, #tpu.memory_space<hbm>>) target(%dma_start3A_12 : memref<4992xi32, #tpu.memory_space<vmem>>) target_semaphore(%arg8 : memref<!tpu.dma_semaphore, #tpu.memory_space<semaphore_mem>>)
    %broadcast_in_dim3A = arith.constant 0.000000e+00 : f32
    %broadcast_in_dim3A_15 = vector.broadcast %broadcast_in_dim3A : f32 to vector<16xf32>
    %swap3A = arith.constant 0 : index
    %swap3A_16 = tpu.vector_load %arg6[%swap3A] {strides = array<i32>} : memref<640xf32, #tpu.memory_space<vmem>>, vector<16xf32>,
    %swap3A_17 = vector.shape_cast %swap3A_16 : vector<16xf32> to vector<16xf32>
    %swap3A_18 = vector.shape_cast %broadcast_in_dim3A_15 : vector<16xf32> to vector<16xf32>
    tpu.vector_store %arg6[%swap3A], %swap3A_18 {strides = array<i32>} : memref<640xf32, #tpu.memory_space<vmem>>, vector<16xf32>,
    %broadcast_in_dim3A_19 = arith.constant 0.000000e+00 : f32
    %broadcast_in_dim3A_20 = vector.broadcast %broadcast_in_dim3A_19 : f32 to vector<16xf32>
    %swap3A_21 = arith.constant 16 : index
    %swap3A_22 = tpu.vector_load %arg6[%swap3A_21] {strides = array<i32>} : memref<640xf32, #tpu.memory_space<vmem>>, vector<16xf32>,
    %swap3A_23 = vector.shape_cast %swap3A_22 : vector<16xf32> to vector<16xf32>
    %swap3A_24 = vector.shape_cast %broadcast_in_dim3A_20 : vector<16xf32> to vector<16xf32>
    tpu.vector_store %arg6[%swap3A_21], %swap3A_24 {strides = array<i32>} : memref<640xf32, #tpu.memory_space<vmem>>, vector<16xf32>,
    %broadcast_in_dim3A_25 = arith.constant 0.000000e+00 : f32
    %broadcast_in_dim3A_26 = vector.broadcast %broadcast_in_dim3A_25 : f32 to vector<16xf32>
    %swap3A_27 = arith.constant 32 : index
    %swap3A_28 = tpu.vector_load %arg6[%swap3A_27] {strides = array<i32>} : memref<640xf32, #tpu.memory_space<vmem>>, vector<16xf32>,
    %swap3A_29 = vector.shape_cast %swap3A_28 : vector<16xf32> to vector<16xf32>
    %swap3A_30 = vector.shape_cast %broadcast_in_dim3A_26 : vector<16xf32> to vector<16xf32>
    tpu.vector_store %arg6[%swap3A_27], %swap3A_30 {strides = array<i32>} : memref<640xf32, #tpu.memory_space<vmem>>, vector<16xf32>,
    %broadcast_in_dim3A_31 = arith.constant 0.000000e+00 : f32
    %broadcast_in_dim3A_32 = vector.broadcast %broadcast_in_dim3A_31 : f32 to vector<16xf32>
    %swap3A_33 = arith.constant 48 : index
    %swap3A_34 = tpu.vector_load %arg6[%swap3A_33] {strides = array<i32>} : memref<640xf32, #tpu.memory_space<vmem>>, vector<16xf32>,
    %swap3A_35 = vector.shape_cast %swap3A_34 : vector<16xf32> to vector<16xf32>
    %swap3A_36 = vector.shape_cast %broadcast_in_dim3A_32 : vector<16xf32> to vector<16xf32>
    tpu.vector_store %arg6[%swap3A_33], %swap3A_36 {strides = array<i32>} : memref<640xf32, #tpu.memory_space<vmem>>, vector<16xf32>,
    %broadcast_in_dim3A_37 = arith.constant 0.000000e+00 : f32
    %broadcast_in_dim3A_38 = vector.broadcast %broadcast_in_dim3A_37 : f32 to vector<16xf32>
    %swap3A_39 = arith.constant 64 : index
    %swap3A_40 = tpu.vector_load %arg6[%swap3A_39] {strides = array<i32>} : memref<640xf32, #tpu.memory_space<vmem>>, vector<16xf32>,
    %swap3A_41 = vector.shape_cast %swap3A_40 : vector<16xf32> to vector<16xf32>
    %swap3A_42 = vector.shape_cast %broadcast_in_dim3A_38 : vector<16xf32> to vector<16xf32>
    tpu.vector_store %arg6[%swap3A_39], %swap3A_42 {strides = array<i32>} : memref<640xf32, #tpu.memory_space<vmem>>, vector<16xf32>,
    %broadcast_in_dim3A_43 = arith.constant 0.000000e+00 : f32
    %broadcast_in_dim3A_44 = vector.broadcast %broadcast_in_dim3A_43 : f32 to vector<16xf32>
    %swap3A_45 = arith.constant 80 : index
    %swap3A_46 = tpu.vector_load %arg6[%swap3A_45] {strides = array<i32>} : memref<640xf32, #tpu.memory_space<vmem>>, vector<16xf32>,
    %swap3A_47 = vector.shape_cast %swap3A_46 : vector<16xf32> to vector<16xf32>
    %swap3A_48 = vector.shape_cast %broadcast_in_dim3A_44 : vector<16xf32> to vector<16xf32>
    tpu.vector_store %arg6[%swap3A_45], %swap3A_48 {strides = array<i32>} : memref<640xf32, #tpu.memory_space<vmem>>, vector<16xf32>,
    %broadcast_in_dim3A_49 = arith.constant 0.000000e+00 : f32
    %broadcast_in_dim3A_50 = vector.broadcast %broadcast_in_dim3A_49 : f32 to vector<16xf32>
    %swap3A_51 = arith.constant 96 : index
    %swap3A_52 = tpu.vector_load %arg6[%swap3A_51] {strides = array<i32>} : memref<640xf32, #tpu.memory_space<vmem>>, vector<16xf32>,
    %swap3A_53 = vector.shape_cast %swap3A_52 : vector<16xf32> to vector<16xf32>
    %swap3A_54 = vector.shape_cast %broadcast_in_dim3A_50 : vector<16xf32> to vector<16xf32>
    tpu.vector_store %arg6[%swap3A_51], %swap3A_54 {strides = array<i32>} : memref<640xf32, #tpu.memory_space<vmem>>, vector<16xf32>,
    %broadcast_in_dim3A_55 = arith.constant 0.000000e+00 : f32
    %broadcast_in_dim3A_56 = vector.broadcast %broadcast_in_dim3A_55 : f32 to vector<16xf32>
    %swap3A_57 = arith.constant 112 : index
    %swap3A_58 = tpu.vector_load %arg6[%swap3A_57] {strides = array<i32>} : memref<640xf32, #tpu.memory_space<vmem>>, vector<16xf32>,
    %swap3A_59 = vector.shape_cast %swap3A_58 : vector<16xf32> to vector<16xf32>
    %swap3A_60 = vector.shape_cast %broadcast_in_dim3A_56 : vector<16xf32> to vector<16xf32>
    tpu.vector_store %arg6[%swap3A_57], %swap3A_60 {strides = array<i32>} : memref<640xf32, #tpu.memory_space<vmem>>, vector<16xf32>,
    %broadcast_in_dim3A_61 = arith.constant 0.000000e+00 : f32
    %broadcast_in_dim3A_62 = vector.broadcast %broadcast_in_dim3A_61 : f32 to vector<16xf32>
    %swap3A_63 = arith.constant 128 : index
    %swap3A_64 = tpu.vector_load %arg6[%swap3A_63] {strides = array<i32>} : memref<640xf32, #tpu.memory_space<vmem>>, vector<16xf32>,
    %swap3A_65 = vector.shape_cast %swap3A_64 : vector<16xf32> to vector<16xf32>
    %swap3A_66 = vector.shape_cast %broadcast_in_dim3A_62 : vector<16xf32> to vector<16xf32>
    tpu.vector_store %arg6[%swap3A_63], %swap3A_66 {strides = array<i32>} : memref<640xf32, #tpu.memory_space<vmem>>, vector<16xf32>,
    %broadcast_in_dim3A_67 = arith.constant 0.000000e+00 : f32
    %broadcast_in_dim3A_68 = vector.broadcast %broadcast_in_dim3A_67 : f32 to vector<16xf32>
    %swap3A_69 = arith.constant 144 : index
    %swap3A_70 = tpu.vector_load %arg6[%swap3A_69] {strides = array<i32>} : memref<640xf32, #tpu.memory_space<vmem>>, vector<16xf32>,
    %swap3A_71 = vector.shape_cast %swap3A_70 : vector<16xf32> to vector<16xf32>
    %swap3A_72 = vector.shape_cast %broadcast_in_dim3A_68 : vector<16xf32> to vector<16xf32>
    tpu.vector_store %arg6[%swap3A_69], %swap3A_72 {strides = array<i32>} : memref<640xf32, #tpu.memory_space<vmem>>, vector<16xf32>,
    %broadcast_in_dim3A_73 = arith.constant 0.000000e+00 : f32
    %broadcast_in_dim3A_74 = vector.broadcast %broadcast_in_dim3A_73 : f32 to vector<16xf32>
    %swap3A_75 = arith.constant 160 : index
    %swap3A_76 = tpu.vector_load %arg6[%swap3A_75] {strides = array<i32>} : memref<640xf32, #tpu.memory_space<vmem>>, vector<16xf32>,
    %swap3A_77 = vector.shape_cast %swap3A_76 : vector<16xf32> to vector<16xf32>
    %swap3A_78 = vector.shape_cast %broadcast_in_dim3A_74 : vector<16xf32> to vector<16xf32>
    tpu.vector_store %arg6[%swap3A_75], %swap3A_78 {strides = array<i32>} : memref<640xf32, #tpu.memory_space<vmem>>, vector<16xf32>,
    %broadcast_in_dim3A_79 = arith.constant 0.000000e+00 : f32
    %broadcast_in_dim3A_80 = vector.broadcast %broadcast_in_dim3A_79 : f32 to vector<16xf32>
    %swap3A_81 = arith.constant 176 : index
    %swap3A_82 = tpu.vector_load %arg6[%swap3A_81] {strides = array<i32>} : memref<640xf32, #tpu.memory_space<vmem>>, vector<16xf32>,
    %swap3A_83 = vector.shape_cast %swap3A_82 : vector<16xf32> to vector<16xf32>
    %swap3A_84 = vector.shape_cast %broadcast_in_dim3A_80 : vector<16xf32> to vector<16xf32>
    tpu.vector_store %arg6[%swap3A_81], %swap3A_84 {strides = array<i32>} : memref<640xf32, #tpu.memory_space<vmem>>, vector<16xf32>,
    %broadcast_in_dim3A_85 = arith.constant 0.000000e+00 : f32
    %broadcast_in_dim3A_86 = vector.broadcast %broadcast_in_dim3A_85 : f32 to vector<16xf32>
    %swap3A_87 = arith.constant 192 : index
    %swap3A_88 = tpu.vector_load %arg6[%swap3A_87] {strides = array<i32>} : memref<640xf32, #tpu.memory_space<vmem>>, vector<16xf32>,
    %swap3A_89 = vector.shape_cast %swap3A_88 : vector<16xf32> to vector<16xf32>
    %swap3A_90 = vector.shape_cast %broadcast_in_dim3A_86 : vector<16xf32> to vector<16xf32>
    tpu.vector_store %arg6[%swap3A_87], %swap3A_90 {strides = array<i32>} : memref<640xf32, #tpu.memory_space<vmem>>, vector<16xf32>,
    %broadcast_in_dim3A_91 = arith.constant 0.000000e+00 : f32
    %broadcast_in_dim3A_92 = vector.broadcast %broadcast_in_dim3A_91 : f32 to vector<16xf32>
    %swap3A_93 = arith.constant 208 : index
    %swap3A_94 = tpu.vector_load %arg6[%swap3A_93] {strides = array<i32>} : memref<640xf32, #tpu.memory_space<vmem>>, vector<16xf32>,
    %swap3A_95 = vector.shape_cast %swap3A_94 : vector<16xf32> to vector<16xf32>
    %swap3A_96 = vector.shape_cast %broadcast_in_dim3A_92 : vector<16xf32> to vector<16xf32>
    tpu.vector_store %arg6[%swap3A_93], %swap3A_96 {strides = array<i32>} : memref<640xf32, #tpu.memory_space<vmem>>, vector<16xf32>,
    %broadcast_in_dim3A_97 = arith.constant 0.000000e+00 : f32
    %broadcast_in_dim3A_98 = vector.broadcast %broadcast_in_dim3A_97 : f32 to vector<16xf32>
    %swap3A_99 = arith.constant 224 : index
    %swap3A_100 = tpu.vector_load %arg6[%swap3A_99] {strides = array<i32>} : memref<640xf32, #tpu.memory_space<vmem>>, vector<16xf32>,
    %swap3A_101 = vector.shape_cast %swap3A_100 : vector<16xf32> to vector<16xf32>
    %swap3A_102 = vector.shape_cast %broadcast_in_dim3A_98 : vector<16xf32> to vector<16xf32>
    tpu.vector_store %arg6[%swap3A_99], %swap3A_102 {strides = array<i32>} : memref<640xf32, #tpu.memory_space<vmem>>, vector<16xf32>,
    %broadcast_in_dim3A_103 = arith.constant 0.000000e+00 : f32
    %broadcast_in_dim3A_104 = vector.broadcast %broadcast_in_dim3A_103 : f32 to vector<16xf32>
    %swap3A_105 = arith.constant 240 : index
    %swap3A_106 = tpu.vector_load %arg6[%swap3A_105] {strides = array<i32>} : memref<640xf32, #tpu.memory_space<vmem>>, vector<16xf32>,
    %swap3A_107 = vector.shape_cast %swap3A_106 : vector<16xf32> to vector<16xf32>
    %swap3A_108 = vector.shape_cast %broadcast_in_dim3A_104 : vector<16xf32> to vector<16xf32>
    tpu.vector_store %arg6[%swap3A_105], %swap3A_108 {strides = array<i32>} : memref<640xf32, #tpu.memory_space<vmem>>, vector<16xf32>,
    %broadcast_in_dim3A_109 = arith.constant 0.000000e+00 : f32
    %broadcast_in_dim3A_110 = vector.broadcast %broadcast_in_dim3A_109 : f32 to vector<16xf32>
    %swap3A_111 = arith.constant 256 : index
    %swap3A_112 = tpu.vector_load %arg6[%swap3A_111] {strides = array<i32>} : memref<640xf32, #tpu.memory_space<vmem>>, vector<16xf32>,
    %swap3A_113 = vector.shape_cast %swap3A_112 : vector<16xf32> to vector<16xf32>
    %swap3A_114 = vector.shape_cast %broadcast_in_dim3A_110 : vector<16xf32> to vector<16xf32>
    tpu.vector_store %arg6[%swap3A_111], %swap3A_114 {strides = array<i32>} : memref<640xf32, #tpu.memory_space<vmem>>, vector<16xf32>,
    %broadcast_in_dim3A_115 = arith.constant 0.000000e+00 : f32
    %broadcast_in_dim3A_116 = vector.broadcast %broadcast_in_dim3A_115 : f32 to vector<16xf32>
    %swap3A_117 = arith.constant 272 : index
    %swap3A_118 = tpu.vector_load %arg6[%swap3A_117] {strides = array<i32>} : memref<640xf32, #tpu.memory_space<vmem>>, vector<16xf32>,
    %swap3A_119 = vector.shape_cast %swap3A_118 : vector<16xf32> to vector<16xf32>
    %swap3A_120 = vector.shape_cast %broadcast_in_dim3A_116 : vector<16xf32> to vector<16xf32>
    tpu.vector_store %arg6[%swap3A_117], %swap3A_120 {strides = array<i32>} : memref<640xf32, #tpu.memory_space<vmem>>, vector<16xf32>,
    %broadcast_in_dim3A_121 = arith.constant 0.000000e+00 : f32
    %broadcast_in_dim3A_122 = vector.broadcast %broadcast_in_dim3A_121 : f32 to vector<16xf32>
    %swap3A_123 = arith.constant 288 : index
    %swap3A_124 = tpu.vector_load %arg6[%swap3A_123] {strides = array<i32>} : memref<640xf32, #tpu.memory_space<vmem>>, vector<16xf32>,
    %swap3A_125 = vector.shape_cast %swap3A_124 : vector<16xf32> to vector<16xf32>
    %swap3A_126 = vector.shape_cast %broadcast_in_dim3A_122 : vector<16xf32> to vector<16xf32>
    tpu.vector_store %arg6[%swap3A_123], %swap3A_126 {strides = array<i32>} : memref<640xf32, #tpu.memory_space<vmem>>, vector<16xf32>,
    %broadcast_in_dim3A_127 = arith.constant 0.000000e+00 : f32
    %broadcast_in_dim3A_128 = vector.broadcast %broadcast_in_dim3A_127 : f32 to vector<16xf32>
    %swap3A_129 = arith.constant 304 : index
    %swap3A_130 = tpu.vector_load %arg6[%swap3A_129] {strides = array<i32>} : memref<640xf32, #tpu.memory_space<vmem>>, vector<16xf32>,
    %swap3A_131 = vector.shape_cast %swap3A_130 : vector<16xf32> to vector<16xf32>
    %swap3A_132 = vector.shape_cast %broadcast_in_dim3A_128 : vector<16xf32> to vector<16xf32>
    tpu.vector_store %arg6[%swap3A_129], %swap3A_132 {strides = array<i32>} : memref<640xf32, #tpu.memory_space<vmem>>, vector<16xf32>,
    %broadcast_in_dim3A_133 = arith.constant 0.000000e+00 : f32
    %broadcast_in_dim3A_134 = vector.broadcast %broadcast_in_dim3A_133 : f32 to vector<16xf32>
    %swap3A_135 = arith.constant 320 : index
    %swap3A_136 = tpu.vector_load %arg6[%swap3A_135] {strides = array<i32>} : memref<640xf32, #tpu.memory_space<vmem>>, vector<16xf32>,
    %swap3A_137 = vector.shape_cast %swap3A_136 : vector<16xf32> to vector<16xf32>
    %swap3A_138 = vector.shape_cast %broadcast_in_dim3A_134 : vector<16xf32> to vector<16xf32>
    tpu.vector_store %arg6[%swap3A_135], %swap3A_138 {strides = array<i32>} : memref<640xf32, #tpu.memory_space<vmem>>, vector<16xf32>,
    %broadcast_in_dim3A_139 = arith.constant 0.000000e+00 : f32
    %broadcast_in_dim3A_140 = vector.broadcast %broadcast_in_dim3A_139 : f32 to vector<16xf32>
    %swap3A_141 = arith.constant 336 : index
    %swap3A_142 = tpu.vector_load %arg6[%swap3A_141] {strides = array<i32>} : memref<640xf32, #tpu.memory_space<vmem>>, vector<16xf32>,
    %swap3A_143 = vector.shape_cast %swap3A_142 : vector<16xf32> to vector<16xf32>
    %swap3A_144 = vector.shape_cast %broadcast_in_dim3A_140 : vector<16xf32> to vector<16xf32>
    tpu.vector_store %arg6[%swap3A_141], %swap3A_144 {strides = array<i32>} : memref<640xf32, #tpu.memory_space<vmem>>, vector<16xf32>,
    %broadcast_in_dim3A_145 = arith.constant 0.000000e+00 : f32
    %broadcast_in_dim3A_146 = vector.broadcast %broadcast_in_dim3A_145 : f32 to vector<16xf32>
    %swap3A_147 = arith.constant 352 : index
    %swap3A_148 = tpu.vector_load %arg6[%swap3A_147] {strides = array<i32>} : memref<640xf32, #tpu.memory_space<vmem>>, vector<16xf32>,
    %swap3A_149 = vector.shape_cast %swap3A_148 : vector<16xf32> to vector<16xf32>
    %swap3A_150 = vector.shape_cast %broadcast_in_dim3A_146 : vector<16xf32> to vector<16xf32>
    tpu.vector_store %arg6[%swap3A_147], %swap3A_150 {strides = array<i32>} : memref<640xf32, #tpu.memory_space<vmem>>, vector<16xf32>,
    %broadcast_in_dim3A_151 = arith.constant 0.000000e+00 : f32
    %broadcast_in_dim3A_152 = vector.broadcast %broadcast_in_dim3A_151 : f32 to vector<16xf32>
    %swap3A_153 = arith.constant 368 : index
    %swap3A_154 = tpu.vector_load %arg6[%swap3A_153] {strides = array<i32>} : memref<640xf32, #tpu.memory_space<vmem>>, vector<16xf32>,
    %swap3A_155 = vector.shape_cast %swap3A_154 : vector<16xf32> to vector<16xf32>
    %swap3A_156 = vector.shape_cast %broadcast_in_dim3A_152 : vector<16xf32> to vector<16xf32>
    tpu.vector_store %arg6[%swap3A_153], %swap3A_156 {strides = array<i32>} : memref<640xf32, #tpu.memory_space<vmem>>, vector<16xf32>,
    %broadcast_in_dim3A_157 = arith.constant 0.000000e+00 : f32
    %broadcast_in_dim3A_158 = vector.broadcast %broadcast_in_dim3A_157 : f32 to vector<16xf32>
    %swap3A_159 = arith.constant 384 : index
    %swap3A_160 = tpu.vector_load %arg6[%swap3A_159] {strides = array<i32>} : memref<640xf32, #tpu.memory_space<vmem>>, vector<16xf32>,
    %swap3A_161 = vector.shape_cast %swap3A_160 : vector<16xf32> to vector<16xf32>
    %swap3A_162 = vector.shape_cast %broadcast_in_dim3A_158 : vector<16xf32> to vector<16xf32>
    tpu.vector_store %arg6[%swap3A_159], %swap3A_162 {strides = array<i32>} : memref<640xf32, #tpu.memory_space<vmem>>, vector<16xf32>,
    %broadcast_in_dim3A_163 = arith.constant 0.000000e+00 : f32
    %broadcast_in_dim3A_164 = vector.broadcast %broadcast_in_dim3A_163 : f32 to vector<16xf32>
    %swap3A_165 = arith.constant 400 : index
    %swap3A_166 = tpu.vector_load %arg6[%swap3A_165] {strides = array<i32>} : memref<640xf32, #tpu.memory_space<vmem>>, vector<16xf32>,
    %swap3A_167 = vector.shape_cast %swap3A_166 : vector<16xf32> to vector<16xf32>
    %swap3A_168 = vector.shape_cast %broadcast_in_dim3A_164 : vector<16xf32> to vector<16xf32>
    tpu.vector_store %arg6[%swap3A_165], %swap3A_168 {strides = array<i32>} : memref<640xf32, #tpu.memory_space<vmem>>, vector<16xf32>,
    %broadcast_in_dim3A_169 = arith.constant 0.000000e+00 : f32
    %broadcast_in_dim3A_170 = vector.broadcast %broadcast_in_dim3A_169 : f32 to vector<16xf32>
    %swap3A_171 = arith.constant 416 : index
    %swap3A_172 = tpu.vector_load %arg6[%swap3A_171] {strides = array<i32>} : memref<640xf32, #tpu.memory_space<vmem>>, vector<16xf32>,
    %swap3A_173 = vector.shape_cast %swap3A_172 : vector<16xf32> to vector<16xf32>
    %swap3A_174 = vector.shape_cast %broadcast_in_dim3A_170 : vector<16xf32> to vector<16xf32>
    tpu.vector_store %arg6[%swap3A_171], %swap3A_174 {strides = array<i32>} : memref<640xf32, #tpu.memory_space<vmem>>, vector<16xf32>,
    %broadcast_in_dim3A_175 = arith.constant 0.000000e+00 : f32
    %broadcast_in_dim3A_176 = vector.broadcast %broadcast_in_dim3A_175 : f32 to vector<16xf32>
    %swap3A_177 = arith.constant 432 : index
    %swap3A_178 = tpu.vector_load %arg6[%swap3A_177] {strides = array<i32>} : memref<640xf32, #tpu.memory_space<vmem>>, vector<16xf32>,
    %swap3A_179 = vector.shape_cast %swap3A_178 : vector<16xf32> to vector<16xf32>
    %swap3A_180 = vector.shape_cast %broadcast_in_dim3A_176 : vector<16xf32> to vector<16xf32>
    tpu.vector_store %arg6[%swap3A_177], %swap3A_180 {strides = array<i32>} : memref<640xf32, #tpu.memory_space<vmem>>, vector<16xf32>,
    %broadcast_in_dim3A_181 = arith.constant 0.000000e+00 : f32
    %broadcast_in_dim3A_182 = vector.broadcast %broadcast_in_dim3A_181 : f32 to vector<16xf32>
    %swap3A_183 = arith.constant 448 : index
    %swap3A_184 = tpu.vector_load %arg6[%swap3A_183] {strides = array<i32>} : memref<640xf32, #tpu.memory_space<vmem>>, vector<16xf32>,
    %swap3A_185 = vector.shape_cast %swap3A_184 : vector<16xf32> to vector<16xf32>
    %swap3A_186 = vector.shape_cast %broadcast_in_dim3A_182 : vector<16xf32> to vector<16xf32>
    tpu.vector_store %arg6[%swap3A_183], %swap3A_186 {strides = array<i32>} : memref<640xf32, #tpu.memory_space<vmem>>, vector<16xf32>,
    %broadcast_in_dim3A_187 = arith.constant 0.000000e+00 : f32
    %broadcast_in_dim3A_188 = vector.broadcast %broadcast_in_dim3A_187 : f32 to vector<16xf32>
    %swap3A_189 = arith.constant 464 : index
    %swap3A_190 = tpu.vector_load %arg6[%swap3A_189] {strides = array<i32>} : memref<640xf32, #tpu.memory_space<vmem>>, vector<16xf32>,
    %swap3A_191 = vector.shape_cast %swap3A_190 : vector<16xf32> to vector<16xf32>
    %swap3A_192 = vector.shape_cast %broadcast_in_dim3A_188 : vector<16xf32> to vector<16xf32>
    tpu.vector_store %arg6[%swap3A_189], %swap3A_192 {strides = array<i32>} : memref<640xf32, #tpu.memory_space<vmem>>, vector<16xf32>,
    %broadcast_in_dim3A_193 = arith.constant 0.000000e+00 : f32
    %broadcast_in_dim3A_194 = vector.broadcast %broadcast_in_dim3A_193 : f32 to vector<16xf32>
    %swap3A_195 = arith.constant 480 : index
    %swap3A_196 = tpu.vector_load %arg6[%swap3A_195] {strides = array<i32>} : memref<640xf32, #tpu.memory_space<vmem>>, vector<16xf32>,
    %swap3A_197 = vector.shape_cast %swap3A_196 : vector<16xf32> to vector<16xf32>
    %swap3A_198 = vector.shape_cast %broadcast_in_dim3A_194 : vector<16xf32> to vector<16xf32>
    tpu.vector_store %arg6[%swap3A_195], %swap3A_198 {strides = array<i32>} : memref<640xf32, #tpu.memory_space<vmem>>, vector<16xf32>,
    %broadcast_in_dim3A_199 = arith.constant 0.000000e+00 : f32
    %broadcast_in_dim3A_200 = vector.broadcast %broadcast_in_dim3A_199 : f32 to vector<16xf32>
    %swap3A_201 = arith.constant 496 : index
    %swap3A_202 = tpu.vector_load %arg6[%swap3A_201] {strides = array<i32>} : memref<640xf32, #tpu.memory_space<vmem>>, vector<16xf32>,
    %swap3A_203 = vector.shape_cast %swap3A_202 : vector<16xf32> to vector<16xf32>
    %swap3A_204 = vector.shape_cast %broadcast_in_dim3A_200 : vector<16xf32> to vector<16xf32>
    tpu.vector_store %arg6[%swap3A_201], %swap3A_204 {strides = array<i32>} : memref<640xf32, #tpu.memory_space<vmem>>, vector<16xf32>,
    %broadcast_in_dim3A_205 = arith.constant 0.000000e+00 : f32
    %broadcast_in_dim3A_206 = vector.broadcast %broadcast_in_dim3A_205 : f32 to vector<16xf32>
    %swap3A_207 = arith.constant 512 : index
    %swap3A_208 = tpu.vector_load %arg6[%swap3A_207] {strides = array<i32>} : memref<640xf32, #tpu.memory_space<vmem>>, vector<16xf32>,
    %swap3A_209 = vector.shape_cast %swap3A_208 : vector<16xf32> to vector<16xf32>
    %swap3A_210 = vector.shape_cast %broadcast_in_dim3A_206 : vector<16xf32> to vector<16xf32>
    tpu.vector_store %arg6[%swap3A_207], %swap3A_210 {strides = array<i32>} : memref<640xf32, #tpu.memory_space<vmem>>, vector<16xf32>,
    %broadcast_in_dim3A_211 = arith.constant 0.000000e+00 : f32
    %broadcast_in_dim3A_212 = vector.broadcast %broadcast_in_dim3A_211 : f32 to vector<16xf32>
    %swap3A_213 = arith.constant 528 : index
    %swap3A_214 = tpu.vector_load %arg6[%swap3A_213] {strides = array<i32>} : memref<640xf32, #tpu.memory_space<vmem>>, vector<16xf32>,
    %swap3A_215 = vector.shape_cast %swap3A_214 : vector<16xf32> to vector<16xf32>
    %swap3A_216 = vector.shape_cast %broadcast_in_dim3A_212 : vector<16xf32> to vector<16xf32>
    tpu.vector_store %arg6[%swap3A_213], %swap3A_216 {strides = array<i32>} : memref<640xf32, #tpu.memory_space<vmem>>, vector<16xf32>,
    %broadcast_in_dim3A_217 = arith.constant 0.000000e+00 : f32
    %broadcast_in_dim3A_218 = vector.broadcast %broadcast_in_dim3A_217 : f32 to vector<16xf32>
    %swap3A_219 = arith.constant 544 : index
    %swap3A_220 = tpu.vector_load %arg6[%swap3A_219] {strides = array<i32>} : memref<640xf32, #tpu.memory_space<vmem>>, vector<16xf32>,
    %swap3A_221 = vector.shape_cast %swap3A_220 : vector<16xf32> to vector<16xf32>
    %swap3A_222 = vector.shape_cast %broadcast_in_dim3A_218 : vector<16xf32> to vector<16xf32>
    tpu.vector_store %arg6[%swap3A_219], %swap3A_222 {strides = array<i32>} : memref<640xf32, #tpu.memory_space<vmem>>, vector<16xf32>,
    %broadcast_in_dim3A_223 = arith.constant 0.000000e+00 : f32
    %broadcast_in_dim3A_224 = vector.broadcast %broadcast_in_dim3A_223 : f32 to vector<16xf32>
    %swap3A_225 = arith.constant 560 : index
    %swap3A_226 = tpu.vector_load %arg6[%swap3A_225] {strides = array<i32>} : memref<640xf32, #tpu.memory_space<vmem>>, vector<16xf32>,
    %swap3A_227 = vector.shape_cast %swap3A_226 : vector<16xf32> to vector<16xf32>
    %swap3A_228 = vector.shape_cast %broadcast_in_dim3A_224 : vector<16xf32> to vector<16xf32>
    tpu.vector_store %arg6[%swap3A_225], %swap3A_228 {strides = array<i32>} : memref<640xf32, #tpu.memory_space<vmem>>, vector<16xf32>,
    %broadcast_in_dim3A_229 = arith.constant 0.000000e+00 : f32
    %broadcast_in_dim3A_230 = vector.broadcast %broadcast_in_dim3A_229 : f32 to vector<16xf32>
    %swap3A_231 = arith.constant 576 : index
    %swap3A_232 = tpu.vector_load %arg6[%swap3A_231] {strides = array<i32>} : memref<640xf32, #tpu.memory_space<vmem>>, vector<16xf32>,
    %swap3A_233 = vector.shape_cast %swap3A_232 : vector<16xf32> to vector<16xf32>
    %swap3A_234 = vector.shape_cast %broadcast_in_dim3A_230 : vector<16xf32> to vector<16xf32>
    tpu.vector_store %arg6[%swap3A_231], %swap3A_234 {strides = array<i32>} : memref<640xf32, #tpu.memory_space<vmem>>, vector<16xf32>,
    %broadcast_in_dim3A_235 = arith.constant 0.000000e+00 : f32
    %broadcast_in_dim3A_236 = vector.broadcast %broadcast_in_dim3A_235 : f32 to vector<16xf32>
    %swap3A_237 = arith.constant 592 : index
    %swap3A_238 = tpu.vector_load %arg6[%swap3A_237] {strides = array<i32>} : memref<640xf32, #tpu.memory_space<vmem>>, vector<16xf32>,
    %swap3A_239 = vector.shape_cast %swap3A_238 : vector<16xf32> to vector<16xf32>
    %swap3A_240 = vector.shape_cast %broadcast_in_dim3A_236 : vector<16xf32> to vector<16xf32>
    tpu.vector_store %arg6[%swap3A_237], %swap3A_240 {strides = array<i32>} : memref<640xf32, #tpu.memory_space<vmem>>, vector<16xf32>,
    %broadcast_in_dim3A_241 = arith.constant 0.000000e+00 : f32
    %broadcast_in_dim3A_242 = vector.broadcast %broadcast_in_dim3A_241 : f32 to vector<16xf32>
    %swap3A_243 = arith.constant 608 : index
    %swap3A_244 = tpu.vector_load %arg6[%swap3A_243] {strides = array<i32>} : memref<640xf32, #tpu.memory_space<vmem>>, vector<16xf32>,
    %swap3A_245 = vector.shape_cast %swap3A_244 : vector<16xf32> to vector<16xf32>
    %swap3A_246 = vector.shape_cast %broadcast_in_dim3A_242 : vector<16xf32> to vector<16xf32>
    tpu.vector_store %arg6[%swap3A_243], %swap3A_246 {strides = array<i32>} : memref<640xf32, #tpu.memory_space<vmem>>, vector<16xf32>,
    %broadcast_in_dim3A_247 = arith.constant 0.000000e+00 : f32
    %broadcast_in_dim3A_248 = vector.broadcast %broadcast_in_dim3A_247 : f32 to vector<16xf32>
    %swap3A_249 = arith.constant 624 : index
    %swap3A_250 = tpu.vector_load %arg6[%swap3A_249] {strides = array<i32>} : memref<640xf32, #tpu.memory_space<vmem>>, vector<16xf32>,
    %swap3A_251 = vector.shape_cast %swap3A_250 : vector<16xf32> to vector<16xf32>
    %swap3A_252 = vector.shape_cast %broadcast_in_dim3A_248 : vector<16xf32> to vector<16xf32>
    tpu.vector_store %arg6[%swap3A_249], %swap3A_252 {strides = array<i32>} : memref<640xf32, #tpu.memory_space<vmem>>, vector<16xf32>,
    %broadcast_in_dim3A_253 = arith.constant 1.000000e+00 : f32
    %broadcast_in_dim3A_254 = vector.broadcast %broadcast_in_dim3A_253 : f32 to vector<16xf32>
    %swap3A_255 = arith.constant 0 : index
    %swap3A_256 = tpu.vector_load %arg5[%swap3A_255] {strides = array<i32>} : memref<128xf32, #tpu.memory_space<vmem>>, vector<16xf32>,
    %swap3A_257 = vector.shape_cast %swap3A_256 : vector<16xf32> to vector<16xf32>
    %swap3A_258 = vector.shape_cast %broadcast_in_dim3A_254 : vector<16xf32> to vector<16xf32>
    tpu.vector_store %arg5[%swap3A_255], %swap3A_258 {strides = array<i32>} : memref<128xf32, #tpu.memory_space<vmem>>, vector<16xf32>,
    %broadcast_in_dim3A_259 = arith.constant 1.000000e+00 : f32
    %broadcast_in_dim3A_260 = vector.broadcast %broadcast_in_dim3A_259 : f32 to vector<16xf32>
    %swap3A_261 = arith.constant 16 : index
    %swap3A_262 = tpu.vector_load %arg5[%swap3A_261] {strides = array<i32>} : memref<128xf32, #tpu.memory_space<vmem>>, vector<16xf32>,
    %swap3A_263 = vector.shape_cast %swap3A_262 : vector<16xf32> to vector<16xf32>
    %swap3A_264 = vector.shape_cast %broadcast_in_dim3A_260 : vector<16xf32> to vector<16xf32>
    tpu.vector_store %arg5[%swap3A_261], %swap3A_264 {strides = array<i32>} : memref<128xf32, #tpu.memory_space<vmem>>, vector<16xf32>,
    %broadcast_in_dim3A_265 = arith.constant 1.000000e+00 : f32
    %broadcast_in_dim3A_266 = vector.broadcast %broadcast_in_dim3A_265 : f32 to vector<16xf32>
    %swap3A_267 = arith.constant 32 : index
    %swap3A_268 = tpu.vector_load %arg5[%swap3A_267] {strides = array<i32>} : memref<128xf32, #tpu.memory_space<vmem>>, vector<16xf32>,
    %swap3A_269 = vector.shape_cast %swap3A_268 : vector<16xf32> to vector<16xf32>
    %swap3A_270 = vector.shape_cast %broadcast_in_dim3A_266 : vector<16xf32> to vector<16xf32>
    tpu.vector_store %arg5[%swap3A_267], %swap3A_270 {strides = array<i32>} : memref<128xf32, #tpu.memory_space<vmem>>, vector<16xf32>,
    %broadcast_in_dim3A_271 = arith.constant 1.000000e+00 : f32
    %broadcast_in_dim3A_272 = vector.broadcast %broadcast_in_dim3A_271 : f32 to vector<16xf32>
    %swap3A_273 = arith.constant 48 : index
    %swap3A_274 = tpu.vector_load %arg5[%swap3A_273] {strides = array<i32>} : memref<128xf32, #tpu.memory_space<vmem>>, vector<16xf32>,
    %swap3A_275 = vector.shape_cast %swap3A_274 : vector<16xf32> to vector<16xf32>
    %swap3A_276 = vector.shape_cast %broadcast_in_dim3A_272 : vector<16xf32> to vector<16xf32>
    tpu.vector_store %arg5[%swap3A_273], %swap3A_276 {strides = array<i32>} : memref<128xf32, #tpu.memory_space<vmem>>, vector<16xf32>,
    %broadcast_in_dim3A_277 = arith.constant 1.000000e+00 : f32
    %broadcast_in_dim3A_278 = vector.broadcast %broadcast_in_dim3A_277 : f32 to vector<16xf32>
    %swap3A_279 = arith.constant 64 : index
    %swap3A_280 = tpu.vector_load %arg5[%swap3A_279] {strides = array<i32>} : memref<128xf32, #tpu.memory_space<vmem>>, vector<16xf32>,
    %swap3A_281 = vector.shape_cast %swap3A_280 : vector<16xf32> to vector<16xf32>
    %swap3A_282 = vector.shape_cast %broadcast_in_dim3A_278 : vector<16xf32> to vector<16xf32>
    tpu.vector_store %arg5[%swap3A_279], %swap3A_282 {strides = array<i32>} : memref<128xf32, #tpu.memory_space<vmem>>, vector<16xf32>,
    %broadcast_in_dim3A_283 = arith.constant 1.000000e+00 : f32
    %broadcast_in_dim3A_284 = vector.broadcast %broadcast_in_dim3A_283 : f32 to vector<16xf32>
    %swap3A_285 = arith.constant 80 : index
    %swap3A_286 = tpu.vector_load %arg5[%swap3A_285] {strides = array<i32>} : memref<128xf32, #tpu.memory_space<vmem>>, vector<16xf32>,
    %swap3A_287 = vector.shape_cast %swap3A_286 : vector<16xf32> to vector<16xf32>
    %swap3A_288 = vector.shape_cast %broadcast_in_dim3A_284 : vector<16xf32> to vector<16xf32>
    tpu.vector_store %arg5[%swap3A_285], %swap3A_288 {strides = array<i32>} : memref<128xf32, #tpu.memory_space<vmem>>, vector<16xf32>,
    %broadcast_in_dim3A_289 = arith.constant 1.000000e+00 : f32
    %broadcast_in_dim3A_290 = vector.broadcast %broadcast_in_dim3A_289 : f32 to vector<16xf32>
    %swap3A_291 = arith.constant 96 : index
    %swap3A_292 = tpu.vector_load %arg5[%swap3A_291] {strides = array<i32>} : memref<128xf32, #tpu.memory_space<vmem>>, vector<16xf32>,
    %swap3A_293 = vector.shape_cast %swap3A_292 : vector<16xf32> to vector<16xf32>
    %swap3A_294 = vector.shape_cast %broadcast_in_dim3A_290 : vector<16xf32> to vector<16xf32>
    tpu.vector_store %arg5[%swap3A_291], %swap3A_294 {strides = array<i32>} : memref<128xf32, #tpu.memory_space<vmem>>, vector<16xf32>,
    %broadcast_in_dim3A_295 = arith.constant 1.000000e+00 : f32
    %broadcast_in_dim3A_296 = vector.broadcast %broadcast_in_dim3A_295 : f32 to vector<16xf32>
    %swap3A_297 = arith.constant 112 : index
    %swap3A_298 = tpu.vector_load %arg5[%swap3A_297] {strides = array<i32>} : memref<128xf32, #tpu.memory_space<vmem>>, vector<16xf32>,
    %swap3A_299 = vector.shape_cast %swap3A_298 : vector<16xf32> to vector<16xf32>
    %swap3A_300 = vector.shape_cast %broadcast_in_dim3A_296 : vector<16xf32> to vector<16xf32>
    tpu.vector_store %arg5[%swap3A_297], %swap3A_300 {strides = array<i32>} : memref<128xf32, #tpu.memory_space<vmem>>, vector<16xf32>,
    "tpu.region"() ({
      %run_scoped3A = tpu.sem_alloc : memref<!tpu.dma_semaphore, #tpu.memory_space<semaphore_mem>>
      %dma_start3A_349 = tpu.memref_slice %arg7[%mul3A_6] : memref<10240xf32, #tpu.memory_space<vmem_shared>> -> memref<640xf32, #tpu.memory_space<vmem_shared>>
      %dma_start3A_350 = tpu.memref_slice %arg7[%mul3A_6] : memref<10240xf32, #tpu.memory_space<vmem_shared>> -> memref<640xf32, #tpu.memory_space<vmem_shared>>
      tpu.enqueue_dma source(%arg6 : memref<640xf32, #tpu.memory_space<vmem>>) target(%dma_start3A_350 : memref<640xf32, #tpu.memory_space<vmem_shared>>) target_semaphore(%run_scoped3A : memref<!tpu.dma_semaphore, #tpu.memory_space<semaphore_mem>>)
      %dma_wait3A_351 = tpu.memref_slice %arg7[%mul3A_6] : memref<10240xf32, #tpu.memory_space<vmem_shared>> -> memref<640xf32, #tpu.memory_space<vmem_shared>>
      %dma_wait3A_352 = tpu.memref_slice %arg7[%mul3A_6] : memref<10240xf32, #tpu.memory_space<vmem_shared>> -> memref<640xf32, #tpu.memory_space<vmem_shared>>
      tpu.wait_dma2 semaphore(%run_scoped3A : memref<!tpu.dma_semaphore, #tpu.memory_space<semaphore_mem>>) src(%arg6 : memref<640xf32, #tpu.memory_space<vmem>>) dst(%dma_wait3A_352 : memref<640xf32, #tpu.memory_space<vmem_shared>>)
      tpu.yield
    }) : () -> ()
    %dma_wait3A = arith.constant 1 : i32
    %dma_wait3A_301 = arith.constant 0 : i32
    %dma_wait3A_302 = tpu.memref_slice %arg4[%dma_wait3A_301] : memref<5120xi32, #tpu.memory_space<vmem>> -> memref<4992xi32, #tpu.memory_space<vmem>>
    %dma_wait3A_303 = tpu.memref_slice %arg2[%dma_wait3A, %mul3A_4] : memref<2x160000xi32, #tpu.memory_space<hbm>> -> memref<1x4992xi32, #tpu.memory_space<hbm>>
    %dma_wait3A_304 = tpu.memref_squeeze %dma_wait3A_303 : memref<1x4992xi32, #tpu.memory_space<hbm>> -> memref<4992xi32, #tpu.memory_space<hbm>>
    %dma_wait3A_305 = arith.constant 0 : i32
    %dma_wait3A_306 = tpu.memref_slice %arg4[%dma_wait3A_305] : memref<5120xi32, #tpu.memory_space<vmem>> -> memref<4992xi32, #tpu.memory_space<vmem>>
    %dma_wait3A_307 = tpu.memref_slice %arg2[%dma_wait3A, %mul3A_4] : memref<2x160000xi32, #tpu.memory_space<hbm>> -> memref<1x4992xi32, #tpu.memory_space<hbm>>
    %dma_wait3A_308 = tpu.memref_squeeze %dma_wait3A_307 : memref<1x4992xi32, #tpu.memory_space<hbm>> -> memref<4992xi32, #tpu.memory_space<hbm>>
    tpu.wait_dma2 semaphore(%arg8 : memref<!tpu.dma_semaphore, #tpu.memory_space<semaphore_mem>>) src(%dma_wait3A_308 : memref<4992xi32, #tpu.memory_space<hbm>>) dst(%dma_wait3A_306 : memref<4992xi32, #tpu.memory_space<vmem>>)
    %eq3A = arith.constant 0 : i32
    %eq3A_309 = arith.cmpi eq, %arg1, %eq3A : i32
    %convert_element_type3A = arith.extui %eq3A_309 : i1 to i32
    %cond3A = arith.constant 0 : i32
    %cond3A_310 = arith.cmpi ne, %convert_element_type3A, %cond3A : i32
    scf.if %cond3A_310 {
      %mul3A_349 = arith.constant 625 : i32
      %mul3A_350 = arith.muli %arg0, %mul3A_349 : i32
      %add3A_351 = arith.constant 624 : i32
      %add3A_352 = arith.addi %mul3A_350, %add3A_351 : i32
      %mul3A_353 = arith.constant 128 : i32
      %mul3A_354 = arith.muli %add3A_352, %mul3A_353 : i32
      %run_scoped3A = arith.constant 1 : i32
      "tpu.region"() ({
        %run_scoped3A_355 = tpu.sem_alloc : memref<!tpu.dma_semaphore, #tpu.memory_space<semaphore_mem>>
        %dma_start3A_356 = arith.constant 4992 : i32
        %dma_start3A_357 = tpu.memref_slice %arg4[%dma_start3A_356] : memref<5120xi32, #tpu.memory_space<vmem>> -> memref<128xi32, #tpu.memory_space<vmem>>
        %dma_start3A_358 = tpu.memref_slice %arg2[%run_scoped3A, %mul3A_354] : memref<2x160000xi32, #tpu.memory_space<hbm>> -> memref<1x128xi32, #tpu.memory_space<hbm>>
        %dma_start3A_359 = tpu.memref_squeeze %dma_start3A_358 : memref<1x128xi32, #tpu.memory_space<hbm>> -> memref<128xi32, #tpu.memory_space<hbm>>
        %dma_start3A_360 = arith.constant 4992 : i32
        %dma_start3A_361 = tpu.memref_slice %arg4[%dma_start3A_360] : memref<5120xi32, #tpu.memory_space<vmem>> -> memref<128xi32, #tpu.memory_space<vmem>>
        %dma_start3A_362 = tpu.memref_slice %arg2[%run_scoped3A, %mul3A_354] : memref<2x160000xi32, #tpu.memory_space<hbm>> -> memref<1x128xi32, #tpu.memory_space<hbm>>
        %dma_start3A_363 = tpu.memref_squeeze %dma_start3A_362 : memref<1x128xi32, #tpu.memory_space<hbm>> -> memref<128xi32, #tpu.memory_space<hbm>>
        tpu.enqueue_dma source(%dma_start3A_363 : memref<128xi32, #tpu.memory_space<hbm>>) target(%dma_start3A_361 : memref<128xi32, #tpu.memory_space<vmem>>) target_semaphore(%run_scoped3A_355 : memref<!tpu.dma_semaphore, #tpu.memory_space<semaphore_mem>>)
        %dma_wait3A_364 = arith.constant 4992 : i32
        %dma_wait3A_365 = tpu.memref_slice %arg4[%dma_wait3A_364] : memref<5120xi32, #tpu.memory_space<vmem>> -> memref<128xi32, #tpu.memory_space<vmem>>
        %dma_wait3A_366 = tpu.memref_slice %arg2[%run_scoped3A, %mul3A_354] : memref<2x160000xi32, #tpu.memory_space<hbm>> -> memref<1x128xi32, #tpu.memory_space<hbm>>
        %dma_wait3A_367 = tpu.memref_squeeze %dma_wait3A_366 : memref<1x128xi32, #tpu.memory_space<hbm>> -> memref<128xi32, #tpu.memory_space<hbm>>
        %dma_wait3A_368 = arith.constant 4992 : i32
        %dma_wait3A_369 = tpu.memref_slice %arg4[%dma_wait3A_368] : memref<5120xi32, #tpu.memory_space<vmem>> -> memref<128xi32, #tpu.memory_space<vmem>>
        %dma_wait3A_370 = tpu.memref_slice %arg2[%run_scoped3A, %mul3A_354] : memref<2x160000xi32, #tpu.memory_space<hbm>> -> memref<1x128xi32, #tpu.memory_space<hbm>>
        %dma_wait3A_371 = tpu.memref_squeeze %dma_wait3A_370 : memref<1x128xi32, #tpu.memory_space<hbm>> -> memref<128xi32, #tpu.memory_space<hbm>>
        tpu.wait_dma2 semaphore(%run_scoped3A_355 : memref<!tpu.dma_semaphore, #tpu.memory_space<semaphore_mem>>) src(%dma_wait3A_371 : memref<128xi32, #tpu.memory_space<hbm>>) dst(%dma_wait3A_369 : memref<128xi32, #tpu.memory_space<vmem>>)
        tpu.yield
      }) : () -> ()
    } else {
    }
    %barrier3A = arith.constant 0 : index
    tpu.barrier barrier_id(%barrier3A)
    %dma_start3A_311 = arith.constant 0 : i32
    %dma_start3A_312 = tpu.memref_slice %arg4[%dma_start3A_311] : memref<5120xi32, #tpu.memory_space<vmem>> -> memref<128xi32, #tpu.memory_space<vmem>>
    %dma_start3A_313 = arith.constant 0 : i32
    %dma_start3A_314 = tpu.memref_slice %arg7[%dma_start3A_313] : memref<10240xf32, #tpu.memory_space<vmem_shared>> -> memref<10240xf32, #tpu.memory_space<vmem_shared>>
    tpu.enqueue_indirect_dma source(%arg5 : memref<128xf32, #tpu.memory_space<vmem>>) target(%dma_start3A_314 : memref<10240xf32, #tpu.memory_space<vmem_shared>>) offsets(%dma_start3A_312 : memref<128xi32, #tpu.memory_space<vmem>>) semaphore(%arg8 : memref<!tpu.dma_semaphore, #tpu.memory_space<semaphore_mem>>) {add = true}
    %dma_start3A_315 = arith.constant 128 : i32
    %dma_start3A_316 = tpu.memref_slice %arg4[%dma_start3A_315] : memref<5120xi32, #tpu.memory_space<vmem>> -> memref<128xi32, #tpu.memory_space<vmem>>
    %dma_start3A_317 = arith.constant 0 : i32
    %dma_start3A_318 = tpu.memref_slice %arg7[%dma_start3A_317] : memref<10240xf32, #tpu.memory_space<vmem_shared>> -> memref<10240xf32, #tpu.memory_space<vmem_shared>>
    tpu.enqueue_indirect_dma source(%arg5 : memref<128xf32, #tpu.memory_space<vmem>>) target(%dma_start3A_318 : memref<10240xf32, #tpu.memory_space<vmem_shared>>) offsets(%dma_start3A_316 : memref<128xi32, #tpu.memory_space<vmem>>) semaphore(%arg9 : memref<!tpu.dma_semaphore, #tpu.memory_space<semaphore_mem>>) {add = true}
    %scan3A = arith.constant 0 : i32
    %scan3A_319 = arith.constant 0 : i32
    %scan3A_320 = arith.constant 18 : i32
    %scan3A_321 = arith.addi %scan3A_319, %scan3A_320 : i32
    %scan3A_322 = arith.constant 1 : i32
    scf.for %scan3A_349 = %scan3A_319 to %scan3A_321 step %scan3A_322  : i32 {
      %dma_wait3A_350 = arith.constant 0 : i32
      %dma_wait3A_351 = tpu.memref_slice %arg4[%dma_wait3A_350] : memref<5120xi32, #tpu.memory_space<vmem>> -> memref<128xi32, #tpu.memory_space<vmem>>
      %dma_wait3A_352 = arith.constant 0 : i32
      %dma_wait3A_353 = tpu.memref_slice %arg7[%dma_wait3A_352] : memref<10240xf32, #tpu.memory_space<vmem_shared>> -> memref<10240xf32, #tpu.memory_space<vmem_shared>>
      tpu.wait_indirect_dma semaphore(%arg8 : memref<!tpu.dma_semaphore, #tpu.memory_space<semaphore_mem>>) src(%arg5 : memref<128xf32, #tpu.memory_space<vmem>>) dst(%dma_wait3A_353 : memref<10240xf32, #tpu.memory_space<vmem_shared>>)
      %mul3A_354 = arith.constant 2 : i32
      %mul3A_355 = arith.muli %mul3A_354, %scan3A_349 : i32
      %add3A_356 = arith.constant 2 : i32
      %add3A_357 = arith.addi %mul3A_355, %add3A_356 : i32
      %mul3A_358 = arith.constant 128 : i32
      %mul3A_359 = arith.muli %add3A_357, %mul3A_358 : i32
      %dma_start3A_360 = tpu.memref_slice %arg4[%mul3A_359] : memref<5120xi32, #tpu.memory_space<vmem>> -> memref<128xi32, #tpu.memory_space<vmem>>
      %dma_start3A_361 = arith.constant 0 : i32
      %dma_start3A_362 = tpu.memref_slice %arg7[%dma_start3A_361] : memref<10240xf32, #tpu.memory_space<vmem_shared>> -> memref<10240xf32, #tpu.memory_space<vmem_shared>>
      tpu.enqueue_indirect_dma source(%arg5 : memref<128xf32, #tpu.memory_space<vmem>>) target(%dma_start3A_362 : memref<10240xf32, #tpu.memory_space<vmem_shared>>) offsets(%dma_start3A_360 : memref<128xi32, #tpu.memory_space<vmem>>) semaphore(%arg8 : memref<!tpu.dma_semaphore, #tpu.memory_space<semaphore_mem>>) {add = true}
      %dma_wait3A_363 = arith.constant 0 : i32
      %dma_wait3A_364 = tpu.memref_slice %arg4[%dma_wait3A_363] : memref<5120xi32, #tpu.memory_space<vmem>> -> memref<128xi32, #tpu.memory_space<vmem>>
      %dma_wait3A_365 = arith.constant 0 : i32
      %dma_wait3A_366 = tpu.memref_slice %arg7[%dma_wait3A_365] : memref<10240xf32, #tpu.memory_space<vmem_shared>> -> memref<10240xf32, #tpu.memory_space<vmem_shared>>
      tpu.wait_indirect_dma semaphore(%arg9 : memref<!tpu.dma_semaphore, #tpu.memory_space<semaphore_mem>>) src(%arg5 : memref<128xf32, #tpu.memory_space<vmem>>) dst(%dma_wait3A_366 : memref<10240xf32, #tpu.memory_space<vmem_shared>>)
      %mul3A_367 = arith.constant 2 : i32
      %mul3A_368 = arith.muli %mul3A_367, %scan3A_349 : i32
      %add3A_369 = arith.constant 3 : i32
      %add3A_370 = arith.addi %mul3A_368, %add3A_369 : i32
      %mul3A_371 = arith.constant 128 : i32
      %mul3A_372 = arith.muli %add3A_370, %mul3A_371 : i32
      %dma_start3A_373 = tpu.memref_slice %arg4[%mul3A_372] : memref<5120xi32, #tpu.memory_space<vmem>> -> memref<128xi32, #tpu.memory_space<vmem>>
      %dma_start3A_374 = arith.constant 0 : i32
      %dma_start3A_375 = tpu.memref_slice %arg7[%dma_start3A_374] : memref<10240xf32, #tpu.memory_space<vmem_shared>> -> memref<10240xf32, #tpu.memory_space<vmem_shared>>
      tpu.enqueue_indirect_dma source(%arg5 : memref<128xf32, #tpu.memory_space<vmem>>) target(%dma_start3A_375 : memref<10240xf32, #tpu.memory_space<vmem_shared>>) offsets(%dma_start3A_373 : memref<128xi32, #tpu.memory_space<vmem>>) semaphore(%arg9 : memref<!tpu.dma_semaphore, #tpu.memory_space<semaphore_mem>>) {add = true}
    }
    %scan3A_323 = arith.constant 18 : i32
    %dma_wait3A_324 = arith.constant 0 : i32
    %dma_wait3A_325 = tpu.memref_slice %arg4[%dma_wait3A_324] : memref<5120xi32, #tpu.memory_space<vmem>> -> memref<128xi32, #tpu.memory_space<vmem>>
    %dma_wait3A_326 = arith.constant 0 : i32
    %dma_wait3A_327 = tpu.memref_slice %arg7[%dma_wait3A_326] : memref<10240xf32, #tpu.memory_space<vmem_shared>> -> memref<10240xf32, #tpu.memory_space<vmem_shared>>
    tpu.wait_indirect_dma semaphore(%arg8 : memref<!tpu.dma_semaphore, #tpu.memory_space<semaphore_mem>>) src(%arg5 : memref<128xf32, #tpu.memory_space<vmem>>) dst(%dma_wait3A_327 : memref<10240xf32, #tpu.memory_space<vmem_shared>>)
    %dma_start3A_328 = arith.constant 4864 : i32
    %dma_start3A_329 = tpu.memref_slice %arg4[%dma_start3A_328] : memref<5120xi32, #tpu.memory_space<vmem>> -> memref<128xi32, #tpu.memory_space<vmem>>
    %dma_start3A_330 = arith.constant 0 : i32
    %dma_start3A_331 = tpu.memref_slice %arg7[%dma_start3A_330] : memref<10240xf32, #tpu.memory_space<vmem_shared>> -> memref<10240xf32, #tpu.memory_space<vmem_shared>>
    tpu.enqueue_indirect_dma source(%arg5 : memref<128xf32, #tpu.memory_space<vmem>>) target(%dma_start3A_331 : memref<10240xf32, #tpu.memory_space<vmem_shared>>) offsets(%dma_start3A_329 : memref<128xi32, #tpu.memory_space<vmem>>) semaphore(%arg8 : memref<!tpu.dma_semaphore, #tpu.memory_space<semaphore_mem>>) {add = true}
    %eq3A_332 = arith.constant 0 : i32
    %eq3A_333 = arith.cmpi eq, %arg1, %eq3A_332 : i32
    %convert_element_type3A_334 = arith.extui %eq3A_333 : i1 to i32
    %cond3A_335 = arith.constant 0 : i32
    %cond3A_336 = arith.cmpi ne, %convert_element_type3A_334, %cond3A_335 : i32
    scf.if %cond3A_336 {
      %dma_wait3A_349 = arith.constant 0 : i32
      %dma_wait3A_350 = tpu.memref_slice %arg4[%dma_wait3A_349] : memref<5120xi32, #tpu.memory_space<vmem>> -> memref<128xi32, #tpu.memory_space<vmem>>
      %dma_wait3A_351 = arith.constant 0 : i32
      %dma_wait3A_352 = tpu.memref_slice %arg7[%dma_wait3A_351] : memref<10240xf32, #tpu.memory_space<vmem_shared>> -> memref<10240xf32, #tpu.memory_space<vmem_shared>>
      tpu.wait_indirect_dma semaphore(%arg9 : memref<!tpu.dma_semaphore, #tpu.memory_space<semaphore_mem>>) src(%arg5 : memref<128xf32, #tpu.memory_space<vmem>>) dst(%dma_wait3A_352 : memref<10240xf32, #tpu.memory_space<vmem_shared>>)
      %dma_start3A_353 = arith.constant 4992 : i32
      %dma_start3A_354 = tpu.memref_slice %arg4[%dma_start3A_353] : memref<5120xi32, #tpu.memory_space<vmem>> -> memref<128xi32, #tpu.memory_space<vmem>>
      %dma_start3A_355 = arith.constant 0 : i32
      %dma_start3A_356 = tpu.memref_slice %arg7[%dma_start3A_355] : memref<10240xf32, #tpu.memory_space<vmem_shared>> -> memref<10240xf32, #tpu.memory_space<vmem_shared>>
      tpu.enqueue_indirect_dma source(%arg5 : memref<128xf32, #tpu.memory_space<vmem>>) target(%dma_start3A_356 : memref<10240xf32, #tpu.memory_space<vmem_shared>>) offsets(%dma_start3A_354 : memref<128xi32, #tpu.memory_space<vmem>>) semaphore(%arg9 : memref<!tpu.dma_semaphore, #tpu.memory_space<semaphore_mem>>) {add = true}
      %dma_wait3A_357 = arith.constant 0 : i32
      %dma_wait3A_358 = tpu.memref_slice %arg4[%dma_wait3A_357] : memref<5120xi32, #tpu.memory_space<vmem>> -> memref<128xi32, #tpu.memory_space<vmem>>
      %dma_wait3A_359 = arith.constant 0 : i32
      %dma_wait3A_360 = tpu.memref_slice %arg7[%dma_wait3A_359] : memref<10240xf32, #tpu.memory_space<vmem_shared>> -> memref<10240xf32, #tpu.memory_space<vmem_shared>>
      tpu.wait_indirect_dma semaphore(%arg9 : memref<!tpu.dma_semaphore, #tpu.memory_space<semaphore_mem>>) src(%arg5 : memref<128xf32, #tpu.memory_space<vmem>>) dst(%dma_wait3A_360 : memref<10240xf32, #tpu.memory_space<vmem_shared>>)
    } else {
    }
    %ne3A = arith.constant 0 : i32
    %ne3A_337 = arith.cmpi ne, %arg1, %ne3A : i32
    %convert_element_type3A_338 = arith.extui %ne3A_337 : i1 to i32
    %cond3A_339 = arith.constant 0 : i32
    %cond3A_340 = arith.cmpi ne, %convert_element_type3A_338, %cond3A_339 : i32
    scf.if %cond3A_340 {
      %dma_wait3A_349 = arith.constant 0 : i32
      %dma_wait3A_350 = tpu.memref_slice %arg4[%dma_wait3A_349] : memref<5120xi32, #tpu.memory_space<vmem>> -> memref<128xi32, #tpu.memory_space<vmem>>
      %dma_wait3A_351 = arith.constant 0 : i32
      %dma_wait3A_352 = tpu.memref_slice %arg7[%dma_wait3A_351] : memref<10240xf32, #tpu.memory_space<vmem_shared>> -> memref<10240xf32, #tpu.memory_space<vmem_shared>>
      tpu.wait_indirect_dma semaphore(%arg9 : memref<!tpu.dma_semaphore, #tpu.memory_space<semaphore_mem>>) src(%arg5 : memref<128xf32, #tpu.memory_space<vmem>>) dst(%dma_wait3A_352 : memref<10240xf32, #tpu.memory_space<vmem_shared>>)
    } else {
    }
    %dma_wait3A_341 = arith.constant 0 : i32
    %dma_wait3A_342 = tpu.memref_slice %arg4[%dma_wait3A_341] : memref<5120xi32, #tpu.memory_space<vmem>> -> memref<128xi32, #tpu.memory_space<vmem>>
    %dma_wait3A_343 = arith.constant 0 : i32
    %dma_wait3A_344 = tpu.memref_slice %arg7[%dma_wait3A_343] : memref<10240xf32, #tpu.memory_space<vmem_shared>> -> memref<10240xf32, #tpu.memory_space<vmem_shared>>
    tpu.wait_indirect_dma semaphore(%arg8 : memref<!tpu.dma_semaphore, #tpu.memory_space<semaphore_mem>>) src(%arg5 : memref<128xf32, #tpu.memory_space<vmem>>) dst(%dma_wait3A_344 : memref<10240xf32, #tpu.memory_space<vmem_shared>>)
    %barrier3A_345 = arith.constant 0 : index
    tpu.barrier barrier_id(%barrier3A_345)
    %mul3A_346 = arith.constant 10240 : i32
    %mul3A_347 = arith.muli %arg0, %mul3A_346 : i32
    %add3A_348 = arith.addi %mul3A_347, %mul3A_6 : i32
    "tpu.region"() ({
      %run_scoped3A = tpu.sem_alloc : memref<!tpu.dma_semaphore, #tpu.memory_space<semaphore_mem>>
      %dma_start3A_349 = tpu.memref_slice %arg3[%add3A_348] : memref<20480xf32, #tpu.memory_space<hbm>> -> memref<640xf32, #tpu.memory_space<hbm>>
      %dma_start3A_350 = tpu.memref_slice %arg7[%mul3A_6] : memref<10240xf32, #tpu.memory_space<vmem_shared>> -> memref<640xf32, #tpu.memory_space<vmem_shared>>
      tpu.enqueue_dma source(%dma_start3A_350 : memref<640xf32, #tpu.memory_space<vmem_shared>>) target(%dma_start3A_349 : memref<640xf32, #tpu.memory_space<hbm>>) target_semaphore(%run_scoped3A : memref<!tpu.dma_semaphore, #tpu.memory_space<semaphore_mem>>)
      %dma_wait3A_351 = tpu.memref_slice %arg3[%add3A_348] : memref<20480xf32, #tpu.memory_space<hbm>> -> memref<640xf32, #tpu.memory_space<hbm>>
      %dma_wait3A_352 = tpu.memref_slice %arg7[%mul3A_6] : memref<10240xf32, #tpu.memory_space<vmem_shared>> -> memref<640xf32, #tpu.memory_space<vmem_shared>>
      tpu.wait_dma2 semaphore(%run_scoped3A : memref<!tpu.dma_semaphore, #tpu.memory_space<semaphore_mem>>) src(%dma_wait3A_352 : memref<640xf32, #tpu.memory_space<vmem_shared>>) dst(%dma_wait3A_351 : memref<640xf32, #tpu.memory_space<hbm>>)
      tpu.yield
    }) : () -> ()
    return
  }
}

#map = affine_map<(d0, d1) -> (0, 0)>
module attributes {stable_mosaic.version = 14 : i64} {
  func.func @_scatter_kernel(%arg0: i32, %arg1: i32, %arg2: memref<10000x128xf32, #tpu.memory_space<hbm>>, %arg3: memref<2x160000xi32, #tpu.memory_space<hbm>>, %arg4: memref<20000x128xf32, #tpu.memory_space<hbm>>, %arg5: memref<5024xi32, #tpu.memory_space<vmem>>, %arg6: memref<5024xi32, #tpu.memory_space<vmem>>, %arg7: memref<32x128xf32, #tpu.memory_space<vmem>>, %arg8: memref<32x128xf32, #tpu.memory_space<vmem>>, %arg9: memref<32x128xf32, #tpu.memory_space<vmem>>, %arg10: memref<32x128xf32, #tpu.memory_space<vmem>>, %arg11: memref<32x128xf32, #tpu.memory_space<vmem>>, %arg12: memref<32x128xf32, #tpu.memory_space<vmem>>, %arg13: memref<32x128xf32, #tpu.memory_space<vmem>>, %arg14: memref<32x128xf32, #tpu.memory_space<vmem>>, %arg15: memref<10000x128xf32, #tpu.memory_space<vmem_shared>>, %arg16: memref<!tpu.dma_semaphore, #tpu.memory_space<semaphore_mem>>, %arg17: memref<!tpu.dma_semaphore, #tpu.memory_space<semaphore_mem>>, %arg18: memref<!tpu.dma_semaphore, #tpu.memory_space<semaphore_mem>>, %arg19: memref<!tpu.dma_semaphore, #tpu.memory_space<semaphore_mem>>, %arg20: memref<!tpu.dma_semaphore, #tpu.memory_space<semaphore_mem>>, %arg21: memref<!tpu.dma_semaphore, #tpu.memory_space<semaphore_mem>>, %arg22: memref<!tpu.dma_semaphore, #tpu.memory_space<semaphore_mem>>, %arg23: memref<!tpu.dma_semaphore, #tpu.memory_space<semaphore_mem>>, %arg24: memref<!tpu.dma_semaphore, #tpu.memory_space<semaphore_mem>>, %arg25: memref<!tpu.dma_semaphore, #tpu.memory_space<semaphore_mem>>, %arg26: memref<!tpu.dma_semaphore, #tpu.memory_space<semaphore_mem>>, %arg27: memref<!tpu.dma_semaphore, #tpu.memory_space<semaphore_mem>>, %arg28: memref<!tpu.dma_semaphore, #tpu.memory_space<semaphore_mem>>, %arg29: memref<!tpu.dma_semaphore, #tpu.memory_space<semaphore_mem>>, %arg30: memref<!tpu.dma_semaphore, #tpu.memory_space<semaphore_mem>>, %arg31: memref<!tpu.dma_semaphore, #tpu.memory_space<semaphore_mem>>) attributes {dimension_semantics = [#tpu.dimension_semantics<core_parallel>, #tpu.dimension_semantics<subcore_parallel>], iteration_bounds = array<i64: 2, 16>, scalar_prefetch = 0 : i64, scratch_operands = 27 : i64, tpu.core_type = #tpu.core_type<sc_vector_subcore>, window_params = [{transform_indices = #map}, {transform_indices = #map}, {transform_indices = #map}]} {
    %mul3A = arith.constant 2500 : i32
    %mul3A_0 = arith.muli %arg0, %mul3A : i32
    %mul3A_1 = arith.constant 156 : i32
    %mul3A_2 = arith.muli %arg1, %mul3A_1 : i32
    %add3A = arith.addi %mul3A_0, %mul3A_2 : i32
    %mul3A_3 = arith.constant 32 : i32
    %mul3A_4 = arith.muli %add3A, %mul3A_3 : i32
    %mul3A_5 = arith.constant 624 : i32
    %mul3A_6 = arith.muli %arg1, %mul3A_5 : i32
    %dma_start3A = arith.constant 0 : i32
    %dma_start3A_7 = arith.constant 0 : i32
    %dma_start3A_8 = tpu.memref_slice %arg5[%dma_start3A_7] : memref<5024xi32, #tpu.memory_space<vmem>> -> memref<4992xi32, #tpu.memory_space<vmem>>
    %dma_start3A_9 = tpu.memref_slice %arg3[%dma_start3A, %mul3A_4] : memref<2x160000xi32, #tpu.memory_space<hbm>> -> memref<1x4992xi32, #tpu.memory_space<hbm>>
    %dma_start3A_10 = tpu.memref_squeeze %dma_start3A_9 : memref<1x4992xi32, #tpu.memory_space<hbm>> -> memref<4992xi32, #tpu.memory_space<hbm>>
    %dma_start3A_11 = arith.constant 0 : i32
    %dma_start3A_12 = tpu.memref_slice %arg5[%dma_start3A_11] : memref<5024xi32, #tpu.memory_space<vmem>> -> memref<4992xi32, #tpu.memory_space<vmem>>
    %dma_start3A_13 = tpu.memref_slice %arg3[%dma_start3A, %mul3A_4] : memref<2x160000xi32, #tpu.memory_space<hbm>> -> memref<1x4992xi32, #tpu.memory_space<hbm>>
    %dma_start3A_14 = tpu.memref_squeeze %dma_start3A_13 : memref<1x4992xi32, #tpu.memory_space<hbm>> -> memref<4992xi32, #tpu.memory_space<hbm>>
    tpu.enqueue_dma source(%dma_start3A_14 : memref<4992xi32, #tpu.memory_space<hbm>>) target(%dma_start3A_12 : memref<4992xi32, #tpu.memory_space<vmem>>) target_semaphore(%arg16 : memref<!tpu.dma_semaphore, #tpu.memory_space<semaphore_mem>>)
    %dma_start3A_15 = arith.constant 1 : i32
    %dma_start3A_16 = arith.constant 0 : i32
    %dma_start3A_17 = tpu.memref_slice %arg6[%dma_start3A_16] : memref<5024xi32, #tpu.memory_space<vmem>> -> memref<4992xi32, #tpu.memory_space<vmem>>
    %dma_start3A_18 = tpu.memref_slice %arg3[%dma_start3A_15, %mul3A_4] : memref<2x160000xi32, #tpu.memory_space<hbm>> -> memref<1x4992xi32, #tpu.memory_space<hbm>>
    %dma_start3A_19 = tpu.memref_squeeze %dma_start3A_18 : memref<1x4992xi32, #tpu.memory_space<hbm>> -> memref<4992xi32, #tpu.memory_space<hbm>>
    %dma_start3A_20 = arith.constant 0 : i32
    %dma_start3A_21 = tpu.memref_slice %arg6[%dma_start3A_20] : memref<5024xi32, #tpu.memory_space<vmem>> -> memref<4992xi32, #tpu.memory_space<vmem>>
    %dma_start3A_22 = tpu.memref_slice %arg3[%dma_start3A_15, %mul3A_4] : memref<2x160000xi32, #tpu.memory_space<hbm>> -> memref<1x4992xi32, #tpu.memory_space<hbm>>
    %dma_start3A_23 = tpu.memref_squeeze %dma_start3A_22 : memref<1x4992xi32, #tpu.memory_space<hbm>> -> memref<4992xi32, #tpu.memory_space<hbm>>
    tpu.enqueue_dma source(%dma_start3A_23 : memref<4992xi32, #tpu.memory_space<hbm>>) target(%dma_start3A_21 : memref<4992xi32, #tpu.memory_space<vmem>>) target_semaphore(%arg17 : memref<!tpu.dma_semaphore, #tpu.memory_space<semaphore_mem>>)
    %dma_wait3A = arith.constant 0 : i32
    %dma_wait3A_24 = arith.constant 0 : i32
    %dma_wait3A_25 = tpu.memref_slice %arg5[%dma_wait3A_24] : memref<5024xi32, #tpu.memory_space<vmem>> -> memref<4992xi32, #tpu.memory_space<vmem>>
    %dma_wait3A_26 = tpu.memref_slice %arg3[%dma_wait3A, %mul3A_4] : memref<2x160000xi32, #tpu.memory_space<hbm>> -> memref<1x4992xi32, #tpu.memory_space<hbm>>
    %dma_wait3A_27 = tpu.memref_squeeze %dma_wait3A_26 : memref<1x4992xi32, #tpu.memory_space<hbm>> -> memref<4992xi32, #tpu.memory_space<hbm>>
    %dma_wait3A_28 = arith.constant 0 : i32
    %dma_wait3A_29 = tpu.memref_slice %arg5[%dma_wait3A_28] : memref<5024xi32, #tpu.memory_space<vmem>> -> memref<4992xi32, #tpu.memory_space<vmem>>
    %dma_wait3A_30 = tpu.memref_slice %arg3[%dma_wait3A, %mul3A_4] : memref<2x160000xi32, #tpu.memory_space<hbm>> -> memref<1x4992xi32, #tpu.memory_space<hbm>>
    %dma_wait3A_31 = tpu.memref_squeeze %dma_wait3A_30 : memref<1x4992xi32, #tpu.memory_space<hbm>> -> memref<4992xi32, #tpu.memory_space<hbm>>
    tpu.wait_dma2 semaphore(%arg16 : memref<!tpu.dma_semaphore, #tpu.memory_space<semaphore_mem>>) src(%dma_wait3A_31 : memref<4992xi32, #tpu.memory_space<hbm>>) dst(%dma_wait3A_29 : memref<4992xi32, #tpu.memory_space<vmem>>)
    %dma_wait3A_32 = arith.constant 1 : i32
    %dma_wait3A_33 = arith.constant 0 : i32
    %dma_wait3A_34 = tpu.memref_slice %arg6[%dma_wait3A_33] : memref<5024xi32, #tpu.memory_space<vmem>> -> memref<4992xi32, #tpu.memory_space<vmem>>
    %dma_wait3A_35 = tpu.memref_slice %arg3[%dma_wait3A_32, %mul3A_4] : memref<2x160000xi32, #tpu.memory_space<hbm>> -> memref<1x4992xi32, #tpu.memory_space<hbm>>
    %dma_wait3A_36 = tpu.memref_squeeze %dma_wait3A_35 : memref<1x4992xi32, #tpu.memory_space<hbm>> -> memref<4992xi32, #tpu.memory_space<hbm>>
    %dma_wait3A_37 = arith.constant 0 : i32
    %dma_wait3A_38 = tpu.memref_slice %arg6[%dma_wait3A_37] : memref<5024xi32, #tpu.memory_space<vmem>> -> memref<4992xi32, #tpu.memory_space<vmem>>
    %dma_wait3A_39 = tpu.memref_slice %arg3[%dma_wait3A_32, %mul3A_4] : memref<2x160000xi32, #tpu.memory_space<hbm>> -> memref<1x4992xi32, #tpu.memory_space<hbm>>
    %dma_wait3A_40 = tpu.memref_squeeze %dma_wait3A_39 : memref<1x4992xi32, #tpu.memory_space<hbm>> -> memref<4992xi32, #tpu.memory_space<hbm>>
    tpu.wait_dma2 semaphore(%arg17 : memref<!tpu.dma_semaphore, #tpu.memory_space<semaphore_mem>>) src(%dma_wait3A_40 : memref<4992xi32, #tpu.memory_space<hbm>>) dst(%dma_wait3A_38 : memref<4992xi32, #tpu.memory_space<vmem>>)
    %lt3A = arith.constant 4 : i32
    %lt3A_41 = arith.cmpi slt, %arg1, %lt3A : i32
    %convert_element_type3A = arith.extui %lt3A_41 : i1 to i32
    %cond3A = arith.constant 0 : i32
    %cond3A_42 = arith.cmpi ne, %convert_element_type3A, %cond3A : i32
    scf.if %cond3A_42 {
      %mul3A_232 = arith.constant 2500 : i32
      %mul3A_233 = arith.muli %arg0, %mul3A_232 : i32
      %add3A_234 = arith.constant 2496 : i32
      %add3A_235 = arith.addi %mul3A_233, %add3A_234 : i32
      %add3A_236 = arith.addi %add3A_235, %arg1 : i32
      %mul3A_237 = arith.constant 32 : i32
      %mul3A_238 = arith.muli %add3A_236, %mul3A_237 : i32
      %run_scoped3A = arith.constant 0 : i32
      "tpu.region"() ({
        %run_scoped3A_240 = tpu.sem_alloc : memref<!tpu.dma_semaphore, #tpu.memory_space<semaphore_mem>>
        %dma_start3A_241 = arith.constant 4992 : i32
        %dma_start3A_242 = tpu.memref_slice %arg5[%dma_start3A_241] : memref<5024xi32, #tpu.memory_space<vmem>> -> memref<32xi32, #tpu.memory_space<vmem>>
        %dma_start3A_243 = tpu.memref_slice %arg3[%run_scoped3A, %mul3A_238] : memref<2x160000xi32, #tpu.memory_space<hbm>> -> memref<1x32xi32, #tpu.memory_space<hbm>>
        %dma_start3A_244 = tpu.memref_squeeze %dma_start3A_243 : memref<1x32xi32, #tpu.memory_space<hbm>> -> memref<32xi32, #tpu.memory_space<hbm>>
        %dma_start3A_245 = arith.constant 4992 : i32
        %dma_start3A_246 = tpu.memref_slice %arg5[%dma_start3A_245] : memref<5024xi32, #tpu.memory_space<vmem>> -> memref<32xi32, #tpu.memory_space<vmem>>
        %dma_start3A_247 = tpu.memref_slice %arg3[%run_scoped3A, %mul3A_238] : memref<2x160000xi32, #tpu.memory_space<hbm>> -> memref<1x32xi32, #tpu.memory_space<hbm>>
        %dma_start3A_248 = tpu.memref_squeeze %dma_start3A_247 : memref<1x32xi32, #tpu.memory_space<hbm>> -> memref<32xi32, #tpu.memory_space<hbm>>
        tpu.enqueue_dma source(%dma_start3A_248 : memref<32xi32, #tpu.memory_space<hbm>>) target(%dma_start3A_246 : memref<32xi32, #tpu.memory_space<vmem>>) target_semaphore(%run_scoped3A_240 : memref<!tpu.dma_semaphore, #tpu.memory_space<semaphore_mem>>)
        %dma_wait3A_249 = arith.constant 4992 : i32
        %dma_wait3A_250 = tpu.memref_slice %arg5[%dma_wait3A_249] : memref<5024xi32, #tpu.memory_space<vmem>> -> memref<32xi32, #tpu.memory_space<vmem>>
        %dma_wait3A_251 = tpu.memref_slice %arg3[%run_scoped3A, %mul3A_238] : memref<2x160000xi32, #tpu.memory_space<hbm>> -> memref<1x32xi32, #tpu.memory_space<hbm>>
        %dma_wait3A_252 = tpu.memref_squeeze %dma_wait3A_251 : memref<1x32xi32, #tpu.memory_space<hbm>> -> memref<32xi32, #tpu.memory_space<hbm>>
        %dma_wait3A_253 = arith.constant 4992 : i32
        %dma_wait3A_254 = tpu.memref_slice %arg5[%dma_wait3A_253] : memref<5024xi32, #tpu.memory_space<vmem>> -> memref<32xi32, #tpu.memory_space<vmem>>
        %dma_wait3A_255 = tpu.memref_slice %arg3[%run_scoped3A, %mul3A_238] : memref<2x160000xi32, #tpu.memory_space<hbm>> -> memref<1x32xi32, #tpu.memory_space<hbm>>
        %dma_wait3A_256 = tpu.memref_squeeze %dma_wait3A_255 : memref<1x32xi32, #tpu.memory_space<hbm>> -> memref<32xi32, #tpu.memory_space<hbm>>
        tpu.wait_dma2 semaphore(%run_scoped3A_240 : memref<!tpu.dma_semaphore, #tpu.memory_space<semaphore_mem>>) src(%dma_wait3A_256 : memref<32xi32, #tpu.memory_space<hbm>>) dst(%dma_wait3A_254 : memref<32xi32, #tpu.memory_space<vmem>>)
        tpu.yield
      }) : () -> ()
      %run_scoped3A_239 = arith.constant 1 : i32
      "tpu.region"() ({
        %run_scoped3A_240 = tpu.sem_alloc : memref<!tpu.dma_semaphore, #tpu.memory_space<semaphore_mem>>
        %dma_start3A_241 = arith.constant 4992 : i32
        %dma_start3A_242 = tpu.memref_slice %arg6[%dma_start3A_241] : memref<5024xi32, #tpu.memory_space<vmem>> -> memref<32xi32, #tpu.memory_space<vmem>>
        %dma_start3A_243 = tpu.memref_slice %arg3[%run_scoped3A_239, %mul3A_238] : memref<2x160000xi32, #tpu.memory_space<hbm>> -> memref<1x32xi32, #tpu.memory_space<hbm>>
        %dma_start3A_244 = tpu.memref_squeeze %dma_start3A_243 : memref<1x32xi32, #tpu.memory_space<hbm>> -> memref<32xi32, #tpu.memory_space<hbm>>
        %dma_start3A_245 = arith.constant 4992 : i32
        %dma_start3A_246 = tpu.memref_slice %arg6[%dma_start3A_245] : memref<5024xi32, #tpu.memory_space<vmem>> -> memref<32xi32, #tpu.memory_space<vmem>>
        %dma_start3A_247 = tpu.memref_slice %arg3[%run_scoped3A_239, %mul3A_238] : memref<2x160000xi32, #tpu.memory_space<hbm>> -> memref<1x32xi32, #tpu.memory_space<hbm>>
        %dma_start3A_248 = tpu.memref_squeeze %dma_start3A_247 : memref<1x32xi32, #tpu.memory_space<hbm>> -> memref<32xi32, #tpu.memory_space<hbm>>
        tpu.enqueue_dma source(%dma_start3A_248 : memref<32xi32, #tpu.memory_space<hbm>>) target(%dma_start3A_246 : memref<32xi32, #tpu.memory_space<vmem>>) target_semaphore(%run_scoped3A_240 : memref<!tpu.dma_semaphore, #tpu.memory_space<semaphore_mem>>)
        %dma_wait3A_249 = arith.constant 4992 : i32
        %dma_wait3A_250 = tpu.memref_slice %arg6[%dma_wait3A_249] : memref<5024xi32, #tpu.memory_space<vmem>> -> memref<32xi32, #tpu.memory_space<vmem>>
        %dma_wait3A_251 = tpu.memref_slice %arg3[%run_scoped3A_239, %mul3A_238] : memref<2x160000xi32, #tpu.memory_space<hbm>> -> memref<1x32xi32, #tpu.memory_space<hbm>>
        %dma_wait3A_252 = tpu.memref_squeeze %dma_wait3A_251 : memref<1x32xi32, #tpu.memory_space<hbm>> -> memref<32xi32, #tpu.memory_space<hbm>>
        %dma_wait3A_253 = arith.constant 4992 : i32
        %dma_wait3A_254 = tpu.memref_slice %arg6[%dma_wait3A_253] : memref<5024xi32, #tpu.memory_space<vmem>> -> memref<32xi32, #tpu.memory_space<vmem>>
        %dma_wait3A_255 = tpu.memref_slice %arg3[%run_scoped3A_239, %mul3A_238] : memref<2x160000xi32, #tpu.memory_space<hbm>> -> memref<1x32xi32, #tpu.memory_space<hbm>>
        %dma_wait3A_256 = tpu.memref_squeeze %dma_wait3A_255 : memref<1x32xi32, #tpu.memory_space<hbm>> -> memref<32xi32, #tpu.memory_space<hbm>>
        tpu.wait_dma2 semaphore(%run_scoped3A_240 : memref<!tpu.dma_semaphore, #tpu.memory_space<semaphore_mem>>) src(%dma_wait3A_256 : memref<32xi32, #tpu.memory_space<hbm>>) dst(%dma_wait3A_254 : memref<32xi32, #tpu.memory_space<vmem>>)
        tpu.yield
      }) : () -> ()
    } else {
    }
    %dma_start3A_43 = arith.constant 0 : i32
    %dma_start3A_44 = tpu.memref_slice %arg5[%dma_start3A_43] : memref<5024xi32, #tpu.memory_space<vmem>> -> memref<32xi32, #tpu.memory_space<vmem>>
    %dma_start3A_45 = arith.constant 0 : i32
    %dma_start3A_46 = arith.constant 0 : i32
    %dma_start3A_47 = tpu.memref_slice %arg2[%dma_start3A_45, %dma_start3A_46] : memref<10000x128xf32, #tpu.memory_space<hbm>> -> memref<10000x128xf32, #tpu.memory_space<hbm>>
    tpu.enqueue_indirect_dma source(%dma_start3A_47 : memref<10000x128xf32, #tpu.memory_space<hbm>>) target(%arg7 : memref<32x128xf32, #tpu.memory_space<vmem>>) offsets(%dma_start3A_44 : memref<32xi32, #tpu.memory_space<vmem>>) semaphore(%arg16 : memref<!tpu.dma_semaphore, #tpu.memory_space<semaphore_mem>>)
    %dma_start3A_48 = arith.constant 32 : i32
    %dma_start3A_49 = tpu.memref_slice %arg5[%dma_start3A_48] : memref<5024xi32, #tpu.memory_space<vmem>> -> memref<32xi32, #tpu.memory_space<vmem>>
    %dma_start3A_50 = arith.constant 0 : i32
    %dma_start3A_51 = arith.constant 0 : i32
    %dma_start3A_52 = tpu.memref_slice %arg2[%dma_start3A_50, %dma_start3A_51] : memref<10000x128xf32, #tpu.memory_space<hbm>> -> memref<10000x128xf32, #tpu.memory_space<hbm>>
    tpu.enqueue_indirect_dma source(%dma_start3A_52 : memref<10000x128xf32, #tpu.memory_space<hbm>>) target(%arg8 : memref<32x128xf32, #tpu.memory_space<vmem>>) offsets(%dma_start3A_49 : memref<32xi32, #tpu.memory_space<vmem>>) semaphore(%arg17 : memref<!tpu.dma_semaphore, #tpu.memory_space<semaphore_mem>>)
    %dma_start3A_53 = arith.constant 64 : i32
    %dma_start3A_54 = tpu.memref_slice %arg5[%dma_start3A_53] : memref<5024xi32, #tpu.memory_space<vmem>> -> memref<32xi32, #tpu.memory_space<vmem>>
    %dma_start3A_55 = arith.constant 0 : i32
    %dma_start3A_56 = arith.constant 0 : i32
    %dma_start3A_57 = tpu.memref_slice %arg2[%dma_start3A_55, %dma_start3A_56] : memref<10000x128xf32, #tpu.memory_space<hbm>> -> memref<10000x128xf32, #tpu.memory_space<hbm>>
    tpu.enqueue_indirect_dma source(%dma_start3A_57 : memref<10000x128xf32, #tpu.memory_space<hbm>>) target(%arg9 : memref<32x128xf32, #tpu.memory_space<vmem>>) offsets(%dma_start3A_54 : memref<32xi32, #tpu.memory_space<vmem>>) semaphore(%arg18 : memref<!tpu.dma_semaphore, #tpu.memory_space<semaphore_mem>>)
    %dma_start3A_58 = arith.constant 96 : i32
    %dma_start3A_59 = tpu.memref_slice %arg5[%dma_start3A_58] : memref<5024xi32, #tpu.memory_space<vmem>> -> memref<32xi32, #tpu.memory_space<vmem>>
    %dma_start3A_60 = arith.constant 0 : i32
    %dma_start3A_61 = arith.constant 0 : i32
    %dma_start3A_62 = tpu.memref_slice %arg2[%dma_start3A_60, %dma_start3A_61] : memref<10000x128xf32, #tpu.memory_space<hbm>> -> memref<10000x128xf32, #tpu.memory_space<hbm>>
    tpu.enqueue_indirect_dma source(%dma_start3A_62 : memref<10000x128xf32, #tpu.memory_space<hbm>>) target(%arg10 : memref<32x128xf32, #tpu.memory_space<vmem>>) offsets(%dma_start3A_59 : memref<32xi32, #tpu.memory_space<vmem>>) semaphore(%arg19 : memref<!tpu.dma_semaphore, #tpu.memory_space<semaphore_mem>>)
    %dma_start3A_63 = arith.constant 128 : i32
    %dma_start3A_64 = tpu.memref_slice %arg5[%dma_start3A_63] : memref<5024xi32, #tpu.memory_space<vmem>> -> memref<32xi32, #tpu.memory_space<vmem>>
    %dma_start3A_65 = arith.constant 0 : i32
    %dma_start3A_66 = arith.constant 0 : i32
    %dma_start3A_67 = tpu.memref_slice %arg2[%dma_start3A_65, %dma_start3A_66] : memref<10000x128xf32, #tpu.memory_space<hbm>> -> memref<10000x128xf32, #tpu.memory_space<hbm>>
    tpu.enqueue_indirect_dma source(%dma_start3A_67 : memref<10000x128xf32, #tpu.memory_space<hbm>>) target(%arg11 : memref<32x128xf32, #tpu.memory_space<vmem>>) offsets(%dma_start3A_64 : memref<32xi32, #tpu.memory_space<vmem>>) semaphore(%arg20 : memref<!tpu.dma_semaphore, #tpu.memory_space<semaphore_mem>>)
    %dma_start3A_68 = arith.constant 160 : i32
    %dma_start3A_69 = tpu.memref_slice %arg5[%dma_start3A_68] : memref<5024xi32, #tpu.memory_space<vmem>> -> memref<32xi32, #tpu.memory_space<vmem>>
    %dma_start3A_70 = arith.constant 0 : i32
    %dma_start3A_71 = arith.constant 0 : i32
    %dma_start3A_72 = tpu.memref_slice %arg2[%dma_start3A_70, %dma_start3A_71] : memref<10000x128xf32, #tpu.memory_space<hbm>> -> memref<10000x128xf32, #tpu.memory_space<hbm>>
    tpu.enqueue_indirect_dma source(%dma_start3A_72 : memref<10000x128xf32, #tpu.memory_space<hbm>>) target(%arg12 : memref<32x128xf32, #tpu.memory_space<vmem>>) offsets(%dma_start3A_69 : memref<32xi32, #tpu.memory_space<vmem>>) semaphore(%arg21 : memref<!tpu.dma_semaphore, #tpu.memory_space<semaphore_mem>>)
    %dma_start3A_73 = arith.constant 192 : i32
    %dma_start3A_74 = tpu.memref_slice %arg5[%dma_start3A_73] : memref<5024xi32, #tpu.memory_space<vmem>> -> memref<32xi32, #tpu.memory_space<vmem>>
    %dma_start3A_75 = arith.constant 0 : i32
    %dma_start3A_76 = arith.constant 0 : i32
    %dma_start3A_77 = tpu.memref_slice %arg2[%dma_start3A_75, %dma_start3A_76] : memref<10000x128xf32, #tpu.memory_space<hbm>> -> memref<10000x128xf32, #tpu.memory_space<hbm>>
    tpu.enqueue_indirect_dma source(%dma_start3A_77 : memref<10000x128xf32, #tpu.memory_space<hbm>>) target(%arg13 : memref<32x128xf32, #tpu.memory_space<vmem>>) offsets(%dma_start3A_74 : memref<32xi32, #tpu.memory_space<vmem>>) semaphore(%arg22 : memref<!tpu.dma_semaphore, #tpu.memory_space<semaphore_mem>>)
    %dma_start3A_78 = arith.constant 224 : i32
    %dma_start3A_79 = tpu.memref_slice %arg5[%dma_start3A_78] : memref<5024xi32, #tpu.memory_space<vmem>> -> memref<32xi32, #tpu.memory_space<vmem>>
    %dma_start3A_80 = arith.constant 0 : i32
    %dma_start3A_81 = arith.constant 0 : i32
    %dma_start3A_82 = tpu.memref_slice %arg2[%dma_start3A_80, %dma_start3A_81] : memref<10000x128xf32, #tpu.memory_space<hbm>> -> memref<10000x128xf32, #tpu.memory_space<hbm>>
    tpu.enqueue_indirect_dma source(%dma_start3A_82 : memref<10000x128xf32, #tpu.memory_space<hbm>>) target(%arg14 : memref<32x128xf32, #tpu.memory_space<vmem>>) offsets(%dma_start3A_79 : memref<32xi32, #tpu.memory_space<vmem>>) semaphore(%arg23 : memref<!tpu.dma_semaphore, #tpu.memory_space<semaphore_mem>>)
    %lt3A_83 = arith.constant 15 : i32
    %lt3A_84 = arith.cmpi slt, %arg1, %lt3A_83 : i32
    %convert_element_type3A_85 = arith.extui %lt3A_84 : i1 to i32
    %cond3A_86 = arith.constant 0 : i32
    %cond3A_87 = arith.cmpi ne, %convert_element_type3A_85, %cond3A_86 : i32
    scf.if %cond3A_87 {
      "tpu.region"() ({
        %run_scoped3A = tpu.sem_alloc : memref<!tpu.dma_semaphore, #tpu.memory_space<semaphore_mem>>
        %dma_start3A_232 = arith.constant 0 : i32
        %dma_start3A_233 = tpu.memref_slice %arg15[%mul3A_6, %dma_start3A_232] : memref<10000x128xf32, #tpu.memory_space<vmem_shared>> -> memref<624x128xf32, #tpu.memory_space<vmem_shared>>
        %dma_start3A_234 = arith.constant 0 : i32
        %dma_start3A_235 = tpu.memref_slice %arg2[%mul3A_6, %dma_start3A_234] : memref<10000x128xf32, #tpu.memory_space<hbm>> -> memref<624x128xf32, #tpu.memory_space<hbm>>
        tpu.enqueue_dma source(%dma_start3A_235 : memref<624x128xf32, #tpu.memory_space<hbm>>) target(%dma_start3A_233 : memref<624x128xf32, #tpu.memory_space<vmem_shared>>) target_semaphore(%run_scoped3A : memref<!tpu.dma_semaphore, #tpu.memory_space<semaphore_mem>>)
        %dma_wait3A_236 = arith.constant 0 : i32
        %dma_wait3A_237 = tpu.memref_slice %arg15[%mul3A_6, %dma_wait3A_236] : memref<10000x128xf32, #tpu.memory_space<vmem_shared>> -> memref<624x128xf32, #tpu.memory_space<vmem_shared>>
        %dma_wait3A_238 = arith.constant 0 : i32
        %dma_wait3A_239 = tpu.memref_slice %arg2[%mul3A_6, %dma_wait3A_238] : memref<10000x128xf32, #tpu.memory_space<hbm>> -> memref<624x128xf32, #tpu.memory_space<hbm>>
        tpu.wait_dma2 semaphore(%run_scoped3A : memref<!tpu.dma_semaphore, #tpu.memory_space<semaphore_mem>>) src(%dma_wait3A_239 : memref<624x128xf32, #tpu.memory_space<hbm>>) dst(%dma_wait3A_237 : memref<624x128xf32, #tpu.memory_space<vmem_shared>>)
        tpu.yield
      }) : () -> ()
    } else {
    }
    %eq3A = arith.constant 15 : i32
    %eq3A_88 = arith.cmpi eq, %arg1, %eq3A : i32
    %convert_element_type3A_89 = arith.extui %eq3A_88 : i1 to i32
    %cond3A_90 = arith.constant 0 : i32
    %cond3A_91 = arith.cmpi ne, %convert_element_type3A_89, %cond3A_90 : i32
    scf.if %cond3A_91 {
      "tpu.region"() ({
        %run_scoped3A = tpu.sem_alloc : memref<!tpu.dma_semaphore, #tpu.memory_space<semaphore_mem>>
        %dma_start3A_232 = arith.constant 0 : i32
        %dma_start3A_233 = tpu.memref_slice %arg15[%mul3A_6, %dma_start3A_232] : memref<10000x128xf32, #tpu.memory_space<vmem_shared>> -> memref<640x128xf32, #tpu.memory_space<vmem_shared>>
        %dma_start3A_234 = arith.constant 0 : i32
        %dma_start3A_235 = tpu.memref_slice %arg2[%mul3A_6, %dma_start3A_234] : memref<10000x128xf32, #tpu.memory_space<hbm>> -> memref<640x128xf32, #tpu.memory_space<hbm>>
        tpu.enqueue_dma source(%dma_start3A_235 : memref<640x128xf32, #tpu.memory_space<hbm>>) target(%dma_start3A_233 : memref<640x128xf32, #tpu.memory_space<vmem_shared>>) target_semaphore(%run_scoped3A : memref<!tpu.dma_semaphore, #tpu.memory_space<semaphore_mem>>)
        %dma_wait3A_236 = arith.constant 0 : i32
        %dma_wait3A_237 = tpu.memref_slice %arg15[%mul3A_6, %dma_wait3A_236] : memref<10000x128xf32, #tpu.memory_space<vmem_shared>> -> memref<640x128xf32, #tpu.memory_space<vmem_shared>>
        %dma_wait3A_238 = arith.constant 0 : i32
        %dma_wait3A_239 = tpu.memref_slice %arg2[%mul3A_6, %dma_wait3A_238] : memref<10000x128xf32, #tpu.memory_space<hbm>> -> memref<640x128xf32, #tpu.memory_space<hbm>>
        tpu.wait_dma2 semaphore(%run_scoped3A : memref<!tpu.dma_semaphore, #tpu.memory_space<semaphore_mem>>) src(%dma_wait3A_239 : memref<640x128xf32, #tpu.memory_space<hbm>>) dst(%dma_wait3A_237 : memref<640x128xf32, #tpu.memory_space<vmem_shared>>)
        tpu.yield
      }) : () -> ()
    } else {
    }
    %barrier3A = arith.constant 0 : index
    tpu.barrier barrier_id(%barrier3A)
    %scan3A = arith.constant 0 : i32
    %scan3A_92 = arith.constant 0 : i32
    %scan3A_93 = arith.constant 19 : i32
    %scan3A_94 = arith.addi %scan3A_92, %scan3A_93 : i32
    %scan3A_95 = arith.constant 1 : i32
    scf.for %scan3A_232 = %scan3A_92 to %scan3A_94 step %scan3A_95  : i32 {
      %mul3A_233 = arith.constant 8 : i32
      %mul3A_234 = arith.muli %mul3A_233, %scan3A_232 : i32
      %dma_wait3A_235 = arith.constant 0 : i32
      %dma_wait3A_236 = tpu.memref_slice %arg5[%dma_wait3A_235] : memref<5024xi32, #tpu.memory_space<vmem>> -> memref<32xi32, #tpu.memory_space<vmem>>
      %dma_wait3A_237 = arith.constant 0 : i32
      %dma_wait3A_238 = arith.constant 0 : i32
      %dma_wait3A_239 = tpu.memref_slice %arg2[%dma_wait3A_237, %dma_wait3A_238] : memref<10000x128xf32, #tpu.memory_space<hbm>> -> memref<10000x128xf32, #tpu.memory_space<hbm>>
      tpu.wait_indirect_dma semaphore(%arg16 : memref<!tpu.dma_semaphore, #tpu.memory_space<semaphore_mem>>) src(%dma_wait3A_239 : memref<10000x128xf32, #tpu.memory_space<hbm>>) dst(%arg7 : memref<32x128xf32, #tpu.memory_space<vmem>>)
      %add3A_240 = arith.constant 0 : i32
      %add3A_241 = arith.addi %mul3A_234, %add3A_240 : i32
      %mul3A_242 = arith.constant 32 : i32
      %mul3A_243 = arith.muli %add3A_241, %mul3A_242 : i32
      %dma_start3A_244 = tpu.memref_slice %arg6[%mul3A_243] : memref<5024xi32, #tpu.memory_space<vmem>> -> memref<32xi32, #tpu.memory_space<vmem>>
      %dma_start3A_245 = arith.constant 0 : i32
      %dma_start3A_246 = arith.constant 0 : i32
      %dma_start3A_247 = tpu.memref_slice %arg15[%dma_start3A_245, %dma_start3A_246] : memref<10000x128xf32, #tpu.memory_space<vmem_shared>> -> memref<10000x128xf32, #tpu.memory_space<vmem_shared>>
      tpu.enqueue_indirect_dma source(%arg7 : memref<32x128xf32, #tpu.memory_space<vmem>>) target(%dma_start3A_247 : memref<10000x128xf32, #tpu.memory_space<vmem_shared>>) offsets(%dma_start3A_244 : memref<32xi32, #tpu.memory_space<vmem>>) semaphore(%arg24 : memref<!tpu.dma_semaphore, #tpu.memory_space<semaphore_mem>>) {add = true}
      %dma_wait3A_248 = arith.constant 0 : i32
      %dma_wait3A_249 = tpu.memref_slice %arg5[%dma_wait3A_248] : memref<5024xi32, #tpu.memory_space<vmem>> -> memref<32xi32, #tpu.memory_space<vmem>>
      %dma_wait3A_250 = arith.constant 0 : i32
      %dma_wait3A_251 = arith.constant 0 : i32
      %dma_wait3A_252 = tpu.memref_slice %arg2[%dma_wait3A_250, %dma_wait3A_251] : memref<10000x128xf32, #tpu.memory_space<hbm>> -> memref<10000x128xf32, #tpu.memory_space<hbm>>
      tpu.wait_indirect_dma semaphore(%arg17 : memref<!tpu.dma_semaphore, #tpu.memory_space<semaphore_mem>>) src(%dma_wait3A_252 : memref<10000x128xf32, #tpu.memory_space<hbm>>) dst(%arg8 : memref<32x128xf32, #tpu.memory_space<vmem>>)
      %add3A_253 = arith.constant 1 : i32
      %add3A_254 = arith.addi %mul3A_234, %add3A_253 : i32
      %mul3A_255 = arith.constant 32 : i32
      %mul3A_256 = arith.muli %add3A_254, %mul3A_255 : i32
      %dma_start3A_257 = tpu.memref_slice %arg6[%mul3A_256] : memref<5024xi32, #tpu.memory_space<vmem>> -> memref<32xi32, #tpu.memory_space<vmem>>
      %dma_start3A_258 = arith.constant 0 : i32
      %dma_start3A_259 = arith.constant 0 : i32
      %dma_start3A_260 = tpu.memref_slice %arg15[%dma_start3A_258, %dma_start3A_259] : memref<10000x128xf32, #tpu.memory_space<vmem_shared>> -> memref<10000x128xf32, #tpu.memory_space<vmem_shared>>
      tpu.enqueue_indirect_dma source(%arg8 : memref<32x128xf32, #tpu.memory_space<vmem>>) target(%dma_start3A_260 : memref<10000x128xf32, #tpu.memory_space<vmem_shared>>) offsets(%dma_start3A_257 : memref<32xi32, #tpu.memory_space<vmem>>) semaphore(%arg25 : memref<!tpu.dma_semaphore, #tpu.memory_space<semaphore_mem>>) {add = true}
      %dma_wait3A_261 = arith.constant 0 : i32
      %dma_wait3A_262 = tpu.memref_slice %arg5[%dma_wait3A_261] : memref<5024xi32, #tpu.memory_space<vmem>> -> memref<32xi32, #tpu.memory_space<vmem>>
      %dma_wait3A_263 = arith.constant 0 : i32
      %dma_wait3A_264 = arith.constant 0 : i32
      %dma_wait3A_265 = tpu.memref_slice %arg2[%dma_wait3A_263, %dma_wait3A_264] : memref<10000x128xf32, #tpu.memory_space<hbm>> -> memref<10000x128xf32, #tpu.memory_space<hbm>>
      tpu.wait_indirect_dma semaphore(%arg18 : memref<!tpu.dma_semaphore, #tpu.memory_space<semaphore_mem>>) src(%dma_wait3A_265 : memref<10000x128xf32, #tpu.memory_space<hbm>>) dst(%arg9 : memref<32x128xf32, #tpu.memory_space<vmem>>)
      %add3A_266 = arith.constant 2 : i32
      %add3A_267 = arith.addi %mul3A_234, %add3A_266 : i32
      %mul3A_268 = arith.constant 32 : i32
      %mul3A_269 = arith.muli %add3A_267, %mul3A_268 : i32
      %dma_start3A_270 = tpu.memref_slice %arg6[%mul3A_269] : memref<5024xi32, #tpu.memory_space<vmem>> -> memref<32xi32, #tpu.memory_space<vmem>>
      %dma_start3A_271 = arith.constant 0 : i32
      %dma_start3A_272 = arith.constant 0 : i32
      %dma_start3A_273 = tpu.memref_slice %arg15[%dma_start3A_271, %dma_start3A_272] : memref<10000x128xf32, #tpu.memory_space<vmem_shared>> -> memref<10000x128xf32, #tpu.memory_space<vmem_shared>>
      tpu.enqueue_indirect_dma source(%arg9 : memref<32x128xf32, #tpu.memory_space<vmem>>) target(%dma_start3A_273 : memref<10000x128xf32, #tpu.memory_space<vmem_shared>>) offsets(%dma_start3A_270 : memref<32xi32, #tpu.memory_space<vmem>>) semaphore(%arg26 : memref<!tpu.dma_semaphore, #tpu.memory_space<semaphore_mem>>) {add = true}
      %dma_wait3A_274 = arith.constant 0 : i32
      %dma_wait3A_275 = tpu.memref_slice %arg5[%dma_wait3A_274] : memref<5024xi32, #tpu.memory_space<vmem>> -> memref<32xi32, #tpu.memory_space<vmem>>
      %dma_wait3A_276 = arith.constant 0 : i32
      %dma_wait3A_277 = arith.constant 0 : i32
      %dma_wait3A_278 = tpu.memref_slice %arg2[%dma_wait3A_276, %dma_wait3A_277] : memref<10000x128xf32, #tpu.memory_space<hbm>> -> memref<10000x128xf32, #tpu.memory_space<hbm>>
      tpu.wait_indirect_dma semaphore(%arg19 : memref<!tpu.dma_semaphore, #tpu.memory_space<semaphore_mem>>) src(%dma_wait3A_278 : memref<10000x128xf32, #tpu.memory_space<hbm>>) dst(%arg10 : memref<32x128xf32, #tpu.memory_space<vmem>>)
      %add3A_279 = arith.constant 3 : i32
      %add3A_280 = arith.addi %mul3A_234, %add3A_279 : i32
      %mul3A_281 = arith.constant 32 : i32
      %mul3A_282 = arith.muli %add3A_280, %mul3A_281 : i32
      %dma_start3A_283 = tpu.memref_slice %arg6[%mul3A_282] : memref<5024xi32, #tpu.memory_space<vmem>> -> memref<32xi32, #tpu.memory_space<vmem>>
      %dma_start3A_284 = arith.constant 0 : i32
      %dma_start3A_285 = arith.constant 0 : i32
      %dma_start3A_286 = tpu.memref_slice %arg15[%dma_start3A_284, %dma_start3A_285] : memref<10000x128xf32, #tpu.memory_space<vmem_shared>> -> memref<10000x128xf32, #tpu.memory_space<vmem_shared>>
      tpu.enqueue_indirect_dma source(%arg10 : memref<32x128xf32, #tpu.memory_space<vmem>>) target(%dma_start3A_286 : memref<10000x128xf32, #tpu.memory_space<vmem_shared>>) offsets(%dma_start3A_283 : memref<32xi32, #tpu.memory_space<vmem>>) semaphore(%arg27 : memref<!tpu.dma_semaphore, #tpu.memory_space<semaphore_mem>>) {add = true}
      %dma_wait3A_287 = arith.constant 0 : i32
      %dma_wait3A_288 = tpu.memref_slice %arg5[%dma_wait3A_287] : memref<5024xi32, #tpu.memory_space<vmem>> -> memref<32xi32, #tpu.memory_space<vmem>>
      %dma_wait3A_289 = arith.constant 0 : i32
      %dma_wait3A_290 = arith.constant 0 : i32
      %dma_wait3A_291 = tpu.memref_slice %arg2[%dma_wait3A_289, %dma_wait3A_290] : memref<10000x128xf32, #tpu.memory_space<hbm>> -> memref<10000x128xf32, #tpu.memory_space<hbm>>
      tpu.wait_indirect_dma semaphore(%arg20 : memref<!tpu.dma_semaphore, #tpu.memory_space<semaphore_mem>>) src(%dma_wait3A_291 : memref<10000x128xf32, #tpu.memory_space<hbm>>) dst(%arg11 : memref<32x128xf32, #tpu.memory_space<vmem>>)
      %add3A_292 = arith.constant 4 : i32
      %add3A_293 = arith.addi %mul3A_234, %add3A_292 : i32
      %mul3A_294 = arith.constant 32 : i32
      %mul3A_295 = arith.muli %add3A_293, %mul3A_294 : i32
      %dma_start3A_296 = tpu.memref_slice %arg6[%mul3A_295] : memref<5024xi32, #tpu.memory_space<vmem>> -> memref<32xi32, #tpu.memory_space<vmem>>
      %dma_start3A_297 = arith.constant 0 : i32
      %dma_start3A_298 = arith.constant 0 : i32
      %dma_start3A_299 = tpu.memref_slice %arg15[%dma_start3A_297, %dma_start3A_298] : memref<10000x128xf32, #tpu.memory_space<vmem_shared>> -> memref<10000x128xf32, #tpu.memory_space<vmem_shared>>
      tpu.enqueue_indirect_dma source(%arg11 : memref<32x128xf32, #tpu.memory_space<vmem>>) target(%dma_start3A_299 : memref<10000x128xf32, #tpu.memory_space<vmem_shared>>) offsets(%dma_start3A_296 : memref<32xi32, #tpu.memory_space<vmem>>) semaphore(%arg28 : memref<!tpu.dma_semaphore, #tpu.memory_space<semaphore_mem>>) {add = true}
      %dma_wait3A_300 = arith.constant 0 : i32
      %dma_wait3A_301 = tpu.memref_slice %arg5[%dma_wait3A_300] : memref<5024xi32, #tpu.memory_space<vmem>> -> memref<32xi32, #tpu.memory_space<vmem>>
      %dma_wait3A_302 = arith.constant 0 : i32
      %dma_wait3A_303 = arith.constant 0 : i32
      %dma_wait3A_304 = tpu.memref_slice %arg2[%dma_wait3A_302, %dma_wait3A_303] : memref<10000x128xf32, #tpu.memory_space<hbm>> -> memref<10000x128xf32, #tpu.memory_space<hbm>>
      tpu.wait_indirect_dma semaphore(%arg21 : memref<!tpu.dma_semaphore, #tpu.memory_space<semaphore_mem>>) src(%dma_wait3A_304 : memref<10000x128xf32, #tpu.memory_space<hbm>>) dst(%arg12 : memref<32x128xf32, #tpu.memory_space<vmem>>)
      %add3A_305 = arith.constant 5 : i32
      %add3A_306 = arith.addi %mul3A_234, %add3A_305 : i32
      %mul3A_307 = arith.constant 32 : i32
      %mul3A_308 = arith.muli %add3A_306, %mul3A_307 : i32
      %dma_start3A_309 = tpu.memref_slice %arg6[%mul3A_308] : memref<5024xi32, #tpu.memory_space<vmem>> -> memref<32xi32, #tpu.memory_space<vmem>>
      %dma_start3A_310 = arith.constant 0 : i32
      %dma_start3A_311 = arith.constant 0 : i32
      %dma_start3A_312 = tpu.memref_slice %arg15[%dma_start3A_310, %dma_start3A_311] : memref<10000x128xf32, #tpu.memory_space<vmem_shared>> -> memref<10000x128xf32, #tpu.memory_space<vmem_shared>>
      tpu.enqueue_indirect_dma source(%arg12 : memref<32x128xf32, #tpu.memory_space<vmem>>) target(%dma_start3A_312 : memref<10000x128xf32, #tpu.memory_space<vmem_shared>>) offsets(%dma_start3A_309 : memref<32xi32, #tpu.memory_space<vmem>>) semaphore(%arg29 : memref<!tpu.dma_semaphore, #tpu.memory_space<semaphore_mem>>) {add = true}
      %dma_wait3A_313 = arith.constant 0 : i32
      %dma_wait3A_314 = tpu.memref_slice %arg5[%dma_wait3A_313] : memref<5024xi32, #tpu.memory_space<vmem>> -> memref<32xi32, #tpu.memory_space<vmem>>
      %dma_wait3A_315 = arith.constant 0 : i32
      %dma_wait3A_316 = arith.constant 0 : i32
      %dma_wait3A_317 = tpu.memref_slice %arg2[%dma_wait3A_315, %dma_wait3A_316] : memref<10000x128xf32, #tpu.memory_space<hbm>> -> memref<10000x128xf32, #tpu.memory_space<hbm>>
      tpu.wait_indirect_dma semaphore(%arg22 : memref<!tpu.dma_semaphore, #tpu.memory_space<semaphore_mem>>) src(%dma_wait3A_317 : memref<10000x128xf32, #tpu.memory_space<hbm>>) dst(%arg13 : memref<32x128xf32, #tpu.memory_space<vmem>>)
      %add3A_318 = arith.constant 6 : i32
      %add3A_319 = arith.addi %mul3A_234, %add3A_318 : i32
      %mul3A_320 = arith.constant 32 : i32
      %mul3A_321 = arith.muli %add3A_319, %mul3A_320 : i32
      %dma_start3A_322 = tpu.memref_slice %arg6[%mul3A_321] : memref<5024xi32, #tpu.memory_space<vmem>> -> memref<32xi32, #tpu.memory_space<vmem>>
      %dma_start3A_323 = arith.constant 0 : i32
      %dma_start3A_324 = arith.constant 0 : i32
      %dma_start3A_325 = tpu.memref_slice %arg15[%dma_start3A_323, %dma_start3A_324] : memref<10000x128xf32, #tpu.memory_space<vmem_shared>> -> memref<10000x128xf32, #tpu.memory_space<vmem_shared>>
      tpu.enqueue_indirect_dma source(%arg13 : memref<32x128xf32, #tpu.memory_space<vmem>>) target(%dma_start3A_325 : memref<10000x128xf32, #tpu.memory_space<vmem_shared>>) offsets(%dma_start3A_322 : memref<32xi32, #tpu.memory_space<vmem>>) semaphore(%arg30 : memref<!tpu.dma_semaphore, #tpu.memory_space<semaphore_mem>>) {add = true}
      %dma_wait3A_326 = arith.constant 0 : i32
      %dma_wait3A_327 = tpu.memref_slice %arg5[%dma_wait3A_326] : memref<5024xi32, #tpu.memory_space<vmem>> -> memref<32xi32, #tpu.memory_space<vmem>>
      %dma_wait3A_328 = arith.constant 0 : i32
      %dma_wait3A_329 = arith.constant 0 : i32
      %dma_wait3A_330 = tpu.memref_slice %arg2[%dma_wait3A_328, %dma_wait3A_329] : memref<10000x128xf32, #tpu.memory_space<hbm>> -> memref<10000x128xf32, #tpu.memory_space<hbm>>
      tpu.wait_indirect_dma semaphore(%arg23 : memref<!tpu.dma_semaphore, #tpu.memory_space<semaphore_mem>>) src(%dma_wait3A_330 : memref<10000x128xf32, #tpu.memory_space<hbm>>) dst(%arg14 : memref<32x128xf32, #tpu.memory_space<vmem>>)
      %add3A_331 = arith.constant 7 : i32
      %add3A_332 = arith.addi %mul3A_234, %add3A_331 : i32
      %mul3A_333 = arith.constant 32 : i32
      %mul3A_334 = arith.muli %add3A_332, %mul3A_333 : i32
      %dma_start3A_335 = tpu.memref_slice %arg6[%mul3A_334] : memref<5024xi32, #tpu.memory_space<vmem>> -> memref<32xi32, #tpu.memory_space<vmem>>
      %dma_start3A_336 = arith.constant 0 : i32
      %dma_start3A_337 = arith.constant 0 : i32
      %dma_start3A_338 = tpu.memref_slice %arg15[%dma_start3A_336, %dma_start3A_337] : memref<10000x128xf32, #tpu.memory_space<vmem_shared>> -> memref<10000x128xf32, #tpu.memory_space<vmem_shared>>
      tpu.enqueue_indirect_dma source(%arg14 : memref<32x128xf32, #tpu.memory_space<vmem>>) target(%dma_start3A_338 : memref<10000x128xf32, #tpu.memory_space<vmem_shared>>) offsets(%dma_start3A_335 : memref<32xi32, #tpu.memory_space<vmem>>) semaphore(%arg31 : memref<!tpu.dma_semaphore, #tpu.memory_space<semaphore_mem>>) {add = true}
      %lt3A_339 = arith.constant 18 : i32
      %lt3A_340 = arith.cmpi slt, %scan3A_232, %lt3A_339 : i32
      %convert_element_type3A_341 = arith.extui %lt3A_340 : i1 to i32
      %cond3A_342 = arith.constant 0 : i32
      %cond3A_343 = arith.cmpi ne, %convert_element_type3A_341, %cond3A_342 : i32
      scf.if %cond3A_343 {
        %dma_wait3A_344 = arith.constant 0 : i32
        %dma_wait3A_345 = tpu.memref_slice %arg6[%dma_wait3A_344] : memref<5024xi32, #tpu.memory_space<vmem>> -> memref<32xi32, #tpu.memory_space<vmem>>
        %dma_wait3A_346 = arith.constant 0 : i32
        %dma_wait3A_347 = arith.constant 0 : i32
        %dma_wait3A_348 = tpu.memref_slice %arg15[%dma_wait3A_346, %dma_wait3A_347] : memref<10000x128xf32, #tpu.memory_space<vmem_shared>> -> memref<10000x128xf32, #tpu.memory_space<vmem_shared>>
        tpu.wait_indirect_dma semaphore(%arg24 : memref<!tpu.dma_semaphore, #tpu.memory_space<semaphore_mem>>) src(%arg7 : memref<32x128xf32, #tpu.memory_space<vmem>>) dst(%dma_wait3A_348 : memref<10000x128xf32, #tpu.memory_space<vmem_shared>>)
        %add3A_349 = arith.constant 8 : i32
        %add3A_350 = arith.addi %mul3A_234, %add3A_349 : i32
        %add3A_351 = arith.constant 0 : i32
        %add3A_352 = arith.addi %add3A_350, %add3A_351 : i32
        %mul3A_353 = arith.constant 32 : i32
        %mul3A_354 = arith.muli %add3A_352, %mul3A_353 : i32
        %dma_start3A_355 = tpu.memref_slice %arg5[%mul3A_354] : memref<5024xi32, #tpu.memory_space<vmem>> -> memref<32xi32, #tpu.memory_space<vmem>>
        %dma_start3A_356 = arith.constant 0 : i32
        %dma_start3A_357 = arith.constant 0 : i32
        %dma_start3A_358 = tpu.memref_slice %arg2[%dma_start3A_356, %dma_start3A_357] : memref<10000x128xf32, #tpu.memory_space<hbm>> -> memref<10000x128xf32, #tpu.memory_space<hbm>>
        tpu.enqueue_indirect_dma source(%dma_start3A_358 : memref<10000x128xf32, #tpu.memory_space<hbm>>) target(%arg7 : memref<32x128xf32, #tpu.memory_space<vmem>>) offsets(%dma_start3A_355 : memref<32xi32, #tpu.memory_space<vmem>>) semaphore(%arg16 : memref<!tpu.dma_semaphore, #tpu.memory_space<semaphore_mem>>)
        %dma_wait3A_359 = arith.constant 0 : i32
        %dma_wait3A_360 = tpu.memref_slice %arg6[%dma_wait3A_359] : memref<5024xi32, #tpu.memory_space<vmem>> -> memref<32xi32, #tpu.memory_space<vmem>>
        %dma_wait3A_361 = arith.constant 0 : i32
        %dma_wait3A_362 = arith.constant 0 : i32
        %dma_wait3A_363 = tpu.memref_slice %arg15[%dma_wait3A_361, %dma_wait3A_362] : memref<10000x128xf32, #tpu.memory_space<vmem_shared>> -> memref<10000x128xf32, #tpu.memory_space<vmem_shared>>
        tpu.wait_indirect_dma semaphore(%arg25 : memref<!tpu.dma_semaphore, #tpu.memory_space<semaphore_mem>>) src(%arg8 : memref<32x128xf32, #tpu.memory_space<vmem>>) dst(%dma_wait3A_363 : memref<10000x128xf32, #tpu.memory_space<vmem_shared>>)
        %add3A_364 = arith.constant 8 : i32
        %add3A_365 = arith.addi %mul3A_234, %add3A_364 : i32
        %add3A_366 = arith.constant 1 : i32
        %add3A_367 = arith.addi %add3A_365, %add3A_366 : i32
        %mul3A_368 = arith.constant 32 : i32
        %mul3A_369 = arith.muli %add3A_367, %mul3A_368 : i32
        %dma_start3A_370 = tpu.memref_slice %arg5[%mul3A_369] : memref<5024xi32, #tpu.memory_space<vmem>> -> memref<32xi32, #tpu.memory_space<vmem>>
        %dma_start3A_371 = arith.constant 0 : i32
        %dma_start3A_372 = arith.constant 0 : i32
        %dma_start3A_373 = tpu.memref_slice %arg2[%dma_start3A_371, %dma_start3A_372] : memref<10000x128xf32, #tpu.memory_space<hbm>> -> memref<10000x128xf32, #tpu.memory_space<hbm>>
        tpu.enqueue_indirect_dma source(%dma_start3A_373 : memref<10000x128xf32, #tpu.memory_space<hbm>>) target(%arg8 : memref<32x128xf32, #tpu.memory_space<vmem>>) offsets(%dma_start3A_370 : memref<32xi32, #tpu.memory_space<vmem>>) semaphore(%arg17 : memref<!tpu.dma_semaphore, #tpu.memory_space<semaphore_mem>>)
        %dma_wait3A_374 = arith.constant 0 : i32
        %dma_wait3A_375 = tpu.memref_slice %arg6[%dma_wait3A_374] : memref<5024xi32, #tpu.memory_space<vmem>> -> memref<32xi32, #tpu.memory_space<vmem>>
        %dma_wait3A_376 = arith.constant 0 : i32
        %dma_wait3A_377 = arith.constant 0 : i32
        %dma_wait3A_378 = tpu.memref_slice %arg15[%dma_wait3A_376, %dma_wait3A_377] : memref<10000x128xf32, #tpu.memory_space<vmem_shared>> -> memref<10000x128xf32, #tpu.memory_space<vmem_shared>>
        tpu.wait_indirect_dma semaphore(%arg26 : memref<!tpu.dma_semaphore, #tpu.memory_space<semaphore_mem>>) src(%arg9 : memref<32x128xf32, #tpu.memory_space<vmem>>) dst(%dma_wait3A_378 : memref<10000x128xf32, #tpu.memory_space<vmem_shared>>)
        %add3A_379 = arith.constant 8 : i32
        %add3A_380 = arith.addi %mul3A_234, %add3A_379 : i32
        %add3A_381 = arith.constant 2 : i32
        %add3A_382 = arith.addi %add3A_380, %add3A_381 : i32
        %mul3A_383 = arith.constant 32 : i32
        %mul3A_384 = arith.muli %add3A_382, %mul3A_383 : i32
        %dma_start3A_385 = tpu.memref_slice %arg5[%mul3A_384] : memref<5024xi32, #tpu.memory_space<vmem>> -> memref<32xi32, #tpu.memory_space<vmem>>
        %dma_start3A_386 = arith.constant 0 : i32
        %dma_start3A_387 = arith.constant 0 : i32
        %dma_start3A_388 = tpu.memref_slice %arg2[%dma_start3A_386, %dma_start3A_387] : memref<10000x128xf32, #tpu.memory_space<hbm>> -> memref<10000x128xf32, #tpu.memory_space<hbm>>
        tpu.enqueue_indirect_dma source(%dma_start3A_388 : memref<10000x128xf32, #tpu.memory_space<hbm>>) target(%arg9 : memref<32x128xf32, #tpu.memory_space<vmem>>) offsets(%dma_start3A_385 : memref<32xi32, #tpu.memory_space<vmem>>) semaphore(%arg18 : memref<!tpu.dma_semaphore, #tpu.memory_space<semaphore_mem>>)
        %dma_wait3A_389 = arith.constant 0 : i32
        %dma_wait3A_390 = tpu.memref_slice %arg6[%dma_wait3A_389] : memref<5024xi32, #tpu.memory_space<vmem>> -> memref<32xi32, #tpu.memory_space<vmem>>
        %dma_wait3A_391 = arith.constant 0 : i32
        %dma_wait3A_392 = arith.constant 0 : i32
        %dma_wait3A_393 = tpu.memref_slice %arg15[%dma_wait3A_391, %dma_wait3A_392] : memref<10000x128xf32, #tpu.memory_space<vmem_shared>> -> memref<10000x128xf32, #tpu.memory_space<vmem_shared>>
        tpu.wait_indirect_dma semaphore(%arg27 : memref<!tpu.dma_semaphore, #tpu.memory_space<semaphore_mem>>) src(%arg10 : memref<32x128xf32, #tpu.memory_space<vmem>>) dst(%dma_wait3A_393 : memref<10000x128xf32, #tpu.memory_space<vmem_shared>>)
        %add3A_394 = arith.constant 8 : i32
        %add3A_395 = arith.addi %mul3A_234, %add3A_394 : i32
        %add3A_396 = arith.constant 3 : i32
        %add3A_397 = arith.addi %add3A_395, %add3A_396 : i32
        %mul3A_398 = arith.constant 32 : i32
        %mul3A_399 = arith.muli %add3A_397, %mul3A_398 : i32
        %dma_start3A_400 = tpu.memref_slice %arg5[%mul3A_399] : memref<5024xi32, #tpu.memory_space<vmem>> -> memref<32xi32, #tpu.memory_space<vmem>>
        %dma_start3A_401 = arith.constant 0 : i32
        %dma_start3A_402 = arith.constant 0 : i32
        %dma_start3A_403 = tpu.memref_slice %arg2[%dma_start3A_401, %dma_start3A_402] : memref<10000x128xf32, #tpu.memory_space<hbm>> -> memref<10000x128xf32, #tpu.memory_space<hbm>>
        tpu.enqueue_indirect_dma source(%dma_start3A_403 : memref<10000x128xf32, #tpu.memory_space<hbm>>) target(%arg10 : memref<32x128xf32, #tpu.memory_space<vmem>>) offsets(%dma_start3A_400 : memref<32xi32, #tpu.memory_space<vmem>>) semaphore(%arg19 : memref<!tpu.dma_semaphore, #tpu.memory_space<semaphore_mem>>)
        %dma_wait3A_404 = arith.constant 0 : i32
        %dma_wait3A_405 = tpu.memref_slice %arg6[%dma_wait3A_404] : memref<5024xi32, #tpu.memory_space<vmem>> -> memref<32xi32, #tpu.memory_space<vmem>>
        %dma_wait3A_406 = arith.constant 0 : i32
        %dma_wait3A_407 = arith.constant 0 : i32
        %dma_wait3A_408 = tpu.memref_slice %arg15[%dma_wait3A_406, %dma_wait3A_407] : memref<10000x128xf32, #tpu.memory_space<vmem_shared>> -> memref<10000x128xf32, #tpu.memory_space<vmem_shared>>
        tpu.wait_indirect_dma semaphore(%arg28 : memref<!tpu.dma_semaphore, #tpu.memory_space<semaphore_mem>>) src(%arg11 : memref<32x128xf32, #tpu.memory_space<vmem>>) dst(%dma_wait3A_408 : memref<10000x128xf32, #tpu.memory_space<vmem_shared>>)
        %add3A_409 = arith.constant 8 : i32
        %add3A_410 = arith.addi %mul3A_234, %add3A_409 : i32
        %add3A_411 = arith.constant 4 : i32
        %add3A_412 = arith.addi %add3A_410, %add3A_411 : i32
        %mul3A_413 = arith.constant 32 : i32
        %mul3A_414 = arith.muli %add3A_412, %mul3A_413 : i32
        %dma_start3A_415 = tpu.memref_slice %arg5[%mul3A_414] : memref<5024xi32, #tpu.memory_space<vmem>> -> memref<32xi32, #tpu.memory_space<vmem>>
        %dma_start3A_416 = arith.constant 0 : i32
        %dma_start3A_417 = arith.constant 0 : i32
        %dma_start3A_418 = tpu.memref_slice %arg2[%dma_start3A_416, %dma_start3A_417] : memref<10000x128xf32, #tpu.memory_space<hbm>> -> memref<10000x128xf32, #tpu.memory_space<hbm>>
        tpu.enqueue_indirect_dma source(%dma_start3A_418 : memref<10000x128xf32, #tpu.memory_space<hbm>>) target(%arg11 : memref<32x128xf32, #tpu.memory_space<vmem>>) offsets(%dma_start3A_415 : memref<32xi32, #tpu.memory_space<vmem>>) semaphore(%arg20 : memref<!tpu.dma_semaphore, #tpu.memory_space<semaphore_mem>>)
        %dma_wait3A_419 = arith.constant 0 : i32
        %dma_wait3A_420 = tpu.memref_slice %arg6[%dma_wait3A_419] : memref<5024xi32, #tpu.memory_space<vmem>> -> memref<32xi32, #tpu.memory_space<vmem>>
        %dma_wait3A_421 = arith.constant 0 : i32
        %dma_wait3A_422 = arith.constant 0 : i32
        %dma_wait3A_423 = tpu.memref_slice %arg15[%dma_wait3A_421, %dma_wait3A_422] : memref<10000x128xf32, #tpu.memory_space<vmem_shared>> -> memref<10000x128xf32, #tpu.memory_space<vmem_shared>>
        tpu.wait_indirect_dma semaphore(%arg29 : memref<!tpu.dma_semaphore, #tpu.memory_space<semaphore_mem>>) src(%arg12 : memref<32x128xf32, #tpu.memory_space<vmem>>) dst(%dma_wait3A_423 : memref<10000x128xf32, #tpu.memory_space<vmem_shared>>)
        %add3A_424 = arith.constant 8 : i32
        %add3A_425 = arith.addi %mul3A_234, %add3A_424 : i32
        %add3A_426 = arith.constant 5 : i32
        %add3A_427 = arith.addi %add3A_425, %add3A_426 : i32
        %mul3A_428 = arith.constant 32 : i32
        %mul3A_429 = arith.muli %add3A_427, %mul3A_428 : i32
        %dma_start3A_430 = tpu.memref_slice %arg5[%mul3A_429] : memref<5024xi32, #tpu.memory_space<vmem>> -> memref<32xi32, #tpu.memory_space<vmem>>
        %dma_start3A_431 = arith.constant 0 : i32
        %dma_start3A_432 = arith.constant 0 : i32
        %dma_start3A_433 = tpu.memref_slice %arg2[%dma_start3A_431, %dma_start3A_432] : memref<10000x128xf32, #tpu.memory_space<hbm>> -> memref<10000x128xf32, #tpu.memory_space<hbm>>
        tpu.enqueue_indirect_dma source(%dma_start3A_433 : memref<10000x128xf32, #tpu.memory_space<hbm>>) target(%arg12 : memref<32x128xf32, #tpu.memory_space<vmem>>) offsets(%dma_start3A_430 : memref<32xi32, #tpu.memory_space<vmem>>) semaphore(%arg21 : memref<!tpu.dma_semaphore, #tpu.memory_space<semaphore_mem>>)
        %dma_wait3A_434 = arith.constant 0 : i32
        %dma_wait3A_435 = tpu.memref_slice %arg6[%dma_wait3A_434] : memref<5024xi32, #tpu.memory_space<vmem>> -> memref<32xi32, #tpu.memory_space<vmem>>
        %dma_wait3A_436 = arith.constant 0 : i32
        %dma_wait3A_437 = arith.constant 0 : i32
        %dma_wait3A_438 = tpu.memref_slice %arg15[%dma_wait3A_436, %dma_wait3A_437] : memref<10000x128xf32, #tpu.memory_space<vmem_shared>> -> memref<10000x128xf32, #tpu.memory_space<vmem_shared>>
        tpu.wait_indirect_dma semaphore(%arg30 : memref<!tpu.dma_semaphore, #tpu.memory_space<semaphore_mem>>) src(%arg13 : memref<32x128xf32, #tpu.memory_space<vmem>>) dst(%dma_wait3A_438 : memref<10000x128xf32, #tpu.memory_space<vmem_shared>>)
        %add3A_439 = arith.constant 8 : i32
        %add3A_440 = arith.addi %mul3A_234, %add3A_439 : i32
        %add3A_441 = arith.constant 6 : i32
        %add3A_442 = arith.addi %add3A_440, %add3A_441 : i32
        %mul3A_443 = arith.constant 32 : i32
        %mul3A_444 = arith.muli %add3A_442, %mul3A_443 : i32
        %dma_start3A_445 = tpu.memref_slice %arg5[%mul3A_444] : memref<5024xi32, #tpu.memory_space<vmem>> -> memref<32xi32, #tpu.memory_space<vmem>>
        %dma_start3A_446 = arith.constant 0 : i32
        %dma_start3A_447 = arith.constant 0 : i32
        %dma_start3A_448 = tpu.memref_slice %arg2[%dma_start3A_446, %dma_start3A_447] : memref<10000x128xf32, #tpu.memory_space<hbm>> -> memref<10000x128xf32, #tpu.memory_space<hbm>>
        tpu.enqueue_indirect_dma source(%dma_start3A_448 : memref<10000x128xf32, #tpu.memory_space<hbm>>) target(%arg13 : memref<32x128xf32, #tpu.memory_space<vmem>>) offsets(%dma_start3A_445 : memref<32xi32, #tpu.memory_space<vmem>>) semaphore(%arg22 : memref<!tpu.dma_semaphore, #tpu.memory_space<semaphore_mem>>)
        %dma_wait3A_449 = arith.constant 0 : i32
        %dma_wait3A_450 = tpu.memref_slice %arg6[%dma_wait3A_449] : memref<5024xi32, #tpu.memory_space<vmem>> -> memref<32xi32, #tpu.memory_space<vmem>>
        %dma_wait3A_451 = arith.constant 0 : i32
        %dma_wait3A_452 = arith.constant 0 : i32
        %dma_wait3A_453 = tpu.memref_slice %arg15[%dma_wait3A_451, %dma_wait3A_452] : memref<10000x128xf32, #tpu.memory_space<vmem_shared>> -> memref<10000x128xf32, #tpu.memory_space<vmem_shared>>
        tpu.wait_indirect_dma semaphore(%arg31 : memref<!tpu.dma_semaphore, #tpu.memory_space<semaphore_mem>>) src(%arg14 : memref<32x128xf32, #tpu.memory_space<vmem>>) dst(%dma_wait3A_453 : memref<10000x128xf32, #tpu.memory_space<vmem_shared>>)
        %add3A_454 = arith.constant 8 : i32
        %add3A_455 = arith.addi %mul3A_234, %add3A_454 : i32
        %add3A_456 = arith.constant 7 : i32
        %add3A_457 = arith.addi %add3A_455, %add3A_456 : i32
        %mul3A_458 = arith.constant 32 : i32
        %mul3A_459 = arith.muli %add3A_457, %mul3A_458 : i32
        %dma_start3A_460 = tpu.memref_slice %arg5[%mul3A_459] : memref<5024xi32, #tpu.memory_space<vmem>> -> memref<32xi32, #tpu.memory_space<vmem>>
        %dma_start3A_461 = arith.constant 0 : i32
        %dma_start3A_462 = arith.constant 0 : i32
        %dma_start3A_463 = tpu.memref_slice %arg2[%dma_start3A_461, %dma_start3A_462] : memref<10000x128xf32, #tpu.memory_space<hbm>> -> memref<10000x128xf32, #tpu.memory_space<hbm>>
        tpu.enqueue_indirect_dma source(%dma_start3A_463 : memref<10000x128xf32, #tpu.memory_space<hbm>>) target(%arg14 : memref<32x128xf32, #tpu.memory_space<vmem>>) offsets(%dma_start3A_460 : memref<32xi32, #tpu.memory_space<vmem>>) semaphore(%arg23 : memref<!tpu.dma_semaphore, #tpu.memory_space<semaphore_mem>>)
      } else {
      }
    }
    %scan3A_96 = arith.constant 19 : i32
    %dma_wait3A_97 = arith.constant 0 : i32
    %dma_wait3A_98 = tpu.memref_slice %arg6[%dma_wait3A_97] : memref<5024xi32, #tpu.memory_space<vmem>> -> memref<32xi32, #tpu.memory_space<vmem>>
    %dma_wait3A_99 = arith.constant 0 : i32
    %dma_wait3A_100 = arith.constant 0 : i32
    %dma_wait3A_101 = tpu.memref_slice %arg15[%dma_wait3A_99, %dma_wait3A_100] : memref<10000x128xf32, #tpu.memory_space<vmem_shared>> -> memref<10000x128xf32, #tpu.memory_space<vmem_shared>>
    tpu.wait_indirect_dma semaphore(%arg24 : memref<!tpu.dma_semaphore, #tpu.memory_space<semaphore_mem>>) src(%arg7 : memref<32x128xf32, #tpu.memory_space<vmem>>) dst(%dma_wait3A_101 : memref<10000x128xf32, #tpu.memory_space<vmem_shared>>)
    %dma_start3A_102 = arith.constant 4864 : i32
    %dma_start3A_103 = tpu.memref_slice %arg5[%dma_start3A_102] : memref<5024xi32, #tpu.memory_space<vmem>> -> memref<32xi32, #tpu.memory_space<vmem>>
    %dma_start3A_104 = arith.constant 0 : i32
    %dma_start3A_105 = arith.constant 0 : i32
    %dma_start3A_106 = tpu.memref_slice %arg2[%dma_start3A_104, %dma_start3A_105] : memref<10000x128xf32, #tpu.memory_space<hbm>> -> memref<10000x128xf32, #tpu.memory_space<hbm>>
    tpu.enqueue_indirect_dma source(%dma_start3A_106 : memref<10000x128xf32, #tpu.memory_space<hbm>>) target(%arg7 : memref<32x128xf32, #tpu.memory_space<vmem>>) offsets(%dma_start3A_103 : memref<32xi32, #tpu.memory_space<vmem>>) semaphore(%arg16 : memref<!tpu.dma_semaphore, #tpu.memory_space<semaphore_mem>>)
    %dma_wait3A_107 = arith.constant 0 : i32
    %dma_wait3A_108 = tpu.memref_slice %arg6[%dma_wait3A_107] : memref<5024xi32, #tpu.memory_space<vmem>> -> memref<32xi32, #tpu.memory_space<vmem>>
    %dma_wait3A_109 = arith.constant 0 : i32
    %dma_wait3A_110 = arith.constant 0 : i32
    %dma_wait3A_111 = tpu.memref_slice %arg15[%dma_wait3A_109, %dma_wait3A_110] : memref<10000x128xf32, #tpu.memory_space<vmem_shared>> -> memref<10000x128xf32, #tpu.memory_space<vmem_shared>>
    tpu.wait_indirect_dma semaphore(%arg25 : memref<!tpu.dma_semaphore, #tpu.memory_space<semaphore_mem>>) src(%arg8 : memref<32x128xf32, #tpu.memory_space<vmem>>) dst(%dma_wait3A_111 : memref<10000x128xf32, #tpu.memory_space<vmem_shared>>)
    %dma_start3A_112 = arith.constant 4896 : i32
    %dma_start3A_113 = tpu.memref_slice %arg5[%dma_start3A_112] : memref<5024xi32, #tpu.memory_space<vmem>> -> memref<32xi32, #tpu.memory_space<vmem>>
    %dma_start3A_114 = arith.constant 0 : i32
    %dma_start3A_115 = arith.constant 0 : i32
    %dma_start3A_116 = tpu.memref_slice %arg2[%dma_start3A_114, %dma_start3A_115] : memref<10000x128xf32, #tpu.memory_space<hbm>> -> memref<10000x128xf32, #tpu.memory_space<hbm>>
    tpu.enqueue_indirect_dma source(%dma_start3A_116 : memref<10000x128xf32, #tpu.memory_space<hbm>>) target(%arg8 : memref<32x128xf32, #tpu.memory_space<vmem>>) offsets(%dma_start3A_113 : memref<32xi32, #tpu.memory_space<vmem>>) semaphore(%arg17 : memref<!tpu.dma_semaphore, #tpu.memory_space<semaphore_mem>>)
    %dma_wait3A_117 = arith.constant 0 : i32
    %dma_wait3A_118 = tpu.memref_slice %arg6[%dma_wait3A_117] : memref<5024xi32, #tpu.memory_space<vmem>> -> memref<32xi32, #tpu.memory_space<vmem>>
    %dma_wait3A_119 = arith.constant 0 : i32
    %dma_wait3A_120 = arith.constant 0 : i32
    %dma_wait3A_121 = tpu.memref_slice %arg15[%dma_wait3A_119, %dma_wait3A_120] : memref<10000x128xf32, #tpu.memory_space<vmem_shared>> -> memref<10000x128xf32, #tpu.memory_space<vmem_shared>>
    tpu.wait_indirect_dma semaphore(%arg26 : memref<!tpu.dma_semaphore, #tpu.memory_space<semaphore_mem>>) src(%arg9 : memref<32x128xf32, #tpu.memory_space<vmem>>) dst(%dma_wait3A_121 : memref<10000x128xf32, #tpu.memory_space<vmem_shared>>)
    %dma_start3A_122 = arith.constant 4928 : i32
    %dma_start3A_123 = tpu.memref_slice %arg5[%dma_start3A_122] : memref<5024xi32, #tpu.memory_space<vmem>> -> memref<32xi32, #tpu.memory_space<vmem>>
    %dma_start3A_124 = arith.constant 0 : i32
    %dma_start3A_125 = arith.constant 0 : i32
    %dma_start3A_126 = tpu.memref_slice %arg2[%dma_start3A_124, %dma_start3A_125] : memref<10000x128xf32, #tpu.memory_space<hbm>> -> memref<10000x128xf32, #tpu.memory_space<hbm>>
    tpu.enqueue_indirect_dma source(%dma_start3A_126 : memref<10000x128xf32, #tpu.memory_space<hbm>>) target(%arg9 : memref<32x128xf32, #tpu.memory_space<vmem>>) offsets(%dma_start3A_123 : memref<32xi32, #tpu.memory_space<vmem>>) semaphore(%arg18 : memref<!tpu.dma_semaphore, #tpu.memory_space<semaphore_mem>>)
    %dma_wait3A_127 = arith.constant 0 : i32
    %dma_wait3A_128 = tpu.memref_slice %arg6[%dma_wait3A_127] : memref<5024xi32, #tpu.memory_space<vmem>> -> memref<32xi32, #tpu.memory_space<vmem>>
    %dma_wait3A_129 = arith.constant 0 : i32
    %dma_wait3A_130 = arith.constant 0 : i32
    %dma_wait3A_131 = tpu.memref_slice %arg15[%dma_wait3A_129, %dma_wait3A_130] : memref<10000x128xf32, #tpu.memory_space<vmem_shared>> -> memref<10000x128xf32, #tpu.memory_space<vmem_shared>>
    tpu.wait_indirect_dma semaphore(%arg27 : memref<!tpu.dma_semaphore, #tpu.memory_space<semaphore_mem>>) src(%arg10 : memref<32x128xf32, #tpu.memory_space<vmem>>) dst(%dma_wait3A_131 : memref<10000x128xf32, #tpu.memory_space<vmem_shared>>)
    %dma_start3A_132 = arith.constant 4960 : i32
    %dma_start3A_133 = tpu.memref_slice %arg5[%dma_start3A_132] : memref<5024xi32, #tpu.memory_space<vmem>> -> memref<32xi32, #tpu.memory_space<vmem>>
    %dma_start3A_134 = arith.constant 0 : i32
    %dma_start3A_135 = arith.constant 0 : i32
    %dma_start3A_136 = tpu.memref_slice %arg2[%dma_start3A_134, %dma_start3A_135] : memref<10000x128xf32, #tpu.memory_space<hbm>> -> memref<10000x128xf32, #tpu.memory_space<hbm>>
    tpu.enqueue_indirect_dma source(%dma_start3A_136 : memref<10000x128xf32, #tpu.memory_space<hbm>>) target(%arg10 : memref<32x128xf32, #tpu.memory_space<vmem>>) offsets(%dma_start3A_133 : memref<32xi32, #tpu.memory_space<vmem>>) semaphore(%arg19 : memref<!tpu.dma_semaphore, #tpu.memory_space<semaphore_mem>>)
    %lt3A_137 = arith.constant 4 : i32
    %lt3A_138 = arith.cmpi slt, %arg1, %lt3A_137 : i32
    %convert_element_type3A_139 = arith.extui %lt3A_138 : i1 to i32
    %cond3A_140 = arith.constant 0 : i32
    %cond3A_141 = arith.cmpi ne, %convert_element_type3A_139, %cond3A_140 : i32
    scf.if %cond3A_141 {
      %dma_wait3A_232 = arith.constant 0 : i32
      %dma_wait3A_233 = tpu.memref_slice %arg6[%dma_wait3A_232] : memref<5024xi32, #tpu.memory_space<vmem>> -> memref<32xi32, #tpu.memory_space<vmem>>
      %dma_wait3A_234 = arith.constant 0 : i32
      %dma_wait3A_235 = arith.constant 0 : i32
      %dma_wait3A_236 = tpu.memref_slice %arg15[%dma_wait3A_234, %dma_wait3A_235] : memref<10000x128xf32, #tpu.memory_space<vmem_shared>> -> memref<10000x128xf32, #tpu.memory_space<vmem_shared>>
      tpu.wait_indirect_dma semaphore(%arg28 : memref<!tpu.dma_semaphore, #tpu.memory_space<semaphore_mem>>) src(%arg11 : memref<32x128xf32, #tpu.memory_space<vmem>>) dst(%dma_wait3A_236 : memref<10000x128xf32, #tpu.memory_space<vmem_shared>>)
      %dma_start3A_237 = arith.constant 4992 : i32
      %dma_start3A_238 = tpu.memref_slice %arg5[%dma_start3A_237] : memref<5024xi32, #tpu.memory_space<vmem>> -> memref<32xi32, #tpu.memory_space<vmem>>
      %dma_start3A_239 = arith.constant 0 : i32
      %dma_start3A_240 = arith.constant 0 : i32
      %dma_start3A_241 = tpu.memref_slice %arg2[%dma_start3A_239, %dma_start3A_240] : memref<10000x128xf32, #tpu.memory_space<hbm>> -> memref<10000x128xf32, #tpu.memory_space<hbm>>
      tpu.enqueue_indirect_dma source(%dma_start3A_241 : memref<10000x128xf32, #tpu.memory_space<hbm>>) target(%arg11 : memref<32x128xf32, #tpu.memory_space<vmem>>) offsets(%dma_start3A_238 : memref<32xi32, #tpu.memory_space<vmem>>) semaphore(%arg20 : memref<!tpu.dma_semaphore, #tpu.memory_space<semaphore_mem>>)
      %dma_wait3A_242 = arith.constant 0 : i32
      %dma_wait3A_243 = tpu.memref_slice %arg5[%dma_wait3A_242] : memref<5024xi32, #tpu.memory_space<vmem>> -> memref<32xi32, #tpu.memory_space<vmem>>
      %dma_wait3A_244 = arith.constant 0 : i32
      %dma_wait3A_245 = arith.constant 0 : i32
      %dma_wait3A_246 = tpu.memref_slice %arg2[%dma_wait3A_244, %dma_wait3A_245] : memref<10000x128xf32, #tpu.memory_space<hbm>> -> memref<10000x128xf32, #tpu.memory_space<hbm>>
      tpu.wait_indirect_dma semaphore(%arg20 : memref<!tpu.dma_semaphore, #tpu.memory_space<semaphore_mem>>) src(%dma_wait3A_246 : memref<10000x128xf32, #tpu.memory_space<hbm>>) dst(%arg11 : memref<32x128xf32, #tpu.memory_space<vmem>>)
      %dma_start3A_247 = arith.constant 4992 : i32
      %dma_start3A_248 = tpu.memref_slice %arg6[%dma_start3A_247] : memref<5024xi32, #tpu.memory_space<vmem>> -> memref<32xi32, #tpu.memory_space<vmem>>
      %dma_start3A_249 = arith.constant 0 : i32
      %dma_start3A_250 = arith.constant 0 : i32
      %dma_start3A_251 = tpu.memref_slice %arg15[%dma_start3A_249, %dma_start3A_250] : memref<10000x128xf32, #tpu.memory_space<vmem_shared>> -> memref<10000x128xf32, #tpu.memory_space<vmem_shared>>
      tpu.enqueue_indirect_dma source(%arg11 : memref<32x128xf32, #tpu.memory_space<vmem>>) target(%dma_start3A_251 : memref<10000x128xf32, #tpu.memory_space<vmem_shared>>) offsets(%dma_start3A_248 : memref<32xi32, #tpu.memory_space<vmem>>) semaphore(%arg28 : memref<!tpu.dma_semaphore, #tpu.memory_space<semaphore_mem>>) {add = true}
      %dma_wait3A_252 = arith.constant 0 : i32
      %dma_wait3A_253 = tpu.memref_slice %arg6[%dma_wait3A_252] : memref<5024xi32, #tpu.memory_space<vmem>> -> memref<32xi32, #tpu.memory_space<vmem>>
      %dma_wait3A_254 = arith.constant 0 : i32
      %dma_wait3A_255 = arith.constant 0 : i32
      %dma_wait3A_256 = tpu.memref_slice %arg15[%dma_wait3A_254, %dma_wait3A_255] : memref<10000x128xf32, #tpu.memory_space<vmem_shared>> -> memref<10000x128xf32, #tpu.memory_space<vmem_shared>>
      tpu.wait_indirect_dma semaphore(%arg28 : memref<!tpu.dma_semaphore, #tpu.memory_space<semaphore_mem>>) src(%arg11 : memref<32x128xf32, #tpu.memory_space<vmem>>) dst(%dma_wait3A_256 : memref<10000x128xf32, #tpu.memory_space<vmem_shared>>)
    } else {
    }
    %ge3A = arith.constant 4 : i32
    %ge3A_142 = arith.cmpi sge, %arg1, %ge3A : i32
    %convert_element_type3A_143 = arith.extui %ge3A_142 : i1 to i32
    %cond3A_144 = arith.constant 0 : i32
    %cond3A_145 = arith.cmpi ne, %convert_element_type3A_143, %cond3A_144 : i32
    scf.if %cond3A_145 {
      %dma_wait3A_232 = arith.constant 0 : i32
      %dma_wait3A_233 = tpu.memref_slice %arg6[%dma_wait3A_232] : memref<5024xi32, #tpu.memory_space<vmem>> -> memref<32xi32, #tpu.memory_space<vmem>>
      %dma_wait3A_234 = arith.constant 0 : i32
      %dma_wait3A_235 = arith.constant 0 : i32
      %dma_wait3A_236 = tpu.memref_slice %arg15[%dma_wait3A_234, %dma_wait3A_235] : memref<10000x128xf32, #tpu.memory_space<vmem_shared>> -> memref<10000x128xf32, #tpu.memory_space<vmem_shared>>
      tpu.wait_indirect_dma semaphore(%arg28 : memref<!tpu.dma_semaphore, #tpu.memory_space<semaphore_mem>>) src(%arg11 : memref<32x128xf32, #tpu.memory_space<vmem>>) dst(%dma_wait3A_236 : memref<10000x128xf32, #tpu.memory_space<vmem_shared>>)
    } else {
    }
    %dma_wait3A_146 = arith.constant 0 : i32
    %dma_wait3A_147 = tpu.memref_slice %arg5[%dma_wait3A_146] : memref<5024xi32, #tpu.memory_space<vmem>> -> memref<32xi32, #tpu.memory_space<vmem>>
    %dma_wait3A_148 = arith.constant 0 : i32
    %dma_wait3A_149 = arith.constant 0 : i32
    %dma_wait3A_150 = tpu.memref_slice %arg2[%dma_wait3A_148, %dma_wait3A_149] : memref<10000x128xf32, #tpu.memory_space<hbm>> -> memref<10000x128xf32, #tpu.memory_space<hbm>>
    tpu.wait_indirect_dma semaphore(%arg16 : memref<!tpu.dma_semaphore, #tpu.memory_space<semaphore_mem>>) src(%dma_wait3A_150 : memref<10000x128xf32, #tpu.memory_space<hbm>>) dst(%arg7 : memref<32x128xf32, #tpu.memory_space<vmem>>)
    %dma_start3A_151 = arith.constant 4864 : i32
    %dma_start3A_152 = tpu.memref_slice %arg6[%dma_start3A_151] : memref<5024xi32, #tpu.memory_space<vmem>> -> memref<32xi32, #tpu.memory_space<vmem>>
    %dma_start3A_153 = arith.constant 0 : i32
    %dma_start3A_154 = arith.constant 0 : i32
    %dma_start3A_155 = tpu.memref_slice %arg15[%dma_start3A_153, %dma_start3A_154] : memref<10000x128xf32, #tpu.memory_space<vmem_shared>> -> memref<10000x128xf32, #tpu.memory_space<vmem_shared>>
    tpu.enqueue_indirect_dma source(%arg7 : memref<32x128xf32, #tpu.memory_space<vmem>>) target(%dma_start3A_155 : memref<10000x128xf32, #tpu.memory_space<vmem_shared>>) offsets(%dma_start3A_152 : memref<32xi32, #tpu.memory_space<vmem>>) semaphore(%arg24 : memref<!tpu.dma_semaphore, #tpu.memory_space<semaphore_mem>>) {add = true}
    %dma_wait3A_156 = arith.constant 0 : i32
    %dma_wait3A_157 = tpu.memref_slice %arg5[%dma_wait3A_156] : memref<5024xi32, #tpu.memory_space<vmem>> -> memref<32xi32, #tpu.memory_space<vmem>>
    %dma_wait3A_158 = arith.constant 0 : i32
    %dma_wait3A_159 = arith.constant 0 : i32
    %dma_wait3A_160 = tpu.memref_slice %arg2[%dma_wait3A_158, %dma_wait3A_159] : memref<10000x128xf32, #tpu.memory_space<hbm>> -> memref<10000x128xf32, #tpu.memory_space<hbm>>
    tpu.wait_indirect_dma semaphore(%arg17 : memref<!tpu.dma_semaphore, #tpu.memory_space<semaphore_mem>>) src(%dma_wait3A_160 : memref<10000x128xf32, #tpu.memory_space<hbm>>) dst(%arg8 : memref<32x128xf32, #tpu.memory_space<vmem>>)
    %dma_start3A_161 = arith.constant 4896 : i32
    %dma_start3A_162 = tpu.memref_slice %arg6[%dma_start3A_161] : memref<5024xi32, #tpu.memory_space<vmem>> -> memref<32xi32, #tpu.memory_space<vmem>>
    %dma_start3A_163 = arith.constant 0 : i32
    %dma_start3A_164 = arith.constant 0 : i32
    %dma_start3A_165 = tpu.memref_slice %arg15[%dma_start3A_163, %dma_start3A_164] : memref<10000x128xf32, #tpu.memory_space<vmem_shared>> -> memref<10000x128xf32, #tpu.memory_space<vmem_shared>>
    tpu.enqueue_indirect_dma source(%arg8 : memref<32x128xf32, #tpu.memory_space<vmem>>) target(%dma_start3A_165 : memref<10000x128xf32, #tpu.memory_space<vmem_shared>>) offsets(%dma_start3A_162 : memref<32xi32, #tpu.memory_space<vmem>>) semaphore(%arg25 : memref<!tpu.dma_semaphore, #tpu.memory_space<semaphore_mem>>) {add = true}
    %dma_wait3A_166 = arith.constant 0 : i32
    %dma_wait3A_167 = tpu.memref_slice %arg5[%dma_wait3A_166] : memref<5024xi32, #tpu.memory_space<vmem>> -> memref<32xi32, #tpu.memory_space<vmem>>
    %dma_wait3A_168 = arith.constant 0 : i32
    %dma_wait3A_169 = arith.constant 0 : i32
    %dma_wait3A_170 = tpu.memref_slice %arg2[%dma_wait3A_168, %dma_wait3A_169] : memref<10000x128xf32, #tpu.memory_space<hbm>> -> memref<10000x128xf32, #tpu.memory_space<hbm>>
    tpu.wait_indirect_dma semaphore(%arg18 : memref<!tpu.dma_semaphore, #tpu.memory_space<semaphore_mem>>) src(%dma_wait3A_170 : memref<10000x128xf32, #tpu.memory_space<hbm>>) dst(%arg9 : memref<32x128xf32, #tpu.memory_space<vmem>>)
    %dma_start3A_171 = arith.constant 4928 : i32
    %dma_start3A_172 = tpu.memref_slice %arg6[%dma_start3A_171] : memref<5024xi32, #tpu.memory_space<vmem>> -> memref<32xi32, #tpu.memory_space<vmem>>
    %dma_start3A_173 = arith.constant 0 : i32
    %dma_start3A_174 = arith.constant 0 : i32
    %dma_start3A_175 = tpu.memref_slice %arg15[%dma_start3A_173, %dma_start3A_174] : memref<10000x128xf32, #tpu.memory_space<vmem_shared>> -> memref<10000x128xf32, #tpu.memory_space<vmem_shared>>
    tpu.enqueue_indirect_dma source(%arg9 : memref<32x128xf32, #tpu.memory_space<vmem>>) target(%dma_start3A_175 : memref<10000x128xf32, #tpu.memory_space<vmem_shared>>) offsets(%dma_start3A_172 : memref<32xi32, #tpu.memory_space<vmem>>) semaphore(%arg26 : memref<!tpu.dma_semaphore, #tpu.memory_space<semaphore_mem>>) {add = true}
    %dma_wait3A_176 = arith.constant 0 : i32
    %dma_wait3A_177 = tpu.memref_slice %arg5[%dma_wait3A_176] : memref<5024xi32, #tpu.memory_space<vmem>> -> memref<32xi32, #tpu.memory_space<vmem>>
    %dma_wait3A_178 = arith.constant 0 : i32
    %dma_wait3A_179 = arith.constant 0 : i32
    %dma_wait3A_180 = tpu.memref_slice %arg2[%dma_wait3A_178, %dma_wait3A_179] : memref<10000x128xf32, #tpu.memory_space<hbm>> -> memref<10000x128xf32, #tpu.memory_space<hbm>>
    tpu.wait_indirect_dma semaphore(%arg19 : memref<!tpu.dma_semaphore, #tpu.memory_space<semaphore_mem>>) src(%dma_wait3A_180 : memref<10000x128xf32, #tpu.memory_space<hbm>>) dst(%arg10 : memref<32x128xf32, #tpu.memory_space<vmem>>)
    %dma_start3A_181 = arith.constant 4960 : i32
    %dma_start3A_182 = tpu.memref_slice %arg6[%dma_start3A_181] : memref<5024xi32, #tpu.memory_space<vmem>> -> memref<32xi32, #tpu.memory_space<vmem>>
    %dma_start3A_183 = arith.constant 0 : i32
    %dma_start3A_184 = arith.constant 0 : i32
    %dma_start3A_185 = tpu.memref_slice %arg15[%dma_start3A_183, %dma_start3A_184] : memref<10000x128xf32, #tpu.memory_space<vmem_shared>> -> memref<10000x128xf32, #tpu.memory_space<vmem_shared>>
    tpu.enqueue_indirect_dma source(%arg10 : memref<32x128xf32, #tpu.memory_space<vmem>>) target(%dma_start3A_185 : memref<10000x128xf32, #tpu.memory_space<vmem_shared>>) offsets(%dma_start3A_182 : memref<32xi32, #tpu.memory_space<vmem>>) semaphore(%arg27 : memref<!tpu.dma_semaphore, #tpu.memory_space<semaphore_mem>>) {add = true}
    %dma_wait3A_186 = arith.constant 0 : i32
    %dma_wait3A_187 = tpu.memref_slice %arg6[%dma_wait3A_186] : memref<5024xi32, #tpu.memory_space<vmem>> -> memref<32xi32, #tpu.memory_space<vmem>>
    %dma_wait3A_188 = arith.constant 0 : i32
    %dma_wait3A_189 = arith.constant 0 : i32
    %dma_wait3A_190 = tpu.memref_slice %arg15[%dma_wait3A_188, %dma_wait3A_189] : memref<10000x128xf32, #tpu.memory_space<vmem_shared>> -> memref<10000x128xf32, #tpu.memory_space<vmem_shared>>
    tpu.wait_indirect_dma semaphore(%arg29 : memref<!tpu.dma_semaphore, #tpu.memory_space<semaphore_mem>>) src(%arg12 : memref<32x128xf32, #tpu.memory_space<vmem>>) dst(%dma_wait3A_190 : memref<10000x128xf32, #tpu.memory_space<vmem_shared>>)
    %dma_wait3A_191 = arith.constant 0 : i32
    %dma_wait3A_192 = tpu.memref_slice %arg6[%dma_wait3A_191] : memref<5024xi32, #tpu.memory_space<vmem>> -> memref<32xi32, #tpu.memory_space<vmem>>
    %dma_wait3A_193 = arith.constant 0 : i32
    %dma_wait3A_194 = arith.constant 0 : i32
    %dma_wait3A_195 = tpu.memref_slice %arg15[%dma_wait3A_193, %dma_wait3A_194] : memref<10000x128xf32, #tpu.memory_space<vmem_shared>> -> memref<10000x128xf32, #tpu.memory_space<vmem_shared>>
    tpu.wait_indirect_dma semaphore(%arg30 : memref<!tpu.dma_semaphore, #tpu.memory_space<semaphore_mem>>) src(%arg13 : memref<32x128xf32, #tpu.memory_space<vmem>>) dst(%dma_wait3A_195 : memref<10000x128xf32, #tpu.memory_space<vmem_shared>>)
    %dma_wait3A_196 = arith.constant 0 : i32
    %dma_wait3A_197 = tpu.memref_slice %arg6[%dma_wait3A_196] : memref<5024xi32, #tpu.memory_space<vmem>> -> memref<32xi32, #tpu.memory_space<vmem>>
    %dma_wait3A_198 = arith.constant 0 : i32
    %dma_wait3A_199 = arith.constant 0 : i32
    %dma_wait3A_200 = tpu.memref_slice %arg15[%dma_wait3A_198, %dma_wait3A_199] : memref<10000x128xf32, #tpu.memory_space<vmem_shared>> -> memref<10000x128xf32, #tpu.memory_space<vmem_shared>>
    tpu.wait_indirect_dma semaphore(%arg31 : memref<!tpu.dma_semaphore, #tpu.memory_space<semaphore_mem>>) src(%arg14 : memref<32x128xf32, #tpu.memory_space<vmem>>) dst(%dma_wait3A_200 : memref<10000x128xf32, #tpu.memory_space<vmem_shared>>)
    %dma_wait3A_201 = arith.constant 0 : i32
    %dma_wait3A_202 = tpu.memref_slice %arg6[%dma_wait3A_201] : memref<5024xi32, #tpu.memory_space<vmem>> -> memref<32xi32, #tpu.memory_space<vmem>>
    %dma_wait3A_203 = arith.constant 0 : i32
    %dma_wait3A_204 = arith.constant 0 : i32
    %dma_wait3A_205 = tpu.memref_slice %arg15[%dma_wait3A_203, %dma_wait3A_204] : memref<10000x128xf32, #tpu.memory_space<vmem_shared>> -> memref<10000x128xf32, #tpu.memory_space<vmem_shared>>
    tpu.wait_indirect_dma semaphore(%arg24 : memref<!tpu.dma_semaphore, #tpu.memory_space<semaphore_mem>>) src(%arg7 : memref<32x128xf32, #tpu.memory_space<vmem>>) dst(%dma_wait3A_205 : memref<10000x128xf32, #tpu.memory_space<vmem_shared>>)
    %dma_wait3A_206 = arith.constant 0 : i32
    %dma_wait3A_207 = tpu.memref_slice %arg6[%dma_wait3A_206] : memref<5024xi32, #tpu.memory_space<vmem>> -> memref<32xi32, #tpu.memory_space<vmem>>
    %dma_wait3A_208 = arith.constant 0 : i32
    %dma_wait3A_209 = arith.constant 0 : i32
    %dma_wait3A_210 = tpu.memref_slice %arg15[%dma_wait3A_208, %dma_wait3A_209] : memref<10000x128xf32, #tpu.memory_space<vmem_shared>> -> memref<10000x128xf32, #tpu.memory_space<vmem_shared>>
    tpu.wait_indirect_dma semaphore(%arg25 : memref<!tpu.dma_semaphore, #tpu.memory_space<semaphore_mem>>) src(%arg8 : memref<32x128xf32, #tpu.memory_space<vmem>>) dst(%dma_wait3A_210 : memref<10000x128xf32, #tpu.memory_space<vmem_shared>>)
    %dma_wait3A_211 = arith.constant 0 : i32
    %dma_wait3A_212 = tpu.memref_slice %arg6[%dma_wait3A_211] : memref<5024xi32, #tpu.memory_space<vmem>> -> memref<32xi32, #tpu.memory_space<vmem>>
    %dma_wait3A_213 = arith.constant 0 : i32
    %dma_wait3A_214 = arith.constant 0 : i32
    %dma_wait3A_215 = tpu.memref_slice %arg15[%dma_wait3A_213, %dma_wait3A_214] : memref<10000x128xf32, #tpu.memory_space<vmem_shared>> -> memref<10000x128xf32, #tpu.memory_space<vmem_shared>>
    tpu.wait_indirect_dma semaphore(%arg26 : memref<!tpu.dma_semaphore, #tpu.memory_space<semaphore_mem>>) src(%arg9 : memref<32x128xf32, #tpu.memory_space<vmem>>) dst(%dma_wait3A_215 : memref<10000x128xf32, #tpu.memory_space<vmem_shared>>)
    %dma_wait3A_216 = arith.constant 0 : i32
    %dma_wait3A_217 = tpu.memref_slice %arg6[%dma_wait3A_216] : memref<5024xi32, #tpu.memory_space<vmem>> -> memref<32xi32, #tpu.memory_space<vmem>>
    %dma_wait3A_218 = arith.constant 0 : i32
    %dma_wait3A_219 = arith.constant 0 : i32
    %dma_wait3A_220 = tpu.memref_slice %arg15[%dma_wait3A_218, %dma_wait3A_219] : memref<10000x128xf32, #tpu.memory_space<vmem_shared>> -> memref<10000x128xf32, #tpu.memory_space<vmem_shared>>
    tpu.wait_indirect_dma semaphore(%arg27 : memref<!tpu.dma_semaphore, #tpu.memory_space<semaphore_mem>>) src(%arg10 : memref<32x128xf32, #tpu.memory_space<vmem>>) dst(%dma_wait3A_220 : memref<10000x128xf32, #tpu.memory_space<vmem_shared>>)
    %barrier3A_221 = arith.constant 0 : index
    tpu.barrier barrier_id(%barrier3A_221)
    %lt3A_222 = arith.constant 15 : i32
    %lt3A_223 = arith.cmpi slt, %arg1, %lt3A_222 : i32
    %convert_element_type3A_224 = arith.extui %lt3A_223 : i1 to i32
    %cond3A_225 = arith.constant 0 : i32
    %cond3A_226 = arith.cmpi ne, %convert_element_type3A_224, %cond3A_225 : i32
    scf.if %cond3A_226 {
      %mul3A_232 = arith.constant 10000 : i32
      %mul3A_233 = arith.muli %arg0, %mul3A_232 : i32
      %add3A_234 = arith.addi %mul3A_233, %mul3A_6 : i32
      "tpu.region"() ({
        %run_scoped3A = tpu.sem_alloc : memref<!tpu.dma_semaphore, #tpu.memory_space<semaphore_mem>>
        %dma_start3A_235 = arith.constant 0 : i32
        %dma_start3A_236 = tpu.memref_slice %arg4[%add3A_234, %dma_start3A_235] : memref<20000x128xf32, #tpu.memory_space<hbm>> -> memref<624x128xf32, #tpu.memory_space<hbm>>
        %dma_start3A_237 = arith.constant 0 : i32
        %dma_start3A_238 = tpu.memref_slice %arg15[%mul3A_6, %dma_start3A_237] : memref<10000x128xf32, #tpu.memory_space<vmem_shared>> -> memref<624x128xf32, #tpu.memory_space<vmem_shared>>
        tpu.enqueue_dma source(%dma_start3A_238 : memref<624x128xf32, #tpu.memory_space<vmem_shared>>) target(%dma_start3A_236 : memref<624x128xf32, #tpu.memory_space<hbm>>) target_semaphore(%run_scoped3A : memref<!tpu.dma_semaphore, #tpu.memory_space<semaphore_mem>>)
        %dma_wait3A_239 = arith.constant 0 : i32
        %dma_wait3A_240 = tpu.memref_slice %arg4[%add3A_234, %dma_wait3A_239] : memref<20000x128xf32, #tpu.memory_space<hbm>> -> memref<624x128xf32, #tpu.memory_space<hbm>>
        %dma_wait3A_241 = arith.constant 0 : i32
        %dma_wait3A_242 = tpu.memref_slice %arg15[%mul3A_6, %dma_wait3A_241] : memref<10000x128xf32, #tpu.memory_space<vmem_shared>> -> memref<624x128xf32, #tpu.memory_space<vmem_shared>>
        tpu.wait_dma2 semaphore(%run_scoped3A : memref<!tpu.dma_semaphore, #tpu.memory_space<semaphore_mem>>) src(%dma_wait3A_242 : memref<624x128xf32, #tpu.memory_space<vmem_shared>>) dst(%dma_wait3A_240 : memref<624x128xf32, #tpu.memory_space<hbm>>)
        tpu.yield
      }) : () -> ()
    } else {
    }
    %eq3A_227 = arith.constant 15 : i32
    %eq3A_228 = arith.cmpi eq, %arg1, %eq3A_227 : i32
    %convert_element_type3A_229 = arith.extui %eq3A_228 : i1 to i32
    %cond3A_230 = arith.constant 0 : i32
    %cond3A_231 = arith.cmpi ne, %convert_element_type3A_229, %cond3A_230 : i32
    scf.if %cond3A_231 {
      %mul3A_232 = arith.constant 10000 : i32
      %mul3A_233 = arith.muli %arg0, %mul3A_232 : i32
      %add3A_234 = arith.addi %mul3A_233, %mul3A_6 : i32
      "tpu.region"() ({
        %run_scoped3A = tpu.sem_alloc : memref<!tpu.dma_semaphore, #tpu.memory_space<semaphore_mem>>
        %dma_start3A_235 = arith.constant 0 : i32
        %dma_start3A_236 = tpu.memref_slice %arg4[%add3A_234, %dma_start3A_235] : memref<20000x128xf32, #tpu.memory_space<hbm>> -> memref<640x128xf32, #tpu.memory_space<hbm>>
        %dma_start3A_237 = arith.constant 0 : i32
        %dma_start3A_238 = tpu.memref_slice %arg15[%mul3A_6, %dma_start3A_237] : memref<10000x128xf32, #tpu.memory_space<vmem_shared>> -> memref<640x128xf32, #tpu.memory_space<vmem_shared>>
        tpu.enqueue_dma source(%dma_start3A_238 : memref<640x128xf32, #tpu.memory_space<vmem_shared>>) target(%dma_start3A_236 : memref<640x128xf32, #tpu.memory_space<hbm>>) target_semaphore(%run_scoped3A : memref<!tpu.dma_semaphore, #tpu.memory_space<semaphore_mem>>)
        %dma_wait3A_239 = arith.constant 0 : i32
        %dma_wait3A_240 = tpu.memref_slice %arg4[%add3A_234, %dma_wait3A_239] : memref<20000x128xf32, #tpu.memory_space<hbm>> -> memref<640x128xf32, #tpu.memory_space<hbm>>
        %dma_wait3A_241 = arith.constant 0 : i32
        %dma_wait3A_242 = tpu.memref_slice %arg15[%mul3A_6, %dma_wait3A_241] : memref<10000x128xf32, #tpu.memory_space<vmem_shared>> -> memref<640x128xf32, #tpu.memory_space<vmem_shared>>
        tpu.wait_dma2 semaphore(%run_scoped3A : memref<!tpu.dma_semaphore, #tpu.memory_space<semaphore_mem>>) src(%dma_wait3A_242 : memref<640x128xf32, #tpu.memory_space<vmem_shared>>) dst(%dma_wait3A_240 : memref<640x128xf32, #tpu.memory_space<hbm>>)
        tpu.yield
      }) : () -> ()
    } else {
    }
    return
  }
}

module attributes {stable_mosaic.version = 14 : i64} {
  func.func @_mm1_body(%arg0: i32, %arg1: memref<10240x256xf32, #tpu.memory_space<vmem>>, %arg2: memref<256x128xf32, #tpu.memory_space<vmem>>, %arg3: memref<2x10240xf32, #tpu.memory_space<vmem>>, %arg4: memref<10240x128xf32, #tpu.memory_space<vmem>>, %arg5: memref<10240x1xf32, #tpu.memory_space<vmem>>) attributes {dimension_semantics = [#tpu.dimension_semantics<arbitrary>], iteration_bounds = array<i64: 1>, scalar_prefetch = 0 : i64, scratch_operands = 0 : i64, tpu.core_type = #tpu.core_type<tc>, window_params = [{transform_indices = @transform_0, window_bounds = array<i64: 10240, 256>}, {pipeline_mode = #tpu.pipeline_mode<synchronous>, transform_indices = @transform_1, window_bounds = array<i64: 256, 128>}, {transform_indices = @transform_2, window_bounds = array<i64: 2, 10240>}, {transform_indices = @transform_3, window_bounds = array<i64: 10240, 128>}, {transform_indices = @transform_4, window_bounds = array<i64: 10240, 1>}]} {
    %get3A = arith.constant 0 : index
    %get3A_0 = arith.constant 0 : index
    %get3A_1 = vector.load %arg3[%get3A, %get3A_0] : memref<2x10240xf32, #tpu.memory_space<vmem>>, vector<1x10240xf32>
    %get3A_2 = vector.shape_cast %get3A_1 : vector<1x10240xf32> to vector<10240xf32>
    %add3A = arith.constant 1.000000e+00 : f32
    %add3A_3 = vector.broadcast %add3A : f32 to vector<10240xf32>
    %add3A_4 = arith.addf %add3A_3, %get3A_2 : vector<10240xf32>
    %get3A_5 = arith.constant 1 : index
    %get3A_6 = arith.constant 0 : index
    %get3A_7 = vector.load %arg3[%get3A_5, %get3A_6] : memref<2x10240xf32, #tpu.memory_space<vmem>>, vector<1x10240xf32>
    %get3A_8 = vector.shape_cast %get3A_7 : vector<1x10240xf32> to vector<10240xf32>
    %add3A_9 = arith.addf %add3A_4, %get3A_8 : vector<10240xf32>
    %rsqrt3A = math.rsqrt %add3A_9 : vector<10240xf32>
    %broadcast_in_dim3A = vector.shape_cast %rsqrt3A : vector<10240xf32> to vector<10240x1xf32>
    %get3A_10 = arith.constant 0 : index
    %get3A_11 = arith.constant 0 : index
    %get3A_12 = vector.load %arg1[%get3A_10, %get3A_11] : memref<10240x256xf32, #tpu.memory_space<vmem>>, vector<10240x256xf32>
    %get3A_13 = arith.constant 0 : index
    %get3A_14 = arith.constant 0 : index
    %get3A_15 = vector.load %arg2[%get3A_13, %get3A_14] : memref<256x128xf32, #tpu.memory_space<vmem>>, vector<256x128xf32>
    %dot_general3A = arith.constant dense<0.000000e+00> : vector<10240x128xf32>
    %dot_general3A_16 = tpu.matmul %get3A_12, %get3A_15, %dot_general3A {dimension_numbers = #tpu.dot_dimension_numbers<[1], [0], [0], [1], [0, 0, 1, 1], [], []>, transpose_lhs_hint = false} : vector<10240x256xf32>, vector<256x128xf32>, vector<10240x128xf32> -> vector<10240x128xf32>
    %mul3A = vector.broadcast %broadcast_in_dim3A : vector<10240x1xf32> to vector<10240x128xf32>
    %mul3A_17 = arith.mulf %dot_general3A_16, %mul3A : vector<10240x128xf32>
    %swap3A = arith.constant 0 : index
    %swap3A_18 = arith.constant 0 : index
    %swap3A_19 = vector.load %arg4[%swap3A, %swap3A_18] : memref<10240x128xf32, #tpu.memory_space<vmem>>, vector<10240x128xf32>
    tpu.vector_store %arg4[%swap3A, %swap3A_18], %mul3A_17 {strides = array<i32>} : memref<10240x128xf32, #tpu.memory_space<vmem>>, vector<10240x128xf32>,
    %swap3A_20 = arith.constant 0 : index
    %swap3A_21 = arith.constant 0 : index
    %swap3A_22 = vector.load %arg5[%swap3A_20, %swap3A_21] : memref<10240x1xf32, #tpu.memory_space<vmem>>, vector<10240x1xf32>
    tpu.vector_store %arg5[%swap3A_20, %swap3A_21], %broadcast_in_dim3A {strides = array<i32>} : memref<10240x1xf32, #tpu.memory_space<vmem>>, vector<10240x1xf32>,
    return
  }
  func.func @transform_0(%arg0: i32) -> (i32, i32) {
    %c0_i32 = arith.constant 0 : i32
    %c0_i32_0 = arith.constant 0 : i32
    return %arg0, %c0_i32 : i32, i32
  }
  func.func @transform_1(%arg0: i32) -> (i32, i32) {
    %c0_i32 = arith.constant 0 : i32
    %c0_i32_0 = arith.constant 0 : i32
    %c0_i32_1 = arith.constant 0 : i32
    return %c0_i32, %c0_i32_0 : i32, i32
  }
  func.func @transform_2(%arg0: i32) -> (i32, i32) {
    %c0_i32 = arith.constant 0 : i32
    %c0_i32_0 = arith.constant 0 : i32
    return %c0_i32, %arg0 : i32, i32
  }
  func.func @transform_3(%arg0: i32) -> (i32, i32) {
    %c0_i32 = arith.constant 0 : i32
    %c0_i32_0 = arith.constant 0 : i32
    return %arg0, %c0_i32 : i32, i32
  }
  func.func @transform_4(%arg0: i32) -> (i32, i32) {
    %c0_i32 = arith.constant 0 : i32
    %c0_i32_0 = arith.constant 0 : i32
    return %arg0, %c0_i32 : i32, i32
  }
}

module attributes {stable_mosaic.version = 14 : i64} {
  func.func @_mm2_body(%arg0: i32, %arg1: memref<2x10240x128xf32, #tpu.memory_space<vmem>>, %arg2: memref<10240x128xf32, #tpu.memory_space<vmem>>, %arg3: memref<10240x1xf32, #tpu.memory_space<vmem>>, %arg4: memref<128xf32, #tpu.memory_space<vmem>>, %arg5: memref<128x64xf32, #tpu.memory_space<vmem>>, %arg6: memref<128x64xf32, #tpu.memory_space<vmem>>, %arg7: memref<10240x128xf32, #tpu.memory_space<vmem>>) attributes {dimension_semantics = [#tpu.dimension_semantics<arbitrary>], iteration_bounds = array<i64: 1>, scalar_prefetch = 0 : i64, scratch_operands = 0 : i64, tpu.core_type = #tpu.core_type<tc>, window_params = [{transform_indices = @transform_0, window_bounds = array<i64: 2, 10240, 128>}, {transform_indices = @transform_1, window_bounds = array<i64: 10240, 128>}, {transform_indices = @transform_2, window_bounds = array<i64: 10240, 1>}, {pipeline_mode = #tpu.pipeline_mode<synchronous>, transform_indices = @transform_3, window_bounds = array<i64: 128>}, {pipeline_mode = #tpu.pipeline_mode<synchronous>, transform_indices = @transform_4, window_bounds = array<i64: 128, 64>}, {pipeline_mode = #tpu.pipeline_mode<synchronous>, transform_indices = @transform_5, window_bounds = array<i64: 128, 64>}, {transform_indices = @transform_6, window_bounds = array<i64: 10240, 128>}]} {
    %get3A = arith.constant 0 : index
    %get3A_0 = arith.constant 0 : index
    %get3A_1 = arith.constant 0 : index
    %get3A_2 = vector.load %arg1[%get3A, %get3A_0, %get3A_1] : memref<2x10240x128xf32, #tpu.memory_space<vmem>>, vector<1x10240x128xf32>
    %get3A_3 = vector.shape_cast %get3A_2 : vector<1x10240x128xf32> to vector<10240x128xf32>
    %get3A_4 = arith.constant 1 : index
    %get3A_5 = arith.constant 0 : index
    %get3A_6 = arith.constant 0 : index
    %get3A_7 = vector.load %arg1[%get3A_4, %get3A_5, %get3A_6] : memref<2x10240x128xf32, #tpu.memory_space<vmem>>, vector<1x10240x128xf32>
    %get3A_8 = vector.shape_cast %get3A_7 : vector<1x10240x128xf32> to vector<10240x128xf32>
    %add3A = arith.addf %get3A_3, %get3A_8 : vector<10240x128xf32>
    %get3A_9 = arith.constant 0 : index
    %get3A_10 = arith.constant 0 : index
    %get3A_11 = vector.load %arg2[%get3A_9, %get3A_10] : memref<10240x128xf32, #tpu.memory_space<vmem>>, vector<10240x128xf32>
    %sub3A = arith.subf %add3A, %get3A_11 : vector<10240x128xf32>
    %get3A_12 = arith.constant 0 : index
    %get3A_13 = arith.constant 0 : index
    %get3A_14 = vector.load %arg3[%get3A_12, %get3A_13] : memref<10240x1xf32, #tpu.memory_space<vmem>>, vector<10240x1xf32>
    %mul3A = vector.broadcast %get3A_14 : vector<10240x1xf32> to vector<10240x128xf32>
    %mul3A_15 = arith.mulf %mul3A, %sub3A : vector<10240x128xf32>
    %get3A_16 = arith.constant 0 : index
    %get3A_17 = vector.load %arg4[%get3A_16] : memref<128xf32, #tpu.memory_space<vmem>>, vector<128xf32>
    %broadcast_in_dim3A = vector.shape_cast %get3A_17 : vector<128xf32> to vector<1x128xf32>
    %add3A_18 = vector.broadcast %broadcast_in_dim3A : vector<1x128xf32> to vector<10240x128xf32>
    %add3A_19 = arith.addf %mul3A_15, %add3A_18 : vector<10240x128xf32>
    %max3A = arith.constant 0.000000e+00 : f32
    %max3A_20 = vector.broadcast %max3A : f32 to vector<10240x128xf32>
    %max3A_21 = arith.maximumf %add3A_19, %max3A_20 : vector<10240x128xf32>
    %get3A_22 = arith.constant 0 : index
    %get3A_23 = arith.constant 0 : index
    %get3A_24 = vector.load %arg3[%get3A_22, %get3A_23] : memref<10240x1xf32, #tpu.memory_space<vmem>>, vector<10240x1xf32>
    %get3A_25 = arith.constant 0 : index
    %get3A_26 = arith.constant 0 : index
    %get3A_27 = vector.load %arg5[%get3A_25, %get3A_26] : memref<128x64xf32, #tpu.memory_space<vmem>>, vector<128x64xf32>
    %dot_general3A = arith.constant dense<0.000000e+00> : vector<10240x64xf32>
    %dot_general3A_28 = tpu.matmul %max3A_21, %get3A_27, %dot_general3A {dimension_numbers = #tpu.dot_dimension_numbers<[1], [0], [0], [1], [0, 0, 1, 1], [], []>, transpose_lhs_hint = false} : vector<10240x128xf32>, vector<128x64xf32>, vector<10240x64xf32> -> vector<10240x64xf32>
    %mul3A_29 = vector.broadcast %get3A_24 : vector<10240x1xf32> to vector<10240x64xf32>
    %mul3A_30 = arith.mulf %mul3A_29, %dot_general3A_28 : vector<10240x64xf32>
    %swap3A = arith.constant 0 : index
    %swap3A_31 = arith.constant 0 : index
    %swap3A_32 = vector.load %arg7[%swap3A, %swap3A_31] : memref<10240x128xf32, #tpu.memory_space<vmem>>, vector<10240x64xf32>
    tpu.vector_store %arg7[%swap3A, %swap3A_31], %mul3A_30 {strides = array<i32>} : memref<10240x128xf32, #tpu.memory_space<vmem>>, vector<10240x64xf32>,
    %get3A_33 = arith.constant 0 : index
    %get3A_34 = arith.constant 0 : index
    %get3A_35 = vector.load %arg6[%get3A_33, %get3A_34] : memref<128x64xf32, #tpu.memory_space<vmem>>, vector<128x64xf32>
    %dot_general3A_36 = arith.constant dense<0.000000e+00> : vector<10240x64xf32>
    %dot_general3A_37 = tpu.matmul %max3A_21, %get3A_35, %dot_general3A_36 {dimension_numbers = #tpu.dot_dimension_numbers<[1], [0], [0], [1], [0, 0, 1, 1], [], []>, transpose_lhs_hint = false} : vector<10240x128xf32>, vector<128x64xf32>, vector<10240x64xf32> -> vector<10240x64xf32>
    %mul3A_38 = vector.broadcast %get3A_24 : vector<10240x1xf32> to vector<10240x64xf32>
    %mul3A_39 = arith.mulf %mul3A_38, %dot_general3A_37 : vector<10240x64xf32>
    %swap3A_40 = arith.constant 0 : index
    %swap3A_41 = arith.constant 64 : index
    %swap3A_42 = vector.load %arg7[%swap3A_40, %swap3A_41] : memref<10240x128xf32, #tpu.memory_space<vmem>>, vector<10240x64xf32>
    tpu.vector_store %arg7[%swap3A_40, %swap3A_41], %mul3A_39 {strides = array<i32>} : memref<10240x128xf32, #tpu.memory_space<vmem>>, vector<10240x64xf32>,
    return
  }
  func.func @transform_0(%arg0: i32) -> (i32, i32, i32) {
    %c0_i32 = arith.constant 0 : i32
    %c0_i32_0 = arith.constant 0 : i32
    %c0_i32_1 = arith.constant 0 : i32
    return %c0_i32, %arg0, %c0_i32_0 : i32, i32, i32
  }
  func.func @transform_1(%arg0: i32) -> (i32, i32) {
    %c0_i32 = arith.constant 0 : i32
    %c0_i32_0 = arith.constant 0 : i32
    return %arg0, %c0_i32 : i32, i32
  }
  func.func @transform_2(%arg0: i32) -> (i32, i32) {
    %c0_i32 = arith.constant 0 : i32
    %c0_i32_0 = arith.constant 0 : i32
    return %arg0, %c0_i32 : i32, i32
  }
  func.func @transform_3(%arg0: i32) -> i32 {
    %c0_i32 = arith.constant 0 : i32
    %c0_i32_0 = arith.constant 0 : i32
    return %c0_i32 : i32
  }
  func.func @transform_4(%arg0: i32) -> (i32, i32) {
    %c0_i32 = arith.constant 0 : i32
    %c0_i32_0 = arith.constant 0 : i32
    %c0_i32_1 = arith.constant 0 : i32
    return %c0_i32, %c0_i32_0 : i32, i32
  }
  func.func @transform_5(%arg0: i32) -> (i32, i32) {
    %c0_i32 = arith.constant 0 : i32
    %c0_i32_0 = arith.constant 0 : i32
    %c0_i32_1 = arith.constant 0 : i32
    return %c0_i32, %c0_i32_0 : i32, i32
  }
  func.func @transform_6(%arg0: i32) -> (i32, i32) {
    %c0_i32 = arith.constant 0 : i32
    %c0_i32_0 = arith.constant 0 : i32
    return %arg0, %c0_i32 : i32, i32
  }
}

module attributes {stable_mosaic.version = 14 : i64} {
  func.func @_fin_body(%arg0: i32, %arg1: memref<2x10240x128xf32, #tpu.memory_space<vmem>>, %arg2: memref<10240x128xf32, #tpu.memory_space<vmem>>, %arg3: memref<10240x1xf32, #tpu.memory_space<vmem>>, %arg4: memref<64xf32, #tpu.memory_space<vmem>>, %arg5: memref<64xf32, #tpu.memory_space<vmem>>, %arg6: memref<10240x64xf32, #tpu.memory_space<vmem>>, %arg7: memref<10240x64xf32, #tpu.memory_space<vmem>>) attributes {dimension_semantics = [#tpu.dimension_semantics<arbitrary>], iteration_bounds = array<i64: 1>, scalar_prefetch = 0 : i64, scratch_operands = 0 : i64, tpu.core_type = #tpu.core_type<tc>, window_params = [{transform_indices = @transform_0, window_bounds = array<i64: 2, 10240, 128>}, {transform_indices = @transform_1, window_bounds = array<i64: 10240, 128>}, {transform_indices = @transform_2, window_bounds = array<i64: 10240, 1>}, {pipeline_mode = #tpu.pipeline_mode<synchronous>, transform_indices = @transform_3, window_bounds = array<i64: 64>}, {pipeline_mode = #tpu.pipeline_mode<synchronous>, transform_indices = @transform_4, window_bounds = array<i64: 64>}, {transform_indices = @transform_5, window_bounds = array<i64: 10240, 64>}, {transform_indices = @transform_6, window_bounds = array<i64: 10240, 64>}]} {
    %get3A = arith.constant 0 : index
    %get3A_0 = arith.constant 0 : index
    %get3A_1 = arith.constant 0 : index
    %get3A_2 = vector.load %arg1[%get3A, %get3A_0, %get3A_1] : memref<2x10240x128xf32, #tpu.memory_space<vmem>>, vector<1x10240x128xf32>
    %get3A_3 = vector.shape_cast %get3A_2 : vector<1x10240x128xf32> to vector<10240x128xf32>
    %get3A_4 = arith.constant 1 : index
    %get3A_5 = arith.constant 0 : index
    %get3A_6 = arith.constant 0 : index
    %get3A_7 = vector.load %arg1[%get3A_4, %get3A_5, %get3A_6] : memref<2x10240x128xf32, #tpu.memory_space<vmem>>, vector<1x10240x128xf32>
    %get3A_8 = vector.shape_cast %get3A_7 : vector<1x10240x128xf32> to vector<10240x128xf32>
    %add3A = arith.addf %get3A_3, %get3A_8 : vector<10240x128xf32>
    %get3A_9 = arith.constant 0 : index
    %get3A_10 = arith.constant 0 : index
    %get3A_11 = vector.load %arg2[%get3A_9, %get3A_10] : memref<10240x128xf32, #tpu.memory_space<vmem>>, vector<10240x128xf32>
    %sub3A = arith.subf %add3A, %get3A_11 : vector<10240x128xf32>
    %get3A_12 = arith.constant 0 : index
    %get3A_13 = arith.constant 0 : index
    %get3A_14 = vector.load %arg3[%get3A_12, %get3A_13] : memref<10240x1xf32, #tpu.memory_space<vmem>>, vector<10240x1xf32>
    %mul3A = vector.broadcast %get3A_14 : vector<10240x1xf32> to vector<10240x128xf32>
    %mul3A_15 = arith.mulf %mul3A, %sub3A : vector<10240x128xf32>
    %slice3A = vector.extract_strided_slice %mul3A_15 {offsets = [0, 0], sizes = [10240, 64], strides = [1, 1]} : vector<10240x128xf32> to vector<10240x64xf32>
    %get3A_16 = arith.constant 0 : index
    %get3A_17 = vector.load %arg4[%get3A_16] : memref<64xf32, #tpu.memory_space<vmem>>, vector<64xf32>
    %broadcast_in_dim3A = vector.shape_cast %get3A_17 : vector<64xf32> to vector<1x64xf32>
    %add3A_18 = vector.broadcast %broadcast_in_dim3A : vector<1x64xf32> to vector<10240x64xf32>
    %add3A_19 = arith.addf %slice3A, %add3A_18 : vector<10240x64xf32>
    %swap3A = arith.constant 0 : index
    %swap3A_20 = arith.constant 0 : index
    %swap3A_21 = vector.load %arg6[%swap3A, %swap3A_20] : memref<10240x64xf32, #tpu.memory_space<vmem>>, vector<10240x64xf32>
    tpu.vector_store %arg6[%swap3A, %swap3A_20], %add3A_19 {strides = array<i32>} : memref<10240x64xf32, #tpu.memory_space<vmem>>, vector<10240x64xf32>,
    %slice3A_22 = vector.extract_strided_slice %mul3A_15 {offsets = [0, 64], sizes = [10240, 64], strides = [1, 1]} : vector<10240x128xf32> to vector<10240x64xf32>
    %get3A_23 = arith.constant 0 : index
    %get3A_24 = vector.load %arg5[%get3A_23] : memref<64xf32, #tpu.memory_space<vmem>>, vector<64xf32>
    %broadcast_in_dim3A_25 = vector.shape_cast %get3A_24 : vector<64xf32> to vector<1x64xf32>
    %add3A_26 = vector.broadcast %broadcast_in_dim3A_25 : vector<1x64xf32> to vector<10240x64xf32>
    %add3A_27 = arith.addf %slice3A_22, %add3A_26 : vector<10240x64xf32>
    %swap3A_28 = arith.constant 0 : index
    %swap3A_29 = arith.constant 0 : index
    %swap3A_30 = vector.load %arg7[%swap3A_28, %swap3A_29] : memref<10240x64xf32, #tpu.memory_space<vmem>>, vector<10240x64xf32>
    tpu.vector_store %arg7[%swap3A_28, %swap3A_29], %add3A_27 {strides = array<i32>} : memref<10240x64xf32, #tpu.memory_space<vmem>>, vector<10240x64xf32>,
    return
  }
  func.func @transform_0(%arg0: i32) -> (i32, i32, i32) {
    %c0_i32 = arith.constant 0 : i32
    %c0_i32_0 = arith.constant 0 : i32
    %c0_i32_1 = arith.constant 0 : i32
    return %c0_i32, %arg0, %c0_i32_0 : i32, i32, i32
  }
  func.func @transform_1(%arg0: i32) -> (i32, i32) {
    %c0_i32 = arith.constant 0 : i32
    %c0_i32_0 = arith.constant 0 : i32
    return %arg0, %c0_i32 : i32, i32
  }
  func.func @transform_2(%arg0: i32) -> (i32, i32) {
    %c0_i32 = arith.constant 0 : i32
    %c0_i32_0 = arith.constant 0 : i32
    return %arg0, %c0_i32 : i32, i32
  }
  func.func @transform_3(%arg0: i32) -> i32 {
    %c0_i32 = arith.constant 0 : i32
    %c0_i32_0 = arith.constant 0 : i32
    return %c0_i32 : i32
  }
  func.func @transform_4(%arg0: i32) -> i32 {
    %c0_i32 = arith.constant 0 : i32
    %c0_i32_0 = arith.constant 0 : i32
    return %c0_i32 : i32
  }
  func.func @transform_5(%arg0: i32) -> (i32, i32) {
    %c0_i32 = arith.constant 0 : i32
    %c0_i32_0 = arith.constant 0 : i32
    return %arg0, %c0_i32 : i32, i32
  }
  func.func @transform_6(%arg0: i32) -> (i32, i32) {
    %c0_i32 = arith.constant 0 : i32
    %c0_i32_0 = arith.constant 0 : i32
    return %arg0, %c0_i32 : i32, i32
  }
}

</mosaic_0001>

<sc_bundles>
// kernel: kernel.11.cloned.1.call-start
scs
__scs_entry_jumppad:
0x0: {  	(pc) =	sbr.rel $0x88, $3  }
0x1: {  	(tag) =	ssettag $0x0;
	lr =	simm.s32 $0x1  }
0x2: {  	[smem:$0x3F99] =	sst lr;
	_ =	strace $0xD0000000  }
0x3: {  	_ = 	snop  }
0x4: {  	_ = 	snop  }
0x5: {  	_ = 	snop  }
0x6: {  	_ = 	snop  }
0x7: {  	_ = 	snop  }
__scs_overlays_trampoline_lowered:
0x8: {  	[smem:$0x3FA8] =	sst s0  }
0x9: {  	[smem:$0x3FA9] =	sst s1  }
0xa: {  	[smem:$0x3FAA] =	sst s2  }
0xb: {  	[smem:$0x3FAB] =	sst s3  }
0xc: {  	[smem:$0x3FAC] =	sst s4  }
0xd: {  	[smem:$0x3FAD] =	sst s5  }
0xe: {  	[smem:$0x3FAE] =	sst s6  }
0xf: {  	[smem:$0x3FAF] =	sst s7  }
0x10: {  	[smem:$0x3FB0] =	sst s8  }
0x11: {  	[smem:$0x3FB1] =	sst s9;
	s0 =	simm.s32 @!p0 $0x0  }
0x12: {  	s1 =	sld [smem:$0x3F97];
	s0 =	simm.s32 @p0 $0x1  }
0x13: {  	[smem:$0x3FB2] =	sst s0;
	s0 =	simm.s32 @!p1 $0x0  }
0x14: {  	s2 =	sld [smem:$0x3F96];
	s0 =	simm.s32 @p1 $0x1  }
0x15: {  	[smem:$0x3FB3] =	sst s0;
	s0 =	simm.s32 @!p2 $0x0  }
0x16: {  	s3 =	sld [smem:$0x3FDB];
	s0 =	simm.s32 @p2 $0x1  }
0x17: {  	s4 =	simm.s32 $0x1BF5;
	[smem:$0x3FB5] =	sst s0  }
0x18: {  	s0 =	sld [smem:$0x3F98];
	_ =	swait.ge [sflag:s4], $0x0  }
0x19: {  	s7 =	sld [smem:$0x3F99]  }
0x1a: {  	s8 =	sadd.s32 $0xFFFFE003, lr  }
0x1b: {  	s9 =	sadd.s32 $0xFFFFFEF7, lr;
	s5 =	simm.s32 $0xFFFFFFFF;
	p2 =	slt.u32 s8, $0xFFFFF086  }
0x1c: {  	p1 =	slt.u32 s9, $0xF7A;
	s5 =	simm.s32 @!p2 $0x0  }
0x1d: {  	s5 =	simm.s32 @p1 $0x1;
	p0 =	seq.s32 s7, s2  }
0x1e: {  	s7 =	smul.u32 @!p0 $0xF7A, s2;
	p2 =	seq.s32 @!p0 s5, $0x0  }
0x1f: {  	s9 =	smul.u32 $0xF7A, s1;
	s8 =	simm.s32 @!p0 $0x1BF5;
	p2 =	por !p2, p0  }
0x20: {  	[sflag:s8] =	ssyncset.s32 @!p0 $0xFFFFF086;
	s6 =	sadd.s32 @!p0 s3, s7;
	s7 =	simm.s32 @!p0 $0x108  }
0x21: {  	s3 =	sadd.s32 s3, s9;
	s6 =	sadd.s32 @!p0 $0x88, s6;
	s7 =	simm.s32 @p2 $0x1082  }
0x22: {  	[simem:s7], [sflag:s8] =	dma.local @!p0 [hbm:s6], $0xF7A  }
0x23: {  	s9 =	sor.u32 $0xD0000000, s2;
	s6 =	simm.s32 $0x108;
	_ =	swait.ge @!p0 [sflag:s8], $0x0  }
0x24: {  	s3 =	sadd.s32 $0x88, s3;
	s6 =	simm.s32 @!p1 $0x1082;
	[sflag:s4] =	ssyncset.s32 $0xFFFFF086  }
0x25: {  	[simem:s6], [sflag:s4] =	dma.local [hbm:s3], $0xF7A  }
0x26: {  	[smem:$0x3F99] =	sst s1;
	(tag) =	ssettag s2;
	_ =	strace s9  }
0x27: {  	s1 =	sld [smem:$0x3FA9]  }
0x28: {  	s2 =	sld [smem:$0x3FAA]  }
0x29: {  	s4 =	sld [smem:$0x3FAC]  }
0x2a: {  	p0 =	seq.s32 s5, $0x0;
	s5 =	sld [smem:$0x3FAD]  }
0x2b: {  	s6 =	sld [smem:$0x3FAE]  }
0x2c: {  	s7 =	sld [smem:$0x3FAF]  }
0x2d: {  	s3 =	simm.s32 $0x108;
	s8 =	sld [smem:$0x3FB0]  }
0x2e: {  	s3 =	simm.s32 @!p0 $0x1082;
	s9 =	sld [smem:$0x3FB1]  }
0x2f: {  	lr =	sadd.s32 s0, s3;
	s0 =	sld [smem:$0x3FA8]  }
0x30: {  	s3 =	sld [smem:$0x3FAB]  }
0x31: {  	[smem:$0x3FB4] =	sst s10  }
0x32: {  	s10 =	sld [smem:$0x3FB2];
	_ =	sdelay $0x3  }
0x33: {  	p0 =	seq.s32 s10, $0x1;
	s10 =	sld [smem:$0x3FB4];
	_ =	sdelay $0x3  }
0x34: {  	[smem:$0x3FB4] =	sst s10  }
0x35: {  	s10 =	sld [smem:$0x3FB3];
	_ =	sdelay $0x3  }
0x36: {  	p1 =	seq.s32 s10, $0x1;
	s10 =	sld [smem:$0x3FB4];
	_ =	sdelay $0x3  }
0x37: {  	[smem:$0x3FB4] =	sst s10  }
0x38: {  	s10 =	sld [smem:$0x3FB5]  }
0x39: {  	_ = 	snop;
	(pc) =	sbr.ind lr, $3  }
0x3a: {  	_ = 	snop  }
0x3b: {  	_ = 	snop  }
0x3c: {  	p2 =	seq.s32 s10, $0x1;
	s10 =	sld [smem:$0x3FB4]  }
0x3d: {  	_ =	shalt  }
0x3e: {  	_ =	shalt  }
0x3f: {  	_ =	shalt  }
0x40: {  	_ =	shalt  }
0x41: {  	_ =	shalt  }
0x42: {  	_ =	shalt  }
0x43: {  	_ =	shalt  }
0x44: {  	_ =	shalt  }
0x45: {  	_ =	shalt  }
0x46: {  	_ =	shalt  }
0x47: {  	_ =	shalt  }
0x48: {  	_ =	shalt  }
0x49: {  	_ =	shalt  }
0x4a: {  	_ =	shalt  }
0x4b: {  	_ =	shalt  }
0x4c: {  	_ =	shalt  }
0x4d: {  	_ =	shalt  }
0x4e: {  	_ =	shalt  }
0x4f: {  	_ =	shalt  }
0x50: {  	_ =	shalt  }
0x51: {  	_ =	shalt  }
0x52: {  	_ =	shalt  }
0x53: {  	_ =	shalt  }
0x54: {  	_ =	shalt  }
0x55: {  	_ =	shalt  }
0x56: {  	_ =	shalt  }
0x57: {  	_ =	shalt  }
0x58: {  	_ =	shalt  }
0x59: {  	_ =	shalt  }
0x5a: {  	_ =	shalt  }
0x5b: {  	_ =	shalt  }
0x5c: {  	_ =	shalt  }
0x5d: {  	_ =	shalt  }
0x5e: {  	_ =	shalt  }
0x5f: {  	_ =	shalt  }
0x60: {  	_ =	shalt  }
0x61: {  	_ =	shalt  }
0x62: {  	_ =	shalt  }
0x63: {  	_ =	shalt  }
0x64: {  	_ =	shalt  }
0x65: {  	_ =	shalt  }
0x66: {  	_ =	shalt  }
0x67: {  	_ =	shalt  }
0x68: {  	_ =	shalt  }
0x69: {  	_ =	shalt  }
0x6a: {  	_ =	shalt  }
0x6b: {  	_ =	shalt  }
0x6c: {  	_ =	shalt  }
0x6d: {  	_ =	shalt  }
0x6e: {  	_ =	shalt  }
0x6f: {  	_ =	shalt  }
0x70: {  	_ =	shalt  }
0x71: {  	_ =	shalt  }
0x72: {  	_ =	shalt  }
0x73: {  	_ =	shalt  }
0x74: {  	_ =	shalt  }
0x75: {  	_ =	shalt  }
0x76: {  	_ =	shalt  }
0x77: {  	_ =	shalt  }
0x78: {  	_ =	shalt  }
0x79: {  	_ =	shalt  }
0x7a: {  	_ =	shalt  }
0x7b: {  	_ =	shalt  }
0x7c: {  	_ =	shalt  }
0x7d: {  	_ =	shalt  }
0x7e: {  	_ =	shalt  }
0x7f: {  	_ =	shalt  }
0x80: {  	_ =	shalt  }
0x81: {  	_ =	shalt  }
0x82: {  	_ =	shalt  }
0x83: {  	_ =	shalt  }
0x84: {  	_ =	shalt  }
0x85: {  	_ =	shalt  }
0x86: {  	_ =	shalt  }
0x87: {  	_ =	shalt  }
.Lfunc_end0:
.L_simem_size_0:
called_computation.1_lowered:
.L_overlay_start_0:
0x88: {  	s2 =	sld [smem:$0x3FD9]  }
0x89: {  	s3 =	sld [smem:$0x3FFE];
	_ =	sdelay $0x1  }
0x8a: {  	s1 =	srdreg.scid  }
0x8b: {  	s0 =	sand.u32 $0x1, s1  }
0x8c: {  	s17 =	sshll.u32 s0, $0xA;
	s2 =	sadd.s32 s3, s2  }
0x8d: {  	s2 =	sadd.s32 s2, s17  }
0x8e: {  	[smem:$0x3FC0] =	sst s2  }
0x8f: {  	_ = 	snop  }
0x90: {  	s2 =	sld [smem:$0x3FC8];
	(tm) =	ssettm $0x1  }
0x91: {  	s18 =	sld [smem:$0x3FFB];
	_ =	sdelay $0x3  }
0x92: {  	_ =	strace s18  }
0x93: {  	s3 =	sld [smem:$0x3FFC];
	_ =	sdelay $0x3  }
0x94: {  	_ =	strace s3  }
0x95: {  	s3 =	sld [smem:$0x3FFD];
	_ =	sdelay $0x3  }
0x96: {  	_ =	strace s3  }
0x97: {  	_ =	strace $0x8FFFFFFF  }
0x98: {  	s19 =	sld [smem:$0x3FDB];
	_ =	sdelay $0x1  }
0x99: {  	s4 =	simm.s32 $_scs_section_size  }
0x9a: {  	s5 =	simm.s32 $_size__tile_overlayer_lowered;
	s6 =	simm.s32 $_tile_overlayer_lowered  }
0x9b: {  	s22 =	simm.s32 $0x1BFF;
	s21 =	sshll.u32 s6, $0x1;
	s3 =	sadd.s32 s4, s19  }
0x9c: {  	s7 =	simm.s32 $0x0;
	s20 =	sshll.u32 s5, $0x1;
	s5 =	sadd.s32 s21, s3  }
0x9d: {  	[timem:s7], [sflag:s22] =	dma.local [hbm:s5], s20  }
0x9e: {  	_ =	swait.ge [sflag:s22], s20  }
0x9f: {  	s4 =	ssub.s32 $0x0, s20;
	[sflag:s22] =	ssyncset.done $0x0  }
0xa0: {  	[sflag:s22] =	ssyncadd.s32 s4;
	_ =	sdelay $0x1  }
0xa1: {  	s23 =	simm.s32 $0x1B8B  }
0xa2: {  	_ =	swait.ge [sflag:s23], $0x1  }
0xa3: {  	[sflag:s23] =	ssyncset.done $0x0  }
0xa4: {  	s25 =	simm.s32 $0x1B8E;
	s24 =	sld [smem:$0x3FFE];
	[sflag:s23] =	ssyncadd.s32 $0xFFFFFFFF  }
0xa5: {  	s26 =	simm.s32 $execute0_lowered;
	[smem:$0x3FD2] =	sst s25  }
0xa6: {  	s5 =	sshll.u32 s26, $0x1;
	_ =	strace $0x80000049;
	[dreg:$0x1] =	wrdreg $0xFFFFFFFF  }
0xa7: {  	s28 =	simm.s32 $_size_execute0_lowered;
	s3 =	sadd.s32 s3, s5;
	[dreg:$0x0] =	wrdreg $0x0  }
0xa8: {  	s5 =	sshll.u32 s28, $0x1;
	[dreg:$0x2] =	wrdreg s3  }
0xa9: {  	[dreg:$0x3] =	wrdreg s5  }
0xaa: {  	[dreg:$0x4] =	wrdreg $0xC0  }
0xab: {  	_ =	task [dreg:s7], $0x5FFFF  }
0xac: {  	[dreg:$0x1] =	wrdreg $0xFFFFFFFF  }
0xad: {  	[dreg:$0x0] =	wrdreg $0x60  }
0xae: {  	[dreg:$0x2] =	wrdreg s24  }
0xaf: {  	[dreg:$0x3] =	wrdreg s2  }
0xb0: {  	[dreg:$0x4] =	wrdreg $0xA8000  }
0xb1: {  	[dreg:$0x5] =	wrdreg $0x9  }
0xb2: {  	_ =	task.clear_ibuf [dreg:s7], $0x6FFFF;
	_ =	strace $0x90000049  }
0xb3: {  	s29 =	simm.s32 $0x9;
	_ =	strace $0x8000004B  }
0xb4: {  	_ =	swait.ge [sflag:s29], $0x1  }
0xb5: {  	[sflag:s29] =	ssyncadd.s32 $0xFFFFFFFF  }
0xb6: {  	_ =	strace $0x9000004B  }
0xb7: {  	_ =	sfence  }
0xb8: {  	s30 =	sld [smem:$0x0];
	_ =	sdelay $0x2  }
0xb9: {  	s31 =	sshll.u32 s1, $0xD;
	s1 =	sshrl.u32 s1, $0x2  }
0xba: {  	s3 =	sand.u32 $0x4000, s31;
	s1 =	sadd.s32 s1, s30  }
0xbb: {  	s0 =	sor.u32 s3, s0;
	s1 =	sshll.u32 s1, $0x11  }
0xbc: {  	s0 =	sor.u32 s1, s0  }
0xbd: {  	s0 =	sadd.s32 $0x8F2B, s0  }
0xbe: {  	[sflag:s0] =	ssyncadd.remote.s32 $0x1  }
0xbf: {  	_ =	sfence.sel $0xFFFF  }
0xc0: {  	[dreg:$0x0] =	wrdreg $0xFFFFFFFF;
	(pc) =	sbr.abs _section_cstart, $3  }
0xc1: {  	[dreg:$0x1] =	wrdreg $0xFFFFFFFF  }
0xc2: {  	_ =	task.clear_ibuf [dreg:s7], $0x2FFFF;
	_ =	strace $0x9FFFFFFF  }
0xc3: {  	(tm) =	ssettm $0x7FFFFFFF  }
tec
execute0_lowered:
.L_overlay_start_1:
0x0: {  	(tag) =	ssettag $0x1  }
0x1: {  	s0 =	rddreg [dreg:$0x0]  }
0x2: {  	s2 =	rddreg [dreg:$0x1]  }
0x3: {  	s1 =	rddreg [dreg:$0x2]  }
0x4: {  	s4 =	simm.s32 $0x0;
	s3 =	srdreg.scid;
	s13 =	stileid.u32  }
0x5: {  	s28 =	simm.s32 $0x5800;
	s29 =	simm.s32 $0x6800;
	s31 =	simm.s32 $0x7800  }
0x6: {  	s30 =	simm.s32 $0x3;
	s15 =	simm.s32 $0x0;
	[smem:$0x7FF] =	sst s4  }
0x7: {  	s3 =	sand.u32 $0x1, s3;
	s4 =	sadd.s32 $0x2600, s0;
	s7 =	smul.u32 $0x9C, s13  }
0x8: {  	s8 =	sadd.s32 $0x29800, s0;
	s17 =	sshll.u32 s13, $0x5;
	s18 =	smul.u32 $0x2700, s13  }
0x9: {  	s11 =	sadd.s32 $0x10, s2;
	s12 =	smul.u32 $0x4E000, s13;
	s22 =	sadd.s32 $0x124800, s1  }
0xa: {  	s0 =	sadd.s32 $0x26F00, s0;
	p0 =	sgt.u32 s13, $0x3;
	s5 =	smul.u32 $0x9C4, s3  }
0xb: {  	p1 =	seq.s32 s13, $0xF;
	_ =	strace $0x8000004A;
	s10 =	smul.u32 $0x27100, s3  }
0xc: {  	s6 =	ssub.s32 $0x2, s3;
	s3 =	smul.u32 $0x138800, s3;
	[dreg:$0xa] =	wrdreg s22  }
0xd: {  	[dreg:$0xb] =	wrdreg s0;
	s22 =	simm.s32 $0x2800;
	s9 =	sshrl.u32 s6, $0x1  }
0xe: {  	s20 =	sshrl.u32 s12, $0x2;
	s21 =	sadd.s32 s4, s18;
	s12 =	simm.s32 $0x10  }
0xf: {  	s6 =	ssub.s32 s6, s9;
	s5 =	sadd.s32 s7, s5;
	s7 =	sadd.s32 s17, s10  }
0x10: {  	[dreg:$0x9] =	wrdreg s21;
	s23 =	sadd.s32 s18, s10;
	s3 =	sshrl.u32 s3, $0x3  }
0x11: {  	s21 =	simm.s32 $0x20;
	s18 =	simm.s32 $0x8800;
	s9 =	simm.s32 $0xC  }
0x12: {  	s10 =	simm.s32 $0xD;
	s17 =	simm.s32 $0xF;
	s5 =	sshll.u32 s5, $0x3  }
0x13: {  	s7 =	sshrl.u32 s7, $0x3;
	s24 =	sadd.s32 s8, s23;
	s25 =	sadd.s32 s8, s3  }
0x14: {  	s26 =	smax.u32 s6, $0x1;
	s23 =	simm.s32 $0x3800;
	s3 =	simm.s32 $0x6  }
0x15: {  	s6 =	simm.s32 $0x9;
	s8 =	simm.s32 $0xB;
	s14 =	sadd.s32 s2, s5  }
0x16: {  	s5 =	sadd.s32 s5, s11;
	s19 =	sadd.s32 $0x4E00, s7;
	[dreg:$0xc] =	wrdreg s24  }
0x17: {  	s0 =	sadd.s32 $0x24900, s25;
	[dreg:$0xe] =	wrdreg s26;
	s25 =	simm.s32 $0x4800  }
0x18: {  	s26 =	simm.s32 $0x9800;
	s24 =	simm.s32 $0x5;
	[dreg:$0x4] =	wrdreg s14  }
0x19: {  	s7 =	simm.s32 $0xA;
	[dreg:$0x5] =	wrdreg s5;
	s2 =	sadd.s32 s2, s19  }
0x1a: {  	s5 =	sadd.s32 s19, s11;
	[dreg:$0xd] =	wrdreg s0;
	s19 =	simm.s32 $0x1  }
0x1b: {  	s0 =	simm.s32 $0x4;
	s11 =	simm.s32 $0xE;
	[dreg:$0x6] =	wrdreg s2  }
0x1c: {  	[dreg:$0x7] =	wrdreg s5;
	s2 =	sadd.s32 s20, s1;
	s20 =	simm.s32 $0x2  }
0x1d: {  	s5 =	simm.s32 $0x8;
	[dreg:$0x8] =	wrdreg s2;
	s2 =	simm.s32 $0x7  }
.LBB2_1:
0x1e: {  	[dreg:$0xf] =	wrdreg s15;
	s15 =	simm.s32 $0x0  }
0x1f: {  	s14 =	rddreg [dreg:$0x4];
	s16 =	simm.s32 $0x80;
	s13 =	simm.s32 $0x100  }
0x20: {  	[tilespmem:s15], [sflag:$0x1] =	stream.strided.gather [hbm4b:s14+s16], $0x1380, s13, s16, $0x38;
	[tilespmem:$0x1E080] =	vst v63  }
0x21: {  	s14 =	rddreg [dreg:$0x5];
	s15 =	simm.s32 $0x1400  }
0x22: {  	[tilespmem:s15], [sflag:$0x2] =	stream.strided.gather [hbm4b:s14+s16], $0x1380, s13, s16, $0x38;
	[tilespmem:$0x1E080] =	vst v63  }
0x23: {  	_ =	swait.ge [sflag:s19], $0x1380  }
0x24: {  	[sflag:s19] =	ssyncset.done $0x0  }
0x25: {  	[sflag:s19] =	ssyncadd.s32 $0xFFFFEC80  }
0x26: {  	_ =	swait.ge [sflag:s20], $0x1380  }
0x27: {  	s14 =	simm.s32 @!p0 $0x0;
	[sflag:s20] =	ssyncset.done $0x0  }
0x28: {  	s15 =	simm.s32 @!p0 $0x1380;
	s16 =	rddreg [dreg:$0x6];
	[sflag:s20] =	ssyncadd.s32 $0xFFFFEC80  }
0x29: {  	[tilespmem:s15], [sflag:$0x11] =	stream.linear.gather @!p0 [hbm4b:s16+s14], $0x20, $0x38;
	[tilespmem:$0x1E080] =	vst v63  }
0x2a: {  	s15 =	simm.s32 @!p0 $0x11  }
0x2b: {  	_ =	swait.ge @!p0 [sflag:s15], $0x20  }
0x2c: {  	[sflag:s15] =	ssyncset.done @!p0 $0x0  }
0x2d: {  	s16 =	simm.s32 @!p0 $0x2780;
	s13 =	rddreg [dreg:$0x7];
	[sflag:s15] =	ssyncadd.s32 @!p0 $0xFFFFFFE0  }
0x2e: {  	[tilespmem:s16], [sflag:$0x11] =	stream.linear.gather @!p0 [hbm4b:s13+s14], $0x20, $0x38;
	[tilespmem:$0x1E080] =	vst v63  }
0x2f: {  	_ =	swait.ge @!p0 [sflag:s15], $0x20  }
0x30: {  	[sflag:s15] =	ssyncset.done @!p0 $0x0  }
0x31: {  	s16 =	simm.s32 $0x0;
	[sflag:s15] =	ssyncadd.s32 @!p0 $0xFFFFFFE0  }
0x32: {  	[tilespmem:s22], [sflag:$0x1] =	stream.indirect.gather [hbm4b:s4+s21], $0x80, s16, s21, $0xb8;
	[tilespmem:$0x1E080] =	vst v63  }
0x33: {  	_ = 	snop  }
0x34: {  	[tilespmem:s23], [sflag:$0x2] =	stream.indirect.gather [hbm4b:s4+s21], $0x80, s21, s21, $0xb8;
	[tilespmem:$0x1E080] =	vst v63  }
0x35: {  	s14 =	simm.s32 $0x40  }
0x36: {  	[tilespmem:s25], [sflag:$0x3] =	stream.indirect.gather [hbm4b:s4+s21], $0x80, s14, s21, $0xb8;
	[tilespmem:$0x1E080] =	vst v63  }
0x37: {  	s15 =	simm.s32 $0x60  }
0x38: {  	[tilespmem:s28], [sflag:$0x4] =	stream.indirect.gather [hbm4b:s4+s21], $0x80, s15, s21, $0xb8;
	[tilespmem:$0x1E080] =	vst v63  }
0x39: {  	s16 =	simm.s32 $0x80  }
0x3a: {  	[tilespmem:s29], [sflag:$0x5] =	stream.indirect.gather [hbm4b:s4+s21], $0x80, s16, s21, $0xb8;
	[tilespmem:$0x1E080] =	vst v63  }
0x3b: {  	s14 =	simm.s32 $0xA0  }
0x3c: {  	[tilespmem:s31], [sflag:$0x6] =	stream.indirect.gather [hbm4b:s4+s21], $0x80, s14, s21, $0xb8;
	[tilespmem:$0x1E080] =	vst v63  }
0x3d: {  	s13 =	rddreg [dreg:$0xa];
	s15 =	simm.s32 $0xC0  }
0x3e: {  	[tilespmem:s18], [sflag:$0x7] =	stream.indirect.gather [hbm4b:s4+s21], $0x80, s15, s21, $0xb8;
	[tilespmem:$0x1E080] =	vst v63  }
0x3f: {  	s15 =	sshrl.u32 @p1 s13, $0x3;
	s13 =	rddreg [dreg:$0xb]  }
0x40: {  	s16 =	simm.s32 $0xE0;
	s14 =	simm.s32 @p1 $0x1FD1;
	[dreg:$0x10] =	wrdreg s15  }
0x41: {  	[tilespmem:s26], [sflag:$0x8] =	stream.indirect.gather [hbm4b:s4+s21], $0x80, s16, s21, $0xb8;
	[tilespmem:$0x1E080] =	vst v63  }
0x42: {  	[spmem:s15], [sflag:s14] =	dma.local @p1 [hbm:s13], $0x2800  }
0x43: {  	s14 =	simm.s32 @p1 $0x11  }
0x44: {  	_ =	swait.ge @p1 [sflag:s14], $0x2800  }
0x45: {  	s13 =	stileid.u32;
	[sflag:s14] =	ssyncset.done @p1 $0x0  }
0x46: {  	s15 =	sshll.u32 @!p1 s13, $0x6;
	s13 =	rddreg [dreg:$0x8];
	[sflag:s14] =	ssyncadd.s32 @p1 $0xFFFFD800  }
0x47: {  	s14 =	sor.u32 @!p1 $0x1C11, s15;
	s15 =	sshrl.u32 @!p1 s13, $0x3;
	s13 =	rddreg [dreg:$0x9]  }
0x48: {  	[dreg:$0x11] =	wrdreg s14  }
0x49: {  	[dreg:$0x12] =	wrdreg s15  }
0x4a: {  	[spmem:s15], [sflag:s14] =	dma.local @!p1 [hbm:s13], $0x2700  }
0x4b: {  	s14 =	simm.s32 @!p1 $0x11  }
0x4c: {  	_ =	swait.ge @!p1 [sflag:s14], $0x2700  }
0x4d: {  	[sflag:s14] =	ssyncset.done @!p1 $0x0  }
0x4e: {  	[sflag:s14] =	ssyncadd.s32 @!p1 $0xFFFFD900  }
0x4f: {  	[bflag:$0x0] =	sbarrier.arrive $0xFFFF  }
0x50: {  	_ =	swait.ge [sflag:s19], $0x1000  }
0x51: {  	[sflag:s19] =	ssyncset.done $0x0  }
0x52: {  	s13 =	simm.s32 $0x1400;
	[sflag:s19] =	ssyncadd.s32 $0xFFFFF000  }
0x53: {  	[spmem:s1] =	stream.indirect.scatter.add.f32 [tilespmem:s22], [sflag:$0x9], $0x80, s13, s21, $0xb8;
	[tilespmem:$0x1E080] =	vst v63  }
0x54: {  	_ =	swait.ge [sflag:s20], $0x1000  }
0x55: {  	[sflag:s20] =	ssyncset.done $0x0  }
0x56: {  	s15 =	simm.s32 $0x1420;
	[sflag:s20] =	ssyncadd.s32 $0xFFFFF000  }
0x57: {  	[spmem:s1] =	stream.indirect.scatter.add.f32 [tilespmem:s23], [sflag:$0xA], $0x80, s15, s21, $0xb8;
	[tilespmem:$0x1E080] =	vst v63  }
0x58: {  	_ =	swait.ge [sflag:s30], $0x1000  }
0x59: {  	[sflag:s30] =	ssyncset.done $0x0  }
0x5a: {  	s16 =	simm.s32 $0x1440;
	[sflag:s30] =	ssyncadd.s32 $0xFFFFF000  }
0x5b: {  	[spmem:s1] =	stream.indirect.scatter.add.f32 [tilespmem:s25], [sflag:$0xB], $0x80, s16, s21, $0xb8;
	[tilespmem:$0x1E080] =	vst v63  }
0x5c: {  	_ =	swait.ge [sflag:s0], $0x1000  }
0x5d: {  	[sflag:s0] =	ssyncset.done $0x0  }
0x5e: {  	s13 =	simm.s32 $0x1460;
	[sflag:s0] =	ssyncadd.s32 $0xFFFFF000  }
0x5f: {  	[spmem:s1] =	stream.indirect.scatter.add.f32 [tilespmem:s28], [sflag:$0xC], $0x80, s13, s21, $0xb8;
	[tilespmem:$0x1E080] =	vst v63  }
0x60: {  	_ =	swait.ge [sflag:s24], $0x1000  }
0x61: {  	[sflag:s24] =	ssyncset.done $0x0  }
0x62: {  	s15 =	simm.s32 $0x1480;
	[sflag:s24] =	ssyncadd.s32 $0xFFFFF000  }
0x63: {  	[spmem:s1] =	stream.indirect.scatter.add.f32 [tilespmem:s29], [sflag:$0xD], $0x80, s15, s21, $0xb8;
	[tilespmem:$0x1E080] =	vst v63  }
0x64: {  	_ =	swait.ge [sflag:s3], $0x1000  }
0x65: {  	[sflag:s3] =	ssyncset.done $0x0  }
0x66: {  	s16 =	simm.s32 $0x14A0;
	[sflag:s3] =	ssyncadd.s32 $0xFFFFF000  }
0x67: {  	[spmem:s1] =	stream.indirect.scatter.add.f32 [tilespmem:s31], [sflag:$0xE], $0x80, s16, s21, $0xb8;
	[tilespmem:$0x1E080] =	vst v63  }
0x68: {  	_ =	swait.ge [sflag:s2], $0x1000  }
0x69: {  	[sflag:s2] =	ssyncset.done $0x0  }
0x6a: {  	s13 =	simm.s32 $0x14C0;
	[sflag:s2] =	ssyncadd.s32 $0xFFFFF000  }
0x6b: {  	[spmem:s1] =	stream.indirect.scatter.add.f32 [tilespmem:s18], [sflag:$0xF], $0x80, s13, s21, $0xb8;
	[tilespmem:$0x1E080] =	vst v63  }
0x6c: {  	_ =	swait.ge [sflag:s5], $0x1000  }
0x6d: {  	[sflag:s5] =	ssyncset.done $0x0  }
0x6e: {  	s15 =	simm.s32 $0x14E0;
	[sflag:s5] =	ssyncadd.s32 $0xFFFFF000  }
0x6f: {  	[spmem:s1] =	stream.indirect.scatter.add.f32 [tilespmem:s26], [sflag:$0x10], $0x80, s15, s21, $0xb8;
	[tilespmem:$0x1E080] =	vst v63  }
0x70: {  	_ =	swait.ge [sflag:s6], $0x1000  }
0x71: {  	[sflag:s6] =	ssyncset.done $0x0  }
0x72: {  	s16 =	simm.s32 $0x100;
	[sflag:s6] =	ssyncadd.s32 $0xFFFFF000  }
0x73: {  	[tilespmem:s22], [sflag:$0x1] =	stream.indirect.gather [hbm4b:s4+s21], $0x80, s16, s21, $0xb8;
	[tilespmem:$0x1E080] =	vst v63  }
0x74: {  	_ =	swait.ge [sflag:s7], $0x1000  }
0x75: {  	[sflag:s7] =	ssyncset.done $0x0  }
0x76: {  	s13 =	simm.s32 $0x120;
	[sflag:s7] =	ssyncadd.s32 $0xFFFFF000  }
0x77: {  	[tilespmem:s23], [sflag:$0x2] =	stream.indirect.gather [hbm4b:s4+s21], $0x80, s13, s21, $0xb8;
	[tilespmem:$0x1E080] =	vst v63  }
0x78: {  	_ =	swait.ge [sflag:s8], $0x1000  }
0x79: {  	[sflag:s8] =	ssyncset.done $0x0  }
0x7a: {  	s15 =	simm.s32 $0x140;
	[sflag:s8] =	ssyncadd.s32 $0xFFFFF000  }
0x7b: {  	[tilespmem:s25], [sflag:$0x3] =	stream.indirect.gather [hbm4b:s4+s21], $0x80, s15, s21, $0xb8;
	[tilespmem:$0x1E080] =	vst v63  }
0x7c: {  	_ =	swait.ge [sflag:s9], $0x1000  }
0x7d: {  	[sflag:s9] =	ssyncset.done $0x0  }
0x7e: {  	s16 =	simm.s32 $0x160;
	[sflag:s9] =	ssyncadd.s32 $0xFFFFF000  }
0x7f: {  	[tilespmem:s28], [sflag:$0x4] =	stream.indirect.gather [hbm4b:s4+s21], $0x80, s16, s21, $0xb8;
	[tilespmem:$0x1E080] =	vst v63  }
0x80: {  	_ =	swait.ge [sflag:s10], $0x1000  }
0x81: {  	[sflag:s10] =	ssyncset.done $0x0  }
0x82: {  	s13 =	simm.s32 $0x180;
	[sflag:s10] =	ssyncadd.s32 $0xFFFFF000  }
0x83: {  	[tilespmem:s29], [sflag:$0x5] =	stream.indirect.gather [hbm4b:s4+s21], $0x80, s13, s21, $0xb8;
	[tilespmem:$0x1E080] =	vst v63  }
0x84: {  	_ =	swait.ge [sflag:s11], $0x1000  }
0x85: {  	[sflag:s11] =	ssyncset.done $0x0  }
0x86: {  	s15 =	simm.s32 $0x1A0;
	[sflag:s11] =	ssyncadd.s32 $0xFFFFF000  }
0x87: {  	[tilespmem:s31], [sflag:$0x6] =	stream.indirect.gather [hbm4b:s4+s21], $0x80, s15, s21, $0xb8;
	[tilespmem:$0x1E080] =	vst v63  }
0x88: {  	_ =	swait.ge [sflag:s17], $0x1000  }
0x89: {  	[sflag:s17] =	ssyncset.done $0x0  }
0x8a: {  	s16 =	simm.s32 $0x1C0;
	[sflag:s17] =	ssyncadd.s32 $0xFFFFF000  }
0x8b: {  	[tilespmem:s18], [sflag:$0x7] =	stream.indirect.gather [hbm4b:s4+s21], $0x80, s16, s21, $0xb8;
	[tilespmem:$0x1E080] =	vst v63  }
0x8c: {  	_ =	swait.ge [sflag:s12], $0x1000  }
0x8d: {  	[sflag:s12] =	ssyncset.done $0x0  }
0x8e: {  	s14 =	simm.s32 $0x400;
	s15 =	simm.s32 $0x1E0;
	[sflag:s12] =	ssyncadd.s32 $0xFFFFF000  }
.LBB2_2:
0x8f: {  	[tilespmem:s26], [sflag:$0x8] =	stream.indirect.gather [hbm4b:s4+s21], $0x80, s15, s21, $0xb8;
	[tilespmem:$0x1E080] =	vst v63  }
0x90: {  	s15 =	smov.u32 s14  }
0x91: {  	p2 =	sne.s32 s14, $0x4400;
	s14 =	sadd.s32 $0x400, s14;
	_ =	swait.ge [sflag:s19], $0x1000  }
0x92: {  	s15 =	sshra.s32 s15, $0x2;
	[sflag:s19] =	ssyncset.done $0x0  }
0x93: {  	s16 =	sadd.s32 $0x1400, s15;
	[sflag:s19] =	ssyncadd.s32 $0xFFFFF000  }
0x94: {  	[spmem:s1] =	stream.indirect.scatter.add.f32 [tilespmem:s22], [sflag:$0x9], $0x80, s16, s21, $0xb8;
	[tilespmem:$0x1E080] =	vst v63  }
0x95: {  	_ =	swait.ge [sflag:s20], $0x1000  }
0x96: {  	[sflag:s20] =	ssyncset.done $0x0  }
0x97: {  	s16 =	sadd.s32 $0x1420, s15;
	[sflag:s20] =	ssyncadd.s32 $0xFFFFF000  }
0x98: {  	[spmem:s1] =	stream.indirect.scatter.add.f32 [tilespmem:s23], [sflag:$0xA], $0x80, s16, s21, $0xb8;
	[tilespmem:$0x1E080] =	vst v63  }
0x99: {  	_ =	swait.ge [sflag:s30], $0x1000  }
0x9a: {  	[sflag:s30] =	ssyncset.done $0x0  }
0x9b: {  	s16 =	sadd.s32 $0x1440, s15;
	[sflag:s30] =	ssyncadd.s32 $0xFFFFF000  }
0x9c: {  	[spmem:s1] =	stream.indirect.scatter.add.f32 [tilespmem:s25], [sflag:$0xB], $0x80, s16, s21, $0xb8;
	[tilespmem:$0x1E080] =	vst v63  }
0x9d: {  	_ =	swait.ge [sflag:s0], $0x1000  }
0x9e: {  	[sflag:s0] =	ssyncset.done $0x0  }
0x9f: {  	s16 =	sadd.s32 $0x1460, s15;
	[sflag:s0] =	ssyncadd.s32 $0xFFFFF000  }
0xa0: {  	[spmem:s1] =	stream.indirect.scatter.add.f32 [tilespmem:s28], [sflag:$0xC], $0x80, s16, s21, $0xb8;
	[tilespmem:$0x1E080] =	vst v63  }
0xa1: {  	_ =	swait.ge [sflag:s24], $0x1000  }
0xa2: {  	[sflag:s24] =	ssyncset.done $0x0  }
0xa3: {  	s16 =	sadd.s32 $0x1480, s15;
	[sflag:s24] =	ssyncadd.s32 $0xFFFFF000  }
0xa4: {  	[spmem:s1] =	stream.indirect.scatter.add.f32 [tilespmem:s29], [sflag:$0xD], $0x80, s16, s21, $0xb8;
	[tilespmem:$0x1E080] =	vst v63  }
0xa5: {  	_ =	swait.ge [sflag:s3], $0x1000  }
0xa6: {  	[sflag:s3] =	ssyncset.done $0x0  }
0xa7: {  	s16 =	sadd.s32 $0x14A0, s15;
	[sflag:s3] =	ssyncadd.s32 $0xFFFFF000  }
0xa8: {  	[spmem:s1] =	stream.indirect.scatter.add.f32 [tilespmem:s31], [sflag:$0xE], $0x80, s16, s21, $0xb8;
	[tilespmem:$0x1E080] =	vst v63  }
0xa9: {  	_ =	swait.ge [sflag:s2], $0x1000  }
0xaa: {  	[sflag:s2] =	ssyncset.done $0x0  }
0xab: {  	s16 =	sadd.s32 $0x14C0, s15;
	[sflag:s2] =	ssyncadd.s32 $0xFFFFF000  }
0xac: {  	[spmem:s1] =	stream.indirect.scatter.add.f32 [tilespmem:s18], [sflag:$0xF], $0x80, s16, s21, $0xb8;
	[tilespmem:$0x1E080] =	vst v63  }
0xad: {  	_ =	swait.ge [sflag:s5], $0x1000  }
0xae: {  	[sflag:s5] =	ssyncset.done $0x0  }
0xaf: {  	s16 =	sadd.s32 $0x14E0, s15;
	[sflag:s5] =	ssyncadd.s32 $0xFFFFF000  }
0xb0: {  	[spmem:s1] =	stream.indirect.scatter.add.f32 [tilespmem:s26], [sflag:$0x10], $0x80, s16, s21, $0xb8;
	[tilespmem:$0x1E080] =	vst v63  }
0xb1: {  	_ =	swait.ge [sflag:s6], $0x1000  }
0xb2: {  	[sflag:s6] =	ssyncset.done $0x0  }
0xb3: {  	s16 =	sadd.s32 $0x100, s15;
	[sflag:s6] =	ssyncadd.s32 $0xFFFFF000  }
0xb4: {  	[tilespmem:s22], [sflag:$0x1] =	stream.indirect.gather [hbm4b:s4+s21], $0x80, s16, s21, $0xb8;
	[tilespmem:$0x1E080] =	vst v63  }
0xb5: {  	_ =	swait.ge [sflag:s7], $0x1000  }
0xb6: {  	[sflag:s7] =	ssyncset.done $0x0  }
0xb7: {  	s16 =	sadd.s32 $0x120, s15;
	[sflag:s7] =	ssyncadd.s32 $0xFFFFF000  }
0xb8: {  	[tilespmem:s23], [sflag:$0x2] =	stream.indirect.gather [hbm4b:s4+s21], $0x80, s16, s21, $0xb8;
	[tilespmem:$0x1E080] =	vst v63  }
0xb9: {  	_ =	swait.ge [sflag:s8], $0x1000  }
0xba: {  	[sflag:s8] =	ssyncset.done $0x0  }
0xbb: {  	s16 =	sadd.s32 $0x140, s15;
	[sflag:s8] =	ssyncadd.s32 $0xFFFFF000  }
0xbc: {  	[tilespmem:s25], [sflag:$0x3] =	stream.indirect.gather [hbm4b:s4+s21], $0x80, s16, s21, $0xb8;
	[tilespmem:$0x1E080] =	vst v63  }
0xbd: {  	_ =	swait.ge [sflag:s9], $0x1000  }
0xbe: {  	[sflag:s9] =	ssyncset.done $0x0  }
0xbf: {  	s16 =	sadd.s32 $0x160, s15;
	[sflag:s9] =	ssyncadd.s32 $0xFFFFF000  }
0xc0: {  	[tilespmem:s28], [sflag:$0x4] =	stream.indirect.gather [hbm4b:s4+s21], $0x80, s16, s21, $0xb8;
	[tilespmem:$0x1E080] =	vst v63  }
0xc1: {  	_ =	swait.ge [sflag:s10], $0x1000  }
0xc2: {  	[sflag:s10] =	ssyncset.done $0x0  }
0xc3: {  	s16 =	sadd.s32 $0x180, s15;
	[sflag:s10] =	ssyncadd.s32 $0xFFFFF000  }
0xc4: {  	[tilespmem:s29], [sflag:$0x5] =	stream.indirect.gather [hbm4b:s4+s21], $0x80, s16, s21, $0xb8;
	[tilespmem:$0x1E080] =	vst v63  }
0xc5: {  	_ =	swait.ge [sflag:s11], $0x1000  }
0xc6: {  	[sflag:s11] =	ssyncset.done $0x0  }
0xc7: {  	s16 =	sadd.s32 $0x1A0, s15;
	[sflag:s11] =	ssyncadd.s32 $0xFFFFF000  }
0xc8: {  	[tilespmem:s31], [sflag:$0x6] =	stream.indirect.gather [hbm4b:s4+s21], $0x80, s16, s21, $0xb8;
	[tilespmem:$0x1E080] =	vst v63  }
0xc9: {  	_ =	swait.ge [sflag:s17], $0x1000  }
0xca: {  	[sflag:s17] =	ssyncset.done $0x0  }
.Ltmp0:
0xcb: {  	s16 =	sadd.s32 $0x1C0, s15;
	[sflag:s17] =	ssyncadd.s32 $0xFFFFF000;
	(pc) =	sbr.rel @p2 .LBB2_2-.Ltmp0, $4  }
0xcc: {  	[tilespmem:s18], [sflag:$0x7] =	stream.indirect.gather [hbm4b:s4+s21], $0x80, s16, s21, $0xb8;
	[tilespmem:$0x1E080] =	vst v63  }
0xcd: {  	_ =	swait.ge [sflag:s12], $0x1000  }
0xce: {  	[sflag:s12] =	ssyncset.done $0x0  }
0xcf: {  	s15 =	sadd.s32 $0x1E0, s15;
	[sflag:s12] =	ssyncadd.s32 $0xFFFFF000  }
0xd0: {  	[tilespmem:s26], [sflag:$0x8] =	stream.indirect.gather [hbm4b:s4+s21], $0x80, s15, s21, $0xb8;
	[tilespmem:$0x1E080] =	vst v63  }
0xd1: {  	_ =	swait.ge [sflag:s19], $0x1000  }
0xd2: {  	[sflag:s19] =	ssyncset.done $0x0  }
0xd3: {  	s13 =	simm.s32 $0x2600;
	[sflag:s19] =	ssyncadd.s32 $0xFFFFF000  }
0xd4: {  	[spmem:s1] =	stream.indirect.scatter.add.f32 [tilespmem:s22], [sflag:$0x9], $0x80, s13, s21, $0xb8;
	[tilespmem:$0x1E080] =	vst v63  }
0xd5: {  	_ =	swait.ge [sflag:s20], $0x1000  }
0xd6: {  	[sflag:s20] =	ssyncset.done $0x0  }
0xd7: {  	s14 =	simm.s32 $0x2620;
	[sflag:s20] =	ssyncadd.s32 $0xFFFFF000  }
0xd8: {  	[spmem:s1] =	stream.indirect.scatter.add.f32 [tilespmem:s23], [sflag:$0xA], $0x80, s14, s21, $0xb8;
	[tilespmem:$0x1E080] =	vst v63  }
0xd9: {  	_ =	swait.ge [sflag:s30], $0x1000  }
0xda: {  	[sflag:s30] =	ssyncset.done $0x0  }
0xdb: {  	s15 =	simm.s32 $0x2640;
	[sflag:s30] =	ssyncadd.s32 $0xFFFFF000  }
0xdc: {  	[spmem:s1] =	stream.indirect.scatter.add.f32 [tilespmem:s25], [sflag:$0xB], $0x80, s15, s21, $0xb8;
	[tilespmem:$0x1E080] =	vst v63  }
0xdd: {  	_ =	swait.ge [sflag:s0], $0x1000  }
0xde: {  	[sflag:s0] =	ssyncset.done $0x0  }
0xdf: {  	s16 =	simm.s32 $0x2660;
	[sflag:s0] =	ssyncadd.s32 $0xFFFFF000  }
0xe0: {  	[spmem:s1] =	stream.indirect.scatter.add.f32 [tilespmem:s28], [sflag:$0xC], $0x80, s16, s21, $0xb8;
	[tilespmem:$0x1E080] =	vst v63  }
0xe1: {  	_ =	swait.ge [sflag:s24], $0x1000  }
0xe2: {  	[sflag:s24] =	ssyncset.done $0x0  }
0xe3: {  	s14 =	simm.s32 $0x2680;
	[sflag:s24] =	ssyncadd.s32 $0xFFFFF000  }
0xe4: {  	[spmem:s1] =	stream.indirect.scatter.add.f32 [tilespmem:s29], [sflag:$0xD], $0x80, s14, s21, $0xb8;
	[tilespmem:$0x1E080] =	vst v63  }
0xe5: {  	_ =	swait.ge [sflag:s3], $0x1000  }
0xe6: {  	[sflag:s3] =	ssyncset.done $0x0  }
0xe7: {  	s15 =	simm.s32 $0x26A0;
	[sflag:s3] =	ssyncadd.s32 $0xFFFFF000  }
0xe8: {  	[spmem:s1] =	stream.indirect.scatter.add.f32 [tilespmem:s31], [sflag:$0xE], $0x80, s15, s21, $0xb8;
	[tilespmem:$0x1E080] =	vst v63  }
0xe9: {  	_ =	swait.ge [sflag:s2], $0x1000  }
0xea: {  	[sflag:s2] =	ssyncset.done $0x0  }
0xeb: {  	s16 =	simm.s32 $0x26C0;
	[sflag:s2] =	ssyncadd.s32 $0xFFFFF000  }
0xec: {  	[spmem:s1] =	stream.indirect.scatter.add.f32 [tilespmem:s18], [sflag:$0xF], $0x80, s16, s21, $0xb8;
	[tilespmem:$0x1E080] =	vst v63  }
0xed: {  	_ =	swait.ge [sflag:s5], $0x1000  }
0xee: {  	[sflag:s5] =	ssyncset.done $0x0  }
0xef: {  	s14 =	simm.s32 $0x26E0;
	[sflag:s5] =	ssyncadd.s32 $0xFFFFF000  }
0xf0: {  	[spmem:s1] =	stream.indirect.scatter.add.f32 [tilespmem:s26], [sflag:$0x10], $0x80, s14, s21, $0xb8;
	[tilespmem:$0x1E080] =	vst v63  }
0xf1: {  	_ =	swait.ge [sflag:s6], $0x1000  }
0xf2: {  	[sflag:s6] =	ssyncset.done $0x0  }
0xf3: {  	s15 =	simm.s32 $0x1300;
	[sflag:s6] =	ssyncadd.s32 $0xFFFFF000  }
0xf4: {  	[tilespmem:s22], [sflag:$0x1] =	stream.indirect.gather [hbm4b:s4+s21], $0x80, s15, s21, $0xb8;
	[tilespmem:$0x1E080] =	vst v63  }
0xf5: {  	_ =	swait.ge [sflag:s7], $0x1000  }
0xf6: {  	[sflag:s7] =	ssyncset.done $0x0  }
0xf7: {  	s16 =	simm.s32 $0x1320;
	[sflag:s7] =	ssyncadd.s32 $0xFFFFF000  }
0xf8: {  	[tilespmem:s23], [sflag:$0x2] =	stream.indirect.gather [hbm4b:s4+s21], $0x80, s16, s21, $0xb8;
	[tilespmem:$0x1E080] =	vst v63  }
0xf9: {  	_ =	swait.ge [sflag:s8], $0x1000  }
0xfa: {  	[sflag:s8] =	ssyncset.done $0x0  }
0xfb: {  	s14 =	simm.s32 $0x1340;
	[sflag:s8] =	ssyncadd.s32 $0xFFFFF000  }
0xfc: {  	[tilespmem:s25], [sflag:$0x3] =	stream.indirect.gather [hbm4b:s4+s21], $0x80, s14, s21, $0xb8;
	[tilespmem:$0x1E080] =	vst v63  }
0xfd: {  	_ =	swait.ge [sflag:s9], $0x1000  }
0xfe: {  	[sflag:s9] =	ssyncset.done $0x0  }
0xff: {  	s15 =	simm.s32 $0x1360;
	[sflag:s9] =	ssyncadd.s32 $0xFFFFF000  }
0x100: {  	[tilespmem:s28], [sflag:$0x4] =	stream.indirect.gather [hbm4b:s4+s21], $0x80, s15, s21, $0xb8;
	[tilespmem:$0x1E080] =	vst v63  }
0x101: {  	_ =	swait.ge [sflag:s10], $0x1000  }
0x102: {  	s16 =	simm.s32 @!p0 $0x6800;
	[sflag:s10] =	ssyncset.done $0x0  }
0x103: {  	s14 =	simm.s32 @!p0 $0x20;
	s15 =	simm.s32 @!p0 $0x1380;
	[sflag:s10] =	ssyncadd.s32 $0xFFFFF000  }
0x104: {  	[tilespmem:s16], [sflag:$0x5] =	stream.indirect.gather @!p0 [hbm4b:s4+s14], $0x80, s15, s14, $0xb8;
	[tilespmem:$0x1E080] =	vst v63  }
0x105: {  	s15 =	simm.s32 @!p0 $0x5  }
0x106: {  	_ =	swait.ge @!p0 [sflag:s15], $0x1000  }
0x107: {  	[sflag:s15] =	ssyncset.done @!p0 $0x0  }
0x108: {  	[sflag:s15] =	ssyncadd.s32 @!p0 $0xFFFFF000;
	s15 =	simm.s32 @!p0 $0x2780  }
0x109: {  	[spmem:s1] =	stream.indirect.scatter.add.f32 @!p0 [tilespmem:s16], [sflag:$0xD], $0x80, s15, s14, $0xb8;
	[tilespmem:$0x1E080] =	vst v63  }
0x10a: {  	s14 =	simm.s32 @!p0 $0xD  }
0x10b: {  	_ =	swait.ge @!p0 [sflag:s14], $0x1000  }
0x10c: {  	[sflag:s14] =	ssyncset.done @!p0 $0x0  }
0x10d: {  	[sflag:s14] =	ssyncadd.s32 @!p0 $0xFFFFF000  }
0x10e: {  	_ =	swait.ge [sflag:s19], $0x1000  }
0x10f: {  	[sflag:s19] =	ssyncset.done $0x0  }
0x110: {  	s16 =	simm.s32 $0x2700;
	[sflag:s19] =	ssyncadd.s32 $0xFFFFF000  }
0x111: {  	[spmem:s1] =	stream.indirect.scatter.add.f32 [tilespmem:s22], [sflag:$0x9], $0x80, s16, s21, $0xb8;
	[tilespmem:$0x1E080] =	vst v63  }
0x112: {  	_ =	swait.ge [sflag:s20], $0x1000  }
0x113: {  	[sflag:s20] =	ssyncset.done $0x0  }
0x114: {  	s14 =	simm.s32 $0x2720;
	[sflag:s20] =	ssyncadd.s32 $0xFFFFF000  }
0x115: {  	[spmem:s1] =	stream.indirect.scatter.add.f32 [tilespmem:s23], [sflag:$0xA], $0x80, s14, s21, $0xb8;
	[tilespmem:$0x1E080] =	vst v63  }
0x116: {  	_ =	swait.ge [sflag:s30], $0x1000  }
0x117: {  	[sflag:s30] =	ssyncset.done $0x0  }
0x118: {  	s15 =	simm.s32 $0x2740;
	[sflag:s30] =	ssyncadd.s32 $0xFFFFF000  }
0x119: {  	[spmem:s1] =	stream.indirect.scatter.add.f32 [tilespmem:s25], [sflag:$0xB], $0x80, s15, s21, $0xb8;
	[tilespmem:$0x1E080] =	vst v63  }
0x11a: {  	_ =	swait.ge [sflag:s0], $0x1000  }
0x11b: {  	[sflag:s0] =	ssyncset.done $0x0  }
0x11c: {  	s16 =	simm.s32 $0x2760;
	[sflag:s0] =	ssyncadd.s32 $0xFFFFF000  }
0x11d: {  	[spmem:s1] =	stream.indirect.scatter.add.f32 [tilespmem:s28], [sflag:$0xC], $0x80, s16, s21, $0xb8;
	[tilespmem:$0x1E080] =	vst v63  }
0x11e: {  	_ =	swait.ge [sflag:s11], $0x1000  }
0x11f: {  	[sflag:s11] =	ssyncset.done $0x0  }
0x120: {  	[sflag:s11] =	ssyncadd.s32 $0xFFFFF000  }
0x121: {  	_ =	swait.ge [sflag:s17], $0x1000  }
0x122: {  	[sflag:s17] =	ssyncset.done $0x0  }
0x123: {  	[sflag:s17] =	ssyncadd.s32 $0xFFFFF000  }
0x124: {  	_ =	swait.ge [sflag:s12], $0x1000  }
0x125: {  	[sflag:s12] =	ssyncset.done $0x0  }
0x126: {  	[sflag:s12] =	ssyncadd.s32 $0xFFFFF000  }
0x127: {  	_ =	swait.ge [sflag:s6], $0x1000  }
0x128: {  	[sflag:s6] =	ssyncset.done $0x0  }
0x129: {  	[sflag:s6] =	ssyncadd.s32 $0xFFFFF000  }
0x12a: {  	_ =	swait.ge [sflag:s7], $0x1000  }
0x12b: {  	[sflag:s7] =	ssyncset.done $0x0  }
0x12c: {  	[sflag:s7] =	ssyncadd.s32 $0xFFFFF000  }
0x12d: {  	_ =	swait.ge [sflag:s8], $0x1000  }
0x12e: {  	[sflag:s8] =	ssyncset.done $0x0  }
0x12f: {  	[sflag:s8] =	ssyncadd.s32 $0xFFFFF000  }
0x130: {  	_ =	swait.ge [sflag:s9], $0x1000  }
0x131: {  	[sflag:s9] =	ssyncset.done $0x0  }
0x132: {  	[sflag:s9] =	ssyncadd.s32 $0xFFFFF000  }
0x133: {  	[bflag:$0x0] =	sbarrier.arrive $0xFFFF  }
0x134: {  	s13 =	rddreg [dreg:$0xd]  }
0x135: {  	s14 =	simm.s32 @p1 $0x1FD1;
	s15 =	rddreg [dreg:$0x10]  }
0x136: {  	[hbm:s13], [sflag:s14] =	dma.local @p1 [spmem:s15], $0x2800  }
0x137: {  	s14 =	simm.s32 @p1 $0x11  }
0x138: {  	_ =	swait.ge @p1 [sflag:s14], $0x2800  }
0x139: {  	s13 =	rddreg [dreg:$0xc]  }
0x13a: {  	[sflag:s14] =	ssyncset.done @p1 $0x0;
	s15 =	rddreg [dreg:$0x12]  }
0x13b: {  	[sflag:s14] =	ssyncadd.s32 @p1 $0xFFFFD800;
	s14 =	rddreg [dreg:$0x11]  }
0x13c: {  	[hbm:s13], [sflag:s14] =	dma.local @!p1 [spmem:s15], $0x2700  }
0x13d: {  	s14 =	simm.s32 @!p1 $0x11  }
0x13e: {  	_ =	swait.ge @!p1 [sflag:s14], $0x2700  }
0x13f: {  	s13 =	rddreg [dreg:$0xf]  }
0x140: {  	s16 =	rddreg [dreg:$0xe];
	s15 =	sadd.s32 $0x1, s13  }
0x141: {  	p2 =	sne.s32 s15, s16  }
.Ltmp1:
0x142: {  	_ = 	snop;
	(pc) =	sbr.rel @p2 .LBB2_1-.Ltmp1, $3  }
0x143: {  	_ =	sdelay $0x1  }
0x144: {  	[sflag:s14] =	ssyncset.done @!p1 $0x0  }
0x145: {  	[sflag:s14] =	ssyncadd.s32 @!p1 $0xFFFFD900  }
0x146: {  	_ =	sfence.sel $0x180000  }
0x147: {  	[bflag:$0x0] =	sbarrier.arrive $0xFFFF  }
0x148: {  	_ =	strace $0x9000004A  }
0x149: {  	s0 =	stileid.u32;
	[bflag:$0x2] =	sbarrier.arrive $0xFFFF  }
0x14a: {  	p0 =	sne.s32 s0, $0x0;
	s0 =	rddreg [dreg:$0x3]  }
0x14b: {  	s0 =	sadd.s32 @!p0 $0x100000, s0  }
0x14c: {  	[sflag:s0] =	ssyncadd.tile.s32 @!p0 $0x1;
	_ =	shalt  }
.Lfunc_end2:
_tile_overlayer_lowered:
.L_overlay_start_2:
0x14d: {  	(tag) =	ssettag $0x2  }
0x14e: {  	s0 =	rddreg [dreg:$0x0];
	s2 =	stileid.u32  }
0x14f: {  	s1 =	rddreg [dreg:$0x1];
	p0 =	sne.s32 s2, $0x0  }
0x150: {  	s3 =	rddreg [dreg:$0x2];
	[bflag:$0x3] =	sbarrier.arrive $0xFFFF;
	s2 =	simm.s32 @!p0 $0x1C11  }
0x151: {  	[timem:s3], [sflag:s2] =	dma.local @!p0 [hbm:s0], s1  }
0x152: {  	s0 =	simm.s32 @!p0 $0x11  }
0x153: {  	_ =	swait.ge @!p0 [sflag:s0], s1  }
0x154: {  	s1 =	ssub.s32 @!p0 $0x0, s1;
	[sflag:s0] =	ssyncset.done @!p0 $0x0  }
0x155: {  	[sflag:s0] =	ssyncadd.s32 @!p0 s1  }
0x156: {  	[bflag:$0x3] =	sbarrier.arrive $0xFFFF  }
0x157: {  	_ =	shalt  }

// kernel: kernel.14.cloned.1.call-start
scs
__scs_entry_jumppad:
0x0: {  	(pc) =	sbr.rel $0x88, $3  }
0x1: {  	(tag) =	ssettag $0x0;
	lr =	simm.s32 $0x1  }
0x2: {  	[smem:$0x3F99] =	sst lr;
	_ =	strace $0xD0000000  }
0x3: {  	_ = 	snop  }
0x4: {  	_ = 	snop  }
0x5: {  	_ = 	snop  }
0x6: {  	_ = 	snop  }
0x7: {  	_ = 	snop  }
__scs_overlays_trampoline_lowered:
0x8: {  	[smem:$0x3FA8] =	sst s0  }
0x9: {  	[smem:$0x3FA9] =	sst s1  }
0xa: {  	[smem:$0x3FAA] =	sst s2  }
0xb: {  	[smem:$0x3FAB] =	sst s3  }
0xc: {  	[smem:$0x3FAC] =	sst s4  }
0xd: {  	[smem:$0x3FAD] =	sst s5  }
0xe: {  	[smem:$0x3FAE] =	sst s6  }
0xf: {  	[smem:$0x3FAF] =	sst s7  }
0x10: {  	[smem:$0x3FB0] =	sst s8  }
0x11: {  	[smem:$0x3FB1] =	sst s9;
	s0 =	simm.s32 @!p0 $0x0  }
0x12: {  	s1 =	sld [smem:$0x3F97];
	s0 =	simm.s32 @p0 $0x1  }
0x13: {  	[smem:$0x3FB2] =	sst s0;
	s0 =	simm.s32 @!p1 $0x0  }
0x14: {  	s2 =	sld [smem:$0x3F96];
	s0 =	simm.s32 @p1 $0x1  }
0x15: {  	[smem:$0x3FB3] =	sst s0;
	s0 =	simm.s32 @!p2 $0x0  }
0x16: {  	s3 =	sld [smem:$0x3FDB];
	s0 =	simm.s32 @p2 $0x1  }
0x17: {  	s4 =	simm.s32 $0x1BF5;
	[smem:$0x3FB5] =	sst s0  }
0x18: {  	s0 =	sld [smem:$0x3F98];
	_ =	swait.ge [sflag:s4], $0x0  }
0x19: {  	s7 =	sld [smem:$0x3F99]  }
0x1a: {  	s8 =	sadd.s32 $0xFFFFE003, lr  }
0x1b: {  	s9 =	sadd.s32 $0xFFFFFEF7, lr;
	s5 =	simm.s32 $0xFFFFFFFF;
	p2 =	slt.u32 s8, $0xFFFFF086  }
0x1c: {  	p1 =	slt.u32 s9, $0xF7A;
	s5 =	simm.s32 @!p2 $0x0  }
0x1d: {  	s5 =	simm.s32 @p1 $0x1;
	p0 =	seq.s32 s7, s2  }
0x1e: {  	s7 =	smul.u32 @!p0 $0xF7A, s2;
	p2 =	seq.s32 @!p0 s5, $0x0  }
0x1f: {  	s9 =	smul.u32 $0xF7A, s1;
	s8 =	simm.s32 @!p0 $0x1BF5;
	p2 =	por !p2, p0  }
0x20: {  	[sflag:s8] =	ssyncset.s32 @!p0 $0xFFFFF086;
	s6 =	sadd.s32 @!p0 s3, s7;
	s7 =	simm.s32 @!p0 $0x108  }
0x21: {  	s3 =	sadd.s32 s3, s9;
	s6 =	sadd.s32 @!p0 $0x88, s6;
	s7 =	simm.s32 @p2 $0x1082  }
0x22: {  	[simem:s7], [sflag:s8] =	dma.local @!p0 [hbm:s6], $0xF7A  }
0x23: {  	s9 =	sor.u32 $0xD0000000, s2;
	s6 =	simm.s32 $0x108;
	_ =	swait.ge @!p0 [sflag:s8], $0x0  }
0x24: {  	s3 =	sadd.s32 $0x88, s3;
	s6 =	simm.s32 @!p1 $0x1082;
	[sflag:s4] =	ssyncset.s32 $0xFFFFF086  }
0x25: {  	[simem:s6], [sflag:s4] =	dma.local [hbm:s3], $0xF7A  }
0x26: {  	[smem:$0x3F99] =	sst s1;
	(tag) =	ssettag s2;
	_ =	strace s9  }
0x27: {  	s1 =	sld [smem:$0x3FA9]  }
0x28: {  	s2 =	sld [smem:$0x3FAA]  }
0x29: {  	s4 =	sld [smem:$0x3FAC]  }
0x2a: {  	p0 =	seq.s32 s5, $0x0;
	s5 =	sld [smem:$0x3FAD]  }
0x2b: {  	s6 =	sld [smem:$0x3FAE]  }
0x2c: {  	s7 =	sld [smem:$0x3FAF]  }
0x2d: {  	s3 =	simm.s32 $0x108;
	s8 =	sld [smem:$0x3FB0]  }
0x2e: {  	s3 =	simm.s32 @!p0 $0x1082;
	s9 =	sld [smem:$0x3FB1]  }
0x2f: {  	lr =	sadd.s32 s0, s3;
	s0 =	sld [smem:$0x3FA8]  }
0x30: {  	s3 =	sld [smem:$0x3FAB]  }
0x31: {  	[smem:$0x3FB4] =	sst s10  }
0x32: {  	s10 =	sld [smem:$0x3FB2];
	_ =	sdelay $0x3  }
0x33: {  	p0 =	seq.s32 s10, $0x1;
	s10 =	sld [smem:$0x3FB4];
	_ =	sdelay $0x3  }
0x34: {  	[smem:$0x3FB4] =	sst s10  }
0x35: {  	s10 =	sld [smem:$0x3FB3];
	_ =	sdelay $0x3  }
0x36: {  	p1 =	seq.s32 s10, $0x1;
	s10 =	sld [smem:$0x3FB4];
	_ =	sdelay $0x3  }
0x37: {  	[smem:$0x3FB4] =	sst s10  }
0x38: {  	s10 =	sld [smem:$0x3FB5]  }
0x39: {  	_ = 	snop;
	(pc) =	sbr.ind lr, $3  }
0x3a: {  	_ = 	snop  }
0x3b: {  	_ = 	snop  }
0x3c: {  	p2 =	seq.s32 s10, $0x1;
	s10 =	sld [smem:$0x3FB4]  }
0x3d: {  	_ =	shalt  }
0x3e: {  	_ =	shalt  }
0x3f: {  	_ =	shalt  }
0x40: {  	_ =	shalt  }
0x41: {  	_ =	shalt  }
0x42: {  	_ =	shalt  }
0x43: {  	_ =	shalt  }
0x44: {  	_ =	shalt  }
0x45: {  	_ =	shalt  }
0x46: {  	_ =	shalt  }
0x47: {  	_ =	shalt  }
0x48: {  	_ =	shalt  }
0x49: {  	_ =	shalt  }
0x4a: {  	_ =	shalt  }
0x4b: {  	_ =	shalt  }
0x4c: {  	_ =	shalt  }
0x4d: {  	_ =	shalt  }
0x4e: {  	_ =	shalt  }
0x4f: {  	_ =	shalt  }
0x50: {  	_ =	shalt  }
0x51: {  	_ =	shalt  }
0x52: {  	_ =	shalt  }
0x53: {  	_ =	shalt  }
0x54: {  	_ =	shalt  }
0x55: {  	_ =	shalt  }
0x56: {  	_ =	shalt  }
0x57: {  	_ =	shalt  }
0x58: {  	_ =	shalt  }
0x59: {  	_ =	shalt  }
0x5a: {  	_ =	shalt  }
0x5b: {  	_ =	shalt  }
0x5c: {  	_ =	shalt  }
0x5d: {  	_ =	shalt  }
0x5e: {  	_ =	shalt  }
0x5f: {  	_ =	shalt  }
0x60: {  	_ =	shalt  }
0x61: {  	_ =	shalt  }
0x62: {  	_ =	shalt  }
0x63: {  	_ =	shalt  }
0x64: {  	_ =	shalt  }
0x65: {  	_ =	shalt  }
0x66: {  	_ =	shalt  }
0x67: {  	_ =	shalt  }
0x68: {  	_ =	shalt  }
0x69: {  	_ =	shalt  }
0x6a: {  	_ =	shalt  }
0x6b: {  	_ =	shalt  }
0x6c: {  	_ =	shalt  }
0x6d: {  	_ =	shalt  }
0x6e: {  	_ =	shalt  }
0x6f: {  	_ =	shalt  }
0x70: {  	_ =	shalt  }
0x71: {  	_ =	shalt  }
0x72: {  	_ =	shalt  }
0x73: {  	_ =	shalt  }
0x74: {  	_ =	shalt  }
0x75: {  	_ =	shalt  }
0x76: {  	_ =	shalt  }
0x77: {  	_ =	shalt  }
0x78: {  	_ =	shalt  }
0x79: {  	_ =	shalt  }
0x7a: {  	_ =	shalt  }
0x7b: {  	_ =	shalt  }
0x7c: {  	_ =	shalt  }
0x7d: {  	_ =	shalt  }
0x7e: {  	_ =	shalt  }
0x7f: {  	_ =	shalt  }
0x80: {  	_ =	shalt  }
0x81: {  	_ =	shalt  }
0x82: {  	_ =	shalt  }
0x83: {  	_ =	shalt  }
0x84: {  	_ =	shalt  }
0x85: {  	_ =	shalt  }
0x86: {  	_ =	shalt  }
0x87: {  	_ =	shalt  }
.Lfunc_end0:
.L_simem_size_0:
called_computation.2_lowered:
.L_overlay_start_0:
0x88: {  	s2 =	sld [smem:$0x3FD9]  }
0x89: {  	s3 =	sld [smem:$0x3FFE];
	_ =	sdelay $0x1  }
0x8a: {  	s1 =	srdreg.scid  }
0x8b: {  	s0 =	sand.u32 $0x1, s1  }
0x8c: {  	s17 =	sshll.u32 s0, $0xA;
	s2 =	sadd.s32 s3, s2  }
0x8d: {  	s2 =	sadd.s32 s2, s17  }
0x8e: {  	[smem:$0x3FC0] =	sst s2  }
0x8f: {  	_ = 	snop  }
0x90: {  	s2 =	sld [smem:$0x3FC8];
	(tm) =	ssettm $0x1  }
0x91: {  	s18 =	sld [smem:$0x3FFB];
	_ =	sdelay $0x3  }
0x92: {  	_ =	strace s18  }
0x93: {  	s3 =	sld [smem:$0x3FFC];
	_ =	sdelay $0x3  }
0x94: {  	_ =	strace s3  }
0x95: {  	s3 =	sld [smem:$0x3FFD];
	_ =	sdelay $0x3  }
0x96: {  	_ =	strace s3  }
0x97: {  	_ =	strace $0x8FFFFFFF  }
0x98: {  	s19 =	sld [smem:$0x3FDB];
	_ =	sdelay $0x1  }
0x99: {  	s4 =	simm.s32 $_scs_section_size  }
0x9a: {  	s5 =	simm.s32 $_size__tile_overlayer_lowered;
	s6 =	simm.s32 $_tile_overlayer_lowered  }
0x9b: {  	s22 =	simm.s32 $0x1BFF;
	s21 =	sshll.u32 s6, $0x1;
	s3 =	sadd.s32 s4, s19  }
0x9c: {  	s7 =	simm.s32 $0x0;
	s20 =	sshll.u32 s5, $0x1;
	s5 =	sadd.s32 s21, s3  }
0x9d: {  	[timem:s7], [sflag:s22] =	dma.local [hbm:s5], s20  }
0x9e: {  	_ =	swait.ge [sflag:s22], s20  }
0x9f: {  	s4 =	ssub.s32 $0x0, s20;
	[sflag:s22] =	ssyncset.done $0x0  }
0xa0: {  	[sflag:s22] =	ssyncadd.s32 s4;
	_ =	sdelay $0x1  }
0xa1: {  	s23 =	simm.s32 $0x1B8B  }
0xa2: {  	_ =	swait.ge [sflag:s23], $0x1  }
0xa3: {  	[sflag:s23] =	ssyncset.done $0x0  }
0xa4: {  	s25 =	simm.s32 $0x1B8E;
	s24 =	sld [smem:$0x3FFE];
	[sflag:s23] =	ssyncadd.s32 $0xFFFFFFFF  }
0xa5: {  	s26 =	simm.s32 $execute0_lowered;
	[smem:$0x3FD2] =	sst s25  }
0xa6: {  	s5 =	sshll.u32 s26, $0x1;
	_ =	strace $0x8000004C;
	[dreg:$0x1] =	wrdreg $0xFFFFFFFF  }
0xa7: {  	s28 =	simm.s32 $_size_execute0_lowered;
	s3 =	sadd.s32 s3, s5;
	[dreg:$0x0] =	wrdreg $0x0  }
0xa8: {  	s5 =	sshll.u32 s28, $0x1;
	[dreg:$0x2] =	wrdreg s3  }
0xa9: {  	[dreg:$0x3] =	wrdreg s5  }
0xaa: {  	[dreg:$0x4] =	wrdreg $0xC0  }
0xab: {  	_ =	task [dreg:s7], $0x5FFFF  }
0xac: {  	[dreg:$0x1] =	wrdreg $0xFFFFFFFF  }
0xad: {  	[dreg:$0x0] =	wrdreg $0x60  }
0xae: {  	[dreg:$0x2] =	wrdreg s24  }
0xaf: {  	[dreg:$0x3] =	wrdreg s2  }
0xb0: {  	[dreg:$0x4] =	wrdreg $0xA8000  }
0xb1: {  	[dreg:$0x5] =	wrdreg $0x9  }
0xb2: {  	_ =	task.clear_ibuf [dreg:s7], $0x6FFFF;
	_ =	strace $0x9000004C  }
0xb3: {  	s29 =	simm.s32 $0x9;
	_ =	strace $0x8000004E  }
0xb4: {  	_ =	swait.ge [sflag:s29], $0x1  }
0xb5: {  	[sflag:s29] =	ssyncadd.s32 $0xFFFFFFFF  }
0xb6: {  	_ =	strace $0x9000004E  }
0xb7: {  	_ =	sfence  }
0xb8: {  	s30 =	sld [smem:$0x0];
	_ =	sdelay $0x2  }
0xb9: {  	s31 =	sshll.u32 s1, $0xD;
	s1 =	sshrl.u32 s1, $0x2  }
0xba: {  	s3 =	sand.u32 $0x4000, s31;
	s1 =	sadd.s32 s1, s30  }
0xbb: {  	s0 =	sor.u32 s3, s0;
	s1 =	sshll.u32 s1, $0x11  }
0xbc: {  	s0 =	sor.u32 s1, s0  }
0xbd: {  	s0 =	sadd.s32 $0x8F2B, s0  }
0xbe: {  	[sflag:s0] =	ssyncadd.remote.s32 $0x1  }
0xbf: {  	_ =	sfence.sel $0xFFFF  }
0xc0: {  	[dreg:$0x0] =	wrdreg $0xFFFFFFFF;
	(pc) =	sbr.abs _section_cstart, $3  }
0xc1: {  	[dreg:$0x1] =	wrdreg $0xFFFFFFFF  }
0xc2: {  	_ =	task.clear_ibuf [dreg:s7], $0x2FFFF;
	_ =	strace $0x9FFFFFFF  }
0xc3: {  	(tm) =	ssettm $0x7FFFFFFF  }
tec
execute0_lowered:
.L_overlay_start_1:
0x0: {  	(tag) =	ssettag $0x1  }
0x1: {  	s0 =	rddreg [dreg:$0x0]  }
0x2: {  	s2 =	rddreg [dreg:$0x1]  }
0x3: {  	s1 =	rddreg [dreg:$0x2]  }
0x4: {  	s4 =	simm.s32 $0x0;
	s3 =	srdreg.scid;
	s13 =	stileid.u32  }
0x5: {  	s28 =	simm.s32 $0x5800;
	s29 =	simm.s32 $0x6800;
	s31 =	simm.s32 $0x7800  }
0x6: {  	s30 =	simm.s32 $0x3;
	s15 =	simm.s32 $0x0;
	[smem:$0x7FF] =	sst s4  }
0x7: {  	s3 =	sand.u32 $0x1, s3;
	s4 =	sadd.s32 $0x2600, s0;
	s7 =	smul.u32 $0x9C, s13  }
0x8: {  	s8 =	sadd.s32 $0x29800, s0;
	s17 =	sshll.u32 s13, $0x5;
	s18 =	smul.u32 $0x2700, s13  }
0x9: {  	s11 =	sadd.s32 $0x10, s2;
	s12 =	smul.u32 $0x4E000, s13;
	s22 =	sadd.s32 $0x124800, s1  }
0xa: {  	s0 =	sadd.s32 $0x26F00, s0;
	p0 =	sgt.u32 s13, $0x3;
	s5 =	smul.u32 $0x9C4, s3  }
0xb: {  	p1 =	seq.s32 s13, $0xF;
	_ =	strace $0x8000004D;
	s10 =	smul.u32 $0x27100, s3  }
0xc: {  	s6 =	ssub.s32 $0x2, s3;
	s3 =	smul.u32 $0x138800, s3;
	[dreg:$0xa] =	wrdreg s22  }
0xd: {  	[dreg:$0xb] =	wrdreg s0;
	s22 =	simm.s32 $0x2800;
	s9 =	sshrl.u32 s6, $0x1  }
0xe: {  	s20 =	sshrl.u32 s12, $0x2;
	s21 =	sadd.s32 s4, s18;
	s12 =	simm.s32 $0x10  }
0xf: {  	s6 =	ssub.s32 s6, s9;
	s5 =	sadd.s32 s7, s5;
	s7 =	sadd.s32 s17, s10  }
0x10: {  	[dreg:$0x9] =	wrdreg s21;
	s23 =	sadd.s32 s18, s10;
	s3 =	sshrl.u32 s3, $0x3  }
0x11: {  	s21 =	simm.s32 $0x20;
	s18 =	simm.s32 $0x8800;
	s9 =	simm.s32 $0xC  }
0x12: {  	s10 =	simm.s32 $0xD;
	s17 =	simm.s32 $0xF;
	s5 =	sshll.u32 s5, $0x3  }
0x13: {  	s7 =	sshrl.u32 s7, $0x3;
	s24 =	sadd.s32 s8, s23;
	s25 =	sadd.s32 s8, s3  }
0x14: {  	s26 =	smax.u32 s6, $0x1;
	s23 =	simm.s32 $0x3800;
	s3 =	simm.s32 $0x6  }
0x15: {  	s6 =	simm.s32 $0x9;
	s8 =	simm.s32 $0xB;
	s14 =	sadd.s32 s2, s5  }
0x16: {  	s5 =	sadd.s32 s5, s11;
	s19 =	sadd.s32 $0x4E00, s7;
	[dreg:$0xc] =	wrdreg s24  }
0x17: {  	s0 =	sadd.s32 $0x24900, s25;
	[dreg:$0xe] =	wrdreg s26;
	s25 =	simm.s32 $0x4800  }
0x18: {  	s26 =	simm.s32 $0x9800;
	s24 =	simm.s32 $0x5;
	[dreg:$0x4] =	wrdreg s14  }
0x19: {  	s7 =	simm.s32 $0xA;
	[dreg:$0x5] =	wrdreg s5;
	s2 =	sadd.s32 s2, s19  }
0x1a: {  	s5 =	sadd.s32 s19, s11;
	[dreg:$0xd] =	wrdreg s0;
	s19 =	simm.s32 $0x1  }
0x1b: {  	s0 =	simm.s32 $0x4;
	s11 =	simm.s32 $0xE;
	[dreg:$0x6] =	wrdreg s2  }
0x1c: {  	[dreg:$0x7] =	wrdreg s5;
	s2 =	sadd.s32 s20, s1;
	s20 =	simm.s32 $0x2  }
0x1d: {  	s5 =	simm.s32 $0x8;
	[dreg:$0x8] =	wrdreg s2;
	s2 =	simm.s32 $0x7  }
.LBB2_1:
0x1e: {  	[dreg:$0xf] =	wrdreg s15;
	s15 =	simm.s32 $0x0  }
0x1f: {  	s14 =	rddreg [dreg:$0x4];
	s16 =	simm.s32 $0x80;
	s13 =	simm.s32 $0x100  }
0x20: {  	[tilespmem:s15], [sflag:$0x1] =	stream.strided.gather [hbm4b:s14+s16], $0x1380, s13, s16, $0x38;
	[tilespmem:$0x1E080] =	vst v63  }
0x21: {  	s14 =	rddreg [dreg:$0x5];
	s15 =	simm.s32 $0x1400  }
0x22: {  	[tilespmem:s15], [sflag:$0x2] =	stream.strided.gather [hbm4b:s14+s16], $0x1380, s13, s16, $0x38;
	[tilespmem:$0x1E080] =	vst v63  }
0x23: {  	_ =	swait.ge [sflag:s19], $0x1380  }
0x24: {  	[sflag:s19] =	ssyncset.done $0x0  }
0x25: {  	[sflag:s19] =	ssyncadd.s32 $0xFFFFEC80  }
0x26: {  	_ =	swait.ge [sflag:s20], $0x1380  }
0x27: {  	s14 =	simm.s32 @!p0 $0x0;
	[sflag:s20] =	ssyncset.done $0x0  }
0x28: {  	s15 =	simm.s32 @!p0 $0x1380;
	s16 =	rddreg [dreg:$0x6];
	[sflag:s20] =	ssyncadd.s32 $0xFFFFEC80  }
0x29: {  	[tilespmem:s15], [sflag:$0x11] =	stream.linear.gather @!p0 [hbm4b:s16+s14], $0x20, $0x38;
	[tilespmem:$0x1E080] =	vst v63  }
0x2a: {  	s15 =	simm.s32 @!p0 $0x11  }
0x2b: {  	_ =	swait.ge @!p0 [sflag:s15], $0x20  }
0x2c: {  	[sflag:s15] =	ssyncset.done @!p0 $0x0  }
0x2d: {  	s16 =	simm.s32 @!p0 $0x2780;
	s13 =	rddreg [dreg:$0x7];
	[sflag:s15] =	ssyncadd.s32 @!p0 $0xFFFFFFE0  }
0x2e: {  	[tilespmem:s16], [sflag:$0x11] =	stream.linear.gather @!p0 [hbm4b:s13+s14], $0x20, $0x38;
	[tilespmem:$0x1E080] =	vst v63  }
0x2f: {  	_ =	swait.ge @!p0 [sflag:s15], $0x20  }
0x30: {  	[sflag:s15] =	ssyncset.done @!p0 $0x0  }
0x31: {  	s16 =	simm.s32 $0x0;
	[sflag:s15] =	ssyncadd.s32 @!p0 $0xFFFFFFE0  }
0x32: {  	[tilespmem:s22], [sflag:$0x1] =	stream.indirect.gather [hbm4b:s4+s21], $0x80, s16, s21, $0xb8;
	[tilespmem:$0x1E080] =	vst v63  }
0x33: {  	_ = 	snop  }
0x34: {  	[tilespmem:s23], [sflag:$0x2] =	stream.indirect.gather [hbm4b:s4+s21], $0x80, s21, s21, $0xb8;
	[tilespmem:$0x1E080] =	vst v63  }
0x35: {  	s14 =	simm.s32 $0x40  }
0x36: {  	[tilespmem:s25], [sflag:$0x3] =	stream.indirect.gather [hbm4b:s4+s21], $0x80, s14, s21, $0xb8;
	[tilespmem:$0x1E080] =	vst v63  }
0x37: {  	s15 =	simm.s32 $0x60  }
0x38: {  	[tilespmem:s28], [sflag:$0x4] =	stream.indirect.gather [hbm4b:s4+s21], $0x80, s15, s21, $0xb8;
	[tilespmem:$0x1E080] =	vst v63  }
0x39: {  	s16 =	simm.s32 $0x80  }
0x3a: {  	[tilespmem:s29], [sflag:$0x5] =	stream.indirect.gather [hbm4b:s4+s21], $0x80, s16, s21, $0xb8;
	[tilespmem:$0x1E080] =	vst v63  }
0x3b: {  	s14 =	simm.s32 $0xA0  }
0x3c: {  	[tilespmem:s31], [sflag:$0x6] =	stream.indirect.gather [hbm4b:s4+s21], $0x80, s14, s21, $0xb8;
	[tilespmem:$0x1E080] =	vst v63  }
0x3d: {  	s13 =	rddreg [dreg:$0xa];
	s15 =	simm.s32 $0xC0  }
0x3e: {  	[tilespmem:s18], [sflag:$0x7] =	stream.indirect.gather [hbm4b:s4+s21], $0x80, s15, s21, $0xb8;
	[tilespmem:$0x1E080] =	vst v63  }
0x3f: {  	s15 =	sshrl.u32 @p1 s13, $0x3;
	s13 =	rddreg [dreg:$0xb]  }
0x40: {  	s16 =	simm.s32 $0xE0;
	s14 =	simm.s32 @p1 $0x1FD1;
	[dreg:$0x10] =	wrdreg s15  }
0x41: {  	[tilespmem:s26], [sflag:$0x8] =	stream.indirect.gather [hbm4b:s4+s21], $0x80, s16, s21, $0xb8;
	[tilespmem:$0x1E080] =	vst v63  }
0x42: {  	[spmem:s15], [sflag:s14] =	dma.local @p1 [hbm:s13], $0x2800  }
0x43: {  	s14 =	simm.s32 @p1 $0x11  }
0x44: {  	_ =	swait.ge @p1 [sflag:s14], $0x2800  }
0x45: {  	s13 =	stileid.u32;
	[sflag:s14] =	ssyncset.done @p1 $0x0  }
0x46: {  	s15 =	sshll.u32 @!p1 s13, $0x6;
	s13 =	rddreg [dreg:$0x8];
	[sflag:s14] =	ssyncadd.s32 @p1 $0xFFFFD800  }
0x47: {  	s14 =	sor.u32 @!p1 $0x1C11, s15;
	s15 =	sshrl.u32 @!p1 s13, $0x3;
	s13 =	rddreg [dreg:$0x9]  }
0x48: {  	[dreg:$0x11] =	wrdreg s14  }
0x49: {  	[dreg:$0x12] =	wrdreg s15  }
0x4a: {  	[spmem:s15], [sflag:s14] =	dma.local @!p1 [hbm:s13], $0x2700  }
0x4b: {  	s14 =	simm.s32 @!p1 $0x11  }
0x4c: {  	_ =	swait.ge @!p1 [sflag:s14], $0x2700  }
0x4d: {  	[sflag:s14] =	ssyncset.done @!p1 $0x0  }
0x4e: {  	[sflag:s14] =	ssyncadd.s32 @!p1 $0xFFFFD900  }
0x4f: {  	[bflag:$0x0] =	sbarrier.arrive $0xFFFF  }
0x50: {  	_ =	swait.ge [sflag:s19], $0x1000  }
0x51: {  	[sflag:s19] =	ssyncset.done $0x0  }
0x52: {  	s13 =	simm.s32 $0x1400;
	[sflag:s19] =	ssyncadd.s32 $0xFFFFF000  }
0x53: {  	[spmem:s1] =	stream.indirect.scatter.add.f32 [tilespmem:s22], [sflag:$0x9], $0x80, s13, s21, $0xb8;
	[tilespmem:$0x1E080] =	vst v63  }
0x54: {  	_ =	swait.ge [sflag:s20], $0x1000  }
0x55: {  	[sflag:s20] =	ssyncset.done $0x0  }
0x56: {  	s15 =	simm.s32 $0x1420;
	[sflag:s20] =	ssyncadd.s32 $0xFFFFF000  }
0x57: {  	[spmem:s1] =	stream.indirect.scatter.add.f32 [tilespmem:s23], [sflag:$0xA], $0x80, s15, s21, $0xb8;
	[tilespmem:$0x1E080] =	vst v63  }
0x58: {  	_ =	swait.ge [sflag:s30], $0x1000  }
0x59: {  	[sflag:s30] =	ssyncset.done $0x0  }
0x5a: {  	s16 =	simm.s32 $0x1440;
	[sflag:s30] =	ssyncadd.s32 $0xFFFFF000  }
0x5b: {  	[spmem:s1] =	stream.indirect.scatter.add.f32 [tilespmem:s25], [sflag:$0xB], $0x80, s16, s21, $0xb8;
	[tilespmem:$0x1E080] =	vst v63  }
0x5c: {  	_ =	swait.ge [sflag:s0], $0x1000  }
0x5d: {  	[sflag:s0] =	ssyncset.done $0x0  }
0x5e: {  	s13 =	simm.s32 $0x1460;
	[sflag:s0] =	ssyncadd.s32 $0xFFFFF000  }
0x5f: {  	[spmem:s1] =	stream.indirect.scatter.add.f32 [tilespmem:s28], [sflag:$0xC], $0x80, s13, s21, $0xb8;
	[tilespmem:$0x1E080] =	vst v63  }
0x60: {  	_ =	swait.ge [sflag:s24], $0x1000  }
0x61: {  	[sflag:s24] =	ssyncset.done $0x0  }
0x62: {  	s15 =	simm.s32 $0x1480;
	[sflag:s24] =	ssyncadd.s32 $0xFFFFF000  }
0x63: {  	[spmem:s1] =	stream.indirect.scatter.add.f32 [tilespmem:s29], [sflag:$0xD], $0x80, s15, s21, $0xb8;
	[tilespmem:$0x1E080] =	vst v63  }
0x64: {  	_ =	swait.ge [sflag:s3], $0x1000  }
0x65: {  	[sflag:s3] =	ssyncset.done $0x0  }
0x66: {  	s16 =	simm.s32 $0x14A0;
	[sflag:s3] =	ssyncadd.s32 $0xFFFFF000  }
0x67: {  	[spmem:s1] =	stream.indirect.scatter.add.f32 [tilespmem:s31], [sflag:$0xE], $0x80, s16, s21, $0xb8;
	[tilespmem:$0x1E080] =	vst v63  }
0x68: {  	_ =	swait.ge [sflag:s2], $0x1000  }
0x69: {  	[sflag:s2] =	ssyncset.done $0x0  }
0x6a: {  	s13 =	simm.s32 $0x14C0;
	[sflag:s2] =	ssyncadd.s32 $0xFFFFF000  }
0x6b: {  	[spmem:s1] =	stream.indirect.scatter.add.f32 [tilespmem:s18], [sflag:$0xF], $0x80, s13, s21, $0xb8;
	[tilespmem:$0x1E080] =	vst v63  }
0x6c: {  	_ =	swait.ge [sflag:s5], $0x1000  }
0x6d: {  	[sflag:s5] =	ssyncset.done $0x0  }
0x6e: {  	s15 =	simm.s32 $0x14E0;
	[sflag:s5] =	ssyncadd.s32 $0xFFFFF000  }
0x6f: {  	[spmem:s1] =	stream.indirect.scatter.add.f32 [tilespmem:s26], [sflag:$0x10], $0x80, s15, s21, $0xb8;
	[tilespmem:$0x1E080] =	vst v63  }
0x70: {  	_ =	swait.ge [sflag:s6], $0x1000  }
0x71: {  	[sflag:s6] =	ssyncset.done $0x0  }
0x72: {  	s16 =	simm.s32 $0x100;
	[sflag:s6] =	ssyncadd.s32 $0xFFFFF000  }
0x73: {  	[tilespmem:s22], [sflag:$0x1] =	stream.indirect.gather [hbm4b:s4+s21], $0x80, s16, s21, $0xb8;
	[tilespmem:$0x1E080] =	vst v63  }
0x74: {  	_ =	swait.ge [sflag:s7], $0x1000  }
0x75: {  	[sflag:s7] =	ssyncset.done $0x0  }
0x76: {  	s13 =	simm.s32 $0x120;
	[sflag:s7] =	ssyncadd.s32 $0xFFFFF000  }
0x77: {  	[tilespmem:s23], [sflag:$0x2] =	stream.indirect.gather [hbm4b:s4+s21], $0x80, s13, s21, $0xb8;
	[tilespmem:$0x1E080] =	vst v63  }
0x78: {  	_ =	swait.ge [sflag:s8], $0x1000  }
0x79: {  	[sflag:s8] =	ssyncset.done $0x0  }
0x7a: {  	s15 =	simm.s32 $0x140;
	[sflag:s8] =	ssyncadd.s32 $0xFFFFF000  }
0x7b: {  	[tilespmem:s25], [sflag:$0x3] =	stream.indirect.gather [hbm4b:s4+s21], $0x80, s15, s21, $0xb8;
	[tilespmem:$0x1E080] =	vst v63  }
0x7c: {  	_ =	swait.ge [sflag:s9], $0x1000  }
0x7d: {  	[sflag:s9] =	ssyncset.done $0x0  }
0x7e: {  	s16 =	simm.s32 $0x160;
	[sflag:s9] =	ssyncadd.s32 $0xFFFFF000  }
0x7f: {  	[tilespmem:s28], [sflag:$0x4] =	stream.indirect.gather [hbm4b:s4+s21], $0x80, s16, s21, $0xb8;
	[tilespmem:$0x1E080] =	vst v63  }
0x80: {  	_ =	swait.ge [sflag:s10], $0x1000  }
0x81: {  	[sflag:s10] =	ssyncset.done $0x0  }
0x82: {  	s13 =	simm.s32 $0x180;
	[sflag:s10] =	ssyncadd.s32 $0xFFFFF000  }
0x83: {  	[tilespmem:s29], [sflag:$0x5] =	stream.indirect.gather [hbm4b:s4+s21], $0x80, s13, s21, $0xb8;
	[tilespmem:$0x1E080] =	vst v63  }
0x84: {  	_ =	swait.ge [sflag:s11], $0x1000  }
0x85: {  	[sflag:s11] =	ssyncset.done $0x0  }
0x86: {  	s15 =	simm.s32 $0x1A0;
	[sflag:s11] =	ssyncadd.s32 $0xFFFFF000  }
0x87: {  	[tilespmem:s31], [sflag:$0x6] =	stream.indirect.gather [hbm4b:s4+s21], $0x80, s15, s21, $0xb8;
	[tilespmem:$0x1E080] =	vst v63  }
0x88: {  	_ =	swait.ge [sflag:s17], $0x1000  }
0x89: {  	[sflag:s17] =	ssyncset.done $0x0  }
0x8a: {  	s16 =	simm.s32 $0x1C0;
	[sflag:s17] =	ssyncadd.s32 $0xFFFFF000  }
0x8b: {  	[tilespmem:s18], [sflag:$0x7] =	stream.indirect.gather [hbm4b:s4+s21], $0x80, s16, s21, $0xb8;
	[tilespmem:$0x1E080] =	vst v63  }
0x8c: {  	_ =	swait.ge [sflag:s12], $0x1000  }
0x8d: {  	[sflag:s12] =	ssyncset.done $0x0  }
0x8e: {  	s14 =	simm.s32 $0x400;
	s15 =	simm.s32 $0x1E0;
	[sflag:s12] =	ssyncadd.s32 $0xFFFFF000  }
.LBB2_2:
0x8f: {  	[tilespmem:s26], [sflag:$0x8] =	stream.indirect.gather [hbm4b:s4+s21], $0x80, s15, s21, $0xb8;
	[tilespmem:$0x1E080] =	vst v63  }
0x90: {  	s15 =	smov.u32 s14  }
0x91: {  	p2 =	sne.s32 s14, $0x4400;
	s14 =	sadd.s32 $0x400, s14;
	_ =	swait.ge [sflag:s19], $0x1000  }
0x92: {  	s15 =	sshra.s32 s15, $0x2;
	[sflag:s19] =	ssyncset.done $0x0  }
0x93: {  	s16 =	sadd.s32 $0x1400, s15;
	[sflag:s19] =	ssyncadd.s32 $0xFFFFF000  }
0x94: {  	[spmem:s1] =	stream.indirect.scatter.add.f32 [tilespmem:s22], [sflag:$0x9], $0x80, s16, s21, $0xb8;
	[tilespmem:$0x1E080] =	vst v63  }
0x95: {  	_ =	swait.ge [sflag:s20], $0x1000  }
0x96: {  	[sflag:s20] =	ssyncset.done $0x0  }
0x97: {  	s16 =	sadd.s32 $0x1420, s15;
	[sflag:s20] =	ssyncadd.s32 $0xFFFFF000  }
0x98: {  	[spmem:s1] =	stream.indirect.scatter.add.f32 [tilespmem:s23], [sflag:$0xA], $0x80, s16, s21, $0xb8;
	[tilespmem:$0x1E080] =	vst v63  }
0x99: {  	_ =	swait.ge [sflag:s30], $0x1000  }
0x9a: {  	[sflag:s30] =	ssyncset.done $0x0  }
0x9b: {  	s16 =	sadd.s32 $0x1440, s15;
	[sflag:s30] =	ssyncadd.s32 $0xFFFFF000  }
0x9c: {  	[spmem:s1] =	stream.indirect.scatter.add.f32 [tilespmem:s25], [sflag:$0xB], $0x80, s16, s21, $0xb8;
	[tilespmem:$0x1E080] =	vst v63  }
0x9d: {  	_ =	swait.ge [sflag:s0], $0x1000  }
0x9e: {  	[sflag:s0] =	ssyncset.done $0x0  }
0x9f: {  	s16 =	sadd.s32 $0x1460, s15;
	[sflag:s0] =	ssyncadd.s32 $0xFFFFF000  }
0xa0: {  	[spmem:s1] =	stream.indirect.scatter.add.f32 [tilespmem:s28], [sflag:$0xC], $0x80, s16, s21, $0xb8;
	[tilespmem:$0x1E080] =	vst v63  }
0xa1: {  	_ =	swait.ge [sflag:s24], $0x1000  }
0xa2: {  	[sflag:s24] =	ssyncset.done $0x0  }
0xa3: {  	s16 =	sadd.s32 $0x1480, s15;
	[sflag:s24] =	ssyncadd.s32 $0xFFFFF000  }
0xa4: {  	[spmem:s1] =	stream.indirect.scatter.add.f32 [tilespmem:s29], [sflag:$0xD], $0x80, s16, s21, $0xb8;
	[tilespmem:$0x1E080] =	vst v63  }
0xa5: {  	_ =	swait.ge [sflag:s3], $0x1000  }
0xa6: {  	[sflag:s3] =	ssyncset.done $0x0  }
0xa7: {  	s16 =	sadd.s32 $0x14A0, s15;
	[sflag:s3] =	ssyncadd.s32 $0xFFFFF000  }
0xa8: {  	[spmem:s1] =	stream.indirect.scatter.add.f32 [tilespmem:s31], [sflag:$0xE], $0x80, s16, s21, $0xb8;
	[tilespmem:$0x1E080] =	vst v63  }
0xa9: {  	_ =	swait.ge [sflag:s2], $0x1000  }
0xaa: {  	[sflag:s2] =	ssyncset.done $0x0  }
0xab: {  	s16 =	sadd.s32 $0x14C0, s15;
	[sflag:s2] =	ssyncadd.s32 $0xFFFFF000  }
0xac: {  	[spmem:s1] =	stream.indirect.scatter.add.f32 [tilespmem:s18], [sflag:$0xF], $0x80, s16, s21, $0xb8;
	[tilespmem:$0x1E080] =	vst v63  }
0xad: {  	_ =	swait.ge [sflag:s5], $0x1000  }
0xae: {  	[sflag:s5] =	ssyncset.done $0x0  }
0xaf: {  	s16 =	sadd.s32 $0x14E0, s15;
	[sflag:s5] =	ssyncadd.s32 $0xFFFFF000  }
0xb0: {  	[spmem:s1] =	stream.indirect.scatter.add.f32 [tilespmem:s26], [sflag:$0x10], $0x80, s16, s21, $0xb8;
	[tilespmem:$0x1E080] =	vst v63  }
0xb1: {  	_ =	swait.ge [sflag:s6], $0x1000  }
0xb2: {  	[sflag:s6] =	ssyncset.done $0x0  }
0xb3: {  	s16 =	sadd.s32 $0x100, s15;
	[sflag:s6] =	ssyncadd.s32 $0xFFFFF000  }
0xb4: {  	[tilespmem:s22], [sflag:$0x1] =	stream.indirect.gather [hbm4b:s4+s21], $0x80, s16, s21, $0xb8;
	[tilespmem:$0x1E080] =	vst v63  }
0xb5: {  	_ =	swait.ge [sflag:s7], $0x1000  }
0xb6: {  	[sflag:s7] =	ssyncset.done $0x0  }
0xb7: {  	s16 =	sadd.s32 $0x120, s15;
	[sflag:s7] =	ssyncadd.s32 $0xFFFFF000  }
0xb8: {  	[tilespmem:s23], [sflag:$0x2] =	stream.indirect.gather [hbm4b:s4+s21], $0x80, s16, s21, $0xb8;
	[tilespmem:$0x1E080] =	vst v63  }
0xb9: {  	_ =	swait.ge [sflag:s8], $0x1000  }
0xba: {  	[sflag:s8] =	ssyncset.done $0x0  }
0xbb: {  	s16 =	sadd.s32 $0x140, s15;
	[sflag:s8] =	ssyncadd.s32 $0xFFFFF000  }
0xbc: {  	[tilespmem:s25], [sflag:$0x3] =	stream.indirect.gather [hbm4b:s4+s21], $0x80, s16, s21, $0xb8;
	[tilespmem:$0x1E080] =	vst v63  }
0xbd: {  	_ =	swait.ge [sflag:s9], $0x1000  }
0xbe: {  	[sflag:s9] =	ssyncset.done $0x0  }
0xbf: {  	s16 =	sadd.s32 $0x160, s15;
	[sflag:s9] =	ssyncadd.s32 $0xFFFFF000  }
0xc0: {  	[tilespmem:s28], [sflag:$0x4] =	stream.indirect.gather [hbm4b:s4+s21], $0x80, s16, s21, $0xb8;
	[tilespmem:$0x1E080] =	vst v63  }
0xc1: {  	_ =	swait.ge [sflag:s10], $0x1000  }
0xc2: {  	[sflag:s10] =	ssyncset.done $0x0  }
0xc3: {  	s16 =	sadd.s32 $0x180, s15;
	[sflag:s10] =	ssyncadd.s32 $0xFFFFF000  }
0xc4: {  	[tilespmem:s29], [sflag:$0x5] =	stream.indirect.gather [hbm4b:s4+s21], $0x80, s16, s21, $0xb8;
	[tilespmem:$0x1E080] =	vst v63  }
0xc5: {  	_ =	swait.ge [sflag:s11], $0x1000  }
0xc6: {  	[sflag:s11] =	ssyncset.done $0x0  }
0xc7: {  	s16 =	sadd.s32 $0x1A0, s15;
	[sflag:s11] =	ssyncadd.s32 $0xFFFFF000  }
0xc8: {  	[tilespmem:s31], [sflag:$0x6] =	stream.indirect.gather [hbm4b:s4+s21], $0x80, s16, s21, $0xb8;
	[tilespmem:$0x1E080] =	vst v63  }
0xc9: {  	_ =	swait.ge [sflag:s17], $0x1000  }
0xca: {  	[sflag:s17] =	ssyncset.done $0x0  }
.Ltmp0:
0xcb: {  	s16 =	sadd.s32 $0x1C0, s15;
	[sflag:s17] =	ssyncadd.s32 $0xFFFFF000;
	(pc) =	sbr.rel @p2 .LBB2_2-.Ltmp0, $4  }
0xcc: {  	[tilespmem:s18], [sflag:$0x7] =	stream.indirect.gather [hbm4b:s4+s21], $0x80, s16, s21, $0xb8;
	[tilespmem:$0x1E080] =	vst v63  }
0xcd: {  	_ =	swait.ge [sflag:s12], $0x1000  }
0xce: {  	[sflag:s12] =	ssyncset.done $0x0  }
0xcf: {  	s15 =	sadd.s32 $0x1E0, s15;
	[sflag:s12] =	ssyncadd.s32 $0xFFFFF000  }
0xd0: {  	[tilespmem:s26], [sflag:$0x8] =	stream.indirect.gather [hbm4b:s4+s21], $0x80, s15, s21, $0xb8;
	[tilespmem:$0x1E080] =	vst v63  }
0xd1: {  	_ =	swait.ge [sflag:s19], $0x1000  }
0xd2: {  	[sflag:s19] =	ssyncset.done $0x0  }
0xd3: {  	s13 =	simm.s32 $0x2600;
	[sflag:s19] =	ssyncadd.s32 $0xFFFFF000  }
0xd4: {  	[spmem:s1] =	stream.indirect.scatter.add.f32 [tilespmem:s22], [sflag:$0x9], $0x80, s13, s21, $0xb8;
	[tilespmem:$0x1E080] =	vst v63  }
0xd5: {  	_ =	swait.ge [sflag:s20], $0x1000  }
0xd6: {  	[sflag:s20] =	ssyncset.done $0x0  }
0xd7: {  	s14 =	simm.s32 $0x2620;
	[sflag:s20] =	ssyncadd.s32 $0xFFFFF000  }
0xd8: {  	[spmem:s1] =	stream.indirect.scatter.add.f32 [tilespmem:s23], [sflag:$0xA], $0x80, s14, s21, $0xb8;
	[tilespmem:$0x1E080] =	vst v63  }
0xd9: {  	_ =	swait.ge [sflag:s30], $0x1000  }
0xda: {  	[sflag:s30] =	ssyncset.done $0x0  }
0xdb: {  	s15 =	simm.s32 $0x2640;
	[sflag:s30] =	ssyncadd.s32 $0xFFFFF000  }
0xdc: {  	[spmem:s1] =	stream.indirect.scatter.add.f32 [tilespmem:s25], [sflag:$0xB], $0x80, s15, s21, $0xb8;
	[tilespmem:$0x1E080] =	vst v63  }
0xdd: {  	_ =	swait.ge [sflag:s0], $0x1000  }
0xde: {  	[sflag:s0] =	ssyncset.done $0x0  }
0xdf: {  	s16 =	simm.s32 $0x2660;
	[sflag:s0] =	ssyncadd.s32 $0xFFFFF000  }
0xe0: {  	[spmem:s1] =	stream.indirect.scatter.add.f32 [tilespmem:s28], [sflag:$0xC], $0x80, s16, s21, $0xb8;
	[tilespmem:$0x1E080] =	vst v63  }
0xe1: {  	_ =	swait.ge [sflag:s24], $0x1000  }
0xe2: {  	[sflag:s24] =	ssyncset.done $0x0  }
0xe3: {  	s14 =	simm.s32 $0x2680;
	[sflag:s24] =	ssyncadd.s32 $0xFFFFF000  }
0xe4: {  	[spmem:s1] =	stream.indirect.scatter.add.f32 [tilespmem:s29], [sflag:$0xD], $0x80, s14, s21, $0xb8;
	[tilespmem:$0x1E080] =	vst v63  }
0xe5: {  	_ =	swait.ge [sflag:s3], $0x1000  }
0xe6: {  	[sflag:s3] =	ssyncset.done $0x0  }
0xe7: {  	s15 =	simm.s32 $0x26A0;
	[sflag:s3] =	ssyncadd.s32 $0xFFFFF000  }
0xe8: {  	[spmem:s1] =	stream.indirect.scatter.add.f32 [tilespmem:s31], [sflag:$0xE], $0x80, s15, s21, $0xb8;
	[tilespmem:$0x1E080] =	vst v63  }
0xe9: {  	_ =	swait.ge [sflag:s2], $0x1000  }
0xea: {  	[sflag:s2] =	ssyncset.done $0x0  }
0xeb: {  	s16 =	simm.s32 $0x26C0;
	[sflag:s2] =	ssyncadd.s32 $0xFFFFF000  }
0xec: {  	[spmem:s1] =	stream.indirect.scatter.add.f32 [tilespmem:s18], [sflag:$0xF], $0x80, s16, s21, $0xb8;
	[tilespmem:$0x1E080] =	vst v63  }
0xed: {  	_ =	swait.ge [sflag:s5], $0x1000  }
0xee: {  	[sflag:s5] =	ssyncset.done $0x0  }
0xef: {  	s14 =	simm.s32 $0x26E0;
	[sflag:s5] =	ssyncadd.s32 $0xFFFFF000  }
0xf0: {  	[spmem:s1] =	stream.indirect.scatter.add.f32 [tilespmem:s26], [sflag:$0x10], $0x80, s14, s21, $0xb8;
	[tilespmem:$0x1E080] =	vst v63  }
0xf1: {  	_ =	swait.ge [sflag:s6], $0x1000  }
0xf2: {  	[sflag:s6] =	ssyncset.done $0x0  }
0xf3: {  	s15 =	simm.s32 $0x1300;
	[sflag:s6] =	ssyncadd.s32 $0xFFFFF000  }
0xf4: {  	[tilespmem:s22], [sflag:$0x1] =	stream.indirect.gather [hbm4b:s4+s21], $0x80, s15, s21, $0xb8;
	[tilespmem:$0x1E080] =	vst v63  }
0xf5: {  	_ =	swait.ge [sflag:s7], $0x1000  }
0xf6: {  	[sflag:s7] =	ssyncset.done $0x0  }
0xf7: {  	s16 =	simm.s32 $0x1320;
	[sflag:s7] =	ssyncadd.s32 $0xFFFFF000  }
0xf8: {  	[tilespmem:s23], [sflag:$0x2] =	stream.indirect.gather [hbm4b:s4+s21], $0x80, s16, s21, $0xb8;
	[tilespmem:$0x1E080] =	vst v63  }
0xf9: {  	_ =	swait.ge [sflag:s8], $0x1000  }
0xfa: {  	[sflag:s8] =	ssyncset.done $0x0  }
0xfb: {  	s14 =	simm.s32 $0x1340;
	[sflag:s8] =	ssyncadd.s32 $0xFFFFF000  }
0xfc: {  	[tilespmem:s25], [sflag:$0x3] =	stream.indirect.gather [hbm4b:s4+s21], $0x80, s14, s21, $0xb8;
	[tilespmem:$0x1E080] =	vst v63  }
0xfd: {  	_ =	swait.ge [sflag:s9], $0x1000  }
0xfe: {  	[sflag:s9] =	ssyncset.done $0x0  }
0xff: {  	s15 =	simm.s32 $0x1360;
	[sflag:s9] =	ssyncadd.s32 $0xFFFFF000  }
0x100: {  	[tilespmem:s28], [sflag:$0x4] =	stream.indirect.gather [hbm4b:s4+s21], $0x80, s15, s21, $0xb8;
	[tilespmem:$0x1E080] =	vst v63  }
0x101: {  	_ =	swait.ge [sflag:s10], $0x1000  }
0x102: {  	s16 =	simm.s32 @!p0 $0x6800;
	[sflag:s10] =	ssyncset.done $0x0  }
0x103: {  	s14 =	simm.s32 @!p0 $0x20;
	s15 =	simm.s32 @!p0 $0x1380;
	[sflag:s10] =	ssyncadd.s32 $0xFFFFF000  }
0x104: {  	[tilespmem:s16], [sflag:$0x5] =	stream.indirect.gather @!p0 [hbm4b:s4+s14], $0x80, s15, s14, $0xb8;
	[tilespmem:$0x1E080] =	vst v63  }
0x105: {  	s15 =	simm.s32 @!p0 $0x5  }
0x106: {  	_ =	swait.ge @!p0 [sflag:s15], $0x1000  }
0x107: {  	[sflag:s15] =	ssyncset.done @!p0 $0x0  }
0x108: {  	[sflag:s15] =	ssyncadd.s32 @!p0 $0xFFFFF000;
	s15 =	simm.s32 @!p0 $0x2780  }
0x109: {  	[spmem:s1] =	stream.indirect.scatter.add.f32 @!p0 [tilespmem:s16], [sflag:$0xD], $0x80, s15, s14, $0xb8;
	[tilespmem:$0x1E080] =	vst v63  }
0x10a: {  	s14 =	simm.s32 @!p0 $0xD  }
0x10b: {  	_ =	swait.ge @!p0 [sflag:s14], $0x1000  }
0x10c: {  	[sflag:s14] =	ssyncset.done @!p0 $0x0  }
0x10d: {  	[sflag:s14] =	ssyncadd.s32 @!p0 $0xFFFFF000  }
0x10e: {  	_ =	swait.ge [sflag:s19], $0x1000  }
0x10f: {  	[sflag:s19] =	ssyncset.done $0x0  }
0x110: {  	s16 =	simm.s32 $0x2700;
	[sflag:s19] =	ssyncadd.s32 $0xFFFFF000  }
0x111: {  	[spmem:s1] =	stream.indirect.scatter.add.f32 [tilespmem:s22], [sflag:$0x9], $0x80, s16, s21, $0xb8;
	[tilespmem:$0x1E080] =	vst v63  }
0x112: {  	_ =	swait.ge [sflag:s20], $0x1000  }
0x113: {  	[sflag:s20] =	ssyncset.done $0x0  }
0x114: {  	s14 =	simm.s32 $0x2720;
	[sflag:s20] =	ssyncadd.s32 $0xFFFFF000  }
0x115: {  	[spmem:s1] =	stream.indirect.scatter.add.f32 [tilespmem:s23], [sflag:$0xA], $0x80, s14, s21, $0xb8;
	[tilespmem:$0x1E080] =	vst v63  }
0x116: {  	_ =	swait.ge [sflag:s30], $0x1000  }
0x117: {  	[sflag:s30] =	ssyncset.done $0x0  }
0x118: {  	s15 =	simm.s32 $0x2740;
	[sflag:s30] =	ssyncadd.s32 $0xFFFFF000  }
0x119: {  	[spmem:s1] =	stream.indirect.scatter.add.f32 [tilespmem:s25], [sflag:$0xB], $0x80, s15, s21, $0xb8;
	[tilespmem:$0x1E080] =	vst v63  }
0x11a: {  	_ =	swait.ge [sflag:s0], $0x1000  }
0x11b: {  	[sflag:s0] =	ssyncset.done $0x0  }
0x11c: {  	s16 =	simm.s32 $0x2760;
	[sflag:s0] =	ssyncadd.s32 $0xFFFFF000  }
0x11d: {  	[spmem:s1] =	stream.indirect.scatter.add.f32 [tilespmem:s28], [sflag:$0xC], $0x80, s16, s21, $0xb8;
	[tilespmem:$0x1E080] =	vst v63  }
0x11e: {  	_ =	swait.ge [sflag:s11], $0x1000  }
0x11f: {  	[sflag:s11] =	ssyncset.done $0x0  }
0x120: {  	[sflag:s11] =	ssyncadd.s32 $0xFFFFF000  }
0x121: {  	_ =	swait.ge [sflag:s17], $0x1000  }
0x122: {  	[sflag:s17] =	ssyncset.done $0x0  }
0x123: {  	[sflag:s17] =	ssyncadd.s32 $0xFFFFF000  }
0x124: {  	_ =	swait.ge [sflag:s12], $0x1000  }
0x125: {  	[sflag:s12] =	ssyncset.done $0x0  }
0x126: {  	[sflag:s12] =	ssyncadd.s32 $0xFFFFF000  }
0x127: {  	_ =	swait.ge [sflag:s6], $0x1000  }
0x128: {  	[sflag:s6] =	ssyncset.done $0x0  }
0x129: {  	[sflag:s6] =	ssyncadd.s32 $0xFFFFF000  }
0x12a: {  	_ =	swait.ge [sflag:s7], $0x1000  }
0x12b: {  	[sflag:s7] =	ssyncset.done $0x0  }
0x12c: {  	[sflag:s7] =	ssyncadd.s32 $0xFFFFF000  }
0x12d: {  	_ =	swait.ge [sflag:s8], $0x1000  }
0x12e: {  	[sflag:s8] =	ssyncset.done $0x0  }
0x12f: {  	[sflag:s8] =	ssyncadd.s32 $0xFFFFF000  }
0x130: {  	_ =	swait.ge [sflag:s9], $0x1000  }
0x131: {  	[sflag:s9] =	ssyncset.done $0x0  }
0x132: {  	[sflag:s9] =	ssyncadd.s32 $0xFFFFF000  }
0x133: {  	[bflag:$0x0] =	sbarrier.arrive $0xFFFF  }
0x134: {  	s13 =	rddreg [dreg:$0xd]  }
0x135: {  	s14 =	simm.s32 @p1 $0x1FD1;
	s15 =	rddreg [dreg:$0x10]  }
0x136: {  	[hbm:s13], [sflag:s14] =	dma.local @p1 [spmem:s15], $0x2800  }
0x137: {  	s14 =	simm.s32 @p1 $0x11  }
0x138: {  	_ =	swait.ge @p1 [sflag:s14], $0x2800  }
0x139: {  	s13 =	rddreg [dreg:$0xc]  }
0x13a: {  	[sflag:s14] =	ssyncset.done @p1 $0x0;
	s15 =	rddreg [dreg:$0x12]  }
0x13b: {  	[sflag:s14] =	ssyncadd.s32 @p1 $0xFFFFD800;
	s14 =	rddreg [dreg:$0x11]  }
0x13c: {  	[hbm:s13], [sflag:s14] =	dma.local @!p1 [spmem:s15], $0x2700  }
0x13d: {  	s14 =	simm.s32 @!p1 $0x11  }
0x13e: {  	_ =	swait.ge @!p1 [sflag:s14], $0x2700  }
0x13f: {  	s13 =	rddreg [dreg:$0xf]  }
0x140: {  	s16 =	rddreg [dreg:$0xe];
	s15 =	sadd.s32 $0x1, s13  }
0x141: {  	p2 =	sne.s32 s15, s16  }
.Ltmp1:
0x142: {  	_ = 	snop;
	(pc) =	sbr.rel @p2 .LBB2_1-.Ltmp1, $3  }
0x143: {  	_ =	sdelay $0x1  }
0x144: {  	[sflag:s14] =	ssyncset.done @!p1 $0x0  }
0x145: {  	[sflag:s14] =	ssyncadd.s32 @!p1 $0xFFFFD900  }
0x146: {  	_ =	sfence.sel $0x180000  }
0x147: {  	[bflag:$0x0] =	sbarrier.arrive $0xFFFF  }
0x148: {  	_ =	strace $0x9000004D  }
0x149: {  	s0 =	stileid.u32;
	[bflag:$0x2] =	sbarrier.arrive $0xFFFF  }
0x14a: {  	p0 =	sne.s32 s0, $0x0;
	s0 =	rddreg [dreg:$0x3]  }
0x14b: {  	s0 =	sadd.s32 @!p0 $0x100000, s0  }
0x14c: {  	[sflag:s0] =	ssyncadd.tile.s32 @!p0 $0x1;
	_ =	shalt  }
.Lfunc_end2:
_tile_overlayer_lowered:
.L_overlay_start_2:
0x14d: {  	(tag) =	ssettag $0x2  }
0x14e: {  	s0 =	rddreg [dreg:$0x0];
	s2 =	stileid.u32  }
0x14f: {  	s1 =	rddreg [dreg:$0x1];
	p0 =	sne.s32 s2, $0x0  }
0x150: {  	s3 =	rddreg [dreg:$0x2];
	[bflag:$0x3] =	sbarrier.arrive $0xFFFF;
	s2 =	simm.s32 @!p0 $0x1C11  }
0x151: {  	[timem:s3], [sflag:s2] =	dma.local @!p0 [hbm:s0], s1  }
0x152: {  	s0 =	simm.s32 @!p0 $0x11  }
0x153: {  	_ =	swait.ge @!p0 [sflag:s0], s1  }
0x154: {  	s1 =	ssub.s32 @!p0 $0x0, s1;
	[sflag:s0] =	ssyncset.done @!p0 $0x0  }
0x155: {  	[sflag:s0] =	ssyncadd.s32 @!p0 s1  }
0x156: {  	[bflag:$0x3] =	sbarrier.arrive $0xFFFF  }
0x157: {  	_ =	shalt  }

// kernel: kernel.8.cloned.1.call-start
scs
__scs_entry_jumppad:
0x0: {  	(pc) =	sbr.rel $0x88, $3  }
0x1: {  	(tag) =	ssettag $0x0;
	lr =	simm.s32 $0x1  }
0x2: {  	[smem:$0x3F99] =	sst lr;
	_ =	strace $0xD0000000  }
0x3: {  	_ = 	snop  }
0x4: {  	_ = 	snop  }
0x5: {  	_ = 	snop  }
0x6: {  	_ = 	snop  }
0x7: {  	_ = 	snop  }
__scs_overlays_trampoline_lowered:
0x8: {  	[smem:$0x3FA8] =	sst s0  }
0x9: {  	[smem:$0x3FA9] =	sst s1  }
0xa: {  	[smem:$0x3FAA] =	sst s2  }
0xb: {  	[smem:$0x3FAB] =	sst s3  }
0xc: {  	[smem:$0x3FAC] =	sst s4  }
0xd: {  	[smem:$0x3FAD] =	sst s5  }
0xe: {  	[smem:$0x3FAE] =	sst s6  }
0xf: {  	[smem:$0x3FAF] =	sst s7  }
0x10: {  	[smem:$0x3FB0] =	sst s8  }
0x11: {  	[smem:$0x3FB1] =	sst s9;
	s0 =	simm.s32 @!p0 $0x0  }
0x12: {  	s1 =	sld [smem:$0x3F97];
	s0 =	simm.s32 @p0 $0x1  }
0x13: {  	[smem:$0x3FB2] =	sst s0;
	s0 =	simm.s32 @!p1 $0x0  }
0x14: {  	s2 =	sld [smem:$0x3F96];
	s0 =	simm.s32 @p1 $0x1  }
0x15: {  	[smem:$0x3FB3] =	sst s0;
	s0 =	simm.s32 @!p2 $0x0  }
0x16: {  	s3 =	sld [smem:$0x3FDB];
	s0 =	simm.s32 @p2 $0x1  }
0x17: {  	s4 =	simm.s32 $0x1BF5;
	[smem:$0x3FB5] =	sst s0  }
0x18: {  	s0 =	sld [smem:$0x3F98];
	_ =	swait.ge [sflag:s4], $0x0  }
0x19: {  	s7 =	sld [smem:$0x3F99]  }
0x1a: {  	s8 =	sadd.s32 $0xFFFFE003, lr  }
0x1b: {  	s9 =	sadd.s32 $0xFFFFFEF7, lr;
	s5 =	simm.s32 $0xFFFFFFFF;
	p2 =	slt.u32 s8, $0xFFFFF086  }
0x1c: {  	p1 =	slt.u32 s9, $0xF7A;
	s5 =	simm.s32 @!p2 $0x0  }
0x1d: {  	s5 =	simm.s32 @p1 $0x1;
	p0 =	seq.s32 s7, s2  }
0x1e: {  	s7 =	smul.u32 @!p0 $0xF7A, s2;
	p2 =	seq.s32 @!p0 s5, $0x0  }
0x1f: {  	s9 =	smul.u32 $0xF7A, s1;
	s8 =	simm.s32 @!p0 $0x1BF5;
	p2 =	por !p2, p0  }
0x20: {  	[sflag:s8] =	ssyncset.s32 @!p0 $0xFFFFF086;
	s6 =	sadd.s32 @!p0 s3, s7;
	s7 =	simm.s32 @!p0 $0x108  }
0x21: {  	s3 =	sadd.s32 s3, s9;
	s6 =	sadd.s32 @!p0 $0x88, s6;
	s7 =	simm.s32 @p2 $0x1082  }
0x22: {  	[simem:s7], [sflag:s8] =	dma.local @!p0 [hbm:s6], $0xF7A  }
0x23: {  	s9 =	sor.u32 $0xD0000000, s2;
	s6 =	simm.s32 $0x108;
	_ =	swait.ge @!p0 [sflag:s8], $0x0  }
0x24: {  	s3 =	sadd.s32 $0x88, s3;
	s6 =	simm.s32 @!p1 $0x1082;
	[sflag:s4] =	ssyncset.s32 $0xFFFFF086  }
0x25: {  	[simem:s6], [sflag:s4] =	dma.local [hbm:s3], $0xF7A  }
0x26: {  	[smem:$0x3F99] =	sst s1;
	(tag) =	ssettag s2;
	_ =	strace s9  }
0x27: {  	s1 =	sld [smem:$0x3FA9]  }
0x28: {  	s2 =	sld [smem:$0x3FAA]  }
0x29: {  	s4 =	sld [smem:$0x3FAC]  }
0x2a: {  	p0 =	seq.s32 s5, $0x0;
	s5 =	sld [smem:$0x3FAD]  }
0x2b: {  	s6 =	sld [smem:$0x3FAE]  }
0x2c: {  	s7 =	sld [smem:$0x3FAF]  }
0x2d: {  	s3 =	simm.s32 $0x108;
	s8 =	sld [smem:$0x3FB0]  }
0x2e: {  	s3 =	simm.s32 @!p0 $0x1082;
	s9 =	sld [smem:$0x3FB1]  }
0x2f: {  	lr =	sadd.s32 s0, s3;
	s0 =	sld [smem:$0x3FA8]  }
0x30: {  	s3 =	sld [smem:$0x3FAB]  }
0x31: {  	[smem:$0x3FB4] =	sst s10  }
0x32: {  	s10 =	sld [smem:$0x3FB2];
	_ =	sdelay $0x3  }
0x33: {  	p0 =	seq.s32 s10, $0x1;
	s10 =	sld [smem:$0x3FB4];
	_ =	sdelay $0x3  }
0x34: {  	[smem:$0x3FB4] =	sst s10  }
0x35: {  	s10 =	sld [smem:$0x3FB3];
	_ =	sdelay $0x3  }
0x36: {  	p1 =	seq.s32 s10, $0x1;
	s10 =	sld [smem:$0x3FB4];
	_ =	sdelay $0x3  }
0x37: {  	[smem:$0x3FB4] =	sst s10  }
0x38: {  	s10 =	sld [smem:$0x3FB5]  }
0x39: {  	_ = 	snop;
	(pc) =	sbr.ind lr, $3  }
0x3a: {  	_ = 	snop  }
0x3b: {  	_ = 	snop  }
0x3c: {  	p2 =	seq.s32 s10, $0x1;
	s10 =	sld [smem:$0x3FB4]  }
0x3d: {  	_ =	shalt  }
0x3e: {  	_ =	shalt  }
0x3f: {  	_ =	shalt  }
0x40: {  	_ =	shalt  }
0x41: {  	_ =	shalt  }
0x42: {  	_ =	shalt  }
0x43: {  	_ =	shalt  }
0x44: {  	_ =	shalt  }
0x45: {  	_ =	shalt  }
0x46: {  	_ =	shalt  }
0x47: {  	_ =	shalt  }
0x48: {  	_ =	shalt  }
0x49: {  	_ =	shalt  }
0x4a: {  	_ =	shalt  }
0x4b: {  	_ =	shalt  }
0x4c: {  	_ =	shalt  }
0x4d: {  	_ =	shalt  }
0x4e: {  	_ =	shalt  }
0x4f: {  	_ =	shalt  }
0x50: {  	_ =	shalt  }
0x51: {  	_ =	shalt  }
0x52: {  	_ =	shalt  }
0x53: {  	_ =	shalt  }
0x54: {  	_ =	shalt  }
0x55: {  	_ =	shalt  }
0x56: {  	_ =	shalt  }
0x57: {  	_ =	shalt  }
0x58: {  	_ =	shalt  }
0x59: {  	_ =	shalt  }
0x5a: {  	_ =	shalt  }
0x5b: {  	_ =	shalt  }
0x5c: {  	_ =	shalt  }
0x5d: {  	_ =	shalt  }
0x5e: {  	_ =	shalt  }
0x5f: {  	_ =	shalt  }
0x60: {  	_ =	shalt  }
0x61: {  	_ =	shalt  }
0x62: {  	_ =	shalt  }
0x63: {  	_ =	shalt  }
0x64: {  	_ =	shalt  }
0x65: {  	_ =	shalt  }
0x66: {  	_ =	shalt  }
0x67: {  	_ =	shalt  }
0x68: {  	_ =	shalt  }
0x69: {  	_ =	shalt  }
0x6a: {  	_ =	shalt  }
0x6b: {  	_ =	shalt  }
0x6c: {  	_ =	shalt  }
0x6d: {  	_ =	shalt  }
0x6e: {  	_ =	shalt  }
0x6f: {  	_ =	shalt  }
0x70: {  	_ =	shalt  }
0x71: {  	_ =	shalt  }
0x72: {  	_ =	shalt  }
0x73: {  	_ =	shalt  }
0x74: {  	_ =	shalt  }
0x75: {  	_ =	shalt  }
0x76: {  	_ =	shalt  }
0x77: {  	_ =	shalt  }
0x78: {  	_ =	shalt  }
0x79: {  	_ =	shalt  }
0x7a: {  	_ =	shalt  }
0x7b: {  	_ =	shalt  }
0x7c: {  	_ =	shalt  }
0x7d: {  	_ =	shalt  }
0x7e: {  	_ =	shalt  }
0x7f: {  	_ =	shalt  }
0x80: {  	_ =	shalt  }
0x81: {  	_ =	shalt  }
0x82: {  	_ =	shalt  }
0x83: {  	_ =	shalt  }
0x84: {  	_ =	shalt  }
0x85: {  	_ =	shalt  }
0x86: {  	_ =	shalt  }
0x87: {  	_ =	shalt  }
.Lfunc_end0:
.L_simem_size_0:
called_computation_lowered:
.L_overlay_start_0:
0x88: {  	s2 =	sld [smem:$0x3FD9]  }
0x89: {  	s3 =	sld [smem:$0x3FFE];
	_ =	sdelay $0x1  }
0x8a: {  	s1 =	srdreg.scid  }
0x8b: {  	s0 =	sand.u32 $0x1, s1  }
0x8c: {  	s15 =	sshll.u32 s0, $0xA;
	s2 =	sadd.s32 s3, s2  }
0x8d: {  	s2 =	sadd.s32 s2, s15  }
0x8e: {  	[smem:$0x3FC0] =	sst s2  }
0x8f: {  	_ = 	snop  }
0x90: {  	s2 =	sld [smem:$0x3FD0];
	_ =	sdelay $0x2  }
0x91: {  	s4 =	simm.s32 $0xA;
	s5 =	simm.s32 $0x10;
	s16 =	sld [smem:$0x3FC8]  }
0x92: {  	[smem:s5], [sflag:s4] =	dma.local [hbm:s2], $0x1  }
0x93: {  	_ =	swait.eq [sflag:s4], $0x1  }
0x94: {  	[sflag:s4] =	ssyncset.done $0x0  }
0x95: {  	[sflag:s4] =	ssyncadd.s32 $0xFFFFFFFF  }
0x96: {  	s17 =	sld [smem:$0x11];
	(tm) =	ssettm $0x1  }
0x97: {  	s18 =	sld [smem:$0x3FFB];
	_ =	sdelay $0x3  }
0x98: {  	_ =	strace s18  }
0x99: {  	s4 =	sld [smem:$0x3FFC];
	_ =	sdelay $0x3  }
0x9a: {  	_ =	strace s4  }
0x9b: {  	s4 =	sld [smem:$0x3FFD];
	_ =	sdelay $0x3  }
0x9c: {  	_ =	strace s4  }
0x9d: {  	_ =	strace $0x8FFFFFFF  }
0x9e: {  	s19 =	sld [smem:$0x3FDB];
	_ =	sdelay $0x1  }
0x9f: {  	s20 =	simm.s32 $_scs_section_size  }
0xa0: {  	s6 =	simm.s32 $_size__tile_overlayer_lowered;
	s7 =	simm.s32 $_tile_overlayer_lowered  }
0xa1: {  	s23 =	simm.s32 $0x1BFF;
	s22 =	sshll.u32 s7, $0x1;
	s4 =	sadd.s32 s20, s19  }
0xa2: {  	s8 =	simm.s32 $0x0;
	s21 =	sshll.u32 s6, $0x1;
	s6 =	sadd.s32 s22, s4  }
0xa3: {  	[timem:s8], [sflag:s23] =	dma.local [hbm:s6], s21  }
0xa4: {  	_ =	swait.ge [sflag:s23], s21  }
0xa5: {  	s5 =	ssub.s32 $0x0, s21;
	[sflag:s23] =	ssyncset.done $0x0  }
0xa6: {  	[sflag:s23] =	ssyncadd.s32 s5;
	_ =	sdelay $0x1  }
0xa7: {  	s24 =	simm.s32 $0x1B8B  }
0xa8: {  	_ =	swait.ge [sflag:s24], $0x1  }
0xa9: {  	[sflag:s24] =	ssyncset.done $0x0  }
0xaa: {  	s25 =	simm.s32 $0x1B8E;
	[sflag:s24] =	ssyncadd.s32 $0xFFFFFFFF  }
0xab: {  	s26 =	simm.s32 $execute0_lowered;
	[smem:$0x3FD2] =	sst s25  }
0xac: {  	s5 =	sshll.u32 s26, $0x1;
	_ =	strace $0x80000046;
	[dreg:$0x1] =	wrdreg $0xFFFFFFFF  }
0xad: {  	s28 =	simm.s32 $_size_execute0_lowered;
	s4 =	sadd.s32 s4, s5;
	[dreg:$0x0] =	wrdreg $0x0  }
0xae: {  	s5 =	sshll.u32 s28, $0x1;
	[dreg:$0x2] =	wrdreg s4  }
0xaf: {  	[dreg:$0x3] =	wrdreg s5  }
0xb0: {  	[dreg:$0x4] =	wrdreg $0xC0  }
0xb1: {  	_ =	task [dreg:s8], $0x5FFFF  }
0xb2: {  	[dreg:$0x1] =	wrdreg $0xFFFFFFFF  }
0xb3: {  	[dreg:$0x0] =	wrdreg $0x60  }
0xb4: {  	[dreg:$0x2] =	wrdreg s16  }
0xb5: {  	[dreg:$0x3] =	wrdreg s17  }
0xb6: {  	[dreg:$0x4] =	wrdreg $0x17000  }
0xb7: {  	[dreg:$0x5] =	wrdreg $0x9  }
0xb8: {  	_ =	task.clear_ibuf [dreg:s8], $0x6FFFF;
	_ =	strace $0x90000046  }
0xb9: {  	s29 =	simm.s32 $0x9;
	_ =	strace $0x80000048  }
0xba: {  	_ =	swait.ge [sflag:s29], $0x1  }
0xbb: {  	[sflag:s29] =	ssyncadd.s32 $0xFFFFFFFF  }
0xbc: {  	_ =	strace $0x90000048  }
0xbd: {  	_ =	sfence  }
0xbe: {  	s30 =	sld [smem:$0x0];
	_ =	sdelay $0x2  }
0xbf: {  	s31 =	sshll.u32 s1, $0xD;
	s1 =	sshrl.u32 s1, $0x2  }
0xc0: {  	s3 =	sand.u32 $0x4000, s31;
	s1 =	sadd.s32 s1, s30  }
0xc1: {  	s0 =	sor.u32 s3, s0;
	s1 =	sshll.u32 s1, $0x11  }
0xc2: {  	s0 =	sor.u32 s1, s0  }
0xc3: {  	s0 =	sadd.s32 $0x8F2B, s0  }
0xc4: {  	[sflag:s0] =	ssyncadd.remote.s32 $0x1  }
0xc5: {  	_ =	sfence.sel $0xFFFF  }
0xc6: {  	[dreg:$0x0] =	wrdreg $0xFFFFFFFF;
	(pc) =	sbr.abs _section_cstart, $3  }
0xc7: {  	[dreg:$0x1] =	wrdreg $0xFFFFFFFF  }
0xc8: {  	_ =	task.clear_ibuf [dreg:s8], $0x2FFFF;
	_ =	strace $0x9FFFFFFF  }
0xc9: {  	(tm) =	ssettm $0x7FFFFFFF  }
tec
execute0_lowered:
.L_overlay_start_1:
0x0: {  	(tag) =	ssettag $0x1  }
0x1: {  	s4 =	rddreg [dreg:$0x0]  }
0x2: {  	s6 =	rddreg [dreg:$0x1]  }
0x3: {  	s1 =	rddreg [dreg:$0x2];
	s2 =	srdreg.scid  }
0x4: {  	s0 =	rddreg [dreg:$0x3];
	s16 =	stileid.u32;
	s12 =	simm.s32 $0x1  }
0x5: {  	s13 =	simm.s32 $0x1400;
	s14 =	simm.s32 $0x2;
	s7 =	smul.u32 $0x27, s16  }
0x6: {  	s15 =	simm.s32 $0x1300;
	s3 =	sand.u32 $0x1, s2;
	s8 =	smul.u32 $0x280, s16  }
0x7: {  	s18 =	simm.s32 $0x0;
	s2 =	simm.s32 $0x0;
	s5 =	smul.u32 $0x271, s3  }
0x8: {  	p0 =	sne.s32 s16, $0x0;
	s16 =	sshll.u32 s16, $0x6;
	s28 =	smul.u32 $0x27100, s3  }
0x9: {  	[smem:$0x7FF] =	sst s2;
	s9 =	ssub.s32 $0x2, s3;
	s11 =	smul.u32 $0x2800, s3  }
0xa: {  	s16 =	sor.u32 $0x1C03, s16;
	_ =	strace $0x80000047;
	s10 =	sshrl.u32 s9, $0x1  }
0xb: {  	s5 =	sadd.s32 s7, s5;
	s9 =	ssub.s32 s9, s10;
	s30 =	sshrl.u32 s28, $0x3  }
0xc: {  	s31 =	sadd.s32 s8, s11;
	s10 =	simm.s32 $0x1480;
	s5 =	sshll.u32 s5, $0x5  }
0xd: {  	s11 =	simm.s32 $0x3;
	s7 =	sshrl.u32 s31, $0x3;
	s29 =	sadd.s32 s5, s4  }
0xe: {  	s5 =	sadd.s32 s4, s30;
	s4 =	sadd.s32 s8, s1;
	s6 =	sadd.s32 s6, s7  }
0xf: {  	s7 =	smax.u32 s9, $0x1;
	s8 =	simm.s32 $0x80;
	s9 =	simm.s32 $0x100  }
0x10: {  	v0 =	vimm.f32 $0.0e+00;
	v1 =	vimm.f32 $1.000000000e+00;
	s3 =	sadd.s32 $0x10, s29;
	s5 =	sadd.s32 $0x4E10, s5;
	s17 =	sshrl.u32 s4, $0x3  }
.LBB2_1:
0x11: {  	[tilespmem:s2], [sflag:$0x1] =	stream.strided.gather [hbm4b:s3+s8], $0x1380, s9, s8, $0x38;
	[tilespmem:$0x1980] =	vst v63  }
0x12: {  	[tilespmem:$0x1480] =	vst v0  }
0x13: {  	[tilespmem:$0x1490] =	vst v0  }
0x14: {  	[tilespmem:$0x14A0] =	vst v0  }
0x15: {  	[tilespmem:$0x14B0] =	vst v0  }
0x16: {  	[tilespmem:$0x14C0] =	vst v0  }
0x17: {  	[tilespmem:$0x14D0] =	vst v0  }
0x18: {  	[tilespmem:$0x14E0] =	vst v0  }
0x19: {  	[tilespmem:$0x14F0] =	vst v0  }
0x1a: {  	[tilespmem:$0x1500] =	vst v0  }
0x1b: {  	[tilespmem:$0x1510] =	vst v0  }
0x1c: {  	[tilespmem:$0x1520] =	vst v0  }
0x1d: {  	[tilespmem:$0x1530] =	vst v0  }
0x1e: {  	[tilespmem:$0x1540] =	vst v0  }
0x1f: {  	[tilespmem:$0x1550] =	vst v0  }
0x20: {  	[tilespmem:$0x1560] =	vst v0  }
0x21: {  	[tilespmem:$0x1570] =	vst v0  }
0x22: {  	[tilespmem:$0x1580] =	vst v0  }
0x23: {  	[tilespmem:$0x1590] =	vst v0  }
0x24: {  	[tilespmem:$0x15A0] =	vst v0  }
0x25: {  	[tilespmem:$0x15B0] =	vst v0  }
0x26: {  	[tilespmem:$0x15C0] =	vst v0  }
0x27: {  	[tilespmem:$0x15D0] =	vst v0  }
0x28: {  	[tilespmem:$0x15E0] =	vst v0  }
0x29: {  	[tilespmem:$0x15F0] =	vst v0  }
0x2a: {  	[tilespmem:$0x1600] =	vst v0  }
0x2b: {  	[tilespmem:$0x1610] =	vst v0  }
0x2c: {  	[tilespmem:$0x1620] =	vst v0  }
0x2d: {  	[tilespmem:$0x1630] =	vst v0  }
0x2e: {  	[tilespmem:$0x1640] =	vst v0  }
0x2f: {  	[tilespmem:$0x1650] =	vst v0  }
0x30: {  	[tilespmem:$0x1660] =	vst v0  }
0x31: {  	[tilespmem:$0x1670] =	vst v0  }
0x32: {  	[tilespmem:$0x1680] =	vst v0  }
0x33: {  	[tilespmem:$0x1690] =	vst v0  }
0x34: {  	[tilespmem:$0x16A0] =	vst v0  }
0x35: {  	[tilespmem:$0x16B0] =	vst v0  }
0x36: {  	[tilespmem:$0x16C0] =	vst v0  }
0x37: {  	[tilespmem:$0x16D0] =	vst v0  }
0x38: {  	[tilespmem:$0x16E0] =	vst v0  }
0x39: {  	[tilespmem:$0x16F0] =	vst v0  }
0x3a: {  	[tilespmem:$0x1400] =	vst v1  }
0x3b: {  	[tilespmem:$0x1410] =	vst v1  }
0x3c: {  	[tilespmem:$0x1420] =	vst v1  }
0x3d: {  	[tilespmem:$0x1430] =	vst v1  }
0x3e: {  	[tilespmem:$0x1440] =	vst v1  }
0x3f: {  	[tilespmem:$0x1450] =	vst v1  }
0x40: {  	[tilespmem:$0x1460] =	vst v1  }
0x41: {  	[tilespmem:$0x1470] =	vst v1  }
0x42: {  	[spmem:s4] =	stream.linear.scatter [tilespmem:s10], [sflag:$0x3], $0x280, $0x38;
	[tilespmem:$0x1980] =	vst v63  }
0x43: {  	_ =	swait.ge [sflag:s11], $0x280  }
0x44: {  	[sflag:s11] =	ssyncset.done $0x0  }
0x45: {  	[sflag:s11] =	ssyncadd.s32 $0xFFFFFD80  }
0x46: {  	_ =	swait.ge [sflag:s12], $0x1380  }
0x47: {  	[sflag:s12] =	ssyncset.done $0x0  }
0x48: {  	s19 =	simm.s32 @!p0 $0x0;
	s20 =	simm.s32 @!p0 $0x1380;
	[sflag:s12] =	ssyncadd.s32 $0xFFFFEC80  }
0x49: {  	[tilespmem:s20], [sflag:$0x3] =	stream.linear.gather @!p0 [hbm4b:s5+s19], $0x80, $0x38;
	[tilespmem:$0x1980] =	vst v63  }
0x4a: {  	s19 =	simm.s32 @!p0 $0x3  }
0x4b: {  	_ =	swait.ge @!p0 [sflag:s19], $0x80  }
0x4c: {  	[sflag:s19] =	ssyncset.done @!p0 $0x0  }
0x4d: {  	[sflag:s19] =	ssyncadd.s32 @!p0 $0xFFFFFF80  }
0x4e: {  	[bflag:$0x0] =	sbarrier.arrive $0xFFFF  }
0x4f: {  	[spmem:s1] =	stream.indirect.scatter.add.f32 [tilespmem:s13], [sflag:$0x1], $0x1, s2, s8, $0xb8;
	[tilespmem:$0x1980] =	vst v63  }
0x50: {  	_ = 	snop  }
0x51: {  	[spmem:s1] =	stream.indirect.scatter.add.f32 [tilespmem:s13], [sflag:$0x2], $0x1, s8, s8, $0xb8;
	[tilespmem:$0x1980] =	vst v63  }
0x52: {  	_ =	swait.ge [sflag:s12], $0x80  }
0x53: {  	[sflag:s12] =	ssyncset.done $0x0  }
0x54: {  	s31 =	simm.s32 $0x100;
	[sflag:s12] =	ssyncadd.s32 $0xFFFFFF80  }
0x55: {  	[spmem:s1] =	stream.indirect.scatter.add.f32 [tilespmem:s13], [sflag:$0x1], $0x1, s31, s8, $0xb8;
	[tilespmem:$0x1980] =	vst v63  }
0x56: {  	_ =	swait.ge [sflag:s14], $0x80  }
0x57: {  	[sflag:s14] =	ssyncset.done $0x0  }
0x58: {  	s20 =	simm.s32 $0x180;
	s19 =	simm.s32 $0xFFFFBC00;
	[sflag:s14] =	ssyncadd.s32 $0xFFFFFF80  }
.LBB2_2:
0x59: {  	[spmem:s1] =	stream.indirect.scatter.add.f32 [tilespmem:s13], [sflag:$0x2], $0x1, s20, s8, $0xb8;
	[tilespmem:$0x1980] =	vst v63  }
0x5a: {  	s20 =	smov.u32 s19  }
0x5b: {  	p1 =	sne.s32 s19, $0xFFFFFC00;
	s19 =	sadd.s32 $0x400, s19;
	_ =	swait.ge [sflag:s12], $0x80  }
0x5c: {  	s20 =	sshra.s32 s20, $0x2;
	[sflag:s12] =	ssyncset.done $0x0  }
.Ltmp0:
0x5d: {  	s21 =	sadd.s32 $0x1300, s20;
	[sflag:s12] =	ssyncadd.s32 $0xFFFFFF80;
	(pc) =	sbr.rel @p1 .LBB2_2-.Ltmp0, $4  }
0x5e: {  	[spmem:s1] =	stream.indirect.scatter.add.f32 [tilespmem:s13], [sflag:$0x1], $0x1, s21, s8, $0xb8;
	[tilespmem:$0x1980] =	vst v63  }
0x5f: {  	_ =	swait.ge [sflag:s14], $0x80  }
0x60: {  	[sflag:s14] =	ssyncset.done $0x0  }
0x61: {  	s20 =	sadd.s32 $0x1380, s20;
	[sflag:s14] =	ssyncadd.s32 $0xFFFFFF80  }
0x62: {  	[spmem:s1] =	stream.indirect.scatter.add.f32 [tilespmem:s13], [sflag:$0x2], $0x1, s20, s8, $0xb8;
	[tilespmem:$0x1980] =	vst v63  }
0x63: {  	_ =	swait.ge [sflag:s12], $0x80  }
0x64: {  	[sflag:s12] =	ssyncset.done $0x0  }
0x65: {  	[sflag:s12] =	ssyncadd.s32 $0xFFFFFF80  }
0x66: {  	[spmem:s1] =	stream.indirect.scatter.add.f32 [tilespmem:s13], [sflag:$0x1], $0x1, s15, s8, $0xb8;
	[tilespmem:$0x1980] =	vst v63  }
0x67: {  	_ =	swait.ge [sflag:s14], $0x80  }
0x68: {  	s19 =	simm.s32 @!p0 $0x80;
	[sflag:s14] =	ssyncset.done $0x0  }
0x69: {  	s20 =	simm.s32 @!p0 $0x1380;
	s21 =	simm.s32 @!p0 $0x1400;
	[sflag:s14] =	ssyncadd.s32 $0xFFFFFF80  }
0x6a: {  	[spmem:s1] =	stream.indirect.scatter.add.f32 @!p0 [tilespmem:s21], [sflag:$0x2], $0x1, s20, s19, $0xb8;
	[tilespmem:$0x1980] =	vst v63  }
0x6b: {  	s19 =	simm.s32 @!p0 $0x2  }
0x6c: {  	_ =	swait.ge @!p0 [sflag:s19], $0x80  }
0x6d: {  	[sflag:s19] =	ssyncset.done @!p0 $0x0  }
0x6e: {  	[sflag:s19] =	ssyncadd.s32 @!p0 $0xFFFFFF80  }
0x6f: {  	_ =	swait.ge [sflag:s12], $0x80  }
0x70: {  	s18 =	sadd.s32 $0x1, s18;
	[sflag:s12] =	ssyncset.done $0x0  }
0x71: {  	p1 =	sne.s32 s18, s7;
	[sflag:s12] =	ssyncadd.s32 $0xFFFFFF80  }
.Ltmp1:
0x72: {  	[bflag:$0x0] =	sbarrier.arrive $0xFFFF;
	(pc) =	sbr.rel @p1 .LBB2_1-.Ltmp1, $4  }
0x73: {  	[hbm:s6], [sflag:s16] =	dma.local [spmem:s17], $0x50  }
0x74: {  	_ =	swait.ge [sflag:s11], $0x50  }
0x75: {  	[sflag:s11] =	ssyncset.done $0x0  }
0x76: {  	[sflag:s11] =	ssyncadd.s32 $0xFFFFFFB0  }
0x77: {  	_ =	sfence.sel $0x180000  }
0x78: {  	[bflag:$0x0] =	sbarrier.arrive $0xFFFF  }
0x79: {  	_ =	strace $0x90000047  }
0x7a: {  	s0 =	sadd.s32 @!p0 $0x100000, s0;
	[bflag:$0x2] =	sbarrier.arrive $0xFFFF  }
0x7b: {  	[sflag:s0] =	ssyncadd.tile.s32 @!p0 $0x1;
	_ =	shalt  }
.Lfunc_end2:
_tile_overlayer_lowered:
.L_overlay_start_2:
0x7c: {  	(tag) =	ssettag $0x2  }
0x7d: {  	s0 =	rddreg [dreg:$0x0];
	s2 =	stileid.u32  }
0x7e: {  	s1 =	rddreg [dreg:$0x1];
	p0 =	sne.s32 s2, $0x0  }
0x7f: {  	s3 =	rddreg [dreg:$0x2];
	[bflag:$0x3] =	sbarrier.arrive $0xFFFF;
	s2 =	simm.s32 @!p0 $0x1C03  }
0x80: {  	[timem:s3], [sflag:s2] =	dma.local @!p0 [hbm:s0], s1  }
0x81: {  	s0 =	simm.s32 @!p0 $0x3  }
0x82: {  	_ =	swait.ge @!p0 [sflag:s0], s1  }
0x83: {  	s1 =	ssub.s32 @!p0 $0x0, s1;
	[sflag:s0] =	ssyncset.done @!p0 $0x0  }
0x84: {  	[sflag:s0] =	ssyncadd.s32 @!p0 s1  }
0x85: {  	[bflag:$0x3] =	sbarrier.arrive $0xFFFF  }
0x86: {  	_ =	shalt  }

</sc_bundles>
